<compile_context>
chip_gen: v7x
topology: tpu7x:2x2x1
jax: 0.10.2.dev20260603
libtpu: 0.0.44.dev20260713+nightly
codegen_flags: <defaults>
</compile_context>

<pallas_src>
import functools

import jax
import jax.numpy as jnp
from jax import lax
from jax.experimental import pallas as pl
from jax.experimental.pallas import tpu as pltpu
from jax.experimental.pallas import tpu_sc as plsc

N = 10000
D = 256
H = 128
N_PAD = 10240
BM = 640
E_TOT = 160000 + N
CH = 128
KPG = 48
EPT = KPG * CH
E_PAD = 32 * EPT
DW = 16
KD = 128
DEG_EPT = KD * CH
DEG_PAD = 32 * DEG_EPT



_MESH = plsc.VectorSubcoreMesh(core_axis_name="c", subcore_axis_name="s")


@functools.cache
def _make_spmm(ng):

    @functools.partial(
        pl.kernel,
        out_type=jax.ShapeDtypeStruct((2 * ng * N_PAD, H), jnp.float32),
        mesh=_MESH,
        scratch_types=[
            pltpu.VMEM((EPT,), jnp.int32),
            pltpu.VMEM((CH,), jnp.int32),
            pltpu.VMEM((CH,), jnp.int32),
            pltpu.VMEM((CH, H), jnp.float32),
            pltpu.VMEM((CH, H), jnp.float32),
            pltpu.VMEM_SHARED((N_PAD, H), jnp.float32),
            pltpu.SemaphoreType.DMA,
            pltpu.SemaphoreType.DMA,
            pltpu.SemaphoreType.DMA,
            pltpu.SemaphoreType.DMA,
        ],
    )
    def spmm(table, srcs, dsts, zrows, out, idx_s, idx_da, idx_db,
             rows_a, rows_b, acc, sga, sgb, ssa, ssb):
        c = lax.axis_index("c")
        s = lax.axis_index("s")
        wid = s * 2 + c
        stripe = pl.multiple_of(s * (N_PAD // 16), N_PAD // 16)
        for g in range(ng):
            pltpu.sync_copy(zrows, acc.at[pl.ds(stripe, N_PAD // 16)])
            base0 = pl.multiple_of((g * 32 + wid) * EPT, EPT)
            pltpu.sync_copy(srcs.at[pl.ds(base0, EPT)], idx_s)
            plsc.subcore_barrier()

            @pl.loop(0, KPG // 2)
            def chunk(jj):
                o0 = pl.multiple_of(jj * (2 * CH), 2 * CH)
                o1 = o0 + CH
                pltpu.sync_copy(dsts.at[pl.ds(base0 + o0, CH)], idx_da)
                ga = pltpu.async_copy(
                    table.at[idx_s.at[pl.ds(o0, CH)]], rows_a, sga)
                pltpu.sync_copy(dsts.at[pl.ds(base0 + o1, CH)], idx_db)
                gb = pltpu.async_copy(
                    table.at[idx_s.at[pl.ds(o1, CH)]], rows_b, sgb)
                ga.wait()
                sa = pltpu.async_copy(rows_a, acc.at[idx_da], ssa, add=True)
                gb.wait()
                sb = pltpu.async_copy(rows_b, acc.at[idx_db], ssb, add=True)
                sa.wait()
                sb.wait()

            plsc.subcore_barrier()
            ob = pl.multiple_of((c * ng + g) * N_PAD + stripe, N_PAD // 16)
            pltpu.sync_copy(acc.at[pl.ds(stripe, N_PAD // 16)],
                            out.at[pl.ds(ob, N_PAD // 16)])
            if g + 1 < ng:
                plsc.subcore_barrier()

    return spmm


def _make_deg():
    rows = 3 * N_PAD

    @functools.partial(
        pl.kernel,
        out_type=jax.ShapeDtypeStruct((32 * rows,), jnp.float32),
        mesh=_MESH,
        scratch_types=[
            pltpu.VMEM((CH,), jnp.int32),
            pltpu.VMEM((rows,), jnp.float32),
        ],
        compiler_params=pltpu.CompilerParams(needs_layout_passes=False),
    )
    def deg(dsts, zeros, out, idx_d, acc):
        c = lax.axis_index("c")
        s = lax.axis_index("s")
        wid = s * 2 + c
        pltpu.sync_copy(zeros, acc)
        base0 = wid * DEG_EPT
        one = jnp.full((16,), 1.0, jnp.float32)

        @pl.loop(0, KD)
        def chunk(j):
            b = pl.multiple_of(base0 + j * CH, CH)
            pltpu.sync_copy(dsts.at[pl.ds(b, CH)], idx_d)
            for k in range(CH // 16):
                vec = idx_d[pl.ds(k * 16, 16)]
                plsc.addupdate_scatter(acc, [vec], one)

        ob = pl.multiple_of(wid * rows, rows)
        pltpu.sync_copy(acc, out.at[pl.ds(ob, rows)])

    return deg



def _dis(deg_blk):
    d = deg_blk[:, 0:1]
    return jnp.where(d > 0, 1.0 / jnp.sqrt(d), 0.0)


def _blk(h, off):
    return pl.BlockSpec((BM, h), lambda i, o=off: (i + o, 0))


def _wblk(k, h):
    return pl.BlockSpec((k, h), lambda i: (0, 0))


def _tc_a(x3, degp, W_fc1, b_fc1, W_c1):
    M = 3 * N_PAD

    def body(x_ref, d_ref, w1_ref, b1_ref, wc_ref,
             pre_ref, xs_ref, deg_ref):
        ds = jnp.sum(d_ref[...].T, axis=1, keepdims=True)
        deg_ref[...] = jnp.broadcast_to(ds, (BM, DW))
        pre = jnp.dot(x_ref[...], w1_ref[...],
                      preferred_element_type=jnp.float32) + b1_ref[...]
        pre_ref[...] = pre
        dis = jnp.where(ds > 0, 1.0 / jnp.sqrt(ds), 0.0)
        xs_ref[...] = dis * jnp.dot(pre, wc_ref[...],
                                    preferred_element_type=jnp.float32)

    return pl.pallas_call(
        body,
        grid=(M // BM,),
        in_specs=[_blk(D, 0), pl.BlockSpec((32, BM), lambda i: (0, i)),
                  _wblk(D, H), _wblk(1, H), _wblk(H, H)],
        out_specs=[_blk(H, 0), _blk(H, 0), _blk(DW, 0)],
        out_shape=[jax.ShapeDtypeStruct((M, H), jnp.float32),
                   jax.ShapeDtypeStruct((M, H), jnp.float32),
                   jax.ShapeDtypeStruct((M, DW), jnp.float32)],
    )(x3, degp, W_fc1, b_fc1.reshape(1, H), W_c1)


def _tc_b(p, degs, b_prev, W_next):
    M = 3 * N_PAD

    def body(p0_ref, p1_ref, d_ref, b_ref, w_ref, xs_ref):
        dis = _dis(d_ref[...])
        h = dis * (p0_ref[...] + p1_ref[...]) + b_ref[...]
        xs_ref[...] = dis * jnp.dot(h, w_ref[...],
                                    preferred_element_type=jnp.float32)

    return pl.pallas_call(
        body,
        grid=(M // BM,),
        in_specs=[_blk(H, 0), _blk(H, M // BM), _blk(DW, 0),
                  _wblk(1, H), _wblk(H, H)],
        out_specs=_blk(H, 0),
        out_shape=jax.ShapeDtypeStruct((M, H), jnp.float32),
    )(p, p, degs, b_prev.reshape(1, H), W_next)


def _tc_c(p, degs, b_c2, W_d1):
    GB = N_PAD // BM

    def body(p01_ref, p11_ref, p02_ref, p12_ref, d0_ref, d1_ref, d2_ref,
             b_ref, w_ref, xs_ref, n2_ref):
        n1 = _dis(d1_ref[...]) * (p01_ref[...] + p11_ref[...]) + b_ref[...]
        n2 = _dis(d2_ref[...]) * (p02_ref[...] + p12_ref[...]) + b_ref[...]
        n2_ref[...] = n2
        xs_ref[...] = _dis(d0_ref[...]) * jnp.dot(
            n1 + n2, w_ref[...], preferred_element_type=jnp.float32)

    return pl.pallas_call(
        body,
        grid=(GB,),
        in_specs=[_blk(H, GB), _blk(H, 4 * GB), _blk(H, 2 * GB),
                  _blk(H, 5 * GB), _blk(DW, 0), _blk(DW, GB), _blk(DW, 2 * GB),
                  _wblk(1, H), _wblk(H, H)],
        out_specs=[_blk(H, 0), _blk(H, 0)],
        out_shape=[jax.ShapeDtypeStruct((N_PAD, H), jnp.float32),
                   jax.ShapeDtypeStruct((N_PAD, H), jnp.float32)],
    )(p, p, p, p, degs, degs, degs, b_c2.reshape(1, H), W_d1)


def _tc_d(p, degs, g, b_d1, W_d2):
    GB = N_PAD // BM

    def body(p0_ref, p1_ref, d_ref, b_ref, w_ref, xs_ref):
        dis = _dis(d_ref[...])
        t = dis * (p0_ref[...] + p1_ref[...]) + b_ref[...]
        xs_ref[...] = dis * jnp.dot(t, w_ref[...],
                                    preferred_element_type=jnp.float32)

    return pl.pallas_call(
        body,
        grid=(GB,),
        in_specs=[_blk(H, 0), _blk(H, GB), _blk(DW, g * GB),
                  _wblk(1, H), _wblk(H, H)],
        out_specs=_blk(H, 0),
        out_shape=jax.ShapeDtypeStruct((N_PAD, H), jnp.float32),
    )(p, p, degs, b_d1.reshape(1, H), W_d2)


def _tc_e(p, degs, gy, gn, b_d2, other, W_d1):
    GB = N_PAD // BM

    def body(p0_ref, p1_ref, dy_ref, dn_ref, b_ref, o_ref, w_ref,
             y_ref, xs_ref):
        y = _dis(dy_ref[...]) * (p0_ref[...] + p1_ref[...]) + b_ref[...]
        y_ref[...] = y
        xs_ref[...] = _dis(dn_ref[...]) * jnp.dot(
            y + o_ref[...], w_ref[...], preferred_element_type=jnp.float32)

    return pl.pallas_call(
        body,
        grid=(GB,),
        in_specs=[_blk(H, 0), _blk(H, GB), _blk(DW, gy * GB),
                  _blk(DW, gn * GB), _wblk(1, H), _blk(H, 0), _wblk(H, H)],
        out_specs=[_blk(H, 0), _blk(H, 0)],
        out_shape=[jax.ShapeDtypeStruct((N_PAD, H), jnp.float32),
                   jax.ShapeDtypeStruct((N_PAD, H), jnp.float32)],
    )(p, p, degs, degs, b_d2.reshape(1, H), other, W_d1)


def _tc_i(p, degs, b_d2, y0, y1, W_fc2, b_fc2):
    GB = N_PAD // BM

    def body(p0_ref, p1_ref, d_ref, b_ref, y0_ref, y1_ref, w_ref, b2_ref,
             y2_ref, fin_ref, loss_ref):
        y2_ref[...] = _dis(d_ref[...]) * (p0_ref[...] + p1_ref[...]) + b_ref[...]
        f = jax.nn.sigmoid(y0_ref[...] * y1_ref[...])
        fin_ref[...] = f
        loss_ref[...] = jnp.dot(f, w_ref[...],
                                preferred_element_type=jnp.float32) + b2_ref[...]

    return pl.pallas_call(
        body,
        grid=(GB,),
        in_specs=[_blk(H, 0), _blk(H, GB), _blk(DW, 2 * GB), _wblk(1, H),
                  _blk(H, 0), _blk(H, 0), _wblk(H, D), _wblk(1, D)],
        out_specs=[_blk(H, 0), _blk(H, 0), _blk(D, 0)],
        out_shape=[jax.ShapeDtypeStruct((N_PAD, H), jnp.float32),
                   jax.ShapeDtypeStruct((N_PAD, H), jnp.float32),
                   jax.ShapeDtypeStruct((N_PAD, D), jnp.float32)],
    )(p, p, degs, b_d2.reshape(1, H), y0, y1, W_fc2, b_fc2.reshape(1, D))



def _edges(ei):
    loop = jnp.arange(N, dtype=jnp.int32)
    fill = jnp.full((E_PAD - E_TOT,), N, jnp.int32)
    src = jnp.concatenate([ei[0].astype(jnp.int32), loop, fill])
    dst = jnp.concatenate([ei[1].astype(jnp.int32), loop, fill])
    return src, dst


def kernel(x0, x1, x2, edge_index0, edge_index1, edge_index2,
           W_fc1, b_fc1, W_c1, b_c1, W_c2, b_c2,
           W_d1, b_d1, W_d2, b_d2, W_fc2, b_fc2):
    edges = [_edges(ei) for ei in (edge_index0, edge_index1, edge_index2)]

    src_c = jnp.concatenate([s + g * N_PAD for g, (s, _) in enumerate(edges)])
    dst_c = jnp.concatenate([d for (_, d) in edges])

    deg_fill = jnp.full((DEG_PAD - 3 * E_TOT,), N, jnp.int32)
    dst_deg = jnp.concatenate(
        [d[:E_TOT] + g * N_PAD for g, (_, d) in enumerate(edges)] + [deg_fill])

    zrows = jnp.zeros((N_PAD // 16, H), jnp.float32)
    zrows_d = jnp.zeros((3 * N_PAD,), jnp.float32)

    degp = _make_deg()(dst_deg, zrows_d).reshape(32, 3 * N_PAD)

    pad = jnp.zeros((N_PAD - N, D), jnp.float32)
    x3 = jnp.concatenate([x0, pad, x1, pad, x2, pad])

    pre3, xs, degs = _tc_a(x3, degp, W_fc1, b_fc1, W_c1)

    spmm3 = _make_spmm(3)
    spmm1 = _make_spmm(1)

    p = spmm3(xs, src_c, dst_c, zrows)
    xs = _tc_b(p, degs, b_c1, W_c2)
    p = spmm3(xs, src_c, dst_c, zrows)
    xs, n2 = _tc_c(p, degs, b_c2, W_d1)

    p = spmm1(xs, edges[0][0], edges[0][1], zrows)
    xs = _tc_d(p, degs, 0, b_d1, W_d2)
    p = spmm1(xs, edges[0][0], edges[0][1], zrows)
    y0, xs = _tc_e(p, degs, 0, 1, b_d2, n2, W_d1)
    p = spmm1(xs, edges[1][0], edges[1][1], zrows)
    xs = _tc_d(p, degs, 1, b_d1, W_d2)
    p = spmm1(xs, edges[1][0], edges[1][1], zrows)
    y1, xs = _tc_e(p, degs, 1, 2, b_d2, y0, W_d1)
    p = spmm1(xs, edges[2][0], edges[2][1], zrows)
    xs = _tc_d(p, degs, 2, b_d1, W_d2)
    p = spmm1(xs, edges[2][0], edges[2][1], zrows)
    y2, fin, loss = _tc_i(p, degs, b_d2, y0, y1, W_fc2, b_fc2)

    pre_x = tuple(pre3.reshape(3, N_PAD, H)[:, :N, :])
    return (pre_x, (y0[:N], y1[:N], y2[:N]), fin[:N], loss[:N])

# --- scband reference (transcript-rebuilt; emitter-appended) ---
"""Pipeline reference for scband-net-16561393893887 (READ-ONLY COPY).

The authoritative reference and input builder live on the scoring server;
editing this copy changes nothing except your own understanding.
"""

import jax, jax.numpy as jnp
import numpy as np

N = 10000
E = 160000
D = 256
H = 128


def gcn_conv(x, edge_index, W, b):
    # PyG-style GCNConv: linear (no bias) -> add self loops -> sym-normalized
    # scatter-add aggregation -> add bias.
    n = x.shape[0]
    x = x @ W
    loop = jnp.arange(n, dtype=edge_index.dtype)
    src = jnp.concatenate([edge_index[0], loop])
    dst = jnp.concatenate([edge_index[1], loop])
    deg = jnp.zeros((n,), x.dtype).at[dst].add(1.0)
    dis = jnp.where(deg > 0, 1.0 / jnp.sqrt(deg), 0.0)
    norm = dis[src] * dis[dst]
    msg = x[src] * norm[:, None]
    out = jnp.zeros_like(x).at[dst].add(msg)
    return out + b


def setup_inputs(seed: int = 0) -> dict:
    key = jax.random.key(seed)
    ks = jax.random.split(key, 20)
    inp = {}
    inp['x0'] = jax.random.normal(ks[0], (N, D), dtype=jnp.float32)
    inp['x1'] = jax.random.normal(ks[1], (N, D), dtype=jnp.float32)
    inp['x2'] = jax.random.normal(ks[2], (N, D), dtype=jnp.float32)
    inp['edge_index0'] = jax.random.randint(ks[3], (2, E), 0, N, dtype=jnp.int64) if jax.config.jax_enable_x64 else jax.random.randint(ks[3], (2, E), 0, N, dtype=jnp.int32)
    inp['edge_index1'] = jax.random.randint(ks[4], (2, E), 0, N, dtype=inp['edge_index0'].dtype)
    inp['edge_index2'] = jax.random.randint(ks[5], (2, E), 0, N, dtype=inp['edge_index0'].dtype)
    # learned parameters (fc1: D->128, four GCNConv 128->128, fc2: 128->D)
    inp['W_fc1'] = jax.random.normal(ks[6], (D, H), dtype=jnp.float32) * 0.05
    inp['b_fc1'] = jnp.zeros((H,), jnp.float32)
    inp['W_c1'] = jax.random.normal(ks[7], (H, H), dtype=jnp.float32) * 0.05
    inp['b_c1'] = jnp.zeros((H,), jnp.float32)
    inp['W_c2'] = jax.random.normal(ks[8], (H, H), dtype=jnp.float32) * 0.05
    inp['b_c2'] = jnp.zeros((H,), jnp.float32)
    inp['W_d1'] = jax.random.normal(ks[9], (H, H), dtype=jnp.float32) * 0.05
    inp['b_d1'] = jnp.zeros((H,), jnp.float32)
    inp['W_d2'] = jax.random.normal(ks[10], (H, H), dtype=jnp.float32) * 0.05
    inp['b_d2'] = jnp.zeros((H,), jnp.float32)
    inp['W_fc2'] = jax.random.normal(ks[11], (H, D), dtype=jnp.float32) * 0.05
    inp['b_fc2'] = jnp.zeros((D,), jnp.float32)
    return inp


def reference(x0, x1, x2, edge_index0, edge_index1, edge_index2,
              W_fc1, b_fc1, W_c1, b_c1, W_c2, b_c2,
              W_d1, b_d1, W_d2, b_d2, W_fc2, b_fc2):
    xs_in = [x0, x1, x2]
    eis = [edge_index0, edge_index1, edge_index2]
    pre_x = []
    normal_x = []
    for x, ei in zip(xs_in, eis):
        h = x @ W_fc1 + b_fc1
        pre_x.append(h)
        h = gcn_conv(h, ei, W_c1, b_c1)
        h = gcn_conv(h, ei, W_c2, b_c2)
        normal_x.append(h)
    graph_id = list(range(len(normal_x)))
    xs = []
    for i in graph_id:
        ei = eis[i]
        sum_x = jnp.zeros(normal_x[i].shape, normal_x[i].dtype)
        for j in graph_id:
            if i != j:
                sum_x = sum_x + normal_x[j]
        # NOTE: faithful to torch: normal_x is mutated in-place, so later i
        # see the updated (dconv'ed) features of earlier graphs.
        normal_x[i] = gcn_conv(sum_x, ei, W_d1, b_d1)
        normal_x[i] = gcn_conv(normal_x[i], ei, W_d2, b_d2)
        xs.append(normal_x[i])
    fin_feat = xs[0]
    for feat_index in range(1, len(xs) - 1):  # faithful off-by-one: uses xs[0]*xs[1] only
        fin_feat = fin_feat * xs[feat_index]
    fin_feat = jax.nn.sigmoid(fin_feat)
    loss_embedding = fin_feat @ W_fc2 + b_fc2
    return (tuple(pre_x), tuple(xs), fin_feat, loss_embedding)

if __name__ == "__main__":
    import jax
    _d = setup_inputs()
    print(jax.jit(kernel)(*tuple(_d.values())))

</pallas_src>

<mosaic_0001>
#map = affine_map<(d0, d1) -> (0)>
module attributes {stable_mosaic.version = 14 : i64} {
  func.func @deg(%arg0: i32, %arg1: i32, %arg2: memref<524288xi32, #tpu.memory_space<hbm>>, %arg3: memref<30720xf32, #tpu.memory_space<hbm>>, %arg4: memref<983040xf32, #tpu.memory_space<hbm>>, %arg5: memref<128xi32, #tpu.memory_space<vmem>>, %arg6: memref<30720xf32, #tpu.memory_space<vmem>>) attributes {dimension_semantics = [#tpu.dimension_semantics<core_parallel>, #tpu.dimension_semantics<subcore_parallel>], iteration_bounds = array<i64: 2, 16>, scalar_prefetch = 0 : i64, scratch_operands = 2 : i64, tpu.core_type = #tpu.core_type<sc_vector_subcore>, window_params = [{transform_indices = #map}, {transform_indices = #map}, {transform_indices = #map}]} {
    %mul3A = arith.constant 2 : i32
    %mul3A_0 = arith.muli %arg1, %mul3A : i32
    %add3A = arith.addi %mul3A_0, %arg0 : i32
    "tpu.region"() ({
      %run_scoped3A = tpu.sem_alloc : memref<!tpu.dma_semaphore, #tpu.memory_space<semaphore_mem>>
      tpu.enqueue_dma source(%arg3 : memref<30720xf32, #tpu.memory_space<hbm>>) target(%arg6 : memref<30720xf32, #tpu.memory_space<vmem>>) target_semaphore(%run_scoped3A : memref<!tpu.dma_semaphore, #tpu.memory_space<semaphore_mem>>)
      tpu.wait_dma2 semaphore(%run_scoped3A : memref<!tpu.dma_semaphore, #tpu.memory_space<semaphore_mem>>) src(%arg3 : memref<30720xf32, #tpu.memory_space<hbm>>) dst(%arg6 : memref<30720xf32, #tpu.memory_space<vmem>>)
      tpu.yield
    }) : () -> ()
    %mul3A_1 = arith.constant 16384 : i32
    %mul3A_2 = arith.muli %add3A, %mul3A_1 : i32
    %broadcast_in_dim3A = arith.constant 1.000000e+00 : f32
    %broadcast_in_dim3A_3 = vector.broadcast %broadcast_in_dim3A : f32 to vector<16xf32>
    %scan3A = arith.constant 0 : i32
    %scan3A_4 = arith.constant 128 : i32
    %scan3A_5 = arith.addi %scan3A, %scan3A_4 : i32
    %scan3A_6 = arith.constant 1 : i32
    scf.for %scan3A_10 = %scan3A to %scan3A_5 step %scan3A_6  : i32 {
      %mul3A_11 = arith.constant 1 : i32
      %mul3A_12 = arith.muli %scan3A_10, %mul3A_11 : i32
      %add3A_13 = arith.constant 0 : i32
      %add3A_14 = arith.addi %add3A_13, %mul3A_12 : i32
      %mul3A_15 = arith.constant 128 : i32
      %mul3A_16 = arith.muli %add3A_14, %mul3A_15 : i32
      %add3A_17 = arith.addi %mul3A_2, %mul3A_16 : i32
      %multiple_of3A_18 = tpu.assume_multiple %add3A_17, 128 : i32
      "tpu.region"() ({
        %run_scoped3A = tpu.sem_alloc : memref<!tpu.dma_semaphore, #tpu.memory_space<semaphore_mem>>
        %dma_start3A = tpu.memref_slice %arg2[%multiple_of3A_18] : memref<524288xi32, #tpu.memory_space<hbm>> -> memref<128xi32, #tpu.memory_space<hbm>>
        %dma_start3A_34 = tpu.memref_slice %arg2[%multiple_of3A_18] : memref<524288xi32, #tpu.memory_space<hbm>> -> memref<128xi32, #tpu.memory_space<hbm>>
        tpu.enqueue_dma source(%dma_start3A_34 : memref<128xi32, #tpu.memory_space<hbm>>) target(%arg5 : memref<128xi32, #tpu.memory_space<vmem>>) target_semaphore(%run_scoped3A : memref<!tpu.dma_semaphore, #tpu.memory_space<semaphore_mem>>)
        %dma_wait3A = tpu.memref_slice %arg2[%multiple_of3A_18] : memref<524288xi32, #tpu.memory_space<hbm>> -> memref<128xi32, #tpu.memory_space<hbm>>
        %dma_wait3A_35 = tpu.memref_slice %arg2[%multiple_of3A_18] : memref<524288xi32, #tpu.memory_space<hbm>> -> memref<128xi32, #tpu.memory_space<hbm>>
        tpu.wait_dma2 semaphore(%run_scoped3A : memref<!tpu.dma_semaphore, #tpu.memory_space<semaphore_mem>>) src(%dma_wait3A_35 : memref<128xi32, #tpu.memory_space<hbm>>) dst(%arg5 : memref<128xi32, #tpu.memory_space<vmem>>)
        tpu.yield
      }) : () -> ()
      %get3A = arith.constant 0 : index
      %get3A_19 = tpu.vector_load %arg5[%get3A] {strides = array<i32>} : memref<128xi32, #tpu.memory_space<vmem>>, vector<16xi32>,
      tpu.vector_store_idx %arg6[%get3A_19], %broadcast_in_dim3A_3 {add = true} : memref<30720xf32, #tpu.memory_space<vmem>>[vector<16xi32>], vector<16xf32>,
      %get3A_20 = arith.constant 16 : index
      %get3A_21 = tpu.vector_load %arg5[%get3A_20] {strides = array<i32>} : memref<128xi32, #tpu.memory_space<vmem>>, vector<16xi32>,
      tpu.vector_store_idx %arg6[%get3A_21], %broadcast_in_dim3A_3 {add = true} : memref<30720xf32, #tpu.memory_space<vmem>>[vector<16xi32>], vector<16xf32>,
      %get3A_22 = arith.constant 32 : index
      %get3A_23 = tpu.vector_load %arg5[%get3A_22] {strides = array<i32>} : memref<128xi32, #tpu.memory_space<vmem>>, vector<16xi32>,
      tpu.vector_store_idx %arg6[%get3A_23], %broadcast_in_dim3A_3 {add = true} : memref<30720xf32, #tpu.memory_space<vmem>>[vector<16xi32>], vector<16xf32>,
      %get3A_24 = arith.constant 48 : index
      %get3A_25 = tpu.vector_load %arg5[%get3A_24] {strides = array<i32>} : memref<128xi32, #tpu.memory_space<vmem>>, vector<16xi32>,
      tpu.vector_store_idx %arg6[%get3A_25], %broadcast_in_dim3A_3 {add = true} : memref<30720xf32, #tpu.memory_space<vmem>>[vector<16xi32>], vector<16xf32>,
      %get3A_26 = arith.constant 64 : index
      %get3A_27 = tpu.vector_load %arg5[%get3A_26] {strides = array<i32>} : memref<128xi32, #tpu.memory_space<vmem>>, vector<16xi32>,
      tpu.vector_store_idx %arg6[%get3A_27], %broadcast_in_dim3A_3 {add = true} : memref<30720xf32, #tpu.memory_space<vmem>>[vector<16xi32>], vector<16xf32>,
      %get3A_28 = arith.constant 80 : index
      %get3A_29 = tpu.vector_load %arg5[%get3A_28] {strides = array<i32>} : memref<128xi32, #tpu.memory_space<vmem>>, vector<16xi32>,
      tpu.vector_store_idx %arg6[%get3A_29], %broadcast_in_dim3A_3 {add = true} : memref<30720xf32, #tpu.memory_space<vmem>>[vector<16xi32>], vector<16xf32>,
      %get3A_30 = arith.constant 96 : index
      %get3A_31 = tpu.vector_load %arg5[%get3A_30] {strides = array<i32>} : memref<128xi32, #tpu.memory_space<vmem>>, vector<16xi32>,
      tpu.vector_store_idx %arg6[%get3A_31], %broadcast_in_dim3A_3 {add = true} : memref<30720xf32, #tpu.memory_space<vmem>>[vector<16xi32>], vector<16xf32>,
      %get3A_32 = arith.constant 112 : index
      %get3A_33 = tpu.vector_load %arg5[%get3A_32] {strides = array<i32>} : memref<128xi32, #tpu.memory_space<vmem>>, vector<16xi32>,
      tpu.vector_store_idx %arg6[%get3A_33], %broadcast_in_dim3A_3 {add = true} : memref<30720xf32, #tpu.memory_space<vmem>>[vector<16xi32>], vector<16xf32>,
    }
    %scan3A_7 = arith.constant 128 : i32
    %mul3A_8 = arith.constant 30720 : i32
    %mul3A_9 = arith.muli %add3A, %mul3A_8 : i32
    %multiple_of3A = tpu.assume_multiple %mul3A_9, 30720 : i32
    "tpu.region"() ({
      %run_scoped3A = tpu.sem_alloc : memref<!tpu.dma_semaphore, #tpu.memory_space<semaphore_mem>>
      %dma_start3A = tpu.memref_slice %arg4[%multiple_of3A] : memref<983040xf32, #tpu.memory_space<hbm>> -> memref<30720xf32, #tpu.memory_space<hbm>>
      %dma_start3A_10 = tpu.memref_slice %arg4[%multiple_of3A] : memref<983040xf32, #tpu.memory_space<hbm>> -> memref<30720xf32, #tpu.memory_space<hbm>>
      tpu.enqueue_dma source(%arg6 : memref<30720xf32, #tpu.memory_space<vmem>>) target(%dma_start3A_10 : memref<30720xf32, #tpu.memory_space<hbm>>) target_semaphore(%run_scoped3A : memref<!tpu.dma_semaphore, #tpu.memory_space<semaphore_mem>>)
      %dma_wait3A = tpu.memref_slice %arg4[%multiple_of3A] : memref<983040xf32, #tpu.memory_space<hbm>> -> memref<30720xf32, #tpu.memory_space<hbm>>
      %dma_wait3A_11 = tpu.memref_slice %arg4[%multiple_of3A] : memref<983040xf32, #tpu.memory_space<hbm>> -> memref<30720xf32, #tpu.memory_space<hbm>>
      tpu.wait_dma2 semaphore(%run_scoped3A : memref<!tpu.dma_semaphore, #tpu.memory_space<semaphore_mem>>) src(%arg6 : memref<30720xf32, #tpu.memory_space<vmem>>) dst(%dma_wait3A_11 : memref<30720xf32, #tpu.memory_space<hbm>>)
      tpu.yield
    }) : () -> ()
    return
  }
}

#map = affine_map<(d0, d1) -> (0, 0)>
#map1 = affine_map<(d0, d1) -> (0)>
module attributes {stable_mosaic.version = 14 : i64} {
  func.func @spmm(%arg0: i32, %arg1: i32, %arg2: memref<30720x128xf32, #tpu.memory_space<hbm>>, %arg3: memref<589824xi32, #tpu.memory_space<hbm>>, %arg4: memref<589824xi32, #tpu.memory_space<hbm>>, %arg5: memref<640x128xf32, #tpu.memory_space<hbm>>, %arg6: memref<61440x128xf32, #tpu.memory_space<hbm>>, %arg7: memref<6144xi32, #tpu.memory_space<vmem>>, %arg8: memref<128xi32, #tpu.memory_space<vmem>>, %arg9: memref<128xi32, #tpu.memory_space<vmem>>, %arg10: memref<128x128xf32, #tpu.memory_space<vmem>>, %arg11: memref<128x128xf32, #tpu.memory_space<vmem>>, %arg12: memref<10240x128xf32, #tpu.memory_space<vmem_shared>>, %arg13: memref<!tpu.dma_semaphore, #tpu.memory_space<semaphore_mem>>, %arg14: memref<!tpu.dma_semaphore, #tpu.memory_space<semaphore_mem>>, %arg15: memref<!tpu.dma_semaphore, #tpu.memory_space<semaphore_mem>>, %arg16: memref<!tpu.dma_semaphore, #tpu.memory_space<semaphore_mem>>) attributes {dimension_semantics = [#tpu.dimension_semantics<core_parallel>, #tpu.dimension_semantics<subcore_parallel>], iteration_bounds = array<i64: 2, 16>, scalar_prefetch = 0 : i64, scratch_operands = 10 : i64, tpu.core_type = #tpu.core_type<sc_vector_subcore>, window_params = [{transform_indices = #map}, {transform_indices = #map1}, {transform_indices = #map1}, {transform_indices = #map}, {transform_indices = #map}]} {
    %mul3A = arith.constant 2 : i32
    %mul3A_0 = arith.muli %arg1, %mul3A : i32
    %add3A = arith.addi %mul3A_0, %arg0 : i32
    %mul3A_1 = arith.constant 640 : i32
    %mul3A_2 = arith.muli %arg1, %mul3A_1 : i32
    %multiple_of3A = tpu.assume_multiple %mul3A_2, 640 : i32
    "tpu.region"() ({
      %run_scoped3A = tpu.sem_alloc : memref<!tpu.dma_semaphore, #tpu.memory_space<semaphore_mem>>
      %dma_start3A = arith.constant 0 : i32
      %dma_start3A_63 = tpu.memref_slice %arg12[%multiple_of3A, %dma_start3A] : memref<10240x128xf32, #tpu.memory_space<vmem_shared>> -> memref<640x128xf32, #tpu.memory_space<vmem_shared>>
      tpu.enqueue_dma source(%arg5 : memref<640x128xf32, #tpu.memory_space<hbm>>) target(%dma_start3A_63 : memref<640x128xf32, #tpu.memory_space<vmem_shared>>) target_semaphore(%run_scoped3A : memref<!tpu.dma_semaphore, #tpu.memory_space<semaphore_mem>>)
      %dma_wait3A = arith.constant 0 : i32
      %dma_wait3A_64 = tpu.memref_slice %arg12[%multiple_of3A, %dma_wait3A] : memref<10240x128xf32, #tpu.memory_space<vmem_shared>> -> memref<640x128xf32, #tpu.memory_space<vmem_shared>>
      tpu.wait_dma2 semaphore(%run_scoped3A : memref<!tpu.dma_semaphore, #tpu.memory_space<semaphore_mem>>) src(%arg5 : memref<640x128xf32, #tpu.memory_space<hbm>>) dst(%dma_wait3A_64 : memref<640x128xf32, #tpu.memory_space<vmem_shared>>)
      tpu.yield
    }) : () -> ()
    %add3A_3 = arith.constant 0 : i32
    %add3A_4 = arith.addi %add3A_3, %add3A : i32
    %mul3A_5 = arith.constant 6144 : i32
    %mul3A_6 = arith.muli %add3A_4, %mul3A_5 : i32
    %multiple_of3A_7 = tpu.assume_multiple %mul3A_6, 6144 : i32
    "tpu.region"() ({
      %run_scoped3A = tpu.sem_alloc : memref<!tpu.dma_semaphore, #tpu.memory_space<semaphore_mem>>
      %dma_start3A = tpu.memref_slice %arg3[%multiple_of3A_7] : memref<589824xi32, #tpu.memory_space<hbm>> -> memref<6144xi32, #tpu.memory_space<hbm>>
      %dma_start3A_63 = tpu.memref_slice %arg3[%multiple_of3A_7] : memref<589824xi32, #tpu.memory_space<hbm>> -> memref<6144xi32, #tpu.memory_space<hbm>>
      tpu.enqueue_dma source(%dma_start3A_63 : memref<6144xi32, #tpu.memory_space<hbm>>) target(%arg7 : memref<6144xi32, #tpu.memory_space<vmem>>) target_semaphore(%run_scoped3A : memref<!tpu.dma_semaphore, #tpu.memory_space<semaphore_mem>>)
      %dma_wait3A = tpu.memref_slice %arg3[%multiple_of3A_7] : memref<589824xi32, #tpu.memory_space<hbm>> -> memref<6144xi32, #tpu.memory_space<hbm>>
      %dma_wait3A_64 = tpu.memref_slice %arg3[%multiple_of3A_7] : memref<589824xi32, #tpu.memory_space<hbm>> -> memref<6144xi32, #tpu.memory_space<hbm>>
      tpu.wait_dma2 semaphore(%run_scoped3A : memref<!tpu.dma_semaphore, #tpu.memory_space<semaphore_mem>>) src(%dma_wait3A_64 : memref<6144xi32, #tpu.memory_space<hbm>>) dst(%arg7 : memref<6144xi32, #tpu.memory_space<vmem>>)
      tpu.yield
    }) : () -> ()
    %barrier3A = arith.constant 0 : index
    tpu.barrier barrier_id(%barrier3A)
    %scan3A = arith.constant 0 : i32
    %scan3A_8 = arith.constant 24 : i32
    %scan3A_9 = arith.addi %scan3A, %scan3A_8 : i32
    %scan3A_10 = arith.constant 1 : i32
    scf.for %scan3A_63 = %scan3A to %scan3A_9 step %scan3A_10  : i32 {
      %mul3A_64 = arith.constant 1 : i32
      %mul3A_65 = arith.muli %scan3A_63, %mul3A_64 : i32
      %add3A_66 = arith.constant 0 : i32
      %add3A_67 = arith.addi %add3A_66, %mul3A_65 : i32
      %mul3A_68 = arith.constant 256 : i32
      %mul3A_69 = arith.muli %add3A_67, %mul3A_68 : i32
      %multiple_of3A_70 = tpu.assume_multiple %mul3A_69, 256 : i32
      %add3A_71 = arith.constant 128 : i32
      %add3A_72 = arith.addi %multiple_of3A_70, %add3A_71 : i32
      %add3A_73 = arith.addi %multiple_of3A_7, %multiple_of3A_70 : i32
      "tpu.region"() ({
        %run_scoped3A = tpu.sem_alloc : memref<!tpu.dma_semaphore, #tpu.memory_space<semaphore_mem>>
        %dma_start3A_101 = tpu.memref_slice %arg4[%add3A_73] : memref<589824xi32, #tpu.memory_space<hbm>> -> memref<128xi32, #tpu.memory_space<hbm>>
        %dma_start3A_102 = tpu.memref_slice %arg4[%add3A_73] : memref<589824xi32, #tpu.memory_space<hbm>> -> memref<128xi32, #tpu.memory_space<hbm>>
        tpu.enqueue_dma source(%dma_start3A_102 : memref<128xi32, #tpu.memory_space<hbm>>) target(%arg8 : memref<128xi32, #tpu.memory_space<vmem>>) target_semaphore(%run_scoped3A : memref<!tpu.dma_semaphore, #tpu.memory_space<semaphore_mem>>)
        %dma_wait3A_103 = tpu.memref_slice %arg4[%add3A_73] : memref<589824xi32, #tpu.memory_space<hbm>> -> memref<128xi32, #tpu.memory_space<hbm>>
        %dma_wait3A_104 = tpu.memref_slice %arg4[%add3A_73] : memref<589824xi32, #tpu.memory_space<hbm>> -> memref<128xi32, #tpu.memory_space<hbm>>
        tpu.wait_dma2 semaphore(%run_scoped3A : memref<!tpu.dma_semaphore, #tpu.memory_space<semaphore_mem>>) src(%dma_wait3A_104 : memref<128xi32, #tpu.memory_space<hbm>>) dst(%arg8 : memref<128xi32, #tpu.memory_space<vmem>>)
        tpu.yield
      }) : () -> ()
      %dma_start3A = tpu.memref_slice %arg7[%multiple_of3A_70] : memref<6144xi32, #tpu.memory_space<vmem>> -> memref<128xi32, #tpu.memory_space<vmem>>
      %dma_start3A_74 = arith.constant 0 : i32
      %dma_start3A_75 = arith.constant 0 : i32
      %dma_start3A_76 = tpu.memref_slice %arg2[%dma_start3A_74, %dma_start3A_75] : memref<30720x128xf32, #tpu.memory_space<hbm>> -> memref<30720x128xf32, #tpu.memory_space<hbm>>
      tpu.enqueue_indirect_dma source(%dma_start3A_76 : memref<30720x128xf32, #tpu.memory_space<hbm>>) target(%arg10 : memref<128x128xf32, #tpu.memory_space<vmem>>) offsets(%dma_start3A : memref<128xi32, #tpu.memory_space<vmem>>) semaphore(%arg13 : memref<!tpu.dma_semaphore, #tpu.memory_space<semaphore_mem>>)
      %add3A_77 = arith.addi %multiple_of3A_7, %add3A_72 : i32
      "tpu.region"() ({
        %run_scoped3A = tpu.sem_alloc : memref<!tpu.dma_semaphore, #tpu.memory_space<semaphore_mem>>
        %dma_start3A_101 = tpu.memref_slice %arg4[%add3A_77] : memref<589824xi32, #tpu.memory_space<hbm>> -> memref<128xi32, #tpu.memory_space<hbm>>
        %dma_start3A_102 = tpu.memref_slice %arg4[%add3A_77] : memref<589824xi32, #tpu.memory_space<hbm>> -> memref<128xi32, #tpu.memory_space<hbm>>
        tpu.enqueue_dma source(%dma_start3A_102 : memref<128xi32, #tpu.memory_space<hbm>>) target(%arg9 : memref<128xi32, #tpu.memory_space<vmem>>) target_semaphore(%run_scoped3A : memref<!tpu.dma_semaphore, #tpu.memory_space<semaphore_mem>>)
        %dma_wait3A_103 = tpu.memref_slice %arg4[%add3A_77] : memref<589824xi32, #tpu.memory_space<hbm>> -> memref<128xi32, #tpu.memory_space<hbm>>
        %dma_wait3A_104 = tpu.memref_slice %arg4[%add3A_77] : memref<589824xi32, #tpu.memory_space<hbm>> -> memref<128xi32, #tpu.memory_space<hbm>>
        tpu.wait_dma2 semaphore(%run_scoped3A : memref<!tpu.dma_semaphore, #tpu.memory_space<semaphore_mem>>) src(%dma_wait3A_104 : memref<128xi32, #tpu.memory_space<hbm>>) dst(%arg9 : memref<128xi32, #tpu.memory_space<vmem>>)
        tpu.yield
      }) : () -> ()
      %dma_start3A_78 = tpu.memref_slice %arg7[%add3A_72] : memref<6144xi32, #tpu.memory_space<vmem>> -> memref<128xi32, #tpu.memory_space<vmem>>
      %dma_start3A_79 = arith.constant 0 : i32
      %dma_start3A_80 = arith.constant 0 : i32
      %dma_start3A_81 = tpu.memref_slice %arg2[%dma_start3A_79, %dma_start3A_80] : memref<30720x128xf32, #tpu.memory_space<hbm>> -> memref<30720x128xf32, #tpu.memory_space<hbm>>
      tpu.enqueue_indirect_dma source(%dma_start3A_81 : memref<30720x128xf32, #tpu.memory_space<hbm>>) target(%arg11 : memref<128x128xf32, #tpu.memory_space<vmem>>) offsets(%dma_start3A_78 : memref<128xi32, #tpu.memory_space<vmem>>) semaphore(%arg14 : memref<!tpu.dma_semaphore, #tpu.memory_space<semaphore_mem>>)
      %dma_wait3A = tpu.memref_slice %arg7[%multiple_of3A_70] : memref<6144xi32, #tpu.memory_space<vmem>> -> memref<128xi32, #tpu.memory_space<vmem>>
      %dma_wait3A_82 = arith.constant 0 : i32
      %dma_wait3A_83 = arith.constant 0 : i32
      %dma_wait3A_84 = tpu.memref_slice %arg2[%dma_wait3A_82, %dma_wait3A_83] : memref<30720x128xf32, #tpu.memory_space<hbm>> -> memref<30720x128xf32, #tpu.memory_space<hbm>>
      tpu.wait_indirect_dma semaphore(%arg13 : memref<!tpu.dma_semaphore, #tpu.memory_space<semaphore_mem>>) src(%dma_wait3A_84 : memref<30720x128xf32, #tpu.memory_space<hbm>>) dst(%arg10 : memref<128x128xf32, #tpu.memory_space<vmem>>)
      %dma_start3A_85 = arith.constant 0 : i32
      %dma_start3A_86 = arith.constant 0 : i32
      %dma_start3A_87 = tpu.memref_slice %arg12[%dma_start3A_85, %dma_start3A_86] : memref<10240x128xf32, #tpu.memory_space<vmem_shared>> -> memref<10240x128xf32, #tpu.memory_space<vmem_shared>>
      tpu.enqueue_indirect_dma source(%arg10 : memref<128x128xf32, #tpu.memory_space<vmem>>) target(%dma_start3A_87 : memref<10240x128xf32, #tpu.memory_space<vmem_shared>>) offsets(%arg8 : memref<128xi32, #tpu.memory_space<vmem>>) semaphore(%arg15 : memref<!tpu.dma_semaphore, #tpu.memory_space<semaphore_mem>>) {add = true}
      %dma_wait3A_88 = tpu.memref_slice %arg7[%add3A_72] : memref<6144xi32, #tpu.memory_space<vmem>> -> memref<128xi32, #tpu.memory_space<vmem>>
      %dma_wait3A_89 = arith.constant 0 : i32
      %dma_wait3A_90 = arith.constant 0 : i32
      %dma_wait3A_91 = tpu.memref_slice %arg2[%dma_wait3A_89, %dma_wait3A_90] : memref<30720x128xf32, #tpu.memory_space<hbm>> -> memref<30720x128xf32, #tpu.memory_space<hbm>>
      tpu.wait_indirect_dma semaphore(%arg14 : memref<!tpu.dma_semaphore, #tpu.memory_space<semaphore_mem>>) src(%dma_wait3A_91 : memref<30720x128xf32, #tpu.memory_space<hbm>>) dst(%arg11 : memref<128x128xf32, #tpu.memory_space<vmem>>)
      %dma_start3A_92 = arith.constant 0 : i32
      %dma_start3A_93 = arith.constant 0 : i32
      %dma_start3A_94 = tpu.memref_slice %arg12[%dma_start3A_92, %dma_start3A_93] : memref<10240x128xf32, #tpu.memory_space<vmem_shared>> -> memref<10240x128xf32, #tpu.memory_space<vmem_shared>>
      tpu.enqueue_indirect_dma source(%arg11 : memref<128x128xf32, #tpu.memory_space<vmem>>) target(%dma_start3A_94 : memref<10240x128xf32, #tpu.memory_space<vmem_shared>>) offsets(%arg9 : memref<128xi32, #tpu.memory_space<vmem>>) semaphore(%arg16 : memref<!tpu.dma_semaphore, #tpu.memory_space<semaphore_mem>>) {add = true}
      %dma_wait3A_95 = arith.constant 0 : i32
      %dma_wait3A_96 = arith.constant 0 : i32
      %dma_wait3A_97 = tpu.memref_slice %arg12[%dma_wait3A_95, %dma_wait3A_96] : memref<10240x128xf32, #tpu.memory_space<vmem_shared>> -> memref<10240x128xf32, #tpu.memory_space<vmem_shared>>
      tpu.wait_indirect_dma semaphore(%arg15 : memref<!tpu.dma_semaphore, #tpu.memory_space<semaphore_mem>>) src(%arg10 : memref<128x128xf32, #tpu.memory_space<vmem>>) dst(%dma_wait3A_97 : memref<10240x128xf32, #tpu.memory_space<vmem_shared>>)
      %dma_wait3A_98 = arith.constant 0 : i32
      %dma_wait3A_99 = arith.constant 0 : i32
      %dma_wait3A_100 = tpu.memref_slice %arg12[%dma_wait3A_98, %dma_wait3A_99] : memref<10240x128xf32, #tpu.memory_space<vmem_shared>> -> memref<10240x128xf32, #tpu.memory_space<vmem_shared>>
      tpu.wait_indirect_dma semaphore(%arg16 : memref<!tpu.dma_semaphore, #tpu.memory_space<semaphore_mem>>) src(%arg11 : memref<128x128xf32, #tpu.memory_space<vmem>>) dst(%dma_wait3A_100 : memref<10240x128xf32, #tpu.memory_space<vmem_shared>>)
    }
    %scan3A_11 = arith.constant 24 : i32
    %barrier3A_12 = arith.constant 0 : index
    tpu.barrier barrier_id(%barrier3A_12)
    %mul3A_13 = arith.constant 3 : i32
    %mul3A_14 = arith.muli %arg0, %mul3A_13 : i32
    %add3A_15 = arith.constant 0 : i32
    %add3A_16 = arith.addi %mul3A_14, %add3A_15 : i32
    %mul3A_17 = arith.constant 10240 : i32
    %mul3A_18 = arith.muli %add3A_16, %mul3A_17 : i32
    %add3A_19 = arith.addi %mul3A_18, %multiple_of3A : i32
    %multiple_of3A_20 = tpu.assume_multiple %add3A_19, 640 : i32
    "tpu.region"() ({
      %run_scoped3A = tpu.sem_alloc : memref<!tpu.dma_semaphore, #tpu.memory_space<semaphore_mem>>
      %dma_start3A = arith.constant 0 : i32
      %dma_start3A_63 = tpu.memref_slice %arg6[%multiple_of3A_20, %dma_start3A] : memref<61440x128xf32, #tpu.memory_space<hbm>> -> memref<640x128xf32, #tpu.memory_space<hbm>>
      %dma_start3A_64 = arith.constant 0 : i32
      %dma_start3A_65 = tpu.memref_slice %arg12[%multiple_of3A, %dma_start3A_64] : memref<10240x128xf32, #tpu.memory_space<vmem_shared>> -> memref<640x128xf32, #tpu.memory_space<vmem_shared>>
      tpu.enqueue_dma source(%dma_start3A_65 : memref<640x128xf32, #tpu.memory_space<vmem_shared>>) target(%dma_start3A_63 : memref<640x128xf32, #tpu.memory_space<hbm>>) target_semaphore(%run_scoped3A : memref<!tpu.dma_semaphore, #tpu.memory_space<semaphore_mem>>)
      %dma_wait3A = arith.constant 0 : i32
      %dma_wait3A_66 = tpu.memref_slice %arg6[%multiple_of3A_20, %dma_wait3A] : memref<61440x128xf32, #tpu.memory_space<hbm>> -> memref<640x128xf32, #tpu.memory_space<hbm>>
      %dma_wait3A_67 = arith.constant 0 : i32
      %dma_wait3A_68 = tpu.memref_slice %arg12[%multiple_of3A, %dma_wait3A_67] : memref<10240x128xf32, #tpu.memory_space<vmem_shared>> -> memref<640x128xf32, #tpu.memory_space<vmem_shared>>
      tpu.wait_dma2 semaphore(%run_scoped3A : memref<!tpu.dma_semaphore, #tpu.memory_space<semaphore_mem>>) src(%dma_wait3A_68 : memref<640x128xf32, #tpu.memory_space<vmem_shared>>) dst(%dma_wait3A_66 : memref<640x128xf32, #tpu.memory_space<hbm>>)
      tpu.yield
    }) : () -> ()
    %barrier3A_21 = arith.constant 0 : index
    tpu.barrier barrier_id(%barrier3A_21)
    "tpu.region"() ({
      %run_scoped3A = tpu.sem_alloc : memref<!tpu.dma_semaphore, #tpu.memory_space<semaphore_mem>>
      %dma_start3A = arith.constant 0 : i32
      %dma_start3A_63 = tpu.memref_slice %arg12[%multiple_of3A, %dma_start3A] : memref<10240x128xf32, #tpu.memory_space<vmem_shared>> -> memref<640x128xf32, #tpu.memory_space<vmem_shared>>
      tpu.enqueue_dma source(%arg5 : memref<640x128xf32, #tpu.memory_space<hbm>>) target(%dma_start3A_63 : memref<640x128xf32, #tpu.memory_space<vmem_shared>>) target_semaphore(%run_scoped3A : memref<!tpu.dma_semaphore, #tpu.memory_space<semaphore_mem>>)
      %dma_wait3A = arith.constant 0 : i32
      %dma_wait3A_64 = tpu.memref_slice %arg12[%multiple_of3A, %dma_wait3A] : memref<10240x128xf32, #tpu.memory_space<vmem_shared>> -> memref<640x128xf32, #tpu.memory_space<vmem_shared>>
      tpu.wait_dma2 semaphore(%run_scoped3A : memref<!tpu.dma_semaphore, #tpu.memory_space<semaphore_mem>>) src(%arg5 : memref<640x128xf32, #tpu.memory_space<hbm>>) dst(%dma_wait3A_64 : memref<640x128xf32, #tpu.memory_space<vmem_shared>>)
      tpu.yield
    }) : () -> ()
    %add3A_22 = arith.constant 32 : i32
    %add3A_23 = arith.addi %add3A_22, %add3A : i32
    %mul3A_24 = arith.constant 6144 : i32
    %mul3A_25 = arith.muli %add3A_23, %mul3A_24 : i32
    %multiple_of3A_26 = tpu.assume_multiple %mul3A_25, 6144 : i32
    "tpu.region"() ({
      %run_scoped3A = tpu.sem_alloc : memref<!tpu.dma_semaphore, #tpu.memory_space<semaphore_mem>>
      %dma_start3A = tpu.memref_slice %arg3[%multiple_of3A_26] : memref<589824xi32, #tpu.memory_space<hbm>> -> memref<6144xi32, #tpu.memory_space<hbm>>
      %dma_start3A_63 = tpu.memref_slice %arg3[%multiple_of3A_26] : memref<589824xi32, #tpu.memory_space<hbm>> -> memref<6144xi32, #tpu.memory_space<hbm>>
      tpu.enqueue_dma source(%dma_start3A_63 : memref<6144xi32, #tpu.memory_space<hbm>>) target(%arg7 : memref<6144xi32, #tpu.memory_space<vmem>>) target_semaphore(%run_scoped3A : memref<!tpu.dma_semaphore, #tpu.memory_space<semaphore_mem>>)
      %dma_wait3A = tpu.memref_slice %arg3[%multiple_of3A_26] : memref<589824xi32, #tpu.memory_space<hbm>> -> memref<6144xi32, #tpu.memory_space<hbm>>
      %dma_wait3A_64 = tpu.memref_slice %arg3[%multiple_of3A_26] : memref<589824xi32, #tpu.memory_space<hbm>> -> memref<6144xi32, #tpu.memory_space<hbm>>
      tpu.wait_dma2 semaphore(%run_scoped3A : memref<!tpu.dma_semaphore, #tpu.memory_space<semaphore_mem>>) src(%dma_wait3A_64 : memref<6144xi32, #tpu.memory_space<hbm>>) dst(%arg7 : memref<6144xi32, #tpu.memory_space<vmem>>)
      tpu.yield
    }) : () -> ()
    %barrier3A_27 = arith.constant 0 : index
    tpu.barrier barrier_id(%barrier3A_27)
    %scan3A_28 = arith.constant 0 : i32
    %scan3A_29 = arith.constant 24 : i32
    %scan3A_30 = arith.addi %scan3A_28, %scan3A_29 : i32
    %scan3A_31 = arith.constant 1 : i32
    scf.for %scan3A_63 = %scan3A_28 to %scan3A_30 step %scan3A_31  : i32 {
      %mul3A_64 = arith.constant 1 : i32
      %mul3A_65 = arith.muli %scan3A_63, %mul3A_64 : i32
      %add3A_66 = arith.constant 0 : i32
      %add3A_67 = arith.addi %add3A_66, %mul3A_65 : i32
      %mul3A_68 = arith.constant 256 : i32
      %mul3A_69 = arith.muli %add3A_67, %mul3A_68 : i32
      %multiple_of3A_70 = tpu.assume_multiple %mul3A_69, 256 : i32
      %add3A_71 = arith.constant 128 : i32
      %add3A_72 = arith.addi %multiple_of3A_70, %add3A_71 : i32
      %add3A_73 = arith.addi %multiple_of3A_26, %multiple_of3A_70 : i32
      "tpu.region"() ({
        %run_scoped3A = tpu.sem_alloc : memref<!tpu.dma_semaphore, #tpu.memory_space<semaphore_mem>>
        %dma_start3A_101 = tpu.memref_slice %arg4[%add3A_73] : memref<589824xi32, #tpu.memory_space<hbm>> -> memref<128xi32, #tpu.memory_space<hbm>>
        %dma_start3A_102 = tpu.memref_slice %arg4[%add3A_73] : memref<589824xi32, #tpu.memory_space<hbm>> -> memref<128xi32, #tpu.memory_space<hbm>>
        tpu.enqueue_dma source(%dma_start3A_102 : memref<128xi32, #tpu.memory_space<hbm>>) target(%arg8 : memref<128xi32, #tpu.memory_space<vmem>>) target_semaphore(%run_scoped3A : memref<!tpu.dma_semaphore, #tpu.memory_space<semaphore_mem>>)
        %dma_wait3A_103 = tpu.memref_slice %arg4[%add3A_73] : memref<589824xi32, #tpu.memory_space<hbm>> -> memref<128xi32, #tpu.memory_space<hbm>>
        %dma_wait3A_104 = tpu.memref_slice %arg4[%add3A_73] : memref<589824xi32, #tpu.memory_space<hbm>> -> memref<128xi32, #tpu.memory_space<hbm>>
        tpu.wait_dma2 semaphore(%run_scoped3A : memref<!tpu.dma_semaphore, #tpu.memory_space<semaphore_mem>>) src(%dma_wait3A_104 : memref<128xi32, #tpu.memory_space<hbm>>) dst(%arg8 : memref<128xi32, #tpu.memory_space<vmem>>)
        tpu.yield
      }) : () -> ()
      %dma_start3A = tpu.memref_slice %arg7[%multiple_of3A_70] : memref<6144xi32, #tpu.memory_space<vmem>> -> memref<128xi32, #tpu.memory_space<vmem>>
      %dma_start3A_74 = arith.constant 0 : i32
      %dma_start3A_75 = arith.constant 0 : i32
      %dma_start3A_76 = tpu.memref_slice %arg2[%dma_start3A_74, %dma_start3A_75] : memref<30720x128xf32, #tpu.memory_space<hbm>> -> memref<30720x128xf32, #tpu.memory_space<hbm>>
      tpu.enqueue_indirect_dma source(%dma_start3A_76 : memref<30720x128xf32, #tpu.memory_space<hbm>>) target(%arg10 : memref<128x128xf32, #tpu.memory_space<vmem>>) offsets(%dma_start3A : memref<128xi32, #tpu.memory_space<vmem>>) semaphore(%arg13 : memref<!tpu.dma_semaphore, #tpu.memory_space<semaphore_mem>>)
      %add3A_77 = arith.addi %multiple_of3A_26, %add3A_72 : i32
      "tpu.region"() ({
        %run_scoped3A = tpu.sem_alloc : memref<!tpu.dma_semaphore, #tpu.memory_space<semaphore_mem>>
        %dma_start3A_101 = tpu.memref_slice %arg4[%add3A_77] : memref<589824xi32, #tpu.memory_space<hbm>> -> memref<128xi32, #tpu.memory_space<hbm>>
        %dma_start3A_102 = tpu.memref_slice %arg4[%add3A_77] : memref<589824xi32, #tpu.memory_space<hbm>> -> memref<128xi32, #tpu.memory_space<hbm>>
        tpu.enqueue_dma source(%dma_start3A_102 : memref<128xi32, #tpu.memory_space<hbm>>) target(%arg9 : memref<128xi32, #tpu.memory_space<vmem>>) target_semaphore(%run_scoped3A : memref<!tpu.dma_semaphore, #tpu.memory_space<semaphore_mem>>)
        %dma_wait3A_103 = tpu.memref_slice %arg4[%add3A_77] : memref<589824xi32, #tpu.memory_space<hbm>> -> memref<128xi32, #tpu.memory_space<hbm>>
        %dma_wait3A_104 = tpu.memref_slice %arg4[%add3A_77] : memref<589824xi32, #tpu.memory_space<hbm>> -> memref<128xi32, #tpu.memory_space<hbm>>
        tpu.wait_dma2 semaphore(%run_scoped3A : memref<!tpu.dma_semaphore, #tpu.memory_space<semaphore_mem>>) src(%dma_wait3A_104 : memref<128xi32, #tpu.memory_space<hbm>>) dst(%arg9 : memref<128xi32, #tpu.memory_space<vmem>>)
        tpu.yield
      }) : () -> ()
      %dma_start3A_78 = tpu.memref_slice %arg7[%add3A_72] : memref<6144xi32, #tpu.memory_space<vmem>> -> memref<128xi32, #tpu.memory_space<vmem>>
      %dma_start3A_79 = arith.constant 0 : i32
      %dma_start3A_80 = arith.constant 0 : i32
      %dma_start3A_81 = tpu.memref_slice %arg2[%dma_start3A_79, %dma_start3A_80] : memref<30720x128xf32, #tpu.memory_space<hbm>> -> memref<30720x128xf32, #tpu.memory_space<hbm>>
      tpu.enqueue_indirect_dma source(%dma_start3A_81 : memref<30720x128xf32, #tpu.memory_space<hbm>>) target(%arg11 : memref<128x128xf32, #tpu.memory_space<vmem>>) offsets(%dma_start3A_78 : memref<128xi32, #tpu.memory_space<vmem>>) semaphore(%arg14 : memref<!tpu.dma_semaphore, #tpu.memory_space<semaphore_mem>>)
      %dma_wait3A = tpu.memref_slice %arg7[%multiple_of3A_70] : memref<6144xi32, #tpu.memory_space<vmem>> -> memref<128xi32, #tpu.memory_space<vmem>>
      %dma_wait3A_82 = arith.constant 0 : i32
      %dma_wait3A_83 = arith.constant 0 : i32
      %dma_wait3A_84 = tpu.memref_slice %arg2[%dma_wait3A_82, %dma_wait3A_83] : memref<30720x128xf32, #tpu.memory_space<hbm>> -> memref<30720x128xf32, #tpu.memory_space<hbm>>
      tpu.wait_indirect_dma semaphore(%arg13 : memref<!tpu.dma_semaphore, #tpu.memory_space<semaphore_mem>>) src(%dma_wait3A_84 : memref<30720x128xf32, #tpu.memory_space<hbm>>) dst(%arg10 : memref<128x128xf32, #tpu.memory_space<vmem>>)
      %dma_start3A_85 = arith.constant 0 : i32
      %dma_start3A_86 = arith.constant 0 : i32
      %dma_start3A_87 = tpu.memref_slice %arg12[%dma_start3A_85, %dma_start3A_86] : memref<10240x128xf32, #tpu.memory_space<vmem_shared>> -> memref<10240x128xf32, #tpu.memory_space<vmem_shared>>
      tpu.enqueue_indirect_dma source(%arg10 : memref<128x128xf32, #tpu.memory_space<vmem>>) target(%dma_start3A_87 : memref<10240x128xf32, #tpu.memory_space<vmem_shared>>) offsets(%arg8 : memref<128xi32, #tpu.memory_space<vmem>>) semaphore(%arg15 : memref<!tpu.dma_semaphore, #tpu.memory_space<semaphore_mem>>) {add = true}
      %dma_wait3A_88 = tpu.memref_slice %arg7[%add3A_72] : memref<6144xi32, #tpu.memory_space<vmem>> -> memref<128xi32, #tpu.memory_space<vmem>>
      %dma_wait3A_89 = arith.constant 0 : i32
      %dma_wait3A_90 = arith.constant 0 : i32
      %dma_wait3A_91 = tpu.memref_slice %arg2[%dma_wait3A_89, %dma_wait3A_90] : memref<30720x128xf32, #tpu.memory_space<hbm>> -> memref<30720x128xf32, #tpu.memory_space<hbm>>
      tpu.wait_indirect_dma semaphore(%arg14 : memref<!tpu.dma_semaphore, #tpu.memory_space<semaphore_mem>>) src(%dma_wait3A_91 : memref<30720x128xf32, #tpu.memory_space<hbm>>) dst(%arg11 : memref<128x128xf32, #tpu.memory_space<vmem>>)
      %dma_start3A_92 = arith.constant 0 : i32
      %dma_start3A_93 = arith.constant 0 : i32
      %dma_start3A_94 = tpu.memref_slice %arg12[%dma_start3A_92, %dma_start3A_93] : memref<10240x128xf32, #tpu.memory_space<vmem_shared>> -> memref<10240x128xf32, #tpu.memory_space<vmem_shared>>
      tpu.enqueue_indirect_dma source(%arg11 : memref<128x128xf32, #tpu.memory_space<vmem>>) target(%dma_start3A_94 : memref<10240x128xf32, #tpu.memory_space<vmem_shared>>) offsets(%arg9 : memref<128xi32, #tpu.memory_space<vmem>>) semaphore(%arg16 : memref<!tpu.dma_semaphore, #tpu.memory_space<semaphore_mem>>) {add = true}
      %dma_wait3A_95 = arith.constant 0 : i32
      %dma_wait3A_96 = arith.constant 0 : i32
      %dma_wait3A_97 = tpu.memref_slice %arg12[%dma_wait3A_95, %dma_wait3A_96] : memref<10240x128xf32, #tpu.memory_space<vmem_shared>> -> memref<10240x128xf32, #tpu.memory_space<vmem_shared>>
      tpu.wait_indirect_dma semaphore(%arg15 : memref<!tpu.dma_semaphore, #tpu.memory_space<semaphore_mem>>) src(%arg10 : memref<128x128xf32, #tpu.memory_space<vmem>>) dst(%dma_wait3A_97 : memref<10240x128xf32, #tpu.memory_space<vmem_shared>>)
      %dma_wait3A_98 = arith.constant 0 : i32
      %dma_wait3A_99 = arith.constant 0 : i32
      %dma_wait3A_100 = tpu.memref_slice %arg12[%dma_wait3A_98, %dma_wait3A_99] : memref<10240x128xf32, #tpu.memory_space<vmem_shared>> -> memref<10240x128xf32, #tpu.memory_space<vmem_shared>>
      tpu.wait_indirect_dma semaphore(%arg16 : memref<!tpu.dma_semaphore, #tpu.memory_space<semaphore_mem>>) src(%arg11 : memref<128x128xf32, #tpu.memory_space<vmem>>) dst(%dma_wait3A_100 : memref<10240x128xf32, #tpu.memory_space<vmem_shared>>)
    }
    %scan3A_32 = arith.constant 24 : i32
    %barrier3A_33 = arith.constant 0 : index
    tpu.barrier barrier_id(%barrier3A_33)
    %mul3A_34 = arith.constant 3 : i32
    %mul3A_35 = arith.muli %arg0, %mul3A_34 : i32
    %add3A_36 = arith.constant 1 : i32
    %add3A_37 = arith.addi %mul3A_35, %add3A_36 : i32
    %mul3A_38 = arith.constant 10240 : i32
    %mul3A_39 = arith.muli %add3A_37, %mul3A_38 : i32
    %add3A_40 = arith.addi %mul3A_39, %multiple_of3A : i32
    %multiple_of3A_41 = tpu.assume_multiple %add3A_40, 640 : i32
    "tpu.region"() ({
      %run_scoped3A = tpu.sem_alloc : memref<!tpu.dma_semaphore, #tpu.memory_space<semaphore_mem>>
      %dma_start3A = arith.constant 0 : i32
      %dma_start3A_63 = tpu.memref_slice %arg6[%multiple_of3A_41, %dma_start3A] : memref<61440x128xf32, #tpu.memory_space<hbm>> -> memref<640x128xf32, #tpu.memory_space<hbm>>
      %dma_start3A_64 = arith.constant 0 : i32
      %dma_start3A_65 = tpu.memref_slice %arg12[%multiple_of3A, %dma_start3A_64] : memref<10240x128xf32, #tpu.memory_space<vmem_shared>> -> memref<640x128xf32, #tpu.memory_space<vmem_shared>>
      tpu.enqueue_dma source(%dma_start3A_65 : memref<640x128xf32, #tpu.memory_space<vmem_shared>>) target(%dma_start3A_63 : memref<640x128xf32, #tpu.memory_space<hbm>>) target_semaphore(%run_scoped3A : memref<!tpu.dma_semaphore, #tpu.memory_space<semaphore_mem>>)
      %dma_wait3A = arith.constant 0 : i32
      %dma_wait3A_66 = tpu.memref_slice %arg6[%multiple_of3A_41, %dma_wait3A] : memref<61440x128xf32, #tpu.memory_space<hbm>> -> memref<640x128xf32, #tpu.memory_space<hbm>>
      %dma_wait3A_67 = arith.constant 0 : i32
      %dma_wait3A_68 = tpu.memref_slice %arg12[%multiple_of3A, %dma_wait3A_67] : memref<10240x128xf32, #tpu.memory_space<vmem_shared>> -> memref<640x128xf32, #tpu.memory_space<vmem_shared>>
      tpu.wait_dma2 semaphore(%run_scoped3A : memref<!tpu.dma_semaphore, #tpu.memory_space<semaphore_mem>>) src(%dma_wait3A_68 : memref<640x128xf32, #tpu.memory_space<vmem_shared>>) dst(%dma_wait3A_66 : memref<640x128xf32, #tpu.memory_space<hbm>>)
      tpu.yield
    }) : () -> ()
    %barrier3A_42 = arith.constant 0 : index
    tpu.barrier barrier_id(%barrier3A_42)
    "tpu.region"() ({
      %run_scoped3A = tpu.sem_alloc : memref<!tpu.dma_semaphore, #tpu.memory_space<semaphore_mem>>
      %dma_start3A = arith.constant 0 : i32
      %dma_start3A_63 = tpu.memref_slice %arg12[%multiple_of3A, %dma_start3A] : memref<10240x128xf32, #tpu.memory_space<vmem_shared>> -> memref<640x128xf32, #tpu.memory_space<vmem_shared>>
      tpu.enqueue_dma source(%arg5 : memref<640x128xf32, #tpu.memory_space<hbm>>) target(%dma_start3A_63 : memref<640x128xf32, #tpu.memory_space<vmem_shared>>) target_semaphore(%run_scoped3A : memref<!tpu.dma_semaphore, #tpu.memory_space<semaphore_mem>>)
      %dma_wait3A = arith.constant 0 : i32
      %dma_wait3A_64 = tpu.memref_slice %arg12[%multiple_of3A, %dma_wait3A] : memref<10240x128xf32, #tpu.memory_space<vmem_shared>> -> memref<640x128xf32, #tpu.memory_space<vmem_shared>>
      tpu.wait_dma2 semaphore(%run_scoped3A : memref<!tpu.dma_semaphore, #tpu.memory_space<semaphore_mem>>) src(%arg5 : memref<640x128xf32, #tpu.memory_space<hbm>>) dst(%dma_wait3A_64 : memref<640x128xf32, #tpu.memory_space<vmem_shared>>)
      tpu.yield
    }) : () -> ()
    %add3A_43 = arith.constant 64 : i32
    %add3A_44 = arith.addi %add3A_43, %add3A : i32
    %mul3A_45 = arith.constant 6144 : i32
    %mul3A_46 = arith.muli %add3A_44, %mul3A_45 : i32
    %multiple_of3A_47 = tpu.assume_multiple %mul3A_46, 6144 : i32
    "tpu.region"() ({
      %run_scoped3A = tpu.sem_alloc : memref<!tpu.dma_semaphore, #tpu.memory_space<semaphore_mem>>
      %dma_start3A = tpu.memref_slice %arg3[%multiple_of3A_47] : memref<589824xi32, #tpu.memory_space<hbm>> -> memref<6144xi32, #tpu.memory_space<hbm>>
      %dma_start3A_63 = tpu.memref_slice %arg3[%multiple_of3A_47] : memref<589824xi32, #tpu.memory_space<hbm>> -> memref<6144xi32, #tpu.memory_space<hbm>>
      tpu.enqueue_dma source(%dma_start3A_63 : memref<6144xi32, #tpu.memory_space<hbm>>) target(%arg7 : memref<6144xi32, #tpu.memory_space<vmem>>) target_semaphore(%run_scoped3A : memref<!tpu.dma_semaphore, #tpu.memory_space<semaphore_mem>>)
      %dma_wait3A = tpu.memref_slice %arg3[%multiple_of3A_47] : memref<589824xi32, #tpu.memory_space<hbm>> -> memref<6144xi32, #tpu.memory_space<hbm>>
      %dma_wait3A_64 = tpu.memref_slice %arg3[%multiple_of3A_47] : memref<589824xi32, #tpu.memory_space<hbm>> -> memref<6144xi32, #tpu.memory_space<hbm>>
      tpu.wait_dma2 semaphore(%run_scoped3A : memref<!tpu.dma_semaphore, #tpu.memory_space<semaphore_mem>>) src(%dma_wait3A_64 : memref<6144xi32, #tpu.memory_space<hbm>>) dst(%arg7 : memref<6144xi32, #tpu.memory_space<vmem>>)
      tpu.yield
    }) : () -> ()
    %barrier3A_48 = arith.constant 0 : index
    tpu.barrier barrier_id(%barrier3A_48)
    %scan3A_49 = arith.constant 0 : i32
    %scan3A_50 = arith.constant 24 : i32
    %scan3A_51 = arith.addi %scan3A_49, %scan3A_50 : i32
    %scan3A_52 = arith.constant 1 : i32
    scf.for %scan3A_63 = %scan3A_49 to %scan3A_51 step %scan3A_52  : i32 {
      %mul3A_64 = arith.constant 1 : i32
      %mul3A_65 = arith.muli %scan3A_63, %mul3A_64 : i32
      %add3A_66 = arith.constant 0 : i32
      %add3A_67 = arith.addi %add3A_66, %mul3A_65 : i32
      %mul3A_68 = arith.constant 256 : i32
      %mul3A_69 = arith.muli %add3A_67, %mul3A_68 : i32
      %multiple_of3A_70 = tpu.assume_multiple %mul3A_69, 256 : i32
      %add3A_71 = arith.constant 128 : i32
      %add3A_72 = arith.addi %multiple_of3A_70, %add3A_71 : i32
      %add3A_73 = arith.addi %multiple_of3A_47, %multiple_of3A_70 : i32
      "tpu.region"() ({
        %run_scoped3A = tpu.sem_alloc : memref<!tpu.dma_semaphore, #tpu.memory_space<semaphore_mem>>
        %dma_start3A_101 = tpu.memref_slice %arg4[%add3A_73] : memref<589824xi32, #tpu.memory_space<hbm>> -> memref<128xi32, #tpu.memory_space<hbm>>
        %dma_start3A_102 = tpu.memref_slice %arg4[%add3A_73] : memref<589824xi32, #tpu.memory_space<hbm>> -> memref<128xi32, #tpu.memory_space<hbm>>
        tpu.enqueue_dma source(%dma_start3A_102 : memref<128xi32, #tpu.memory_space<hbm>>) target(%arg8 : memref<128xi32, #tpu.memory_space<vmem>>) target_semaphore(%run_scoped3A : memref<!tpu.dma_semaphore, #tpu.memory_space<semaphore_mem>>)
        %dma_wait3A_103 = tpu.memref_slice %arg4[%add3A_73] : memref<589824xi32, #tpu.memory_space<hbm>> -> memref<128xi32, #tpu.memory_space<hbm>>
        %dma_wait3A_104 = tpu.memref_slice %arg4[%add3A_73] : memref<589824xi32, #tpu.memory_space<hbm>> -> memref<128xi32, #tpu.memory_space<hbm>>
        tpu.wait_dma2 semaphore(%run_scoped3A : memref<!tpu.dma_semaphore, #tpu.memory_space<semaphore_mem>>) src(%dma_wait3A_104 : memref<128xi32, #tpu.memory_space<hbm>>) dst(%arg8 : memref<128xi32, #tpu.memory_space<vmem>>)
        tpu.yield
      }) : () -> ()
      %dma_start3A = tpu.memref_slice %arg7[%multiple_of3A_70] : memref<6144xi32, #tpu.memory_space<vmem>> -> memref<128xi32, #tpu.memory_space<vmem>>
      %dma_start3A_74 = arith.constant 0 : i32
      %dma_start3A_75 = arith.constant 0 : i32
      %dma_start3A_76 = tpu.memref_slice %arg2[%dma_start3A_74, %dma_start3A_75] : memref<30720x128xf32, #tpu.memory_space<hbm>> -> memref<30720x128xf32, #tpu.memory_space<hbm>>
      tpu.enqueue_indirect_dma source(%dma_start3A_76 : memref<30720x128xf32, #tpu.memory_space<hbm>>) target(%arg10 : memref<128x128xf32, #tpu.memory_space<vmem>>) offsets(%dma_start3A : memref<128xi32, #tpu.memory_space<vmem>>) semaphore(%arg13 : memref<!tpu.dma_semaphore, #tpu.memory_space<semaphore_mem>>)
      %add3A_77 = arith.addi %multiple_of3A_47, %add3A_72 : i32
      "tpu.region"() ({
        %run_scoped3A = tpu.sem_alloc : memref<!tpu.dma_semaphore, #tpu.memory_space<semaphore_mem>>
        %dma_start3A_101 = tpu.memref_slice %arg4[%add3A_77] : memref<589824xi32, #tpu.memory_space<hbm>> -> memref<128xi32, #tpu.memory_space<hbm>>
        %dma_start3A_102 = tpu.memref_slice %arg4[%add3A_77] : memref<589824xi32, #tpu.memory_space<hbm>> -> memref<128xi32, #tpu.memory_space<hbm>>
        tpu.enqueue_dma source(%dma_start3A_102 : memref<128xi32, #tpu.memory_space<hbm>>) target(%arg9 : memref<128xi32, #tpu.memory_space<vmem>>) target_semaphore(%run_scoped3A : memref<!tpu.dma_semaphore, #tpu.memory_space<semaphore_mem>>)
        %dma_wait3A_103 = tpu.memref_slice %arg4[%add3A_77] : memref<589824xi32, #tpu.memory_space<hbm>> -> memref<128xi32, #tpu.memory_space<hbm>>
        %dma_wait3A_104 = tpu.memref_slice %arg4[%add3A_77] : memref<589824xi32, #tpu.memory_space<hbm>> -> memref<128xi32, #tpu.memory_space<hbm>>
        tpu.wait_dma2 semaphore(%run_scoped3A : memref<!tpu.dma_semaphore, #tpu.memory_space<semaphore_mem>>) src(%dma_wait3A_104 : memref<128xi32, #tpu.memory_space<hbm>>) dst(%arg9 : memref<128xi32, #tpu.memory_space<vmem>>)
        tpu.yield
      }) : () -> ()
      %dma_start3A_78 = tpu.memref_slice %arg7[%add3A_72] : memref<6144xi32, #tpu.memory_space<vmem>> -> memref<128xi32, #tpu.memory_space<vmem>>
      %dma_start3A_79 = arith.constant 0 : i32
      %dma_start3A_80 = arith.constant 0 : i32
      %dma_start3A_81 = tpu.memref_slice %arg2[%dma_start3A_79, %dma_start3A_80] : memref<30720x128xf32, #tpu.memory_space<hbm>> -> memref<30720x128xf32, #tpu.memory_space<hbm>>
      tpu.enqueue_indirect_dma source(%dma_start3A_81 : memref<30720x128xf32, #tpu.memory_space<hbm>>) target(%arg11 : memref<128x128xf32, #tpu.memory_space<vmem>>) offsets(%dma_start3A_78 : memref<128xi32, #tpu.memory_space<vmem>>) semaphore(%arg14 : memref<!tpu.dma_semaphore, #tpu.memory_space<semaphore_mem>>)
      %dma_wait3A = tpu.memref_slice %arg7[%multiple_of3A_70] : memref<6144xi32, #tpu.memory_space<vmem>> -> memref<128xi32, #tpu.memory_space<vmem>>
      %dma_wait3A_82 = arith.constant 0 : i32
      %dma_wait3A_83 = arith.constant 0 : i32
      %dma_wait3A_84 = tpu.memref_slice %arg2[%dma_wait3A_82, %dma_wait3A_83] : memref<30720x128xf32, #tpu.memory_space<hbm>> -> memref<30720x128xf32, #tpu.memory_space<hbm>>
      tpu.wait_indirect_dma semaphore(%arg13 : memref<!tpu.dma_semaphore, #tpu.memory_space<semaphore_mem>>) src(%dma_wait3A_84 : memref<30720x128xf32, #tpu.memory_space<hbm>>) dst(%arg10 : memref<128x128xf32, #tpu.memory_space<vmem>>)
      %dma_start3A_85 = arith.constant 0 : i32
      %dma_start3A_86 = arith.constant 0 : i32
      %dma_start3A_87 = tpu.memref_slice %arg12[%dma_start3A_85, %dma_start3A_86] : memref<10240x128xf32, #tpu.memory_space<vmem_shared>> -> memref<10240x128xf32, #tpu.memory_space<vmem_shared>>
      tpu.enqueue_indirect_dma source(%arg10 : memref<128x128xf32, #tpu.memory_space<vmem>>) target(%dma_start3A_87 : memref<10240x128xf32, #tpu.memory_space<vmem_shared>>) offsets(%arg8 : memref<128xi32, #tpu.memory_space<vmem>>) semaphore(%arg15 : memref<!tpu.dma_semaphore, #tpu.memory_space<semaphore_mem>>) {add = true}
      %dma_wait3A_88 = tpu.memref_slice %arg7[%add3A_72] : memref<6144xi32, #tpu.memory_space<vmem>> -> memref<128xi32, #tpu.memory_space<vmem>>
      %dma_wait3A_89 = arith.constant 0 : i32
      %dma_wait3A_90 = arith.constant 0 : i32
      %dma_wait3A_91 = tpu.memref_slice %arg2[%dma_wait3A_89, %dma_wait3A_90] : memref<30720x128xf32, #tpu.memory_space<hbm>> -> memref<30720x128xf32, #tpu.memory_space<hbm>>
      tpu.wait_indirect_dma semaphore(%arg14 : memref<!tpu.dma_semaphore, #tpu.memory_space<semaphore_mem>>) src(%dma_wait3A_91 : memref<30720x128xf32, #tpu.memory_space<hbm>>) dst(%arg11 : memref<128x128xf32, #tpu.memory_space<vmem>>)
      %dma_start3A_92 = arith.constant 0 : i32
      %dma_start3A_93 = arith.constant 0 : i32
      %dma_start3A_94 = tpu.memref_slice %arg12[%dma_start3A_92, %dma_start3A_93] : memref<10240x128xf32, #tpu.memory_space<vmem_shared>> -> memref<10240x128xf32, #tpu.memory_space<vmem_shared>>
      tpu.enqueue_indirect_dma source(%arg11 : memref<128x128xf32, #tpu.memory_space<vmem>>) target(%dma_start3A_94 : memref<10240x128xf32, #tpu.memory_space<vmem_shared>>) offsets(%arg9 : memref<128xi32, #tpu.memory_space<vmem>>) semaphore(%arg16 : memref<!tpu.dma_semaphore, #tpu.memory_space<semaphore_mem>>) {add = true}
      %dma_wait3A_95 = arith.constant 0 : i32
      %dma_wait3A_96 = arith.constant 0 : i32
      %dma_wait3A_97 = tpu.memref_slice %arg12[%dma_wait3A_95, %dma_wait3A_96] : memref<10240x128xf32, #tpu.memory_space<vmem_shared>> -> memref<10240x128xf32, #tpu.memory_space<vmem_shared>>
      tpu.wait_indirect_dma semaphore(%arg15 : memref<!tpu.dma_semaphore, #tpu.memory_space<semaphore_mem>>) src(%arg10 : memref<128x128xf32, #tpu.memory_space<vmem>>) dst(%dma_wait3A_97 : memref<10240x128xf32, #tpu.memory_space<vmem_shared>>)
      %dma_wait3A_98 = arith.constant 0 : i32
      %dma_wait3A_99 = arith.constant 0 : i32
      %dma_wait3A_100 = tpu.memref_slice %arg12[%dma_wait3A_98, %dma_wait3A_99] : memref<10240x128xf32, #tpu.memory_space<vmem_shared>> -> memref<10240x128xf32, #tpu.memory_space<vmem_shared>>
      tpu.wait_indirect_dma semaphore(%arg16 : memref<!tpu.dma_semaphore, #tpu.memory_space<semaphore_mem>>) src(%arg11 : memref<128x128xf32, #tpu.memory_space<vmem>>) dst(%dma_wait3A_100 : memref<10240x128xf32, #tpu.memory_space<vmem_shared>>)
    }
    %scan3A_53 = arith.constant 24 : i32
    %barrier3A_54 = arith.constant 0 : index
    tpu.barrier barrier_id(%barrier3A_54)
    %mul3A_55 = arith.constant 3 : i32
    %mul3A_56 = arith.muli %arg0, %mul3A_55 : i32
    %add3A_57 = arith.constant 2 : i32
    %add3A_58 = arith.addi %mul3A_56, %add3A_57 : i32
    %mul3A_59 = arith.constant 10240 : i32
    %mul3A_60 = arith.muli %add3A_58, %mul3A_59 : i32
    %add3A_61 = arith.addi %mul3A_60, %multiple_of3A : i32
    %multiple_of3A_62 = tpu.assume_multiple %add3A_61, 640 : i32
    "tpu.region"() ({
      %run_scoped3A = tpu.sem_alloc : memref<!tpu.dma_semaphore, #tpu.memory_space<semaphore_mem>>
      %dma_start3A = arith.constant 0 : i32
      %dma_start3A_63 = tpu.memref_slice %arg6[%multiple_of3A_62, %dma_start3A] : memref<61440x128xf32, #tpu.memory_space<hbm>> -> memref<640x128xf32, #tpu.memory_space<hbm>>
      %dma_start3A_64 = arith.constant 0 : i32
      %dma_start3A_65 = tpu.memref_slice %arg12[%multiple_of3A, %dma_start3A_64] : memref<10240x128xf32, #tpu.memory_space<vmem_shared>> -> memref<640x128xf32, #tpu.memory_space<vmem_shared>>
      tpu.enqueue_dma source(%dma_start3A_65 : memref<640x128xf32, #tpu.memory_space<vmem_shared>>) target(%dma_start3A_63 : memref<640x128xf32, #tpu.memory_space<hbm>>) target_semaphore(%run_scoped3A : memref<!tpu.dma_semaphore, #tpu.memory_space<semaphore_mem>>)
      %dma_wait3A = arith.constant 0 : i32
      %dma_wait3A_66 = tpu.memref_slice %arg6[%multiple_of3A_62, %dma_wait3A] : memref<61440x128xf32, #tpu.memory_space<hbm>> -> memref<640x128xf32, #tpu.memory_space<hbm>>
      %dma_wait3A_67 = arith.constant 0 : i32
      %dma_wait3A_68 = tpu.memref_slice %arg12[%multiple_of3A, %dma_wait3A_67] : memref<10240x128xf32, #tpu.memory_space<vmem_shared>> -> memref<640x128xf32, #tpu.memory_space<vmem_shared>>
      tpu.wait_dma2 semaphore(%run_scoped3A : memref<!tpu.dma_semaphore, #tpu.memory_space<semaphore_mem>>) src(%dma_wait3A_68 : memref<640x128xf32, #tpu.memory_space<vmem_shared>>) dst(%dma_wait3A_66 : memref<640x128xf32, #tpu.memory_space<hbm>>)
      tpu.yield
    }) : () -> ()
    return
  }
}

#map = affine_map<(d0, d1) -> (0, 0)>
#map1 = affine_map<(d0, d1) -> (0)>
module attributes {stable_mosaic.version = 14 : i64} {
  func.func @spmm(%arg0: i32, %arg1: i32, %arg2: memref<30720x128xf32, #tpu.memory_space<hbm>>, %arg3: memref<589824xi32, #tpu.memory_space<hbm>>, %arg4: memref<589824xi32, #tpu.memory_space<hbm>>, %arg5: memref<640x128xf32, #tpu.memory_space<hbm>>, %arg6: memref<61440x128xf32, #tpu.memory_space<hbm>>, %arg7: memref<6144xi32, #tpu.memory_space<vmem>>, %arg8: memref<128xi32, #tpu.memory_space<vmem>>, %arg9: memref<128xi32, #tpu.memory_space<vmem>>, %arg10: memref<128x128xf32, #tpu.memory_space<vmem>>, %arg11: memref<128x128xf32, #tpu.memory_space<vmem>>, %arg12: memref<10240x128xf32, #tpu.memory_space<vmem_shared>>, %arg13: memref<!tpu.dma_semaphore, #tpu.memory_space<semaphore_mem>>, %arg14: memref<!tpu.dma_semaphore, #tpu.memory_space<semaphore_mem>>, %arg15: memref<!tpu.dma_semaphore, #tpu.memory_space<semaphore_mem>>, %arg16: memref<!tpu.dma_semaphore, #tpu.memory_space<semaphore_mem>>) attributes {dimension_semantics = [#tpu.dimension_semantics<core_parallel>, #tpu.dimension_semantics<subcore_parallel>], iteration_bounds = array<i64: 2, 16>, scalar_prefetch = 0 : i64, scratch_operands = 10 : i64, tpu.core_type = #tpu.core_type<sc_vector_subcore>, window_params = [{transform_indices = #map}, {transform_indices = #map1}, {transform_indices = #map1}, {transform_indices = #map}, {transform_indices = #map}]} {
    %mul3A = arith.constant 2 : i32
    %mul3A_0 = arith.muli %arg1, %mul3A : i32
    %add3A = arith.addi %mul3A_0, %arg0 : i32
    %mul3A_1 = arith.constant 640 : i32
    %mul3A_2 = arith.muli %arg1, %mul3A_1 : i32
    %multiple_of3A = tpu.assume_multiple %mul3A_2, 640 : i32
    "tpu.region"() ({
      %run_scoped3A = tpu.sem_alloc : memref<!tpu.dma_semaphore, #tpu.memory_space<semaphore_mem>>
      %dma_start3A = arith.constant 0 : i32
      %dma_start3A_63 = tpu.memref_slice %arg12[%multiple_of3A, %dma_start3A] : memref<10240x128xf32, #tpu.memory_space<vmem_shared>> -> memref<640x128xf32, #tpu.memory_space<vmem_shared>>
      tpu.enqueue_dma source(%arg5 : memref<640x128xf32, #tpu.memory_space<hbm>>) target(%dma_start3A_63 : memref<640x128xf32, #tpu.memory_space<vmem_shared>>) target_semaphore(%run_scoped3A : memref<!tpu.dma_semaphore, #tpu.memory_space<semaphore_mem>>)
      %dma_wait3A = arith.constant 0 : i32
      %dma_wait3A_64 = tpu.memref_slice %arg12[%multiple_of3A, %dma_wait3A] : memref<10240x128xf32, #tpu.memory_space<vmem_shared>> -> memref<640x128xf32, #tpu.memory_space<vmem_shared>>
      tpu.wait_dma2 semaphore(%run_scoped3A : memref<!tpu.dma_semaphore, #tpu.memory_space<semaphore_mem>>) src(%arg5 : memref<640x128xf32, #tpu.memory_space<hbm>>) dst(%dma_wait3A_64 : memref<640x128xf32, #tpu.memory_space<vmem_shared>>)
      tpu.yield
    }) : () -> ()
    %add3A_3 = arith.constant 0 : i32
    %add3A_4 = arith.addi %add3A_3, %add3A : i32
    %mul3A_5 = arith.constant 6144 : i32
    %mul3A_6 = arith.muli %add3A_4, %mul3A_5 : i32
    %multiple_of3A_7 = tpu.assume_multiple %mul3A_6, 6144 : i32
    "tpu.region"() ({
      %run_scoped3A = tpu.sem_alloc : memref<!tpu.dma_semaphore, #tpu.memory_space<semaphore_mem>>
      %dma_start3A = tpu.memref_slice %arg3[%multiple_of3A_7] : memref<589824xi32, #tpu.memory_space<hbm>> -> memref<6144xi32, #tpu.memory_space<hbm>>
      %dma_start3A_63 = tpu.memref_slice %arg3[%multiple_of3A_7] : memref<589824xi32, #tpu.memory_space<hbm>> -> memref<6144xi32, #tpu.memory_space<hbm>>
      tpu.enqueue_dma source(%dma_start3A_63 : memref<6144xi32, #tpu.memory_space<hbm>>) target(%arg7 : memref<6144xi32, #tpu.memory_space<vmem>>) target_semaphore(%run_scoped3A : memref<!tpu.dma_semaphore, #tpu.memory_space<semaphore_mem>>)
      %dma_wait3A = tpu.memref_slice %arg3[%multiple_of3A_7] : memref<589824xi32, #tpu.memory_space<hbm>> -> memref<6144xi32, #tpu.memory_space<hbm>>
      %dma_wait3A_64 = tpu.memref_slice %arg3[%multiple_of3A_7] : memref<589824xi32, #tpu.memory_space<hbm>> -> memref<6144xi32, #tpu.memory_space<hbm>>
      tpu.wait_dma2 semaphore(%run_scoped3A : memref<!tpu.dma_semaphore, #tpu.memory_space<semaphore_mem>>) src(%dma_wait3A_64 : memref<6144xi32, #tpu.memory_space<hbm>>) dst(%arg7 : memref<6144xi32, #tpu.memory_space<vmem>>)
      tpu.yield
    }) : () -> ()
    %barrier3A = arith.constant 0 : index
    tpu.barrier barrier_id(%barrier3A)
    %scan3A = arith.constant 0 : i32
    %scan3A_8 = arith.constant 24 : i32
    %scan3A_9 = arith.addi %scan3A, %scan3A_8 : i32
    %scan3A_10 = arith.constant 1 : i32
    scf.for %scan3A_63 = %scan3A to %scan3A_9 step %scan3A_10  : i32 {
      %mul3A_64 = arith.constant 1 : i32
      %mul3A_65 = arith.muli %scan3A_63, %mul3A_64 : i32
      %add3A_66 = arith.constant 0 : i32
      %add3A_67 = arith.addi %add3A_66, %mul3A_65 : i32
      %mul3A_68 = arith.constant 256 : i32
      %mul3A_69 = arith.muli %add3A_67, %mul3A_68 : i32
      %multiple_of3A_70 = tpu.assume_multiple %mul3A_69, 256 : i32
      %add3A_71 = arith.constant 128 : i32
      %add3A_72 = arith.addi %multiple_of3A_70, %add3A_71 : i32
      %add3A_73 = arith.addi %multiple_of3A_7, %multiple_of3A_70 : i32
      "tpu.region"() ({
        %run_scoped3A = tpu.sem_alloc : memref<!tpu.dma_semaphore, #tpu.memory_space<semaphore_mem>>
        %dma_start3A_101 = tpu.memref_slice %arg4[%add3A_73] : memref<589824xi32, #tpu.memory_space<hbm>> -> memref<128xi32, #tpu.memory_space<hbm>>
        %dma_start3A_102 = tpu.memref_slice %arg4[%add3A_73] : memref<589824xi32, #tpu.memory_space<hbm>> -> memref<128xi32, #tpu.memory_space<hbm>>
        tpu.enqueue_dma source(%dma_start3A_102 : memref<128xi32, #tpu.memory_space<hbm>>) target(%arg8 : memref<128xi32, #tpu.memory_space<vmem>>) target_semaphore(%run_scoped3A : memref<!tpu.dma_semaphore, #tpu.memory_space<semaphore_mem>>)
        %dma_wait3A_103 = tpu.memref_slice %arg4[%add3A_73] : memref<589824xi32, #tpu.memory_space<hbm>> -> memref<128xi32, #tpu.memory_space<hbm>>
        %dma_wait3A_104 = tpu.memref_slice %arg4[%add3A_73] : memref<589824xi32, #tpu.memory_space<hbm>> -> memref<128xi32, #tpu.memory_space<hbm>>
        tpu.wait_dma2 semaphore(%run_scoped3A : memref<!tpu.dma_semaphore, #tpu.memory_space<semaphore_mem>>) src(%dma_wait3A_104 : memref<128xi32, #tpu.memory_space<hbm>>) dst(%arg8 : memref<128xi32, #tpu.memory_space<vmem>>)
        tpu.yield
      }) : () -> ()
      %dma_start3A = tpu.memref_slice %arg7[%multiple_of3A_70] : memref<6144xi32, #tpu.memory_space<vmem>> -> memref<128xi32, #tpu.memory_space<vmem>>
      %dma_start3A_74 = arith.constant 0 : i32
      %dma_start3A_75 = arith.constant 0 : i32
      %dma_start3A_76 = tpu.memref_slice %arg2[%dma_start3A_74, %dma_start3A_75] : memref<30720x128xf32, #tpu.memory_space<hbm>> -> memref<30720x128xf32, #tpu.memory_space<hbm>>
      tpu.enqueue_indirect_dma source(%dma_start3A_76 : memref<30720x128xf32, #tpu.memory_space<hbm>>) target(%arg10 : memref<128x128xf32, #tpu.memory_space<vmem>>) offsets(%dma_start3A : memref<128xi32, #tpu.memory_space<vmem>>) semaphore(%arg13 : memref<!tpu.dma_semaphore, #tpu.memory_space<semaphore_mem>>)
      %add3A_77 = arith.addi %multiple_of3A_7, %add3A_72 : i32
      "tpu.region"() ({
        %run_scoped3A = tpu.sem_alloc : memref<!tpu.dma_semaphore, #tpu.memory_space<semaphore_mem>>
        %dma_start3A_101 = tpu.memref_slice %arg4[%add3A_77] : memref<589824xi32, #tpu.memory_space<hbm>> -> memref<128xi32, #tpu.memory_space<hbm>>
        %dma_start3A_102 = tpu.memref_slice %arg4[%add3A_77] : memref<589824xi32, #tpu.memory_space<hbm>> -> memref<128xi32, #tpu.memory_space<hbm>>
        tpu.enqueue_dma source(%dma_start3A_102 : memref<128xi32, #tpu.memory_space<hbm>>) target(%arg9 : memref<128xi32, #tpu.memory_space<vmem>>) target_semaphore(%run_scoped3A : memref<!tpu.dma_semaphore, #tpu.memory_space<semaphore_mem>>)
        %dma_wait3A_103 = tpu.memref_slice %arg4[%add3A_77] : memref<589824xi32, #tpu.memory_space<hbm>> -> memref<128xi32, #tpu.memory_space<hbm>>
        %dma_wait3A_104 = tpu.memref_slice %arg4[%add3A_77] : memref<589824xi32, #tpu.memory_space<hbm>> -> memref<128xi32, #tpu.memory_space<hbm>>
        tpu.wait_dma2 semaphore(%run_scoped3A : memref<!tpu.dma_semaphore, #tpu.memory_space<semaphore_mem>>) src(%dma_wait3A_104 : memref<128xi32, #tpu.memory_space<hbm>>) dst(%arg9 : memref<128xi32, #tpu.memory_space<vmem>>)
        tpu.yield
      }) : () -> ()
      %dma_start3A_78 = tpu.memref_slice %arg7[%add3A_72] : memref<6144xi32, #tpu.memory_space<vmem>> -> memref<128xi32, #tpu.memory_space<vmem>>
      %dma_start3A_79 = arith.constant 0 : i32
      %dma_start3A_80 = arith.constant 0 : i32
      %dma_start3A_81 = tpu.memref_slice %arg2[%dma_start3A_79, %dma_start3A_80] : memref<30720x128xf32, #tpu.memory_space<hbm>> -> memref<30720x128xf32, #tpu.memory_space<hbm>>
      tpu.enqueue_indirect_dma source(%dma_start3A_81 : memref<30720x128xf32, #tpu.memory_space<hbm>>) target(%arg11 : memref<128x128xf32, #tpu.memory_space<vmem>>) offsets(%dma_start3A_78 : memref<128xi32, #tpu.memory_space<vmem>>) semaphore(%arg14 : memref<!tpu.dma_semaphore, #tpu.memory_space<semaphore_mem>>)
      %dma_wait3A = tpu.memref_slice %arg7[%multiple_of3A_70] : memref<6144xi32, #tpu.memory_space<vmem>> -> memref<128xi32, #tpu.memory_space<vmem>>
      %dma_wait3A_82 = arith.constant 0 : i32
      %dma_wait3A_83 = arith.constant 0 : i32
      %dma_wait3A_84 = tpu.memref_slice %arg2[%dma_wait3A_82, %dma_wait3A_83] : memref<30720x128xf32, #tpu.memory_space<hbm>> -> memref<30720x128xf32, #tpu.memory_space<hbm>>
      tpu.wait_indirect_dma semaphore(%arg13 : memref<!tpu.dma_semaphore, #tpu.memory_space<semaphore_mem>>) src(%dma_wait3A_84 : memref<30720x128xf32, #tpu.memory_space<hbm>>) dst(%arg10 : memref<128x128xf32, #tpu.memory_space<vmem>>)
      %dma_start3A_85 = arith.constant 0 : i32
      %dma_start3A_86 = arith.constant 0 : i32
      %dma_start3A_87 = tpu.memref_slice %arg12[%dma_start3A_85, %dma_start3A_86] : memref<10240x128xf32, #tpu.memory_space<vmem_shared>> -> memref<10240x128xf32, #tpu.memory_space<vmem_shared>>
      tpu.enqueue_indirect_dma source(%arg10 : memref<128x128xf32, #tpu.memory_space<vmem>>) target(%dma_start3A_87 : memref<10240x128xf32, #tpu.memory_space<vmem_shared>>) offsets(%arg8 : memref<128xi32, #tpu.memory_space<vmem>>) semaphore(%arg15 : memref<!tpu.dma_semaphore, #tpu.memory_space<semaphore_mem>>) {add = true}
      %dma_wait3A_88 = tpu.memref_slice %arg7[%add3A_72] : memref<6144xi32, #tpu.memory_space<vmem>> -> memref<128xi32, #tpu.memory_space<vmem>>
      %dma_wait3A_89 = arith.constant 0 : i32
      %dma_wait3A_90 = arith.constant 0 : i32
      %dma_wait3A_91 = tpu.memref_slice %arg2[%dma_wait3A_89, %dma_wait3A_90] : memref<30720x128xf32, #tpu.memory_space<hbm>> -> memref<30720x128xf32, #tpu.memory_space<hbm>>
      tpu.wait_indirect_dma semaphore(%arg14 : memref<!tpu.dma_semaphore, #tpu.memory_space<semaphore_mem>>) src(%dma_wait3A_91 : memref<30720x128xf32, #tpu.memory_space<hbm>>) dst(%arg11 : memref<128x128xf32, #tpu.memory_space<vmem>>)
      %dma_start3A_92 = arith.constant 0 : i32
      %dma_start3A_93 = arith.constant 0 : i32
      %dma_start3A_94 = tpu.memref_slice %arg12[%dma_start3A_92, %dma_start3A_93] : memref<10240x128xf32, #tpu.memory_space<vmem_shared>> -> memref<10240x128xf32, #tpu.memory_space<vmem_shared>>
      tpu.enqueue_indirect_dma source(%arg11 : memref<128x128xf32, #tpu.memory_space<vmem>>) target(%dma_start3A_94 : memref<10240x128xf32, #tpu.memory_space<vmem_shared>>) offsets(%arg9 : memref<128xi32, #tpu.memory_space<vmem>>) semaphore(%arg16 : memref<!tpu.dma_semaphore, #tpu.memory_space<semaphore_mem>>) {add = true}
      %dma_wait3A_95 = arith.constant 0 : i32
      %dma_wait3A_96 = arith.constant 0 : i32
      %dma_wait3A_97 = tpu.memref_slice %arg12[%dma_wait3A_95, %dma_wait3A_96] : memref<10240x128xf32, #tpu.memory_space<vmem_shared>> -> memref<10240x128xf32, #tpu.memory_space<vmem_shared>>
      tpu.wait_indirect_dma semaphore(%arg15 : memref<!tpu.dma_semaphore, #tpu.memory_space<semaphore_mem>>) src(%arg10 : memref<128x128xf32, #tpu.memory_space<vmem>>) dst(%dma_wait3A_97 : memref<10240x128xf32, #tpu.memory_space<vmem_shared>>)
      %dma_wait3A_98 = arith.constant 0 : i32
      %dma_wait3A_99 = arith.constant 0 : i32
      %dma_wait3A_100 = tpu.memref_slice %arg12[%dma_wait3A_98, %dma_wait3A_99] : memref<10240x128xf32, #tpu.memory_space<vmem_shared>> -> memref<10240x128xf32, #tpu.memory_space<vmem_shared>>
      tpu.wait_indirect_dma semaphore(%arg16 : memref<!tpu.dma_semaphore, #tpu.memory_space<semaphore_mem>>) src(%arg11 : memref<128x128xf32, #tpu.memory_space<vmem>>) dst(%dma_wait3A_100 : memref<10240x128xf32, #tpu.memory_space<vmem_shared>>)
    }
    %scan3A_11 = arith.constant 24 : i32
    %barrier3A_12 = arith.constant 0 : index
    tpu.barrier barrier_id(%barrier3A_12)
    %mul3A_13 = arith.constant 3 : i32
    %mul3A_14 = arith.muli %arg0, %mul3A_13 : i32
    %add3A_15 = arith.constant 0 : i32
    %add3A_16 = arith.addi %mul3A_14, %add3A_15 : i32
    %mul3A_17 = arith.constant 10240 : i32
    %mul3A_18 = arith.muli %add3A_16, %mul3A_17 : i32
    %add3A_19 = arith.addi %mul3A_18, %multiple_of3A : i32
    %multiple_of3A_20 = tpu.assume_multiple %add3A_19, 640 : i32
    "tpu.region"() ({
      %run_scoped3A = tpu.sem_alloc : memref<!tpu.dma_semaphore, #tpu.memory_space<semaphore_mem>>
      %dma_start3A = arith.constant 0 : i32
      %dma_start3A_63 = tpu.memref_slice %arg6[%multiple_of3A_20, %dma_start3A] : memref<61440x128xf32, #tpu.memory_space<hbm>> -> memref<640x128xf32, #tpu.memory_space<hbm>>
      %dma_start3A_64 = arith.constant 0 : i32
      %dma_start3A_65 = tpu.memref_slice %arg12[%multiple_of3A, %dma_start3A_64] : memref<10240x128xf32, #tpu.memory_space<vmem_shared>> -> memref<640x128xf32, #tpu.memory_space<vmem_shared>>
      tpu.enqueue_dma source(%dma_start3A_65 : memref<640x128xf32, #tpu.memory_space<vmem_shared>>) target(%dma_start3A_63 : memref<640x128xf32, #tpu.memory_space<hbm>>) target_semaphore(%run_scoped3A : memref<!tpu.dma_semaphore, #tpu.memory_space<semaphore_mem>>)
      %dma_wait3A = arith.constant 0 : i32
      %dma_wait3A_66 = tpu.memref_slice %arg6[%multiple_of3A_20, %dma_wait3A] : memref<61440x128xf32, #tpu.memory_space<hbm>> -> memref<640x128xf32, #tpu.memory_space<hbm>>
      %dma_wait3A_67 = arith.constant 0 : i32
      %dma_wait3A_68 = tpu.memref_slice %arg12[%multiple_of3A, %dma_wait3A_67] : memref<10240x128xf32, #tpu.memory_space<vmem_shared>> -> memref<640x128xf32, #tpu.memory_space<vmem_shared>>
      tpu.wait_dma2 semaphore(%run_scoped3A : memref<!tpu.dma_semaphore, #tpu.memory_space<semaphore_mem>>) src(%dma_wait3A_68 : memref<640x128xf32, #tpu.memory_space<vmem_shared>>) dst(%dma_wait3A_66 : memref<640x128xf32, #tpu.memory_space<hbm>>)
      tpu.yield
    }) : () -> ()
    %barrier3A_21 = arith.constant 0 : index
    tpu.barrier barrier_id(%barrier3A_21)
    "tpu.region"() ({
      %run_scoped3A = tpu.sem_alloc : memref<!tpu.dma_semaphore, #tpu.memory_space<semaphore_mem>>
      %dma_start3A = arith.constant 0 : i32
      %dma_start3A_63 = tpu.memref_slice %arg12[%multiple_of3A, %dma_start3A] : memref<10240x128xf32, #tpu.memory_space<vmem_shared>> -> memref<640x128xf32, #tpu.memory_space<vmem_shared>>
      tpu.enqueue_dma source(%arg5 : memref<640x128xf32, #tpu.memory_space<hbm>>) target(%dma_start3A_63 : memref<640x128xf32, #tpu.memory_space<vmem_shared>>) target_semaphore(%run_scoped3A : memref<!tpu.dma_semaphore, #tpu.memory_space<semaphore_mem>>)
      %dma_wait3A = arith.constant 0 : i32
      %dma_wait3A_64 = tpu.memref_slice %arg12[%multiple_of3A, %dma_wait3A] : memref<10240x128xf32, #tpu.memory_space<vmem_shared>> -> memref<640x128xf32, #tpu.memory_space<vmem_shared>>
      tpu.wait_dma2 semaphore(%run_scoped3A : memref<!tpu.dma_semaphore, #tpu.memory_space<semaphore_mem>>) src(%arg5 : memref<640x128xf32, #tpu.memory_space<hbm>>) dst(%dma_wait3A_64 : memref<640x128xf32, #tpu.memory_space<vmem_shared>>)
      tpu.yield
    }) : () -> ()
    %add3A_22 = arith.constant 32 : i32
    %add3A_23 = arith.addi %add3A_22, %add3A : i32
    %mul3A_24 = arith.constant 6144 : i32
    %mul3A_25 = arith.muli %add3A_23, %mul3A_24 : i32
    %multiple_of3A_26 = tpu.assume_multiple %mul3A_25, 6144 : i32
    "tpu.region"() ({
      %run_scoped3A = tpu.sem_alloc : memref<!tpu.dma_semaphore, #tpu.memory_space<semaphore_mem>>
      %dma_start3A = tpu.memref_slice %arg3[%multiple_of3A_26] : memref<589824xi32, #tpu.memory_space<hbm>> -> memref<6144xi32, #tpu.memory_space<hbm>>
      %dma_start3A_63 = tpu.memref_slice %arg3[%multiple_of3A_26] : memref<589824xi32, #tpu.memory_space<hbm>> -> memref<6144xi32, #tpu.memory_space<hbm>>
      tpu.enqueue_dma source(%dma_start3A_63 : memref<6144xi32, #tpu.memory_space<hbm>>) target(%arg7 : memref<6144xi32, #tpu.memory_space<vmem>>) target_semaphore(%run_scoped3A : memref<!tpu.dma_semaphore, #tpu.memory_space<semaphore_mem>>)
      %dma_wait3A = tpu.memref_slice %arg3[%multiple_of3A_26] : memref<589824xi32, #tpu.memory_space<hbm>> -> memref<6144xi32, #tpu.memory_space<hbm>>
      %dma_wait3A_64 = tpu.memref_slice %arg3[%multiple_of3A_26] : memref<589824xi32, #tpu.memory_space<hbm>> -> memref<6144xi32, #tpu.memory_space<hbm>>
      tpu.wait_dma2 semaphore(%run_scoped3A : memref<!tpu.dma_semaphore, #tpu.memory_space<semaphore_mem>>) src(%dma_wait3A_64 : memref<6144xi32, #tpu.memory_space<hbm>>) dst(%arg7 : memref<6144xi32, #tpu.memory_space<vmem>>)
      tpu.yield
    }) : () -> ()
    %barrier3A_27 = arith.constant 0 : index
    tpu.barrier barrier_id(%barrier3A_27)
    %scan3A_28 = arith.constant 0 : i32
    %scan3A_29 = arith.constant 24 : i32
    %scan3A_30 = arith.addi %scan3A_28, %scan3A_29 : i32
    %scan3A_31 = arith.constant 1 : i32
    scf.for %scan3A_63 = %scan3A_28 to %scan3A_30 step %scan3A_31  : i32 {
      %mul3A_64 = arith.constant 1 : i32
      %mul3A_65 = arith.muli %scan3A_63, %mul3A_64 : i32
      %add3A_66 = arith.constant 0 : i32
      %add3A_67 = arith.addi %add3A_66, %mul3A_65 : i32
      %mul3A_68 = arith.constant 256 : i32
      %mul3A_69 = arith.muli %add3A_67, %mul3A_68 : i32
      %multiple_of3A_70 = tpu.assume_multiple %mul3A_69, 256 : i32
      %add3A_71 = arith.constant 128 : i32
      %add3A_72 = arith.addi %multiple_of3A_70, %add3A_71 : i32
      %add3A_73 = arith.addi %multiple_of3A_26, %multiple_of3A_70 : i32
      "tpu.region"() ({
        %run_scoped3A = tpu.sem_alloc : memref<!tpu.dma_semaphore, #tpu.memory_space<semaphore_mem>>
        %dma_start3A_101 = tpu.memref_slice %arg4[%add3A_73] : memref<589824xi32, #tpu.memory_space<hbm>> -> memref<128xi32, #tpu.memory_space<hbm>>
        %dma_start3A_102 = tpu.memref_slice %arg4[%add3A_73] : memref<589824xi32, #tpu.memory_space<hbm>> -> memref<128xi32, #tpu.memory_space<hbm>>
        tpu.enqueue_dma source(%dma_start3A_102 : memref<128xi32, #tpu.memory_space<hbm>>) target(%arg8 : memref<128xi32, #tpu.memory_space<vmem>>) target_semaphore(%run_scoped3A : memref<!tpu.dma_semaphore, #tpu.memory_space<semaphore_mem>>)
        %dma_wait3A_103 = tpu.memref_slice %arg4[%add3A_73] : memref<589824xi32, #tpu.memory_space<hbm>> -> memref<128xi32, #tpu.memory_space<hbm>>
        %dma_wait3A_104 = tpu.memref_slice %arg4[%add3A_73] : memref<589824xi32, #tpu.memory_space<hbm>> -> memref<128xi32, #tpu.memory_space<hbm>>
        tpu.wait_dma2 semaphore(%run_scoped3A : memref<!tpu.dma_semaphore, #tpu.memory_space<semaphore_mem>>) src(%dma_wait3A_104 : memref<128xi32, #tpu.memory_space<hbm>>) dst(%arg8 : memref<128xi32, #tpu.memory_space<vmem>>)
        tpu.yield
      }) : () -> ()
      %dma_start3A = tpu.memref_slice %arg7[%multiple_of3A_70] : memref<6144xi32, #tpu.memory_space<vmem>> -> memref<128xi32, #tpu.memory_space<vmem>>
      %dma_start3A_74 = arith.constant 0 : i32
      %dma_start3A_75 = arith.constant 0 : i32
      %dma_start3A_76 = tpu.memref_slice %arg2[%dma_start3A_74, %dma_start3A_75] : memref<30720x128xf32, #tpu.memory_space<hbm>> -> memref<30720x128xf32, #tpu.memory_space<hbm>>
      tpu.enqueue_indirect_dma source(%dma_start3A_76 : memref<30720x128xf32, #tpu.memory_space<hbm>>) target(%arg10 : memref<128x128xf32, #tpu.memory_space<vmem>>) offsets(%dma_start3A : memref<128xi32, #tpu.memory_space<vmem>>) semaphore(%arg13 : memref<!tpu.dma_semaphore, #tpu.memory_space<semaphore_mem>>)
      %add3A_77 = arith.addi %multiple_of3A_26, %add3A_72 : i32
      "tpu.region"() ({
        %run_scoped3A = tpu.sem_alloc : memref<!tpu.dma_semaphore, #tpu.memory_space<semaphore_mem>>
        %dma_start3A_101 = tpu.memref_slice %arg4[%add3A_77] : memref<589824xi32, #tpu.memory_space<hbm>> -> memref<128xi32, #tpu.memory_space<hbm>>
        %dma_start3A_102 = tpu.memref_slice %arg4[%add3A_77] : memref<589824xi32, #tpu.memory_space<hbm>> -> memref<128xi32, #tpu.memory_space<hbm>>
        tpu.enqueue_dma source(%dma_start3A_102 : memref<128xi32, #tpu.memory_space<hbm>>) target(%arg9 : memref<128xi32, #tpu.memory_space<vmem>>) target_semaphore(%run_scoped3A : memref<!tpu.dma_semaphore, #tpu.memory_space<semaphore_mem>>)
        %dma_wait3A_103 = tpu.memref_slice %arg4[%add3A_77] : memref<589824xi32, #tpu.memory_space<hbm>> -> memref<128xi32, #tpu.memory_space<hbm>>
        %dma_wait3A_104 = tpu.memref_slice %arg4[%add3A_77] : memref<589824xi32, #tpu.memory_space<hbm>> -> memref<128xi32, #tpu.memory_space<hbm>>
        tpu.wait_dma2 semaphore(%run_scoped3A : memref<!tpu.dma_semaphore, #tpu.memory_space<semaphore_mem>>) src(%dma_wait3A_104 : memref<128xi32, #tpu.memory_space<hbm>>) dst(%arg9 : memref<128xi32, #tpu.memory_space<vmem>>)
        tpu.yield
      }) : () -> ()
      %dma_start3A_78 = tpu.memref_slice %arg7[%add3A_72] : memref<6144xi32, #tpu.memory_space<vmem>> -> memref<128xi32, #tpu.memory_space<vmem>>
      %dma_start3A_79 = arith.constant 0 : i32
      %dma_start3A_80 = arith.constant 0 : i32
      %dma_start3A_81 = tpu.memref_slice %arg2[%dma_start3A_79, %dma_start3A_80] : memref<30720x128xf32, #tpu.memory_space<hbm>> -> memref<30720x128xf32, #tpu.memory_space<hbm>>
      tpu.enqueue_indirect_dma source(%dma_start3A_81 : memref<30720x128xf32, #tpu.memory_space<hbm>>) target(%arg11 : memref<128x128xf32, #tpu.memory_space<vmem>>) offsets(%dma_start3A_78 : memref<128xi32, #tpu.memory_space<vmem>>) semaphore(%arg14 : memref<!tpu.dma_semaphore, #tpu.memory_space<semaphore_mem>>)
      %dma_wait3A = tpu.memref_slice %arg7[%multiple_of3A_70] : memref<6144xi32, #tpu.memory_space<vmem>> -> memref<128xi32, #tpu.memory_space<vmem>>
      %dma_wait3A_82 = arith.constant 0 : i32
      %dma_wait3A_83 = arith.constant 0 : i32
      %dma_wait3A_84 = tpu.memref_slice %arg2[%dma_wait3A_82, %dma_wait3A_83] : memref<30720x128xf32, #tpu.memory_space<hbm>> -> memref<30720x128xf32, #tpu.memory_space<hbm>>
      tpu.wait_indirect_dma semaphore(%arg13 : memref<!tpu.dma_semaphore, #tpu.memory_space<semaphore_mem>>) src(%dma_wait3A_84 : memref<30720x128xf32, #tpu.memory_space<hbm>>) dst(%arg10 : memref<128x128xf32, #tpu.memory_space<vmem>>)
      %dma_start3A_85 = arith.constant 0 : i32
      %dma_start3A_86 = arith.constant 0 : i32
      %dma_start3A_87 = tpu.memref_slice %arg12[%dma_start3A_85, %dma_start3A_86] : memref<10240x128xf32, #tpu.memory_space<vmem_shared>> -> memref<10240x128xf32, #tpu.memory_space<vmem_shared>>
      tpu.enqueue_indirect_dma source(%arg10 : memref<128x128xf32, #tpu.memory_space<vmem>>) target(%dma_start3A_87 : memref<10240x128xf32, #tpu.memory_space<vmem_shared>>) offsets(%arg8 : memref<128xi32, #tpu.memory_space<vmem>>) semaphore(%arg15 : memref<!tpu.dma_semaphore, #tpu.memory_space<semaphore_mem>>) {add = true}
      %dma_wait3A_88 = tpu.memref_slice %arg7[%add3A_72] : memref<6144xi32, #tpu.memory_space<vmem>> -> memref<128xi32, #tpu.memory_space<vmem>>
      %dma_wait3A_89 = arith.constant 0 : i32
      %dma_wait3A_90 = arith.constant 0 : i32
      %dma_wait3A_91 = tpu.memref_slice %arg2[%dma_wait3A_89, %dma_wait3A_90] : memref<30720x128xf32, #tpu.memory_space<hbm>> -> memref<30720x128xf32, #tpu.memory_space<hbm>>
      tpu.wait_indirect_dma semaphore(%arg14 : memref<!tpu.dma_semaphore, #tpu.memory_space<semaphore_mem>>) src(%dma_wait3A_91 : memref<30720x128xf32, #tpu.memory_space<hbm>>) dst(%arg11 : memref<128x128xf32, #tpu.memory_space<vmem>>)
      %dma_start3A_92 = arith.constant 0 : i32
      %dma_start3A_93 = arith.constant 0 : i32
      %dma_start3A_94 = tpu.memref_slice %arg12[%dma_start3A_92, %dma_start3A_93] : memref<10240x128xf32, #tpu.memory_space<vmem_shared>> -> memref<10240x128xf32, #tpu.memory_space<vmem_shared>>
      tpu.enqueue_indirect_dma source(%arg11 : memref<128x128xf32, #tpu.memory_space<vmem>>) target(%dma_start3A_94 : memref<10240x128xf32, #tpu.memory_space<vmem_shared>>) offsets(%arg9 : memref<128xi32, #tpu.memory_space<vmem>>) semaphore(%arg16 : memref<!tpu.dma_semaphore, #tpu.memory_space<semaphore_mem>>) {add = true}
      %dma_wait3A_95 = arith.constant 0 : i32
      %dma_wait3A_96 = arith.constant 0 : i32
      %dma_wait3A_97 = tpu.memref_slice %arg12[%dma_wait3A_95, %dma_wait3A_96] : memref<10240x128xf32, #tpu.memory_space<vmem_shared>> -> memref<10240x128xf32, #tpu.memory_space<vmem_shared>>
      tpu.wait_indirect_dma semaphore(%arg15 : memref<!tpu.dma_semaphore, #tpu.memory_space<semaphore_mem>>) src(%arg10 : memref<128x128xf32, #tpu.memory_space<vmem>>) dst(%dma_wait3A_97 : memref<10240x128xf32, #tpu.memory_space<vmem_shared>>)
      %dma_wait3A_98 = arith.constant 0 : i32
      %dma_wait3A_99 = arith.constant 0 : i32
      %dma_wait3A_100 = tpu.memref_slice %arg12[%dma_wait3A_98, %dma_wait3A_99] : memref<10240x128xf32, #tpu.memory_space<vmem_shared>> -> memref<10240x128xf32, #tpu.memory_space<vmem_shared>>
      tpu.wait_indirect_dma semaphore(%arg16 : memref<!tpu.dma_semaphore, #tpu.memory_space<semaphore_mem>>) src(%arg11 : memref<128x128xf32, #tpu.memory_space<vmem>>) dst(%dma_wait3A_100 : memref<10240x128xf32, #tpu.memory_space<vmem_shared>>)
    }
    %scan3A_32 = arith.constant 24 : i32
    %barrier3A_33 = arith.constant 0 : index
    tpu.barrier barrier_id(%barrier3A_33)
    %mul3A_34 = arith.constant 3 : i32
    %mul3A_35 = arith.muli %arg0, %mul3A_34 : i32
    %add3A_36 = arith.constant 1 : i32
    %add3A_37 = arith.addi %mul3A_35, %add3A_36 : i32
    %mul3A_38 = arith.constant 10240 : i32
    %mul3A_39 = arith.muli %add3A_37, %mul3A_38 : i32
    %add3A_40 = arith.addi %mul3A_39, %multiple_of3A : i32
    %multiple_of3A_41 = tpu.assume_multiple %add3A_40, 640 : i32
    "tpu.region"() ({
      %run_scoped3A = tpu.sem_alloc : memref<!tpu.dma_semaphore, #tpu.memory_space<semaphore_mem>>
      %dma_start3A = arith.constant 0 : i32
      %dma_start3A_63 = tpu.memref_slice %arg6[%multiple_of3A_41, %dma_start3A] : memref<61440x128xf32, #tpu.memory_space<hbm>> -> memref<640x128xf32, #tpu.memory_space<hbm>>
      %dma_start3A_64 = arith.constant 0 : i32
      %dma_start3A_65 = tpu.memref_slice %arg12[%multiple_of3A, %dma_start3A_64] : memref<10240x128xf32, #tpu.memory_space<vmem_shared>> -> memref<640x128xf32, #tpu.memory_space<vmem_shared>>
      tpu.enqueue_dma source(%dma_start3A_65 : memref<640x128xf32, #tpu.memory_space<vmem_shared>>) target(%dma_start3A_63 : memref<640x128xf32, #tpu.memory_space<hbm>>) target_semaphore(%run_scoped3A : memref<!tpu.dma_semaphore, #tpu.memory_space<semaphore_mem>>)
      %dma_wait3A = arith.constant 0 : i32
      %dma_wait3A_66 = tpu.memref_slice %arg6[%multiple_of3A_41, %dma_wait3A] : memref<61440x128xf32, #tpu.memory_space<hbm>> -> memref<640x128xf32, #tpu.memory_space<hbm>>
      %dma_wait3A_67 = arith.constant 0 : i32
      %dma_wait3A_68 = tpu.memref_slice %arg12[%multiple_of3A, %dma_wait3A_67] : memref<10240x128xf32, #tpu.memory_space<vmem_shared>> -> memref<640x128xf32, #tpu.memory_space<vmem_shared>>
      tpu.wait_dma2 semaphore(%run_scoped3A : memref<!tpu.dma_semaphore, #tpu.memory_space<semaphore_mem>>) src(%dma_wait3A_68 : memref<640x128xf32, #tpu.memory_space<vmem_shared>>) dst(%dma_wait3A_66 : memref<640x128xf32, #tpu.memory_space<hbm>>)
      tpu.yield
    }) : () -> ()
    %barrier3A_42 = arith.constant 0 : index
    tpu.barrier barrier_id(%barrier3A_42)
    "tpu.region"() ({
      %run_scoped3A = tpu.sem_alloc : memref<!tpu.dma_semaphore, #tpu.memory_space<semaphore_mem>>
      %dma_start3A = arith.constant 0 : i32
      %dma_start3A_63 = tpu.memref_slice %arg12[%multiple_of3A, %dma_start3A] : memref<10240x128xf32, #tpu.memory_space<vmem_shared>> -> memref<640x128xf32, #tpu.memory_space<vmem_shared>>
      tpu.enqueue_dma source(%arg5 : memref<640x128xf32, #tpu.memory_space<hbm>>) target(%dma_start3A_63 : memref<640x128xf32, #tpu.memory_space<vmem_shared>>) target_semaphore(%run_scoped3A : memref<!tpu.dma_semaphore, #tpu.memory_space<semaphore_mem>>)
      %dma_wait3A = arith.constant 0 : i32
      %dma_wait3A_64 = tpu.memref_slice %arg12[%multiple_of3A, %dma_wait3A] : memref<10240x128xf32, #tpu.memory_space<vmem_shared>> -> memref<640x128xf32, #tpu.memory_space<vmem_shared>>
      tpu.wait_dma2 semaphore(%run_scoped3A : memref<!tpu.dma_semaphore, #tpu.memory_space<semaphore_mem>>) src(%arg5 : memref<640x128xf32, #tpu.memory_space<hbm>>) dst(%dma_wait3A_64 : memref<640x128xf32, #tpu.memory_space<vmem_shared>>)
      tpu.yield
    }) : () -> ()
    %add3A_43 = arith.constant 64 : i32
    %add3A_44 = arith.addi %add3A_43, %add3A : i32
    %mul3A_45 = arith.constant 6144 : i32
    %mul3A_46 = arith.muli %add3A_44, %mul3A_45 : i32
    %multiple_of3A_47 = tpu.assume_multiple %mul3A_46, 6144 : i32
    "tpu.region"() ({
      %run_scoped3A = tpu.sem_alloc : memref<!tpu.dma_semaphore, #tpu.memory_space<semaphore_mem>>
      %dma_start3A = tpu.memref_slice %arg3[%multiple_of3A_47] : memref<589824xi32, #tpu.memory_space<hbm>> -> memref<6144xi32, #tpu.memory_space<hbm>>
      %dma_start3A_63 = tpu.memref_slice %arg3[%multiple_of3A_47] : memref<589824xi32, #tpu.memory_space<hbm>> -> memref<6144xi32, #tpu.memory_space<hbm>>
      tpu.enqueue_dma source(%dma_start3A_63 : memref<6144xi32, #tpu.memory_space<hbm>>) target(%arg7 : memref<6144xi32, #tpu.memory_space<vmem>>) target_semaphore(%run_scoped3A : memref<!tpu.dma_semaphore, #tpu.memory_space<semaphore_mem>>)
      %dma_wait3A = tpu.memref_slice %arg3[%multiple_of3A_47] : memref<589824xi32, #tpu.memory_space<hbm>> -> memref<6144xi32, #tpu.memory_space<hbm>>
      %dma_wait3A_64 = tpu.memref_slice %arg3[%multiple_of3A_47] : memref<589824xi32, #tpu.memory_space<hbm>> -> memref<6144xi32, #tpu.memory_space<hbm>>
      tpu.wait_dma2 semaphore(%run_scoped3A : memref<!tpu.dma_semaphore, #tpu.memory_space<semaphore_mem>>) src(%dma_wait3A_64 : memref<6144xi32, #tpu.memory_space<hbm>>) dst(%arg7 : memref<6144xi32, #tpu.memory_space<vmem>>)
      tpu.yield
    }) : () -> ()
    %barrier3A_48 = arith.constant 0 : index
    tpu.barrier barrier_id(%barrier3A_48)
    %scan3A_49 = arith.constant 0 : i32
    %scan3A_50 = arith.constant 24 : i32
    %scan3A_51 = arith.addi %scan3A_49, %scan3A_50 : i32
    %scan3A_52 = arith.constant 1 : i32
    scf.for %scan3A_63 = %scan3A_49 to %scan3A_51 step %scan3A_52  : i32 {
      %mul3A_64 = arith.constant 1 : i32
      %mul3A_65 = arith.muli %scan3A_63, %mul3A_64 : i32
      %add3A_66 = arith.constant 0 : i32
      %add3A_67 = arith.addi %add3A_66, %mul3A_65 : i32
      %mul3A_68 = arith.constant 256 : i32
      %mul3A_69 = arith.muli %add3A_67, %mul3A_68 : i32
      %multiple_of3A_70 = tpu.assume_multiple %mul3A_69, 256 : i32
      %add3A_71 = arith.constant 128 : i32
      %add3A_72 = arith.addi %multiple_of3A_70, %add3A_71 : i32
      %add3A_73 = arith.addi %multiple_of3A_47, %multiple_of3A_70 : i32
      "tpu.region"() ({
        %run_scoped3A = tpu.sem_alloc : memref<!tpu.dma_semaphore, #tpu.memory_space<semaphore_mem>>
        %dma_start3A_101 = tpu.memref_slice %arg4[%add3A_73] : memref<589824xi32, #tpu.memory_space<hbm>> -> memref<128xi32, #tpu.memory_space<hbm>>
        %dma_start3A_102 = tpu.memref_slice %arg4[%add3A_73] : memref<589824xi32, #tpu.memory_space<hbm>> -> memref<128xi32, #tpu.memory_space<hbm>>
        tpu.enqueue_dma source(%dma_start3A_102 : memref<128xi32, #tpu.memory_space<hbm>>) target(%arg8 : memref<128xi32, #tpu.memory_space<vmem>>) target_semaphore(%run_scoped3A : memref<!tpu.dma_semaphore, #tpu.memory_space<semaphore_mem>>)
        %dma_wait3A_103 = tpu.memref_slice %arg4[%add3A_73] : memref<589824xi32, #tpu.memory_space<hbm>> -> memref<128xi32, #tpu.memory_space<hbm>>
        %dma_wait3A_104 = tpu.memref_slice %arg4[%add3A_73] : memref<589824xi32, #tpu.memory_space<hbm>> -> memref<128xi32, #tpu.memory_space<hbm>>
        tpu.wait_dma2 semaphore(%run_scoped3A : memref<!tpu.dma_semaphore, #tpu.memory_space<semaphore_mem>>) src(%dma_wait3A_104 : memref<128xi32, #tpu.memory_space<hbm>>) dst(%arg8 : memref<128xi32, #tpu.memory_space<vmem>>)
        tpu.yield
      }) : () -> ()
      %dma_start3A = tpu.memref_slice %arg7[%multiple_of3A_70] : memref<6144xi32, #tpu.memory_space<vmem>> -> memref<128xi32, #tpu.memory_space<vmem>>
      %dma_start3A_74 = arith.constant 0 : i32
      %dma_start3A_75 = arith.constant 0 : i32
      %dma_start3A_76 = tpu.memref_slice %arg2[%dma_start3A_74, %dma_start3A_75] : memref<30720x128xf32, #tpu.memory_space<hbm>> -> memref<30720x128xf32, #tpu.memory_space<hbm>>
      tpu.enqueue_indirect_dma source(%dma_start3A_76 : memref<30720x128xf32, #tpu.memory_space<hbm>>) target(%arg10 : memref<128x128xf32, #tpu.memory_space<vmem>>) offsets(%dma_start3A : memref<128xi32, #tpu.memory_space<vmem>>) semaphore(%arg13 : memref<!tpu.dma_semaphore, #tpu.memory_space<semaphore_mem>>)
      %add3A_77 = arith.addi %multiple_of3A_47, %add3A_72 : i32
      "tpu.region"() ({
        %run_scoped3A = tpu.sem_alloc : memref<!tpu.dma_semaphore, #tpu.memory_space<semaphore_mem>>
        %dma_start3A_101 = tpu.memref_slice %arg4[%add3A_77] : memref<589824xi32, #tpu.memory_space<hbm>> -> memref<128xi32, #tpu.memory_space<hbm>>
        %dma_start3A_102 = tpu.memref_slice %arg4[%add3A_77] : memref<589824xi32, #tpu.memory_space<hbm>> -> memref<128xi32, #tpu.memory_space<hbm>>
        tpu.enqueue_dma source(%dma_start3A_102 : memref<128xi32, #tpu.memory_space<hbm>>) target(%arg9 : memref<128xi32, #tpu.memory_space<vmem>>) target_semaphore(%run_scoped3A : memref<!tpu.dma_semaphore, #tpu.memory_space<semaphore_mem>>)
        %dma_wait3A_103 = tpu.memref_slice %arg4[%add3A_77] : memref<589824xi32, #tpu.memory_space<hbm>> -> memref<128xi32, #tpu.memory_space<hbm>>
        %dma_wait3A_104 = tpu.memref_slice %arg4[%add3A_77] : memref<589824xi32, #tpu.memory_space<hbm>> -> memref<128xi32, #tpu.memory_space<hbm>>
        tpu.wait_dma2 semaphore(%run_scoped3A : memref<!tpu.dma_semaphore, #tpu.memory_space<semaphore_mem>>) src(%dma_wait3A_104 : memref<128xi32, #tpu.memory_space<hbm>>) dst(%arg9 : memref<128xi32, #tpu.memory_space<vmem>>)
        tpu.yield
      }) : () -> ()
      %dma_start3A_78 = tpu.memref_slice %arg7[%add3A_72] : memref<6144xi32, #tpu.memory_space<vmem>> -> memref<128xi32, #tpu.memory_space<vmem>>
      %dma_start3A_79 = arith.constant 0 : i32
      %dma_start3A_80 = arith.constant 0 : i32
      %dma_start3A_81 = tpu.memref_slice %arg2[%dma_start3A_79, %dma_start3A_80] : memref<30720x128xf32, #tpu.memory_space<hbm>> -> memref<30720x128xf32, #tpu.memory_space<hbm>>
      tpu.enqueue_indirect_dma source(%dma_start3A_81 : memref<30720x128xf32, #tpu.memory_space<hbm>>) target(%arg11 : memref<128x128xf32, #tpu.memory_space<vmem>>) offsets(%dma_start3A_78 : memref<128xi32, #tpu.memory_space<vmem>>) semaphore(%arg14 : memref<!tpu.dma_semaphore, #tpu.memory_space<semaphore_mem>>)
      %dma_wait3A = tpu.memref_slice %arg7[%multiple_of3A_70] : memref<6144xi32, #tpu.memory_space<vmem>> -> memref<128xi32, #tpu.memory_space<vmem>>
      %dma_wait3A_82 = arith.constant 0 : i32
      %dma_wait3A_83 = arith.constant 0 : i32
      %dma_wait3A_84 = tpu.memref_slice %arg2[%dma_wait3A_82, %dma_wait3A_83] : memref<30720x128xf32, #tpu.memory_space<hbm>> -> memref<30720x128xf32, #tpu.memory_space<hbm>>
      tpu.wait_indirect_dma semaphore(%arg13 : memref<!tpu.dma_semaphore, #tpu.memory_space<semaphore_mem>>) src(%dma_wait3A_84 : memref<30720x128xf32, #tpu.memory_space<hbm>>) dst(%arg10 : memref<128x128xf32, #tpu.memory_space<vmem>>)
      %dma_start3A_85 = arith.constant 0 : i32
      %dma_start3A_86 = arith.constant 0 : i32
      %dma_start3A_87 = tpu.memref_slice %arg12[%dma_start3A_85, %dma_start3A_86] : memref<10240x128xf32, #tpu.memory_space<vmem_shared>> -> memref<10240x128xf32, #tpu.memory_space<vmem_shared>>
      tpu.enqueue_indirect_dma source(%arg10 : memref<128x128xf32, #tpu.memory_space<vmem>>) target(%dma_start3A_87 : memref<10240x128xf32, #tpu.memory_space<vmem_shared>>) offsets(%arg8 : memref<128xi32, #tpu.memory_space<vmem>>) semaphore(%arg15 : memref<!tpu.dma_semaphore, #tpu.memory_space<semaphore_mem>>) {add = true}
      %dma_wait3A_88 = tpu.memref_slice %arg7[%add3A_72] : memref<6144xi32, #tpu.memory_space<vmem>> -> memref<128xi32, #tpu.memory_space<vmem>>
      %dma_wait3A_89 = arith.constant 0 : i32
      %dma_wait3A_90 = arith.constant 0 : i32
      %dma_wait3A_91 = tpu.memref_slice %arg2[%dma_wait3A_89, %dma_wait3A_90] : memref<30720x128xf32, #tpu.memory_space<hbm>> -> memref<30720x128xf32, #tpu.memory_space<hbm>>
      tpu.wait_indirect_dma semaphore(%arg14 : memref<!tpu.dma_semaphore, #tpu.memory_space<semaphore_mem>>) src(%dma_wait3A_91 : memref<30720x128xf32, #tpu.memory_space<hbm>>) dst(%arg11 : memref<128x128xf32, #tpu.memory_space<vmem>>)
      %dma_start3A_92 = arith.constant 0 : i32
      %dma_start3A_93 = arith.constant 0 : i32
      %dma_start3A_94 = tpu.memref_slice %arg12[%dma_start3A_92, %dma_start3A_93] : memref<10240x128xf32, #tpu.memory_space<vmem_shared>> -> memref<10240x128xf32, #tpu.memory_space<vmem_shared>>
      tpu.enqueue_indirect_dma source(%arg11 : memref<128x128xf32, #tpu.memory_space<vmem>>) target(%dma_start3A_94 : memref<10240x128xf32, #tpu.memory_space<vmem_shared>>) offsets(%arg9 : memref<128xi32, #tpu.memory_space<vmem>>) semaphore(%arg16 : memref<!tpu.dma_semaphore, #tpu.memory_space<semaphore_mem>>) {add = true}
      %dma_wait3A_95 = arith.constant 0 : i32
      %dma_wait3A_96 = arith.constant 0 : i32
      %dma_wait3A_97 = tpu.memref_slice %arg12[%dma_wait3A_95, %dma_wait3A_96] : memref<10240x128xf32, #tpu.memory_space<vmem_shared>> -> memref<10240x128xf32, #tpu.memory_space<vmem_shared>>
      tpu.wait_indirect_dma semaphore(%arg15 : memref<!tpu.dma_semaphore, #tpu.memory_space<semaphore_mem>>) src(%arg10 : memref<128x128xf32, #tpu.memory_space<vmem>>) dst(%dma_wait3A_97 : memref<10240x128xf32, #tpu.memory_space<vmem_shared>>)
      %dma_wait3A_98 = arith.constant 0 : i32
      %dma_wait3A_99 = arith.constant 0 : i32
      %dma_wait3A_100 = tpu.memref_slice %arg12[%dma_wait3A_98, %dma_wait3A_99] : memref<10240x128xf32, #tpu.memory_space<vmem_shared>> -> memref<10240x128xf32, #tpu.memory_space<vmem_shared>>
      tpu.wait_indirect_dma semaphore(%arg16 : memref<!tpu.dma_semaphore, #tpu.memory_space<semaphore_mem>>) src(%arg11 : memref<128x128xf32, #tpu.memory_space<vmem>>) dst(%dma_wait3A_100 : memref<10240x128xf32, #tpu.memory_space<vmem_shared>>)
    }
    %scan3A_53 = arith.constant 24 : i32
    %barrier3A_54 = arith.constant 0 : index
    tpu.barrier barrier_id(%barrier3A_54)
    %mul3A_55 = arith.constant 3 : i32
    %mul3A_56 = arith.muli %arg0, %mul3A_55 : i32
    %add3A_57 = arith.constant 2 : i32
    %add3A_58 = arith.addi %mul3A_56, %add3A_57 : i32
    %mul3A_59 = arith.constant 10240 : i32
    %mul3A_60 = arith.muli %add3A_58, %mul3A_59 : i32
    %add3A_61 = arith.addi %mul3A_60, %multiple_of3A : i32
    %multiple_of3A_62 = tpu.assume_multiple %add3A_61, 640 : i32
    "tpu.region"() ({
      %run_scoped3A = tpu.sem_alloc : memref<!tpu.dma_semaphore, #tpu.memory_space<semaphore_mem>>
      %dma_start3A = arith.constant 0 : i32
      %dma_start3A_63 = tpu.memref_slice %arg6[%multiple_of3A_62, %dma_start3A] : memref<61440x128xf32, #tpu.memory_space<hbm>> -> memref<640x128xf32, #tpu.memory_space<hbm>>
      %dma_start3A_64 = arith.constant 0 : i32
      %dma_start3A_65 = tpu.memref_slice %arg12[%multiple_of3A, %dma_start3A_64] : memref<10240x128xf32, #tpu.memory_space<vmem_shared>> -> memref<640x128xf32, #tpu.memory_space<vmem_shared>>
      tpu.enqueue_dma source(%dma_start3A_65 : memref<640x128xf32, #tpu.memory_space<vmem_shared>>) target(%dma_start3A_63 : memref<640x128xf32, #tpu.memory_space<hbm>>) target_semaphore(%run_scoped3A : memref<!tpu.dma_semaphore, #tpu.memory_space<semaphore_mem>>)
      %dma_wait3A = arith.constant 0 : i32
      %dma_wait3A_66 = tpu.memref_slice %arg6[%multiple_of3A_62, %dma_wait3A] : memref<61440x128xf32, #tpu.memory_space<hbm>> -> memref<640x128xf32, #tpu.memory_space<hbm>>
      %dma_wait3A_67 = arith.constant 0 : i32
      %dma_wait3A_68 = tpu.memref_slice %arg12[%multiple_of3A, %dma_wait3A_67] : memref<10240x128xf32, #tpu.memory_space<vmem_shared>> -> memref<640x128xf32, #tpu.memory_space<vmem_shared>>
      tpu.wait_dma2 semaphore(%run_scoped3A : memref<!tpu.dma_semaphore, #tpu.memory_space<semaphore_mem>>) src(%dma_wait3A_68 : memref<640x128xf32, #tpu.memory_space<vmem_shared>>) dst(%dma_wait3A_66 : memref<640x128xf32, #tpu.memory_space<hbm>>)
      tpu.yield
    }) : () -> ()
    return
  }
}

#map = affine_map<(d0, d1) -> (0, 0)>
#map1 = affine_map<(d0, d1) -> (0)>
module attributes {stable_mosaic.version = 14 : i64} {
  func.func @spmm(%arg0: i32, %arg1: i32, %arg2: memref<10240x128xf32, #tpu.memory_space<hbm>>, %arg3: memref<196608xi32, #tpu.memory_space<hbm>>, %arg4: memref<196608xi32, #tpu.memory_space<hbm>>, %arg5: memref<640x128xf32, #tpu.memory_space<hbm>>, %arg6: memref<20480x128xf32, #tpu.memory_space<hbm>>, %arg7: memref<6144xi32, #tpu.memory_space<vmem>>, %arg8: memref<128xi32, #tpu.memory_space<vmem>>, %arg9: memref<128xi32, #tpu.memory_space<vmem>>, %arg10: memref<128x128xf32, #tpu.memory_space<vmem>>, %arg11: memref<128x128xf32, #tpu.memory_space<vmem>>, %arg12: memref<10240x128xf32, #tpu.memory_space<vmem_shared>>, %arg13: memref<!tpu.dma_semaphore, #tpu.memory_space<semaphore_mem>>, %arg14: memref<!tpu.dma_semaphore, #tpu.memory_space<semaphore_mem>>, %arg15: memref<!tpu.dma_semaphore, #tpu.memory_space<semaphore_mem>>, %arg16: memref<!tpu.dma_semaphore, #tpu.memory_space<semaphore_mem>>) attributes {dimension_semantics = [#tpu.dimension_semantics<core_parallel>, #tpu.dimension_semantics<subcore_parallel>], iteration_bounds = array<i64: 2, 16>, scalar_prefetch = 0 : i64, scratch_operands = 10 : i64, tpu.core_type = #tpu.core_type<sc_vector_subcore>, window_params = [{transform_indices = #map}, {transform_indices = #map1}, {transform_indices = #map1}, {transform_indices = #map}, {transform_indices = #map}]} {
    %mul3A = arith.constant 2 : i32
    %mul3A_0 = arith.muli %arg1, %mul3A : i32
    %add3A = arith.addi %mul3A_0, %arg0 : i32
    %mul3A_1 = arith.constant 640 : i32
    %mul3A_2 = arith.muli %arg1, %mul3A_1 : i32
    %multiple_of3A = tpu.assume_multiple %mul3A_2, 640 : i32
    "tpu.region"() ({
      %run_scoped3A = tpu.sem_alloc : memref<!tpu.dma_semaphore, #tpu.memory_space<semaphore_mem>>
      %dma_start3A = arith.constant 0 : i32
      %dma_start3A_21 = tpu.memref_slice %arg12[%multiple_of3A, %dma_start3A] : memref<10240x128xf32, #tpu.memory_space<vmem_shared>> -> memref<640x128xf32, #tpu.memory_space<vmem_shared>>
      tpu.enqueue_dma source(%arg5 : memref<640x128xf32, #tpu.memory_space<hbm>>) target(%dma_start3A_21 : memref<640x128xf32, #tpu.memory_space<vmem_shared>>) target_semaphore(%run_scoped3A : memref<!tpu.dma_semaphore, #tpu.memory_space<semaphore_mem>>)
      %dma_wait3A = arith.constant 0 : i32
      %dma_wait3A_22 = tpu.memref_slice %arg12[%multiple_of3A, %dma_wait3A] : memref<10240x128xf32, #tpu.memory_space<vmem_shared>> -> memref<640x128xf32, #tpu.memory_space<vmem_shared>>
      tpu.wait_dma2 semaphore(%run_scoped3A : memref<!tpu.dma_semaphore, #tpu.memory_space<semaphore_mem>>) src(%arg5 : memref<640x128xf32, #tpu.memory_space<hbm>>) dst(%dma_wait3A_22 : memref<640x128xf32, #tpu.memory_space<vmem_shared>>)
      tpu.yield
    }) : () -> ()
    %add3A_3 = arith.constant 0 : i32
    %add3A_4 = arith.addi %add3A_3, %add3A : i32
    %mul3A_5 = arith.constant 6144 : i32
    %mul3A_6 = arith.muli %add3A_4, %mul3A_5 : i32
    %multiple_of3A_7 = tpu.assume_multiple %mul3A_6, 6144 : i32
    "tpu.region"() ({
      %run_scoped3A = tpu.sem_alloc : memref<!tpu.dma_semaphore, #tpu.memory_space<semaphore_mem>>
      %dma_start3A = tpu.memref_slice %arg3[%multiple_of3A_7] : memref<196608xi32, #tpu.memory_space<hbm>> -> memref<6144xi32, #tpu.memory_space<hbm>>
      %dma_start3A_21 = tpu.memref_slice %arg3[%multiple_of3A_7] : memref<196608xi32, #tpu.memory_space<hbm>> -> memref<6144xi32, #tpu.memory_space<hbm>>
      tpu.enqueue_dma source(%dma_start3A_21 : memref<6144xi32, #tpu.memory_space<hbm>>) target(%arg7 : memref<6144xi32, #tpu.memory_space<vmem>>) target_semaphore(%run_scoped3A : memref<!tpu.dma_semaphore, #tpu.memory_space<semaphore_mem>>)
      %dma_wait3A = tpu.memref_slice %arg3[%multiple_of3A_7] : memref<196608xi32, #tpu.memory_space<hbm>> -> memref<6144xi32, #tpu.memory_space<hbm>>
      %dma_wait3A_22 = tpu.memref_slice %arg3[%multiple_of3A_7] : memref<196608xi32, #tpu.memory_space<hbm>> -> memref<6144xi32, #tpu.memory_space<hbm>>
      tpu.wait_dma2 semaphore(%run_scoped3A : memref<!tpu.dma_semaphore, #tpu.memory_space<semaphore_mem>>) src(%dma_wait3A_22 : memref<6144xi32, #tpu.memory_space<hbm>>) dst(%arg7 : memref<6144xi32, #tpu.memory_space<vmem>>)
      tpu.yield
    }) : () -> ()
    %barrier3A = arith.constant 0 : index
    tpu.barrier barrier_id(%barrier3A)
    %scan3A = arith.constant 0 : i32
    %scan3A_8 = arith.constant 24 : i32
    %scan3A_9 = arith.addi %scan3A, %scan3A_8 : i32
    %scan3A_10 = arith.constant 1 : i32
    scf.for %scan3A_21 = %scan3A to %scan3A_9 step %scan3A_10  : i32 {
      %mul3A_22 = arith.constant 1 : i32
      %mul3A_23 = arith.muli %scan3A_21, %mul3A_22 : i32
      %add3A_24 = arith.constant 0 : i32
      %add3A_25 = arith.addi %add3A_24, %mul3A_23 : i32
      %mul3A_26 = arith.constant 256 : i32
      %mul3A_27 = arith.muli %add3A_25, %mul3A_26 : i32
      %multiple_of3A_28 = tpu.assume_multiple %mul3A_27, 256 : i32
      %add3A_29 = arith.constant 128 : i32
      %add3A_30 = arith.addi %multiple_of3A_28, %add3A_29 : i32
      %add3A_31 = arith.addi %multiple_of3A_7, %multiple_of3A_28 : i32
      "tpu.region"() ({
        %run_scoped3A = tpu.sem_alloc : memref<!tpu.dma_semaphore, #tpu.memory_space<semaphore_mem>>
        %dma_start3A_59 = tpu.memref_slice %arg4[%add3A_31] : memref<196608xi32, #tpu.memory_space<hbm>> -> memref<128xi32, #tpu.memory_space<hbm>>
        %dma_start3A_60 = tpu.memref_slice %arg4[%add3A_31] : memref<196608xi32, #tpu.memory_space<hbm>> -> memref<128xi32, #tpu.memory_space<hbm>>
        tpu.enqueue_dma source(%dma_start3A_60 : memref<128xi32, #tpu.memory_space<hbm>>) target(%arg8 : memref<128xi32, #tpu.memory_space<vmem>>) target_semaphore(%run_scoped3A : memref<!tpu.dma_semaphore, #tpu.memory_space<semaphore_mem>>)
        %dma_wait3A_61 = tpu.memref_slice %arg4[%add3A_31] : memref<196608xi32, #tpu.memory_space<hbm>> -> memref<128xi32, #tpu.memory_space<hbm>>
        %dma_wait3A_62 = tpu.memref_slice %arg4[%add3A_31] : memref<196608xi32, #tpu.memory_space<hbm>> -> memref<128xi32, #tpu.memory_space<hbm>>
        tpu.wait_dma2 semaphore(%run_scoped3A : memref<!tpu.dma_semaphore, #tpu.memory_space<semaphore_mem>>) src(%dma_wait3A_62 : memref<128xi32, #tpu.memory_space<hbm>>) dst(%arg8 : memref<128xi32, #tpu.memory_space<vmem>>)
        tpu.yield
      }) : () -> ()
      %dma_start3A = tpu.memref_slice %arg7[%multiple_of3A_28] : memref<6144xi32, #tpu.memory_space<vmem>> -> memref<128xi32, #tpu.memory_space<vmem>>
      %dma_start3A_32 = arith.constant 0 : i32
      %dma_start3A_33 = arith.constant 0 : i32
      %dma_start3A_34 = tpu.memref_slice %arg2[%dma_start3A_32, %dma_start3A_33] : memref<10240x128xf32, #tpu.memory_space<hbm>> -> memref<10240x128xf32, #tpu.memory_space<hbm>>
      tpu.enqueue_indirect_dma source(%dma_start3A_34 : memref<10240x128xf32, #tpu.memory_space<hbm>>) target(%arg10 : memref<128x128xf32, #tpu.memory_space<vmem>>) offsets(%dma_start3A : memref<128xi32, #tpu.memory_space<vmem>>) semaphore(%arg13 : memref<!tpu.dma_semaphore, #tpu.memory_space<semaphore_mem>>)
      %add3A_35 = arith.addi %multiple_of3A_7, %add3A_30 : i32
      "tpu.region"() ({
        %run_scoped3A = tpu.sem_alloc : memref<!tpu.dma_semaphore, #tpu.memory_space<semaphore_mem>>
        %dma_start3A_59 = tpu.memref_slice %arg4[%add3A_35] : memref<196608xi32, #tpu.memory_space<hbm>> -> memref<128xi32, #tpu.memory_space<hbm>>
        %dma_start3A_60 = tpu.memref_slice %arg4[%add3A_35] : memref<196608xi32, #tpu.memory_space<hbm>> -> memref<128xi32, #tpu.memory_space<hbm>>
        tpu.enqueue_dma source(%dma_start3A_60 : memref<128xi32, #tpu.memory_space<hbm>>) target(%arg9 : memref<128xi32, #tpu.memory_space<vmem>>) target_semaphore(%run_scoped3A : memref<!tpu.dma_semaphore, #tpu.memory_space<semaphore_mem>>)
        %dma_wait3A_61 = tpu.memref_slice %arg4[%add3A_35] : memref<196608xi32, #tpu.memory_space<hbm>> -> memref<128xi32, #tpu.memory_space<hbm>>
        %dma_wait3A_62 = tpu.memref_slice %arg4[%add3A_35] : memref<196608xi32, #tpu.memory_space<hbm>> -> memref<128xi32, #tpu.memory_space<hbm>>
        tpu.wait_dma2 semaphore(%run_scoped3A : memref<!tpu.dma_semaphore, #tpu.memory_space<semaphore_mem>>) src(%dma_wait3A_62 : memref<128xi32, #tpu.memory_space<hbm>>) dst(%arg9 : memref<128xi32, #tpu.memory_space<vmem>>)
        tpu.yield
      }) : () -> ()
      %dma_start3A_36 = tpu.memref_slice %arg7[%add3A_30] : memref<6144xi32, #tpu.memory_space<vmem>> -> memref<128xi32, #tpu.memory_space<vmem>>
      %dma_start3A_37 = arith.constant 0 : i32
      %dma_start3A_38 = arith.constant 0 : i32
      %dma_start3A_39 = tpu.memref_slice %arg2[%dma_start3A_37, %dma_start3A_38] : memref<10240x128xf32, #tpu.memory_space<hbm>> -> memref<10240x128xf32, #tpu.memory_space<hbm>>
      tpu.enqueue_indirect_dma source(%dma_start3A_39 : memref<10240x128xf32, #tpu.memory_space<hbm>>) target(%arg11 : memref<128x128xf32, #tpu.memory_space<vmem>>) offsets(%dma_start3A_36 : memref<128xi32, #tpu.memory_space<vmem>>) semaphore(%arg14 : memref<!tpu.dma_semaphore, #tpu.memory_space<semaphore_mem>>)
      %dma_wait3A = tpu.memref_slice %arg7[%multiple_of3A_28] : memref<6144xi32, #tpu.memory_space<vmem>> -> memref<128xi32, #tpu.memory_space<vmem>>
      %dma_wait3A_40 = arith.constant 0 : i32
      %dma_wait3A_41 = arith.constant 0 : i32
      %dma_wait3A_42 = tpu.memref_slice %arg2[%dma_wait3A_40, %dma_wait3A_41] : memref<10240x128xf32, #tpu.memory_space<hbm>> -> memref<10240x128xf32, #tpu.memory_space<hbm>>
      tpu.wait_indirect_dma semaphore(%arg13 : memref<!tpu.dma_semaphore, #tpu.memory_space<semaphore_mem>>) src(%dma_wait3A_42 : memref<10240x128xf32, #tpu.memory_space<hbm>>) dst(%arg10 : memref<128x128xf32, #tpu.memory_space<vmem>>)
      %dma_start3A_43 = arith.constant 0 : i32
      %dma_start3A_44 = arith.constant 0 : i32
      %dma_start3A_45 = tpu.memref_slice %arg12[%dma_start3A_43, %dma_start3A_44] : memref<10240x128xf32, #tpu.memory_space<vmem_shared>> -> memref<10240x128xf32, #tpu.memory_space<vmem_shared>>
      tpu.enqueue_indirect_dma source(%arg10 : memref<128x128xf32, #tpu.memory_space<vmem>>) target(%dma_start3A_45 : memref<10240x128xf32, #tpu.memory_space<vmem_shared>>) offsets(%arg8 : memref<128xi32, #tpu.memory_space<vmem>>) semaphore(%arg15 : memref<!tpu.dma_semaphore, #tpu.memory_space<semaphore_mem>>) {add = true}
      %dma_wait3A_46 = tpu.memref_slice %arg7[%add3A_30] : memref<6144xi32, #tpu.memory_space<vmem>> -> memref<128xi32, #tpu.memory_space<vmem>>
      %dma_wait3A_47 = arith.constant 0 : i32
      %dma_wait3A_48 = arith.constant 0 : i32
      %dma_wait3A_49 = tpu.memref_slice %arg2[%dma_wait3A_47, %dma_wait3A_48] : memref<10240x128xf32, #tpu.memory_space<hbm>> -> memref<10240x128xf32, #tpu.memory_space<hbm>>
      tpu.wait_indirect_dma semaphore(%arg14 : memref<!tpu.dma_semaphore, #tpu.memory_space<semaphore_mem>>) src(%dma_wait3A_49 : memref<10240x128xf32, #tpu.memory_space<hbm>>) dst(%arg11 : memref<128x128xf32, #tpu.memory_space<vmem>>)
      %dma_start3A_50 = arith.constant 0 : i32
      %dma_start3A_51 = arith.constant 0 : i32
      %dma_start3A_52 = tpu.memref_slice %arg12[%dma_start3A_50, %dma_start3A_51] : memref<10240x128xf32, #tpu.memory_space<vmem_shared>> -> memref<10240x128xf32, #tpu.memory_space<vmem_shared>>
      tpu.enqueue_indirect_dma source(%arg11 : memref<128x128xf32, #tpu.memory_space<vmem>>) target(%dma_start3A_52 : memref<10240x128xf32, #tpu.memory_space<vmem_shared>>) offsets(%arg9 : memref<128xi32, #tpu.memory_space<vmem>>) semaphore(%arg16 : memref<!tpu.dma_semaphore, #tpu.memory_space<semaphore_mem>>) {add = true}
      %dma_wait3A_53 = arith.constant 0 : i32
      %dma_wait3A_54 = arith.constant 0 : i32
      %dma_wait3A_55 = tpu.memref_slice %arg12[%dma_wait3A_53, %dma_wait3A_54] : memref<10240x128xf32, #tpu.memory_space<vmem_shared>> -> memref<10240x128xf32, #tpu.memory_space<vmem_shared>>
      tpu.wait_indirect_dma semaphore(%arg15 : memref<!tpu.dma_semaphore, #tpu.memory_space<semaphore_mem>>) src(%arg10 : memref<128x128xf32, #tpu.memory_space<vmem>>) dst(%dma_wait3A_55 : memref<10240x128xf32, #tpu.memory_space<vmem_shared>>)
      %dma_wait3A_56 = arith.constant 0 : i32
      %dma_wait3A_57 = arith.constant 0 : i32
      %dma_wait3A_58 = tpu.memref_slice %arg12[%dma_wait3A_56, %dma_wait3A_57] : memref<10240x128xf32, #tpu.memory_space<vmem_shared>> -> memref<10240x128xf32, #tpu.memory_space<vmem_shared>>
      tpu.wait_indirect_dma semaphore(%arg16 : memref<!tpu.dma_semaphore, #tpu.memory_space<semaphore_mem>>) src(%arg11 : memref<128x128xf32, #tpu.memory_space<vmem>>) dst(%dma_wait3A_58 : memref<10240x128xf32, #tpu.memory_space<vmem_shared>>)
    }
    %scan3A_11 = arith.constant 24 : i32
    %barrier3A_12 = arith.constant 0 : index
    tpu.barrier barrier_id(%barrier3A_12)
    %mul3A_13 = arith.constant 1 : i32
    %mul3A_14 = arith.muli %arg0, %mul3A_13 : i32
    %add3A_15 = arith.constant 0 : i32
    %add3A_16 = arith.addi %mul3A_14, %add3A_15 : i32
    %mul3A_17 = arith.constant 10240 : i32
    %mul3A_18 = arith.muli %add3A_16, %mul3A_17 : i32
    %add3A_19 = arith.addi %mul3A_18, %multiple_of3A : i32
    %multiple_of3A_20 = tpu.assume_multiple %add3A_19, 640 : i32
    "tpu.region"() ({
      %run_scoped3A = tpu.sem_alloc : memref<!tpu.dma_semaphore, #tpu.memory_space<semaphore_mem>>
      %dma_start3A = arith.constant 0 : i32
      %dma_start3A_21 = tpu.memref_slice %arg6[%multiple_of3A_20, %dma_start3A] : memref<20480x128xf32, #tpu.memory_space<hbm>> -> memref<640x128xf32, #tpu.memory_space<hbm>>
      %dma_start3A_22 = arith.constant 0 : i32
      %dma_start3A_23 = tpu.memref_slice %arg12[%multiple_of3A, %dma_start3A_22] : memref<10240x128xf32, #tpu.memory_space<vmem_shared>> -> memref<640x128xf32, #tpu.memory_space<vmem_shared>>
      tpu.enqueue_dma source(%dma_start3A_23 : memref<640x128xf32, #tpu.memory_space<vmem_shared>>) target(%dma_start3A_21 : memref<640x128xf32, #tpu.memory_space<hbm>>) target_semaphore(%run_scoped3A : memref<!tpu.dma_semaphore, #tpu.memory_space<semaphore_mem>>)
      %dma_wait3A = arith.constant 0 : i32
      %dma_wait3A_24 = tpu.memref_slice %arg6[%multiple_of3A_20, %dma_wait3A] : memref<20480x128xf32, #tpu.memory_space<hbm>> -> memref<640x128xf32, #tpu.memory_space<hbm>>
      %dma_wait3A_25 = arith.constant 0 : i32
      %dma_wait3A_26 = tpu.memref_slice %arg12[%multiple_of3A, %dma_wait3A_25] : memref<10240x128xf32, #tpu.memory_space<vmem_shared>> -> memref<640x128xf32, #tpu.memory_space<vmem_shared>>
      tpu.wait_dma2 semaphore(%run_scoped3A : memref<!tpu.dma_semaphore, #tpu.memory_space<semaphore_mem>>) src(%dma_wait3A_26 : memref<640x128xf32, #tpu.memory_space<vmem_shared>>) dst(%dma_wait3A_24 : memref<640x128xf32, #tpu.memory_space<hbm>>)
      tpu.yield
    }) : () -> ()
    return
  }
}

#map = affine_map<(d0, d1) -> (0, 0)>
#map1 = affine_map<(d0, d1) -> (0)>
module attributes {stable_mosaic.version = 14 : i64} {
  func.func @spmm(%arg0: i32, %arg1: i32, %arg2: memref<10240x128xf32, #tpu.memory_space<hbm>>, %arg3: memref<196608xi32, #tpu.memory_space<hbm>>, %arg4: memref<196608xi32, #tpu.memory_space<hbm>>, %arg5: memref<640x128xf32, #tpu.memory_space<hbm>>, %arg6: memref<20480x128xf32, #tpu.memory_space<hbm>>, %arg7: memref<6144xi32, #tpu.memory_space<vmem>>, %arg8: memref<128xi32, #tpu.memory_space<vmem>>, %arg9: memref<128xi32, #tpu.memory_space<vmem>>, %arg10: memref<128x128xf32, #tpu.memory_space<vmem>>, %arg11: memref<128x128xf32, #tpu.memory_space<vmem>>, %arg12: memref<10240x128xf32, #tpu.memory_space<vmem_shared>>, %arg13: memref<!tpu.dma_semaphore, #tpu.memory_space<semaphore_mem>>, %arg14: memref<!tpu.dma_semaphore, #tpu.memory_space<semaphore_mem>>, %arg15: memref<!tpu.dma_semaphore, #tpu.memory_space<semaphore_mem>>, %arg16: memref<!tpu.dma_semaphore, #tpu.memory_space<semaphore_mem>>) attributes {dimension_semantics = [#tpu.dimension_semantics<core_parallel>, #tpu.dimension_semantics<subcore_parallel>], iteration_bounds = array<i64: 2, 16>, scalar_prefetch = 0 : i64, scratch_operands = 10 : i64, tpu.core_type = #tpu.core_type<sc_vector_subcore>, window_params = [{transform_indices = #map}, {transform_indices = #map1}, {transform_indices = #map1}, {transform_indices = #map}, {transform_indices = #map}]} {
    %mul3A = arith.constant 2 : i32
    %mul3A_0 = arith.muli %arg1, %mul3A : i32
    %add3A = arith.addi %mul3A_0, %arg0 : i32
    %mul3A_1 = arith.constant 640 : i32
    %mul3A_2 = arith.muli %arg1, %mul3A_1 : i32
    %multiple_of3A = tpu.assume_multiple %mul3A_2, 640 : i32
    "tpu.region"() ({
      %run_scoped3A = tpu.sem_alloc : memref<!tpu.dma_semaphore, #tpu.memory_space<semaphore_mem>>
      %dma_start3A = arith.constant 0 : i32
      %dma_start3A_21 = tpu.memref_slice %arg12[%multiple_of3A, %dma_start3A] : memref<10240x128xf32, #tpu.memory_space<vmem_shared>> -> memref<640x128xf32, #tpu.memory_space<vmem_shared>>
      tpu.enqueue_dma source(%arg5 : memref<640x128xf32, #tpu.memory_space<hbm>>) target(%dma_start3A_21 : memref<640x128xf32, #tpu.memory_space<vmem_shared>>) target_semaphore(%run_scoped3A : memref<!tpu.dma_semaphore, #tpu.memory_space<semaphore_mem>>)
      %dma_wait3A = arith.constant 0 : i32
      %dma_wait3A_22 = tpu.memref_slice %arg12[%multiple_of3A, %dma_wait3A] : memref<10240x128xf32, #tpu.memory_space<vmem_shared>> -> memref<640x128xf32, #tpu.memory_space<vmem_shared>>
      tpu.wait_dma2 semaphore(%run_scoped3A : memref<!tpu.dma_semaphore, #tpu.memory_space<semaphore_mem>>) src(%arg5 : memref<640x128xf32, #tpu.memory_space<hbm>>) dst(%dma_wait3A_22 : memref<640x128xf32, #tpu.memory_space<vmem_shared>>)
      tpu.yield
    }) : () -> ()
    %add3A_3 = arith.constant 0 : i32
    %add3A_4 = arith.addi %add3A_3, %add3A : i32
    %mul3A_5 = arith.constant 6144 : i32
    %mul3A_6 = arith.muli %add3A_4, %mul3A_5 : i32
    %multiple_of3A_7 = tpu.assume_multiple %mul3A_6, 6144 : i32
    "tpu.region"() ({
      %run_scoped3A = tpu.sem_alloc : memref<!tpu.dma_semaphore, #tpu.memory_space<semaphore_mem>>
      %dma_start3A = tpu.memref_slice %arg3[%multiple_of3A_7] : memref<196608xi32, #tpu.memory_space<hbm>> -> memref<6144xi32, #tpu.memory_space<hbm>>
      %dma_start3A_21 = tpu.memref_slice %arg3[%multiple_of3A_7] : memref<196608xi32, #tpu.memory_space<hbm>> -> memref<6144xi32, #tpu.memory_space<hbm>>
      tpu.enqueue_dma source(%dma_start3A_21 : memref<6144xi32, #tpu.memory_space<hbm>>) target(%arg7 : memref<6144xi32, #tpu.memory_space<vmem>>) target_semaphore(%run_scoped3A : memref<!tpu.dma_semaphore, #tpu.memory_space<semaphore_mem>>)
      %dma_wait3A = tpu.memref_slice %arg3[%multiple_of3A_7] : memref<196608xi32, #tpu.memory_space<hbm>> -> memref<6144xi32, #tpu.memory_space<hbm>>
      %dma_wait3A_22 = tpu.memref_slice %arg3[%multiple_of3A_7] : memref<196608xi32, #tpu.memory_space<hbm>> -> memref<6144xi32, #tpu.memory_space<hbm>>
      tpu.wait_dma2 semaphore(%run_scoped3A : memref<!tpu.dma_semaphore, #tpu.memory_space<semaphore_mem>>) src(%dma_wait3A_22 : memref<6144xi32, #tpu.memory_space<hbm>>) dst(%arg7 : memref<6144xi32, #tpu.memory_space<vmem>>)
      tpu.yield
    }) : () -> ()
    %barrier3A = arith.constant 0 : index
    tpu.barrier barrier_id(%barrier3A)
    %scan3A = arith.constant 0 : i32
    %scan3A_8 = arith.constant 24 : i32
    %scan3A_9 = arith.addi %scan3A, %scan3A_8 : i32
    %scan3A_10 = arith.constant 1 : i32
    scf.for %scan3A_21 = %scan3A to %scan3A_9 step %scan3A_10  : i32 {
      %mul3A_22 = arith.constant 1 : i32
      %mul3A_23 = arith.muli %scan3A_21, %mul3A_22 : i32
      %add3A_24 = arith.constant 0 : i32
      %add3A_25 = arith.addi %add3A_24, %mul3A_23 : i32
      %mul3A_26 = arith.constant 256 : i32
      %mul3A_27 = arith.muli %add3A_25, %mul3A_26 : i32
      %multiple_of3A_28 = tpu.assume_multiple %mul3A_27, 256 : i32
      %add3A_29 = arith.constant 128 : i32
      %add3A_30 = arith.addi %multiple_of3A_28, %add3A_29 : i32
      %add3A_31 = arith.addi %multiple_of3A_7, %multiple_of3A_28 : i32
      "tpu.region"() ({
        %run_scoped3A = tpu.sem_alloc : memref<!tpu.dma_semaphore, #tpu.memory_space<semaphore_mem>>
        %dma_start3A_59 = tpu.memref_slice %arg4[%add3A_31] : memref<196608xi32, #tpu.memory_space<hbm>> -> memref<128xi32, #tpu.memory_space<hbm>>
        %dma_start3A_60 = tpu.memref_slice %arg4[%add3A_31] : memref<196608xi32, #tpu.memory_space<hbm>> -> memref<128xi32, #tpu.memory_space<hbm>>
        tpu.enqueue_dma source(%dma_start3A_60 : memref<128xi32, #tpu.memory_space<hbm>>) target(%arg8 : memref<128xi32, #tpu.memory_space<vmem>>) target_semaphore(%run_scoped3A : memref<!tpu.dma_semaphore, #tpu.memory_space<semaphore_mem>>)
        %dma_wait3A_61 = tpu.memref_slice %arg4[%add3A_31] : memref<196608xi32, #tpu.memory_space<hbm>> -> memref<128xi32, #tpu.memory_space<hbm>>
        %dma_wait3A_62 = tpu.memref_slice %arg4[%add3A_31] : memref<196608xi32, #tpu.memory_space<hbm>> -> memref<128xi32, #tpu.memory_space<hbm>>
        tpu.wait_dma2 semaphore(%run_scoped3A : memref<!tpu.dma_semaphore, #tpu.memory_space<semaphore_mem>>) src(%dma_wait3A_62 : memref<128xi32, #tpu.memory_space<hbm>>) dst(%arg8 : memref<128xi32, #tpu.memory_space<vmem>>)
        tpu.yield
      }) : () -> ()
      %dma_start3A = tpu.memref_slice %arg7[%multiple_of3A_28] : memref<6144xi32, #tpu.memory_space<vmem>> -> memref<128xi32, #tpu.memory_space<vmem>>
      %dma_start3A_32 = arith.constant 0 : i32
      %dma_start3A_33 = arith.constant 0 : i32
      %dma_start3A_34 = tpu.memref_slice %arg2[%dma_start3A_32, %dma_start3A_33] : memref<10240x128xf32, #tpu.memory_space<hbm>> -> memref<10240x128xf32, #tpu.memory_space<hbm>>
      tpu.enqueue_indirect_dma source(%dma_start3A_34 : memref<10240x128xf32, #tpu.memory_space<hbm>>) target(%arg10 : memref<128x128xf32, #tpu.memory_space<vmem>>) offsets(%dma_start3A : memref<128xi32, #tpu.memory_space<vmem>>) semaphore(%arg13 : memref<!tpu.dma_semaphore, #tpu.memory_space<semaphore_mem>>)
      %add3A_35 = arith.addi %multiple_of3A_7, %add3A_30 : i32
      "tpu.region"() ({
        %run_scoped3A = tpu.sem_alloc : memref<!tpu.dma_semaphore, #tpu.memory_space<semaphore_mem>>
        %dma_start3A_59 = tpu.memref_slice %arg4[%add3A_35] : memref<196608xi32, #tpu.memory_space<hbm>> -> memref<128xi32, #tpu.memory_space<hbm>>
        %dma_start3A_60 = tpu.memref_slice %arg4[%add3A_35] : memref<196608xi32, #tpu.memory_space<hbm>> -> memref<128xi32, #tpu.memory_space<hbm>>
        tpu.enqueue_dma source(%dma_start3A_60 : memref<128xi32, #tpu.memory_space<hbm>>) target(%arg9 : memref<128xi32, #tpu.memory_space<vmem>>) target_semaphore(%run_scoped3A : memref<!tpu.dma_semaphore, #tpu.memory_space<semaphore_mem>>)
        %dma_wait3A_61 = tpu.memref_slice %arg4[%add3A_35] : memref<196608xi32, #tpu.memory_space<hbm>> -> memref<128xi32, #tpu.memory_space<hbm>>
        %dma_wait3A_62 = tpu.memref_slice %arg4[%add3A_35] : memref<196608xi32, #tpu.memory_space<hbm>> -> memref<128xi32, #tpu.memory_space<hbm>>
        tpu.wait_dma2 semaphore(%run_scoped3A : memref<!tpu.dma_semaphore, #tpu.memory_space<semaphore_mem>>) src(%dma_wait3A_62 : memref<128xi32, #tpu.memory_space<hbm>>) dst(%arg9 : memref<128xi32, #tpu.memory_space<vmem>>)
        tpu.yield
      }) : () -> ()
      %dma_start3A_36 = tpu.memref_slice %arg7[%add3A_30] : memref<6144xi32, #tpu.memory_space<vmem>> -> memref<128xi32, #tpu.memory_space<vmem>>
      %dma_start3A_37 = arith.constant 0 : i32
      %dma_start3A_38 = arith.constant 0 : i32
      %dma_start3A_39 = tpu.memref_slice %arg2[%dma_start3A_37, %dma_start3A_38] : memref<10240x128xf32, #tpu.memory_space<hbm>> -> memref<10240x128xf32, #tpu.memory_space<hbm>>
      tpu.enqueue_indirect_dma source(%dma_start3A_39 : memref<10240x128xf32, #tpu.memory_space<hbm>>) target(%arg11 : memref<128x128xf32, #tpu.memory_space<vmem>>) offsets(%dma_start3A_36 : memref<128xi32, #tpu.memory_space<vmem>>) semaphore(%arg14 : memref<!tpu.dma_semaphore, #tpu.memory_space<semaphore_mem>>)
      %dma_wait3A = tpu.memref_slice %arg7[%multiple_of3A_28] : memref<6144xi32, #tpu.memory_space<vmem>> -> memref<128xi32, #tpu.memory_space<vmem>>
      %dma_wait3A_40 = arith.constant 0 : i32
      %dma_wait3A_41 = arith.constant 0 : i32
      %dma_wait3A_42 = tpu.memref_slice %arg2[%dma_wait3A_40, %dma_wait3A_41] : memref<10240x128xf32, #tpu.memory_space<hbm>> -> memref<10240x128xf32, #tpu.memory_space<hbm>>
      tpu.wait_indirect_dma semaphore(%arg13 : memref<!tpu.dma_semaphore, #tpu.memory_space<semaphore_mem>>) src(%dma_wait3A_42 : memref<10240x128xf32, #tpu.memory_space<hbm>>) dst(%arg10 : memref<128x128xf32, #tpu.memory_space<vmem>>)
      %dma_start3A_43 = arith.constant 0 : i32
      %dma_start3A_44 = arith.constant 0 : i32
      %dma_start3A_45 = tpu.memref_slice %arg12[%dma_start3A_43, %dma_start3A_44] : memref<10240x128xf32, #tpu.memory_space<vmem_shared>> -> memref<10240x128xf32, #tpu.memory_space<vmem_shared>>
      tpu.enqueue_indirect_dma source(%arg10 : memref<128x128xf32, #tpu.memory_space<vmem>>) target(%dma_start3A_45 : memref<10240x128xf32, #tpu.memory_space<vmem_shared>>) offsets(%arg8 : memref<128xi32, #tpu.memory_space<vmem>>) semaphore(%arg15 : memref<!tpu.dma_semaphore, #tpu.memory_space<semaphore_mem>>) {add = true}
      %dma_wait3A_46 = tpu.memref_slice %arg7[%add3A_30] : memref<6144xi32, #tpu.memory_space<vmem>> -> memref<128xi32, #tpu.memory_space<vmem>>
      %dma_wait3A_47 = arith.constant 0 : i32
      %dma_wait3A_48 = arith.constant 0 : i32
      %dma_wait3A_49 = tpu.memref_slice %arg2[%dma_wait3A_47, %dma_wait3A_48] : memref<10240x128xf32, #tpu.memory_space<hbm>> -> memref<10240x128xf32, #tpu.memory_space<hbm>>
      tpu.wait_indirect_dma semaphore(%arg14 : memref<!tpu.dma_semaphore, #tpu.memory_space<semaphore_mem>>) src(%dma_wait3A_49 : memref<10240x128xf32, #tpu.memory_space<hbm>>) dst(%arg11 : memref<128x128xf32, #tpu.memory_space<vmem>>)
      %dma_start3A_50 = arith.constant 0 : i32
      %dma_start3A_51 = arith.constant 0 : i32
      %dma_start3A_52 = tpu.memref_slice %arg12[%dma_start3A_50, %dma_start3A_51] : memref<10240x128xf32, #tpu.memory_space<vmem_shared>> -> memref<10240x128xf32, #tpu.memory_space<vmem_shared>>
      tpu.enqueue_indirect_dma source(%arg11 : memref<128x128xf32, #tpu.memory_space<vmem>>) target(%dma_start3A_52 : memref<10240x128xf32, #tpu.memory_space<vmem_shared>>) offsets(%arg9 : memref<128xi32, #tpu.memory_space<vmem>>) semaphore(%arg16 : memref<!tpu.dma_semaphore, #tpu.memory_space<semaphore_mem>>) {add = true}
      %dma_wait3A_53 = arith.constant 0 : i32
      %dma_wait3A_54 = arith.constant 0 : i32
      %dma_wait3A_55 = tpu.memref_slice %arg12[%dma_wait3A_53, %dma_wait3A_54] : memref<10240x128xf32, #tpu.memory_space<vmem_shared>> -> memref<10240x128xf32, #tpu.memory_space<vmem_shared>>
      tpu.wait_indirect_dma semaphore(%arg15 : memref<!tpu.dma_semaphore, #tpu.memory_space<semaphore_mem>>) src(%arg10 : memref<128x128xf32, #tpu.memory_space<vmem>>) dst(%dma_wait3A_55 : memref<10240x128xf32, #tpu.memory_space<vmem_shared>>)
      %dma_wait3A_56 = arith.constant 0 : i32
      %dma_wait3A_57 = arith.constant 0 : i32
      %dma_wait3A_58 = tpu.memref_slice %arg12[%dma_wait3A_56, %dma_wait3A_57] : memref<10240x128xf32, #tpu.memory_space<vmem_shared>> -> memref<10240x128xf32, #tpu.memory_space<vmem_shared>>
      tpu.wait_indirect_dma semaphore(%arg16 : memref<!tpu.dma_semaphore, #tpu.memory_space<semaphore_mem>>) src(%arg11 : memref<128x128xf32, #tpu.memory_space<vmem>>) dst(%dma_wait3A_58 : memref<10240x128xf32, #tpu.memory_space<vmem_shared>>)
    }
    %scan3A_11 = arith.constant 24 : i32
    %barrier3A_12 = arith.constant 0 : index
    tpu.barrier barrier_id(%barrier3A_12)
    %mul3A_13 = arith.constant 1 : i32
    %mul3A_14 = arith.muli %arg0, %mul3A_13 : i32
    %add3A_15 = arith.constant 0 : i32
    %add3A_16 = arith.addi %mul3A_14, %add3A_15 : i32
    %mul3A_17 = arith.constant 10240 : i32
    %mul3A_18 = arith.muli %add3A_16, %mul3A_17 : i32
    %add3A_19 = arith.addi %mul3A_18, %multiple_of3A : i32
    %multiple_of3A_20 = tpu.assume_multiple %add3A_19, 640 : i32
    "tpu.region"() ({
      %run_scoped3A = tpu.sem_alloc : memref<!tpu.dma_semaphore, #tpu.memory_space<semaphore_mem>>
      %dma_start3A = arith.constant 0 : i32
      %dma_start3A_21 = tpu.memref_slice %arg6[%multiple_of3A_20, %dma_start3A] : memref<20480x128xf32, #tpu.memory_space<hbm>> -> memref<640x128xf32, #tpu.memory_space<hbm>>
      %dma_start3A_22 = arith.constant 0 : i32
      %dma_start3A_23 = tpu.memref_slice %arg12[%multiple_of3A, %dma_start3A_22] : memref<10240x128xf32, #tpu.memory_space<vmem_shared>> -> memref<640x128xf32, #tpu.memory_space<vmem_shared>>
      tpu.enqueue_dma source(%dma_start3A_23 : memref<640x128xf32, #tpu.memory_space<vmem_shared>>) target(%dma_start3A_21 : memref<640x128xf32, #tpu.memory_space<hbm>>) target_semaphore(%run_scoped3A : memref<!tpu.dma_semaphore, #tpu.memory_space<semaphore_mem>>)
      %dma_wait3A = arith.constant 0 : i32
      %dma_wait3A_24 = tpu.memref_slice %arg6[%multiple_of3A_20, %dma_wait3A] : memref<20480x128xf32, #tpu.memory_space<hbm>> -> memref<640x128xf32, #tpu.memory_space<hbm>>
      %dma_wait3A_25 = arith.constant 0 : i32
      %dma_wait3A_26 = tpu.memref_slice %arg12[%multiple_of3A, %dma_wait3A_25] : memref<10240x128xf32, #tpu.memory_space<vmem_shared>> -> memref<640x128xf32, #tpu.memory_space<vmem_shared>>
      tpu.wait_dma2 semaphore(%run_scoped3A : memref<!tpu.dma_semaphore, #tpu.memory_space<semaphore_mem>>) src(%dma_wait3A_26 : memref<640x128xf32, #tpu.memory_space<vmem_shared>>) dst(%dma_wait3A_24 : memref<640x128xf32, #tpu.memory_space<hbm>>)
      tpu.yield
    }) : () -> ()
    return
  }
}

#map = affine_map<(d0, d1) -> (0, 0)>
#map1 = affine_map<(d0, d1) -> (0)>
module attributes {stable_mosaic.version = 14 : i64} {
  func.func @spmm(%arg0: i32, %arg1: i32, %arg2: memref<10240x128xf32, #tpu.memory_space<hbm>>, %arg3: memref<196608xi32, #tpu.memory_space<hbm>>, %arg4: memref<196608xi32, #tpu.memory_space<hbm>>, %arg5: memref<640x128xf32, #tpu.memory_space<hbm>>, %arg6: memref<20480x128xf32, #tpu.memory_space<hbm>>, %arg7: memref<6144xi32, #tpu.memory_space<vmem>>, %arg8: memref<128xi32, #tpu.memory_space<vmem>>, %arg9: memref<128xi32, #tpu.memory_space<vmem>>, %arg10: memref<128x128xf32, #tpu.memory_space<vmem>>, %arg11: memref<128x128xf32, #tpu.memory_space<vmem>>, %arg12: memref<10240x128xf32, #tpu.memory_space<vmem_shared>>, %arg13: memref<!tpu.dma_semaphore, #tpu.memory_space<semaphore_mem>>, %arg14: memref<!tpu.dma_semaphore, #tpu.memory_space<semaphore_mem>>, %arg15: memref<!tpu.dma_semaphore, #tpu.memory_space<semaphore_mem>>, %arg16: memref<!tpu.dma_semaphore, #tpu.memory_space<semaphore_mem>>) attributes {dimension_semantics = [#tpu.dimension_semantics<core_parallel>, #tpu.dimension_semantics<subcore_parallel>], iteration_bounds = array<i64: 2, 16>, scalar_prefetch = 0 : i64, scratch_operands = 10 : i64, tpu.core_type = #tpu.core_type<sc_vector_subcore>, window_params = [{transform_indices = #map}, {transform_indices = #map1}, {transform_indices = #map1}, {transform_indices = #map}, {transform_indices = #map}]} {
    %mul3A = arith.constant 2 : i32
    %mul3A_0 = arith.muli %arg1, %mul3A : i32
    %add3A = arith.addi %mul3A_0, %arg0 : i32
    %mul3A_1 = arith.constant 640 : i32
    %mul3A_2 = arith.muli %arg1, %mul3A_1 : i32
    %multiple_of3A = tpu.assume_multiple %mul3A_2, 640 : i32
    "tpu.region"() ({
      %run_scoped3A = tpu.sem_alloc : memref<!tpu.dma_semaphore, #tpu.memory_space<semaphore_mem>>
      %dma_start3A = arith.constant 0 : i32
      %dma_start3A_21 = tpu.memref_slice %arg12[%multiple_of3A, %dma_start3A] : memref<10240x128xf32, #tpu.memory_space<vmem_shared>> -> memref<640x128xf32, #tpu.memory_space<vmem_shared>>
      tpu.enqueue_dma source(%arg5 : memref<640x128xf32, #tpu.memory_space<hbm>>) target(%dma_start3A_21 : memref<640x128xf32, #tpu.memory_space<vmem_shared>>) target_semaphore(%run_scoped3A : memref<!tpu.dma_semaphore, #tpu.memory_space<semaphore_mem>>)
      %dma_wait3A = arith.constant 0 : i32
      %dma_wait3A_22 = tpu.memref_slice %arg12[%multiple_of3A, %dma_wait3A] : memref<10240x128xf32, #tpu.memory_space<vmem_shared>> -> memref<640x128xf32, #tpu.memory_space<vmem_shared>>
      tpu.wait_dma2 semaphore(%run_scoped3A : memref<!tpu.dma_semaphore, #tpu.memory_space<semaphore_mem>>) src(%arg5 : memref<640x128xf32, #tpu.memory_space<hbm>>) dst(%dma_wait3A_22 : memref<640x128xf32, #tpu.memory_space<vmem_shared>>)
      tpu.yield
    }) : () -> ()
    %add3A_3 = arith.constant 0 : i32
    %add3A_4 = arith.addi %add3A_3, %add3A : i32
    %mul3A_5 = arith.constant 6144 : i32
    %mul3A_6 = arith.muli %add3A_4, %mul3A_5 : i32
    %multiple_of3A_7 = tpu.assume_multiple %mul3A_6, 6144 : i32
    "tpu.region"() ({
      %run_scoped3A = tpu.sem_alloc : memref<!tpu.dma_semaphore, #tpu.memory_space<semaphore_mem>>
      %dma_start3A = tpu.memref_slice %arg3[%multiple_of3A_7] : memref<196608xi32, #tpu.memory_space<hbm>> -> memref<6144xi32, #tpu.memory_space<hbm>>
      %dma_start3A_21 = tpu.memref_slice %arg3[%multiple_of3A_7] : memref<196608xi32, #tpu.memory_space<hbm>> -> memref<6144xi32, #tpu.memory_space<hbm>>
      tpu.enqueue_dma source(%dma_start3A_21 : memref<6144xi32, #tpu.memory_space<hbm>>) target(%arg7 : memref<6144xi32, #tpu.memory_space<vmem>>) target_semaphore(%run_scoped3A : memref<!tpu.dma_semaphore, #tpu.memory_space<semaphore_mem>>)
      %dma_wait3A = tpu.memref_slice %arg3[%multiple_of3A_7] : memref<196608xi32, #tpu.memory_space<hbm>> -> memref<6144xi32, #tpu.memory_space<hbm>>
      %dma_wait3A_22 = tpu.memref_slice %arg3[%multiple_of3A_7] : memref<196608xi32, #tpu.memory_space<hbm>> -> memref<6144xi32, #tpu.memory_space<hbm>>
      tpu.wait_dma2 semaphore(%run_scoped3A : memref<!tpu.dma_semaphore, #tpu.memory_space<semaphore_mem>>) src(%dma_wait3A_22 : memref<6144xi32, #tpu.memory_space<hbm>>) dst(%arg7 : memref<6144xi32, #tpu.memory_space<vmem>>)
      tpu.yield
    }) : () -> ()
    %barrier3A = arith.constant 0 : index
    tpu.barrier barrier_id(%barrier3A)
    %scan3A = arith.constant 0 : i32
    %scan3A_8 = arith.constant 24 : i32
    %scan3A_9 = arith.addi %scan3A, %scan3A_8 : i32
    %scan3A_10 = arith.constant 1 : i32
    scf.for %scan3A_21 = %scan3A to %scan3A_9 step %scan3A_10  : i32 {
      %mul3A_22 = arith.constant 1 : i32
      %mul3A_23 = arith.muli %scan3A_21, %mul3A_22 : i32
      %add3A_24 = arith.constant 0 : i32
      %add3A_25 = arith.addi %add3A_24, %mul3A_23 : i32
      %mul3A_26 = arith.constant 256 : i32
      %mul3A_27 = arith.muli %add3A_25, %mul3A_26 : i32
      %multiple_of3A_28 = tpu.assume_multiple %mul3A_27, 256 : i32
      %add3A_29 = arith.constant 128 : i32
      %add3A_30 = arith.addi %multiple_of3A_28, %add3A_29 : i32
      %add3A_31 = arith.addi %multiple_of3A_7, %multiple_of3A_28 : i32
      "tpu.region"() ({
        %run_scoped3A = tpu.sem_alloc : memref<!tpu.dma_semaphore, #tpu.memory_space<semaphore_mem>>
        %dma_start3A_59 = tpu.memref_slice %arg4[%add3A_31] : memref<196608xi32, #tpu.memory_space<hbm>> -> memref<128xi32, #tpu.memory_space<hbm>>
        %dma_start3A_60 = tpu.memref_slice %arg4[%add3A_31] : memref<196608xi32, #tpu.memory_space<hbm>> -> memref<128xi32, #tpu.memory_space<hbm>>
        tpu.enqueue_dma source(%dma_start3A_60 : memref<128xi32, #tpu.memory_space<hbm>>) target(%arg8 : memref<128xi32, #tpu.memory_space<vmem>>) target_semaphore(%run_scoped3A : memref<!tpu.dma_semaphore, #tpu.memory_space<semaphore_mem>>)
        %dma_wait3A_61 = tpu.memref_slice %arg4[%add3A_31] : memref<196608xi32, #tpu.memory_space<hbm>> -> memref<128xi32, #tpu.memory_space<hbm>>
        %dma_wait3A_62 = tpu.memref_slice %arg4[%add3A_31] : memref<196608xi32, #tpu.memory_space<hbm>> -> memref<128xi32, #tpu.memory_space<hbm>>
        tpu.wait_dma2 semaphore(%run_scoped3A : memref<!tpu.dma_semaphore, #tpu.memory_space<semaphore_mem>>) src(%dma_wait3A_62 : memref<128xi32, #tpu.memory_space<hbm>>) dst(%arg8 : memref<128xi32, #tpu.memory_space<vmem>>)
        tpu.yield
      }) : () -> ()
      %dma_start3A = tpu.memref_slice %arg7[%multiple_of3A_28] : memref<6144xi32, #tpu.memory_space<vmem>> -> memref<128xi32, #tpu.memory_space<vmem>>
      %dma_start3A_32 = arith.constant 0 : i32
      %dma_start3A_33 = arith.constant 0 : i32
      %dma_start3A_34 = tpu.memref_slice %arg2[%dma_start3A_32, %dma_start3A_33] : memref<10240x128xf32, #tpu.memory_space<hbm>> -> memref<10240x128xf32, #tpu.memory_space<hbm>>
      tpu.enqueue_indirect_dma source(%dma_start3A_34 : memref<10240x128xf32, #tpu.memory_space<hbm>>) target(%arg10 : memref<128x128xf32, #tpu.memory_space<vmem>>) offsets(%dma_start3A : memref<128xi32, #tpu.memory_space<vmem>>) semaphore(%arg13 : memref<!tpu.dma_semaphore, #tpu.memory_space<semaphore_mem>>)
      %add3A_35 = arith.addi %multiple_of3A_7, %add3A_30 : i32
      "tpu.region"() ({
        %run_scoped3A = tpu.sem_alloc : memref<!tpu.dma_semaphore, #tpu.memory_space<semaphore_mem>>
        %dma_start3A_59 = tpu.memref_slice %arg4[%add3A_35] : memref<196608xi32, #tpu.memory_space<hbm>> -> memref<128xi32, #tpu.memory_space<hbm>>
        %dma_start3A_60 = tpu.memref_slice %arg4[%add3A_35] : memref<196608xi32, #tpu.memory_space<hbm>> -> memref<128xi32, #tpu.memory_space<hbm>>
        tpu.enqueue_dma source(%dma_start3A_60 : memref<128xi32, #tpu.memory_space<hbm>>) target(%arg9 : memref<128xi32, #tpu.memory_space<vmem>>) target_semaphore(%run_scoped3A : memref<!tpu.dma_semaphore, #tpu.memory_space<semaphore_mem>>)
        %dma_wait3A_61 = tpu.memref_slice %arg4[%add3A_35] : memref<196608xi32, #tpu.memory_space<hbm>> -> memref<128xi32, #tpu.memory_space<hbm>>
        %dma_wait3A_62 = tpu.memref_slice %arg4[%add3A_35] : memref<196608xi32, #tpu.memory_space<hbm>> -> memref<128xi32, #tpu.memory_space<hbm>>
        tpu.wait_dma2 semaphore(%run_scoped3A : memref<!tpu.dma_semaphore, #tpu.memory_space<semaphore_mem>>) src(%dma_wait3A_62 : memref<128xi32, #tpu.memory_space<hbm>>) dst(%arg9 : memref<128xi32, #tpu.memory_space<vmem>>)
        tpu.yield
      }) : () -> ()
      %dma_start3A_36 = tpu.memref_slice %arg7[%add3A_30] : memref<6144xi32, #tpu.memory_space<vmem>> -> memref<128xi32, #tpu.memory_space<vmem>>
      %dma_start3A_37 = arith.constant 0 : i32
      %dma_start3A_38 = arith.constant 0 : i32
      %dma_start3A_39 = tpu.memref_slice %arg2[%dma_start3A_37, %dma_start3A_38] : memref<10240x128xf32, #tpu.memory_space<hbm>> -> memref<10240x128xf32, #tpu.memory_space<hbm>>
      tpu.enqueue_indirect_dma source(%dma_start3A_39 : memref<10240x128xf32, #tpu.memory_space<hbm>>) target(%arg11 : memref<128x128xf32, #tpu.memory_space<vmem>>) offsets(%dma_start3A_36 : memref<128xi32, #tpu.memory_space<vmem>>) semaphore(%arg14 : memref<!tpu.dma_semaphore, #tpu.memory_space<semaphore_mem>>)
      %dma_wait3A = tpu.memref_slice %arg7[%multiple_of3A_28] : memref<6144xi32, #tpu.memory_space<vmem>> -> memref<128xi32, #tpu.memory_space<vmem>>
      %dma_wait3A_40 = arith.constant 0 : i32
      %dma_wait3A_41 = arith.constant 0 : i32
      %dma_wait3A_42 = tpu.memref_slice %arg2[%dma_wait3A_40, %dma_wait3A_41] : memref<10240x128xf32, #tpu.memory_space<hbm>> -> memref<10240x128xf32, #tpu.memory_space<hbm>>
      tpu.wait_indirect_dma semaphore(%arg13 : memref<!tpu.dma_semaphore, #tpu.memory_space<semaphore_mem>>) src(%dma_wait3A_42 : memref<10240x128xf32, #tpu.memory_space<hbm>>) dst(%arg10 : memref<128x128xf32, #tpu.memory_space<vmem>>)
      %dma_start3A_43 = arith.constant 0 : i32
      %dma_start3A_44 = arith.constant 0 : i32
      %dma_start3A_45 = tpu.memref_slice %arg12[%dma_start3A_43, %dma_start3A_44] : memref<10240x128xf32, #tpu.memory_space<vmem_shared>> -> memref<10240x128xf32, #tpu.memory_space<vmem_shared>>
      tpu.enqueue_indirect_dma source(%arg10 : memref<128x128xf32, #tpu.memory_space<vmem>>) target(%dma_start3A_45 : memref<10240x128xf32, #tpu.memory_space<vmem_shared>>) offsets(%arg8 : memref<128xi32, #tpu.memory_space<vmem>>) semaphore(%arg15 : memref<!tpu.dma_semaphore, #tpu.memory_space<semaphore_mem>>) {add = true}
      %dma_wait3A_46 = tpu.memref_slice %arg7[%add3A_30] : memref<6144xi32, #tpu.memory_space<vmem>> -> memref<128xi32, #tpu.memory_space<vmem>>
      %dma_wait3A_47 = arith.constant 0 : i32
      %dma_wait3A_48 = arith.constant 0 : i32
      %dma_wait3A_49 = tpu.memref_slice %arg2[%dma_wait3A_47, %dma_wait3A_48] : memref<10240x128xf32, #tpu.memory_space<hbm>> -> memref<10240x128xf32, #tpu.memory_space<hbm>>
      tpu.wait_indirect_dma semaphore(%arg14 : memref<!tpu.dma_semaphore, #tpu.memory_space<semaphore_mem>>) src(%dma_wait3A_49 : memref<10240x128xf32, #tpu.memory_space<hbm>>) dst(%arg11 : memref<128x128xf32, #tpu.memory_space<vmem>>)
      %dma_start3A_50 = arith.constant 0 : i32
      %dma_start3A_51 = arith.constant 0 : i32
      %dma_start3A_52 = tpu.memref_slice %arg12[%dma_start3A_50, %dma_start3A_51] : memref<10240x128xf32, #tpu.memory_space<vmem_shared>> -> memref<10240x128xf32, #tpu.memory_space<vmem_shared>>
      tpu.enqueue_indirect_dma source(%arg11 : memref<128x128xf32, #tpu.memory_space<vmem>>) target(%dma_start3A_52 : memref<10240x128xf32, #tpu.memory_space<vmem_shared>>) offsets(%arg9 : memref<128xi32, #tpu.memory_space<vmem>>) semaphore(%arg16 : memref<!tpu.dma_semaphore, #tpu.memory_space<semaphore_mem>>) {add = true}
      %dma_wait3A_53 = arith.constant 0 : i32
      %dma_wait3A_54 = arith.constant 0 : i32
      %dma_wait3A_55 = tpu.memref_slice %arg12[%dma_wait3A_53, %dma_wait3A_54] : memref<10240x128xf32, #tpu.memory_space<vmem_shared>> -> memref<10240x128xf32, #tpu.memory_space<vmem_shared>>
      tpu.wait_indirect_dma semaphore(%arg15 : memref<!tpu.dma_semaphore, #tpu.memory_space<semaphore_mem>>) src(%arg10 : memref<128x128xf32, #tpu.memory_space<vmem>>) dst(%dma_wait3A_55 : memref<10240x128xf32, #tpu.memory_space<vmem_shared>>)
      %dma_wait3A_56 = arith.constant 0 : i32
      %dma_wait3A_57 = arith.constant 0 : i32
      %dma_wait3A_58 = tpu.memref_slice %arg12[%dma_wait3A_56, %dma_wait3A_57] : memref<10240x128xf32, #tpu.memory_space<vmem_shared>> -> memref<10240x128xf32, #tpu.memory_space<vmem_shared>>
      tpu.wait_indirect_dma semaphore(%arg16 : memref<!tpu.dma_semaphore, #tpu.memory_space<semaphore_mem>>) src(%arg11 : memref<128x128xf32, #tpu.memory_space<vmem>>) dst(%dma_wait3A_58 : memref<10240x128xf32, #tpu.memory_space<vmem_shared>>)
    }
    %scan3A_11 = arith.constant 24 : i32
    %barrier3A_12 = arith.constant 0 : index
    tpu.barrier barrier_id(%barrier3A_12)
    %mul3A_13 = arith.constant 1 : i32
    %mul3A_14 = arith.muli %arg0, %mul3A_13 : i32
    %add3A_15 = arith.constant 0 : i32
    %add3A_16 = arith.addi %mul3A_14, %add3A_15 : i32
    %mul3A_17 = arith.constant 10240 : i32
    %mul3A_18 = arith.muli %add3A_16, %mul3A_17 : i32
    %add3A_19 = arith.addi %mul3A_18, %multiple_of3A : i32
    %multiple_of3A_20 = tpu.assume_multiple %add3A_19, 640 : i32
    "tpu.region"() ({
      %run_scoped3A = tpu.sem_alloc : memref<!tpu.dma_semaphore, #tpu.memory_space<semaphore_mem>>
      %dma_start3A = arith.constant 0 : i32
      %dma_start3A_21 = tpu.memref_slice %arg6[%multiple_of3A_20, %dma_start3A] : memref<20480x128xf32, #tpu.memory_space<hbm>> -> memref<640x128xf32, #tpu.memory_space<hbm>>
      %dma_start3A_22 = arith.constant 0 : i32
      %dma_start3A_23 = tpu.memref_slice %arg12[%multiple_of3A, %dma_start3A_22] : memref<10240x128xf32, #tpu.memory_space<vmem_shared>> -> memref<640x128xf32, #tpu.memory_space<vmem_shared>>
      tpu.enqueue_dma source(%dma_start3A_23 : memref<640x128xf32, #tpu.memory_space<vmem_shared>>) target(%dma_start3A_21 : memref<640x128xf32, #tpu.memory_space<hbm>>) target_semaphore(%run_scoped3A : memref<!tpu.dma_semaphore, #tpu.memory_space<semaphore_mem>>)
      %dma_wait3A = arith.constant 0 : i32
      %dma_wait3A_24 = tpu.memref_slice %arg6[%multiple_of3A_20, %dma_wait3A] : memref<20480x128xf32, #tpu.memory_space<hbm>> -> memref<640x128xf32, #tpu.memory_space<hbm>>
      %dma_wait3A_25 = arith.constant 0 : i32
      %dma_wait3A_26 = tpu.memref_slice %arg12[%multiple_of3A, %dma_wait3A_25] : memref<10240x128xf32, #tpu.memory_space<vmem_shared>> -> memref<640x128xf32, #tpu.memory_space<vmem_shared>>
      tpu.wait_dma2 semaphore(%run_scoped3A : memref<!tpu.dma_semaphore, #tpu.memory_space<semaphore_mem>>) src(%dma_wait3A_26 : memref<640x128xf32, #tpu.memory_space<vmem_shared>>) dst(%dma_wait3A_24 : memref<640x128xf32, #tpu.memory_space<hbm>>)
      tpu.yield
    }) : () -> ()
    return
  }
}

#map = affine_map<(d0, d1) -> (0, 0)>
#map1 = affine_map<(d0, d1) -> (0)>
module attributes {stable_mosaic.version = 14 : i64} {
  func.func @spmm(%arg0: i32, %arg1: i32, %arg2: memref<10240x128xf32, #tpu.memory_space<hbm>>, %arg3: memref<196608xi32, #tpu.memory_space<hbm>>, %arg4: memref<196608xi32, #tpu.memory_space<hbm>>, %arg5: memref<640x128xf32, #tpu.memory_space<hbm>>, %arg6: memref<20480x128xf32, #tpu.memory_space<hbm>>, %arg7: memref<6144xi32, #tpu.memory_space<vmem>>, %arg8: memref<128xi32, #tpu.memory_space<vmem>>, %arg9: memref<128xi32, #tpu.memory_space<vmem>>, %arg10: memref<128x128xf32, #tpu.memory_space<vmem>>, %arg11: memref<128x128xf32, #tpu.memory_space<vmem>>, %arg12: memref<10240x128xf32, #tpu.memory_space<vmem_shared>>, %arg13: memref<!tpu.dma_semaphore, #tpu.memory_space<semaphore_mem>>, %arg14: memref<!tpu.dma_semaphore, #tpu.memory_space<semaphore_mem>>, %arg15: memref<!tpu.dma_semaphore, #tpu.memory_space<semaphore_mem>>, %arg16: memref<!tpu.dma_semaphore, #tpu.memory_space<semaphore_mem>>) attributes {dimension_semantics = [#tpu.dimension_semantics<core_parallel>, #tpu.dimension_semantics<subcore_parallel>], iteration_bounds = array<i64: 2, 16>, scalar_prefetch = 0 : i64, scratch_operands = 10 : i64, tpu.core_type = #tpu.core_type<sc_vector_subcore>, window_params = [{transform_indices = #map}, {transform_indices = #map1}, {transform_indices = #map1}, {transform_indices = #map}, {transform_indices = #map}]} {
    %mul3A = arith.constant 2 : i32
    %mul3A_0 = arith.muli %arg1, %mul3A : i32
    %add3A = arith.addi %mul3A_0, %arg0 : i32
    %mul3A_1 = arith.constant 640 : i32
    %mul3A_2 = arith.muli %arg1, %mul3A_1 : i32
    %multiple_of3A = tpu.assume_multiple %mul3A_2, 640 : i32
    "tpu.region"() ({
      %run_scoped3A = tpu.sem_alloc : memref<!tpu.dma_semaphore, #tpu.memory_space<semaphore_mem>>
      %dma_start3A = arith.constant 0 : i32
      %dma_start3A_21 = tpu.memref_slice %arg12[%multiple_of3A, %dma_start3A] : memref<10240x128xf32, #tpu.memory_space<vmem_shared>> -> memref<640x128xf32, #tpu.memory_space<vmem_shared>>
      tpu.enqueue_dma source(%arg5 : memref<640x128xf32, #tpu.memory_space<hbm>>) target(%dma_start3A_21 : memref<640x128xf32, #tpu.memory_space<vmem_shared>>) target_semaphore(%run_scoped3A : memref<!tpu.dma_semaphore, #tpu.memory_space<semaphore_mem>>)
      %dma_wait3A = arith.constant 0 : i32
      %dma_wait3A_22 = tpu.memref_slice %arg12[%multiple_of3A, %dma_wait3A] : memref<10240x128xf32, #tpu.memory_space<vmem_shared>> -> memref<640x128xf32, #tpu.memory_space<vmem_shared>>
      tpu.wait_dma2 semaphore(%run_scoped3A : memref<!tpu.dma_semaphore, #tpu.memory_space<semaphore_mem>>) src(%arg5 : memref<640x128xf32, #tpu.memory_space<hbm>>) dst(%dma_wait3A_22 : memref<640x128xf32, #tpu.memory_space<vmem_shared>>)
      tpu.yield
    }) : () -> ()
    %add3A_3 = arith.constant 0 : i32
    %add3A_4 = arith.addi %add3A_3, %add3A : i32
    %mul3A_5 = arith.constant 6144 : i32
    %mul3A_6 = arith.muli %add3A_4, %mul3A_5 : i32
    %multiple_of3A_7 = tpu.assume_multiple %mul3A_6, 6144 : i32
    "tpu.region"() ({
      %run_scoped3A = tpu.sem_alloc : memref<!tpu.dma_semaphore, #tpu.memory_space<semaphore_mem>>
      %dma_start3A = tpu.memref_slice %arg3[%multiple_of3A_7] : memref<196608xi32, #tpu.memory_space<hbm>> -> memref<6144xi32, #tpu.memory_space<hbm>>
      %dma_start3A_21 = tpu.memref_slice %arg3[%multiple_of3A_7] : memref<196608xi32, #tpu.memory_space<hbm>> -> memref<6144xi32, #tpu.memory_space<hbm>>
      tpu.enqueue_dma source(%dma_start3A_21 : memref<6144xi32, #tpu.memory_space<hbm>>) target(%arg7 : memref<6144xi32, #tpu.memory_space<vmem>>) target_semaphore(%run_scoped3A : memref<!tpu.dma_semaphore, #tpu.memory_space<semaphore_mem>>)
      %dma_wait3A = tpu.memref_slice %arg3[%multiple_of3A_7] : memref<196608xi32, #tpu.memory_space<hbm>> -> memref<6144xi32, #tpu.memory_space<hbm>>
      %dma_wait3A_22 = tpu.memref_slice %arg3[%multiple_of3A_7] : memref<196608xi32, #tpu.memory_space<hbm>> -> memref<6144xi32, #tpu.memory_space<hbm>>
      tpu.wait_dma2 semaphore(%run_scoped3A : memref<!tpu.dma_semaphore, #tpu.memory_space<semaphore_mem>>) src(%dma_wait3A_22 : memref<6144xi32, #tpu.memory_space<hbm>>) dst(%arg7 : memref<6144xi32, #tpu.memory_space<vmem>>)
      tpu.yield
    }) : () -> ()
    %barrier3A = arith.constant 0 : index
    tpu.barrier barrier_id(%barrier3A)
    %scan3A = arith.constant 0 : i32
    %scan3A_8 = arith.constant 24 : i32
    %scan3A_9 = arith.addi %scan3A, %scan3A_8 : i32
    %scan3A_10 = arith.constant 1 : i32
    scf.for %scan3A_21 = %scan3A to %scan3A_9 step %scan3A_10  : i32 {
      %mul3A_22 = arith.constant 1 : i32
      %mul3A_23 = arith.muli %scan3A_21, %mul3A_22 : i32
      %add3A_24 = arith.constant 0 : i32
      %add3A_25 = arith.addi %add3A_24, %mul3A_23 : i32
      %mul3A_26 = arith.constant 256 : i32
      %mul3A_27 = arith.muli %add3A_25, %mul3A_26 : i32
      %multiple_of3A_28 = tpu.assume_multiple %mul3A_27, 256 : i32
      %add3A_29 = arith.constant 128 : i32
      %add3A_30 = arith.addi %multiple_of3A_28, %add3A_29 : i32
      %add3A_31 = arith.addi %multiple_of3A_7, %multiple_of3A_28 : i32
      "tpu.region"() ({
        %run_scoped3A = tpu.sem_alloc : memref<!tpu.dma_semaphore, #tpu.memory_space<semaphore_mem>>
        %dma_start3A_59 = tpu.memref_slice %arg4[%add3A_31] : memref<196608xi32, #tpu.memory_space<hbm>> -> memref<128xi32, #tpu.memory_space<hbm>>
        %dma_start3A_60 = tpu.memref_slice %arg4[%add3A_31] : memref<196608xi32, #tpu.memory_space<hbm>> -> memref<128xi32, #tpu.memory_space<hbm>>
        tpu.enqueue_dma source(%dma_start3A_60 : memref<128xi32, #tpu.memory_space<hbm>>) target(%arg8 : memref<128xi32, #tpu.memory_space<vmem>>) target_semaphore(%run_scoped3A : memref<!tpu.dma_semaphore, #tpu.memory_space<semaphore_mem>>)
        %dma_wait3A_61 = tpu.memref_slice %arg4[%add3A_31] : memref<196608xi32, #tpu.memory_space<hbm>> -> memref<128xi32, #tpu.memory_space<hbm>>
        %dma_wait3A_62 = tpu.memref_slice %arg4[%add3A_31] : memref<196608xi32, #tpu.memory_space<hbm>> -> memref<128xi32, #tpu.memory_space<hbm>>
        tpu.wait_dma2 semaphore(%run_scoped3A : memref<!tpu.dma_semaphore, #tpu.memory_space<semaphore_mem>>) src(%dma_wait3A_62 : memref<128xi32, #tpu.memory_space<hbm>>) dst(%arg8 : memref<128xi32, #tpu.memory_space<vmem>>)
        tpu.yield
      }) : () -> ()
      %dma_start3A = tpu.memref_slice %arg7[%multiple_of3A_28] : memref<6144xi32, #tpu.memory_space<vmem>> -> memref<128xi32, #tpu.memory_space<vmem>>
      %dma_start3A_32 = arith.constant 0 : i32
      %dma_start3A_33 = arith.constant 0 : i32
      %dma_start3A_34 = tpu.memref_slice %arg2[%dma_start3A_32, %dma_start3A_33] : memref<10240x128xf32, #tpu.memory_space<hbm>> -> memref<10240x128xf32, #tpu.memory_space<hbm>>
      tpu.enqueue_indirect_dma source(%dma_start3A_34 : memref<10240x128xf32, #tpu.memory_space<hbm>>) target(%arg10 : memref<128x128xf32, #tpu.memory_space<vmem>>) offsets(%dma_start3A : memref<128xi32, #tpu.memory_space<vmem>>) semaphore(%arg13 : memref<!tpu.dma_semaphore, #tpu.memory_space<semaphore_mem>>)
      %add3A_35 = arith.addi %multiple_of3A_7, %add3A_30 : i32
      "tpu.region"() ({
        %run_scoped3A = tpu.sem_alloc : memref<!tpu.dma_semaphore, #tpu.memory_space<semaphore_mem>>
        %dma_start3A_59 = tpu.memref_slice %arg4[%add3A_35] : memref<196608xi32, #tpu.memory_space<hbm>> -> memref<128xi32, #tpu.memory_space<hbm>>
        %dma_start3A_60 = tpu.memref_slice %arg4[%add3A_35] : memref<196608xi32, #tpu.memory_space<hbm>> -> memref<128xi32, #tpu.memory_space<hbm>>
        tpu.enqueue_dma source(%dma_start3A_60 : memref<128xi32, #tpu.memory_space<hbm>>) target(%arg9 : memref<128xi32, #tpu.memory_space<vmem>>) target_semaphore(%run_scoped3A : memref<!tpu.dma_semaphore, #tpu.memory_space<semaphore_mem>>)
        %dma_wait3A_61 = tpu.memref_slice %arg4[%add3A_35] : memref<196608xi32, #tpu.memory_space<hbm>> -> memref<128xi32, #tpu.memory_space<hbm>>
        %dma_wait3A_62 = tpu.memref_slice %arg4[%add3A_35] : memref<196608xi32, #tpu.memory_space<hbm>> -> memref<128xi32, #tpu.memory_space<hbm>>
        tpu.wait_dma2 semaphore(%run_scoped3A : memref<!tpu.dma_semaphore, #tpu.memory_space<semaphore_mem>>) src(%dma_wait3A_62 : memref<128xi32, #tpu.memory_space<hbm>>) dst(%arg9 : memref<128xi32, #tpu.memory_space<vmem>>)
        tpu.yield
      }) : () -> ()
      %dma_start3A_36 = tpu.memref_slice %arg7[%add3A_30] : memref<6144xi32, #tpu.memory_space<vmem>> -> memref<128xi32, #tpu.memory_space<vmem>>
      %dma_start3A_37 = arith.constant 0 : i32
      %dma_start3A_38 = arith.constant 0 : i32
      %dma_start3A_39 = tpu.memref_slice %arg2[%dma_start3A_37, %dma_start3A_38] : memref<10240x128xf32, #tpu.memory_space<hbm>> -> memref<10240x128xf32, #tpu.memory_space<hbm>>
      tpu.enqueue_indirect_dma source(%dma_start3A_39 : memref<10240x128xf32, #tpu.memory_space<hbm>>) target(%arg11 : memref<128x128xf32, #tpu.memory_space<vmem>>) offsets(%dma_start3A_36 : memref<128xi32, #tpu.memory_space<vmem>>) semaphore(%arg14 : memref<!tpu.dma_semaphore, #tpu.memory_space<semaphore_mem>>)
      %dma_wait3A = tpu.memref_slice %arg7[%multiple_of3A_28] : memref<6144xi32, #tpu.memory_space<vmem>> -> memref<128xi32, #tpu.memory_space<vmem>>
      %dma_wait3A_40 = arith.constant 0 : i32
      %dma_wait3A_41 = arith.constant 0 : i32
      %dma_wait3A_42 = tpu.memref_slice %arg2[%dma_wait3A_40, %dma_wait3A_41] : memref<10240x128xf32, #tpu.memory_space<hbm>> -> memref<10240x128xf32, #tpu.memory_space<hbm>>
      tpu.wait_indirect_dma semaphore(%arg13 : memref<!tpu.dma_semaphore, #tpu.memory_space<semaphore_mem>>) src(%dma_wait3A_42 : memref<10240x128xf32, #tpu.memory_space<hbm>>) dst(%arg10 : memref<128x128xf32, #tpu.memory_space<vmem>>)
      %dma_start3A_43 = arith.constant 0 : i32
      %dma_start3A_44 = arith.constant 0 : i32
      %dma_start3A_45 = tpu.memref_slice %arg12[%dma_start3A_43, %dma_start3A_44] : memref<10240x128xf32, #tpu.memory_space<vmem_shared>> -> memref<10240x128xf32, #tpu.memory_space<vmem_shared>>
      tpu.enqueue_indirect_dma source(%arg10 : memref<128x128xf32, #tpu.memory_space<vmem>>) target(%dma_start3A_45 : memref<10240x128xf32, #tpu.memory_space<vmem_shared>>) offsets(%arg8 : memref<128xi32, #tpu.memory_space<vmem>>) semaphore(%arg15 : memref<!tpu.dma_semaphore, #tpu.memory_space<semaphore_mem>>) {add = true}
      %dma_wait3A_46 = tpu.memref_slice %arg7[%add3A_30] : memref<6144xi32, #tpu.memory_space<vmem>> -> memref<128xi32, #tpu.memory_space<vmem>>
      %dma_wait3A_47 = arith.constant 0 : i32
      %dma_wait3A_48 = arith.constant 0 : i32
      %dma_wait3A_49 = tpu.memref_slice %arg2[%dma_wait3A_47, %dma_wait3A_48] : memref<10240x128xf32, #tpu.memory_space<hbm>> -> memref<10240x128xf32, #tpu.memory_space<hbm>>
      tpu.wait_indirect_dma semaphore(%arg14 : memref<!tpu.dma_semaphore, #tpu.memory_space<semaphore_mem>>) src(%dma_wait3A_49 : memref<10240x128xf32, #tpu.memory_space<hbm>>) dst(%arg11 : memref<128x128xf32, #tpu.memory_space<vmem>>)
      %dma_start3A_50 = arith.constant 0 : i32
      %dma_start3A_51 = arith.constant 0 : i32
      %dma_start3A_52 = tpu.memref_slice %arg12[%dma_start3A_50, %dma_start3A_51] : memref<10240x128xf32, #tpu.memory_space<vmem_shared>> -> memref<10240x128xf32, #tpu.memory_space<vmem_shared>>
      tpu.enqueue_indirect_dma source(%arg11 : memref<128x128xf32, #tpu.memory_space<vmem>>) target(%dma_start3A_52 : memref<10240x128xf32, #tpu.memory_space<vmem_shared>>) offsets(%arg9 : memref<128xi32, #tpu.memory_space<vmem>>) semaphore(%arg16 : memref<!tpu.dma_semaphore, #tpu.memory_space<semaphore_mem>>) {add = true}
      %dma_wait3A_53 = arith.constant 0 : i32
      %dma_wait3A_54 = arith.constant 0 : i32
      %dma_wait3A_55 = tpu.memref_slice %arg12[%dma_wait3A_53, %dma_wait3A_54] : memref<10240x128xf32, #tpu.memory_space<vmem_shared>> -> memref<10240x128xf32, #tpu.memory_space<vmem_shared>>
      tpu.wait_indirect_dma semaphore(%arg15 : memref<!tpu.dma_semaphore, #tpu.memory_space<semaphore_mem>>) src(%arg10 : memref<128x128xf32, #tpu.memory_space<vmem>>) dst(%dma_wait3A_55 : memref<10240x128xf32, #tpu.memory_space<vmem_shared>>)
      %dma_wait3A_56 = arith.constant 0 : i32
      %dma_wait3A_57 = arith.constant 0 : i32
      %dma_wait3A_58 = tpu.memref_slice %arg12[%dma_wait3A_56, %dma_wait3A_57] : memref<10240x128xf32, #tpu.memory_space<vmem_shared>> -> memref<10240x128xf32, #tpu.memory_space<vmem_shared>>
      tpu.wait_indirect_dma semaphore(%arg16 : memref<!tpu.dma_semaphore, #tpu.memory_space<semaphore_mem>>) src(%arg11 : memref<128x128xf32, #tpu.memory_space<vmem>>) dst(%dma_wait3A_58 : memref<10240x128xf32, #tpu.memory_space<vmem_shared>>)
    }
    %scan3A_11 = arith.constant 24 : i32
    %barrier3A_12 = arith.constant 0 : index
    tpu.barrier barrier_id(%barrier3A_12)
    %mul3A_13 = arith.constant 1 : i32
    %mul3A_14 = arith.muli %arg0, %mul3A_13 : i32
    %add3A_15 = arith.constant 0 : i32
    %add3A_16 = arith.addi %mul3A_14, %add3A_15 : i32
    %mul3A_17 = arith.constant 10240 : i32
    %mul3A_18 = arith.muli %add3A_16, %mul3A_17 : i32
    %add3A_19 = arith.addi %mul3A_18, %multiple_of3A : i32
    %multiple_of3A_20 = tpu.assume_multiple %add3A_19, 640 : i32
    "tpu.region"() ({
      %run_scoped3A = tpu.sem_alloc : memref<!tpu.dma_semaphore, #tpu.memory_space<semaphore_mem>>
      %dma_start3A = arith.constant 0 : i32
      %dma_start3A_21 = tpu.memref_slice %arg6[%multiple_of3A_20, %dma_start3A] : memref<20480x128xf32, #tpu.memory_space<hbm>> -> memref<640x128xf32, #tpu.memory_space<hbm>>
      %dma_start3A_22 = arith.constant 0 : i32
      %dma_start3A_23 = tpu.memref_slice %arg12[%multiple_of3A, %dma_start3A_22] : memref<10240x128xf32, #tpu.memory_space<vmem_shared>> -> memref<640x128xf32, #tpu.memory_space<vmem_shared>>
      tpu.enqueue_dma source(%dma_start3A_23 : memref<640x128xf32, #tpu.memory_space<vmem_shared>>) target(%dma_start3A_21 : memref<640x128xf32, #tpu.memory_space<hbm>>) target_semaphore(%run_scoped3A : memref<!tpu.dma_semaphore, #tpu.memory_space<semaphore_mem>>)
      %dma_wait3A = arith.constant 0 : i32
      %dma_wait3A_24 = tpu.memref_slice %arg6[%multiple_of3A_20, %dma_wait3A] : memref<20480x128xf32, #tpu.memory_space<hbm>> -> memref<640x128xf32, #tpu.memory_space<hbm>>
      %dma_wait3A_25 = arith.constant 0 : i32
      %dma_wait3A_26 = tpu.memref_slice %arg12[%multiple_of3A, %dma_wait3A_25] : memref<10240x128xf32, #tpu.memory_space<vmem_shared>> -> memref<640x128xf32, #tpu.memory_space<vmem_shared>>
      tpu.wait_dma2 semaphore(%run_scoped3A : memref<!tpu.dma_semaphore, #tpu.memory_space<semaphore_mem>>) src(%dma_wait3A_26 : memref<640x128xf32, #tpu.memory_space<vmem_shared>>) dst(%dma_wait3A_24 : memref<640x128xf32, #tpu.memory_space<hbm>>)
      tpu.yield
    }) : () -> ()
    return
  }
}

#map = affine_map<(d0, d1) -> (0, 0)>
#map1 = affine_map<(d0, d1) -> (0)>
module attributes {stable_mosaic.version = 14 : i64} {
  func.func @spmm(%arg0: i32, %arg1: i32, %arg2: memref<10240x128xf32, #tpu.memory_space<hbm>>, %arg3: memref<196608xi32, #tpu.memory_space<hbm>>, %arg4: memref<196608xi32, #tpu.memory_space<hbm>>, %arg5: memref<640x128xf32, #tpu.memory_space<hbm>>, %arg6: memref<20480x128xf32, #tpu.memory_space<hbm>>, %arg7: memref<6144xi32, #tpu.memory_space<vmem>>, %arg8: memref<128xi32, #tpu.memory_space<vmem>>, %arg9: memref<128xi32, #tpu.memory_space<vmem>>, %arg10: memref<128x128xf32, #tpu.memory_space<vmem>>, %arg11: memref<128x128xf32, #tpu.memory_space<vmem>>, %arg12: memref<10240x128xf32, #tpu.memory_space<vmem_shared>>, %arg13: memref<!tpu.dma_semaphore, #tpu.memory_space<semaphore_mem>>, %arg14: memref<!tpu.dma_semaphore, #tpu.memory_space<semaphore_mem>>, %arg15: memref<!tpu.dma_semaphore, #tpu.memory_space<semaphore_mem>>, %arg16: memref<!tpu.dma_semaphore, #tpu.memory_space<semaphore_mem>>) attributes {dimension_semantics = [#tpu.dimension_semantics<core_parallel>, #tpu.dimension_semantics<subcore_parallel>], iteration_bounds = array<i64: 2, 16>, scalar_prefetch = 0 : i64, scratch_operands = 10 : i64, tpu.core_type = #tpu.core_type<sc_vector_subcore>, window_params = [{transform_indices = #map}, {transform_indices = #map1}, {transform_indices = #map1}, {transform_indices = #map}, {transform_indices = #map}]} {
    %mul3A = arith.constant 2 : i32
    %mul3A_0 = arith.muli %arg1, %mul3A : i32
    %add3A = arith.addi %mul3A_0, %arg0 : i32
    %mul3A_1 = arith.constant 640 : i32
    %mul3A_2 = arith.muli %arg1, %mul3A_1 : i32
    %multiple_of3A = tpu.assume_multiple %mul3A_2, 640 : i32
    "tpu.region"() ({
      %run_scoped3A = tpu.sem_alloc : memref<!tpu.dma_semaphore, #tpu.memory_space<semaphore_mem>>
      %dma_start3A = arith.constant 0 : i32
      %dma_start3A_21 = tpu.memref_slice %arg12[%multiple_of3A, %dma_start3A] : memref<10240x128xf32, #tpu.memory_space<vmem_shared>> -> memref<640x128xf32, #tpu.memory_space<vmem_shared>>
      tpu.enqueue_dma source(%arg5 : memref<640x128xf32, #tpu.memory_space<hbm>>) target(%dma_start3A_21 : memref<640x128xf32, #tpu.memory_space<vmem_shared>>) target_semaphore(%run_scoped3A : memref<!tpu.dma_semaphore, #tpu.memory_space<semaphore_mem>>)
      %dma_wait3A = arith.constant 0 : i32
      %dma_wait3A_22 = tpu.memref_slice %arg12[%multiple_of3A, %dma_wait3A] : memref<10240x128xf32, #tpu.memory_space<vmem_shared>> -> memref<640x128xf32, #tpu.memory_space<vmem_shared>>
      tpu.wait_dma2 semaphore(%run_scoped3A : memref<!tpu.dma_semaphore, #tpu.memory_space<semaphore_mem>>) src(%arg5 : memref<640x128xf32, #tpu.memory_space<hbm>>) dst(%dma_wait3A_22 : memref<640x128xf32, #tpu.memory_space<vmem_shared>>)
      tpu.yield
    }) : () -> ()
    %add3A_3 = arith.constant 0 : i32
    %add3A_4 = arith.addi %add3A_3, %add3A : i32
    %mul3A_5 = arith.constant 6144 : i32
    %mul3A_6 = arith.muli %add3A_4, %mul3A_5 : i32
    %multiple_of3A_7 = tpu.assume_multiple %mul3A_6, 6144 : i32
    "tpu.region"() ({
      %run_scoped3A = tpu.sem_alloc : memref<!tpu.dma_semaphore, #tpu.memory_space<semaphore_mem>>
      %dma_start3A = tpu.memref_slice %arg3[%multiple_of3A_7] : memref<196608xi32, #tpu.memory_space<hbm>> -> memref<6144xi32, #tpu.memory_space<hbm>>
      %dma_start3A_21 = tpu.memref_slice %arg3[%multiple_of3A_7] : memref<196608xi32, #tpu.memory_space<hbm>> -> memref<6144xi32, #tpu.memory_space<hbm>>
      tpu.enqueue_dma source(%dma_start3A_21 : memref<6144xi32, #tpu.memory_space<hbm>>) target(%arg7 : memref<6144xi32, #tpu.memory_space<vmem>>) target_semaphore(%run_scoped3A : memref<!tpu.dma_semaphore, #tpu.memory_space<semaphore_mem>>)
      %dma_wait3A = tpu.memref_slice %arg3[%multiple_of3A_7] : memref<196608xi32, #tpu.memory_space<hbm>> -> memref<6144xi32, #tpu.memory_space<hbm>>
      %dma_wait3A_22 = tpu.memref_slice %arg3[%multiple_of3A_7] : memref<196608xi32, #tpu.memory_space<hbm>> -> memref<6144xi32, #tpu.memory_space<hbm>>
      tpu.wait_dma2 semaphore(%run_scoped3A : memref<!tpu.dma_semaphore, #tpu.memory_space<semaphore_mem>>) src(%dma_wait3A_22 : memref<6144xi32, #tpu.memory_space<hbm>>) dst(%arg7 : memref<6144xi32, #tpu.memory_space<vmem>>)
      tpu.yield
    }) : () -> ()
    %barrier3A = arith.constant 0 : index
    tpu.barrier barrier_id(%barrier3A)
    %scan3A = arith.constant 0 : i32
    %scan3A_8 = arith.constant 24 : i32
    %scan3A_9 = arith.addi %scan3A, %scan3A_8 : i32
    %scan3A_10 = arith.constant 1 : i32
    scf.for %scan3A_21 = %scan3A to %scan3A_9 step %scan3A_10  : i32 {
      %mul3A_22 = arith.constant 1 : i32
      %mul3A_23 = arith.muli %scan3A_21, %mul3A_22 : i32
      %add3A_24 = arith.constant 0 : i32
      %add3A_25 = arith.addi %add3A_24, %mul3A_23 : i32
      %mul3A_26 = arith.constant 256 : i32
      %mul3A_27 = arith.muli %add3A_25, %mul3A_26 : i32
      %multiple_of3A_28 = tpu.assume_multiple %mul3A_27, 256 : i32
      %add3A_29 = arith.constant 128 : i32
      %add3A_30 = arith.addi %multiple_of3A_28, %add3A_29 : i32
      %add3A_31 = arith.addi %multiple_of3A_7, %multiple_of3A_28 : i32
      "tpu.region"() ({
        %run_scoped3A = tpu.sem_alloc : memref<!tpu.dma_semaphore, #tpu.memory_space<semaphore_mem>>
        %dma_start3A_59 = tpu.memref_slice %arg4[%add3A_31] : memref<196608xi32, #tpu.memory_space<hbm>> -> memref<128xi32, #tpu.memory_space<hbm>>
        %dma_start3A_60 = tpu.memref_slice %arg4[%add3A_31] : memref<196608xi32, #tpu.memory_space<hbm>> -> memref<128xi32, #tpu.memory_space<hbm>>
        tpu.enqueue_dma source(%dma_start3A_60 : memref<128xi32, #tpu.memory_space<hbm>>) target(%arg8 : memref<128xi32, #tpu.memory_space<vmem>>) target_semaphore(%run_scoped3A : memref<!tpu.dma_semaphore, #tpu.memory_space<semaphore_mem>>)
        %dma_wait3A_61 = tpu.memref_slice %arg4[%add3A_31] : memref<196608xi32, #tpu.memory_space<hbm>> -> memref<128xi32, #tpu.memory_space<hbm>>
        %dma_wait3A_62 = tpu.memref_slice %arg4[%add3A_31] : memref<196608xi32, #tpu.memory_space<hbm>> -> memref<128xi32, #tpu.memory_space<hbm>>
        tpu.wait_dma2 semaphore(%run_scoped3A : memref<!tpu.dma_semaphore, #tpu.memory_space<semaphore_mem>>) src(%dma_wait3A_62 : memref<128xi32, #tpu.memory_space<hbm>>) dst(%arg8 : memref<128xi32, #tpu.memory_space<vmem>>)
        tpu.yield
      }) : () -> ()
      %dma_start3A = tpu.memref_slice %arg7[%multiple_of3A_28] : memref<6144xi32, #tpu.memory_space<vmem>> -> memref<128xi32, #tpu.memory_space<vmem>>
      %dma_start3A_32 = arith.constant 0 : i32
      %dma_start3A_33 = arith.constant 0 : i32
      %dma_start3A_34 = tpu.memref_slice %arg2[%dma_start3A_32, %dma_start3A_33] : memref<10240x128xf32, #tpu.memory_space<hbm>> -> memref<10240x128xf32, #tpu.memory_space<hbm>>
      tpu.enqueue_indirect_dma source(%dma_start3A_34 : memref<10240x128xf32, #tpu.memory_space<hbm>>) target(%arg10 : memref<128x128xf32, #tpu.memory_space<vmem>>) offsets(%dma_start3A : memref<128xi32, #tpu.memory_space<vmem>>) semaphore(%arg13 : memref<!tpu.dma_semaphore, #tpu.memory_space<semaphore_mem>>)
      %add3A_35 = arith.addi %multiple_of3A_7, %add3A_30 : i32
      "tpu.region"() ({
        %run_scoped3A = tpu.sem_alloc : memref<!tpu.dma_semaphore, #tpu.memory_space<semaphore_mem>>
        %dma_start3A_59 = tpu.memref_slice %arg4[%add3A_35] : memref<196608xi32, #tpu.memory_space<hbm>> -> memref<128xi32, #tpu.memory_space<hbm>>
        %dma_start3A_60 = tpu.memref_slice %arg4[%add3A_35] : memref<196608xi32, #tpu.memory_space<hbm>> -> memref<128xi32, #tpu.memory_space<hbm>>
        tpu.enqueue_dma source(%dma_start3A_60 : memref<128xi32, #tpu.memory_space<hbm>>) target(%arg9 : memref<128xi32, #tpu.memory_space<vmem>>) target_semaphore(%run_scoped3A : memref<!tpu.dma_semaphore, #tpu.memory_space<semaphore_mem>>)
        %dma_wait3A_61 = tpu.memref_slice %arg4[%add3A_35] : memref<196608xi32, #tpu.memory_space<hbm>> -> memref<128xi32, #tpu.memory_space<hbm>>
        %dma_wait3A_62 = tpu.memref_slice %arg4[%add3A_35] : memref<196608xi32, #tpu.memory_space<hbm>> -> memref<128xi32, #tpu.memory_space<hbm>>
        tpu.wait_dma2 semaphore(%run_scoped3A : memref<!tpu.dma_semaphore, #tpu.memory_space<semaphore_mem>>) src(%dma_wait3A_62 : memref<128xi32, #tpu.memory_space<hbm>>) dst(%arg9 : memref<128xi32, #tpu.memory_space<vmem>>)
        tpu.yield
      }) : () -> ()
      %dma_start3A_36 = tpu.memref_slice %arg7[%add3A_30] : memref<6144xi32, #tpu.memory_space<vmem>> -> memref<128xi32, #tpu.memory_space<vmem>>
      %dma_start3A_37 = arith.constant 0 : i32
      %dma_start3A_38 = arith.constant 0 : i32
      %dma_start3A_39 = tpu.memref_slice %arg2[%dma_start3A_37, %dma_start3A_38] : memref<10240x128xf32, #tpu.memory_space<hbm>> -> memref<10240x128xf32, #tpu.memory_space<hbm>>
      tpu.enqueue_indirect_dma source(%dma_start3A_39 : memref<10240x128xf32, #tpu.memory_space<hbm>>) target(%arg11 : memref<128x128xf32, #tpu.memory_space<vmem>>) offsets(%dma_start3A_36 : memref<128xi32, #tpu.memory_space<vmem>>) semaphore(%arg14 : memref<!tpu.dma_semaphore, #tpu.memory_space<semaphore_mem>>)
      %dma_wait3A = tpu.memref_slice %arg7[%multiple_of3A_28] : memref<6144xi32, #tpu.memory_space<vmem>> -> memref<128xi32, #tpu.memory_space<vmem>>
      %dma_wait3A_40 = arith.constant 0 : i32
      %dma_wait3A_41 = arith.constant 0 : i32
      %dma_wait3A_42 = tpu.memref_slice %arg2[%dma_wait3A_40, %dma_wait3A_41] : memref<10240x128xf32, #tpu.memory_space<hbm>> -> memref<10240x128xf32, #tpu.memory_space<hbm>>
      tpu.wait_indirect_dma semaphore(%arg13 : memref<!tpu.dma_semaphore, #tpu.memory_space<semaphore_mem>>) src(%dma_wait3A_42 : memref<10240x128xf32, #tpu.memory_space<hbm>>) dst(%arg10 : memref<128x128xf32, #tpu.memory_space<vmem>>)
      %dma_start3A_43 = arith.constant 0 : i32
      %dma_start3A_44 = arith.constant 0 : i32
      %dma_start3A_45 = tpu.memref_slice %arg12[%dma_start3A_43, %dma_start3A_44] : memref<10240x128xf32, #tpu.memory_space<vmem_shared>> -> memref<10240x128xf32, #tpu.memory_space<vmem_shared>>
      tpu.enqueue_indirect_dma source(%arg10 : memref<128x128xf32, #tpu.memory_space<vmem>>) target(%dma_start3A_45 : memref<10240x128xf32, #tpu.memory_space<vmem_shared>>) offsets(%arg8 : memref<128xi32, #tpu.memory_space<vmem>>) semaphore(%arg15 : memref<!tpu.dma_semaphore, #tpu.memory_space<semaphore_mem>>) {add = true}
      %dma_wait3A_46 = tpu.memref_slice %arg7[%add3A_30] : memref<6144xi32, #tpu.memory_space<vmem>> -> memref<128xi32, #tpu.memory_space<vmem>>
      %dma_wait3A_47 = arith.constant 0 : i32
      %dma_wait3A_48 = arith.constant 0 : i32
      %dma_wait3A_49 = tpu.memref_slice %arg2[%dma_wait3A_47, %dma_wait3A_48] : memref<10240x128xf32, #tpu.memory_space<hbm>> -> memref<10240x128xf32, #tpu.memory_space<hbm>>
      tpu.wait_indirect_dma semaphore(%arg14 : memref<!tpu.dma_semaphore, #tpu.memory_space<semaphore_mem>>) src(%dma_wait3A_49 : memref<10240x128xf32, #tpu.memory_space<hbm>>) dst(%arg11 : memref<128x128xf32, #tpu.memory_space<vmem>>)
      %dma_start3A_50 = arith.constant 0 : i32
      %dma_start3A_51 = arith.constant 0 : i32
      %dma_start3A_52 = tpu.memref_slice %arg12[%dma_start3A_50, %dma_start3A_51] : memref<10240x128xf32, #tpu.memory_space<vmem_shared>> -> memref<10240x128xf32, #tpu.memory_space<vmem_shared>>
      tpu.enqueue_indirect_dma source(%arg11 : memref<128x128xf32, #tpu.memory_space<vmem>>) target(%dma_start3A_52 : memref<10240x128xf32, #tpu.memory_space<vmem_shared>>) offsets(%arg9 : memref<128xi32, #tpu.memory_space<vmem>>) semaphore(%arg16 : memref<!tpu.dma_semaphore, #tpu.memory_space<semaphore_mem>>) {add = true}
      %dma_wait3A_53 = arith.constant 0 : i32
      %dma_wait3A_54 = arith.constant 0 : i32
      %dma_wait3A_55 = tpu.memref_slice %arg12[%dma_wait3A_53, %dma_wait3A_54] : memref<10240x128xf32, #tpu.memory_space<vmem_shared>> -> memref<10240x128xf32, #tpu.memory_space<vmem_shared>>
      tpu.wait_indirect_dma semaphore(%arg15 : memref<!tpu.dma_semaphore, #tpu.memory_space<semaphore_mem>>) src(%arg10 : memref<128x128xf32, #tpu.memory_space<vmem>>) dst(%dma_wait3A_55 : memref<10240x128xf32, #tpu.memory_space<vmem_shared>>)
      %dma_wait3A_56 = arith.constant 0 : i32
      %dma_wait3A_57 = arith.constant 0 : i32
      %dma_wait3A_58 = tpu.memref_slice %arg12[%dma_wait3A_56, %dma_wait3A_57] : memref<10240x128xf32, #tpu.memory_space<vmem_shared>> -> memref<10240x128xf32, #tpu.memory_space<vmem_shared>>
      tpu.wait_indirect_dma semaphore(%arg16 : memref<!tpu.dma_semaphore, #tpu.memory_space<semaphore_mem>>) src(%arg11 : memref<128x128xf32, #tpu.memory_space<vmem>>) dst(%dma_wait3A_58 : memref<10240x128xf32, #tpu.memory_space<vmem_shared>>)
    }
    %scan3A_11 = arith.constant 24 : i32
    %barrier3A_12 = arith.constant 0 : index
    tpu.barrier barrier_id(%barrier3A_12)
    %mul3A_13 = arith.constant 1 : i32
    %mul3A_14 = arith.muli %arg0, %mul3A_13 : i32
    %add3A_15 = arith.constant 0 : i32
    %add3A_16 = arith.addi %mul3A_14, %add3A_15 : i32
    %mul3A_17 = arith.constant 10240 : i32
    %mul3A_18 = arith.muli %add3A_16, %mul3A_17 : i32
    %add3A_19 = arith.addi %mul3A_18, %multiple_of3A : i32
    %multiple_of3A_20 = tpu.assume_multiple %add3A_19, 640 : i32
    "tpu.region"() ({
      %run_scoped3A = tpu.sem_alloc : memref<!tpu.dma_semaphore, #tpu.memory_space<semaphore_mem>>
      %dma_start3A = arith.constant 0 : i32
      %dma_start3A_21 = tpu.memref_slice %arg6[%multiple_of3A_20, %dma_start3A] : memref<20480x128xf32, #tpu.memory_space<hbm>> -> memref<640x128xf32, #tpu.memory_space<hbm>>
      %dma_start3A_22 = arith.constant 0 : i32
      %dma_start3A_23 = tpu.memref_slice %arg12[%multiple_of3A, %dma_start3A_22] : memref<10240x128xf32, #tpu.memory_space<vmem_shared>> -> memref<640x128xf32, #tpu.memory_space<vmem_shared>>
      tpu.enqueue_dma source(%dma_start3A_23 : memref<640x128xf32, #tpu.memory_space<vmem_shared>>) target(%dma_start3A_21 : memref<640x128xf32, #tpu.memory_space<hbm>>) target_semaphore(%run_scoped3A : memref<!tpu.dma_semaphore, #tpu.memory_space<semaphore_mem>>)
      %dma_wait3A = arith.constant 0 : i32
      %dma_wait3A_24 = tpu.memref_slice %arg6[%multiple_of3A_20, %dma_wait3A] : memref<20480x128xf32, #tpu.memory_space<hbm>> -> memref<640x128xf32, #tpu.memory_space<hbm>>
      %dma_wait3A_25 = arith.constant 0 : i32
      %dma_wait3A_26 = tpu.memref_slice %arg12[%multiple_of3A, %dma_wait3A_25] : memref<10240x128xf32, #tpu.memory_space<vmem_shared>> -> memref<640x128xf32, #tpu.memory_space<vmem_shared>>
      tpu.wait_dma2 semaphore(%run_scoped3A : memref<!tpu.dma_semaphore, #tpu.memory_space<semaphore_mem>>) src(%dma_wait3A_26 : memref<640x128xf32, #tpu.memory_space<vmem_shared>>) dst(%dma_wait3A_24 : memref<640x128xf32, #tpu.memory_space<hbm>>)
      tpu.yield
    }) : () -> ()
    return
  }
}

#map = affine_map<(d0, d1) -> (0, 0)>
#map1 = affine_map<(d0, d1) -> (0)>
module attributes {stable_mosaic.version = 14 : i64} {
  func.func @spmm(%arg0: i32, %arg1: i32, %arg2: memref<10240x128xf32, #tpu.memory_space<hbm>>, %arg3: memref<196608xi32, #tpu.memory_space<hbm>>, %arg4: memref<196608xi32, #tpu.memory_space<hbm>>, %arg5: memref<640x128xf32, #tpu.memory_space<hbm>>, %arg6: memref<20480x128xf32, #tpu.memory_space<hbm>>, %arg7: memref<6144xi32, #tpu.memory_space<vmem>>, %arg8: memref<128xi32, #tpu.memory_space<vmem>>, %arg9: memref<128xi32, #tpu.memory_space<vmem>>, %arg10: memref<128x128xf32, #tpu.memory_space<vmem>>, %arg11: memref<128x128xf32, #tpu.memory_space<vmem>>, %arg12: memref<10240x128xf32, #tpu.memory_space<vmem_shared>>, %arg13: memref<!tpu.dma_semaphore, #tpu.memory_space<semaphore_mem>>, %arg14: memref<!tpu.dma_semaphore, #tpu.memory_space<semaphore_mem>>, %arg15: memref<!tpu.dma_semaphore, #tpu.memory_space<semaphore_mem>>, %arg16: memref<!tpu.dma_semaphore, #tpu.memory_space<semaphore_mem>>) attributes {dimension_semantics = [#tpu.dimension_semantics<core_parallel>, #tpu.dimension_semantics<subcore_parallel>], iteration_bounds = array<i64: 2, 16>, scalar_prefetch = 0 : i64, scratch_operands = 10 : i64, tpu.core_type = #tpu.core_type<sc_vector_subcore>, window_params = [{transform_indices = #map}, {transform_indices = #map1}, {transform_indices = #map1}, {transform_indices = #map}, {transform_indices = #map}]} {
    %mul3A = arith.constant 2 : i32
    %mul3A_0 = arith.muli %arg1, %mul3A : i32
    %add3A = arith.addi %mul3A_0, %arg0 : i32
    %mul3A_1 = arith.constant 640 : i32
    %mul3A_2 = arith.muli %arg1, %mul3A_1 : i32
    %multiple_of3A = tpu.assume_multiple %mul3A_2, 640 : i32
    "tpu.region"() ({
      %run_scoped3A = tpu.sem_alloc : memref<!tpu.dma_semaphore, #tpu.memory_space<semaphore_mem>>
      %dma_start3A = arith.constant 0 : i32
      %dma_start3A_21 = tpu.memref_slice %arg12[%multiple_of3A, %dma_start3A] : memref<10240x128xf32, #tpu.memory_space<vmem_shared>> -> memref<640x128xf32, #tpu.memory_space<vmem_shared>>
      tpu.enqueue_dma source(%arg5 : memref<640x128xf32, #tpu.memory_space<hbm>>) target(%dma_start3A_21 : memref<640x128xf32, #tpu.memory_space<vmem_shared>>) target_semaphore(%run_scoped3A : memref<!tpu.dma_semaphore, #tpu.memory_space<semaphore_mem>>)
      %dma_wait3A = arith.constant 0 : i32
      %dma_wait3A_22 = tpu.memref_slice %arg12[%multiple_of3A, %dma_wait3A] : memref<10240x128xf32, #tpu.memory_space<vmem_shared>> -> memref<640x128xf32, #tpu.memory_space<vmem_shared>>
      tpu.wait_dma2 semaphore(%run_scoped3A : memref<!tpu.dma_semaphore, #tpu.memory_space<semaphore_mem>>) src(%arg5 : memref<640x128xf32, #tpu.memory_space<hbm>>) dst(%dma_wait3A_22 : memref<640x128xf32, #tpu.memory_space<vmem_shared>>)
      tpu.yield
    }) : () -> ()
    %add3A_3 = arith.constant 0 : i32
    %add3A_4 = arith.addi %add3A_3, %add3A : i32
    %mul3A_5 = arith.constant 6144 : i32
    %mul3A_6 = arith.muli %add3A_4, %mul3A_5 : i32
    %multiple_of3A_7 = tpu.assume_multiple %mul3A_6, 6144 : i32
    "tpu.region"() ({
      %run_scoped3A = tpu.sem_alloc : memref<!tpu.dma_semaphore, #tpu.memory_space<semaphore_mem>>
      %dma_start3A = tpu.memref_slice %arg3[%multiple_of3A_7] : memref<196608xi32, #tpu.memory_space<hbm>> -> memref<6144xi32, #tpu.memory_space<hbm>>
      %dma_start3A_21 = tpu.memref_slice %arg3[%multiple_of3A_7] : memref<196608xi32, #tpu.memory_space<hbm>> -> memref<6144xi32, #tpu.memory_space<hbm>>
      tpu.enqueue_dma source(%dma_start3A_21 : memref<6144xi32, #tpu.memory_space<hbm>>) target(%arg7 : memref<6144xi32, #tpu.memory_space<vmem>>) target_semaphore(%run_scoped3A : memref<!tpu.dma_semaphore, #tpu.memory_space<semaphore_mem>>)
      %dma_wait3A = tpu.memref_slice %arg3[%multiple_of3A_7] : memref<196608xi32, #tpu.memory_space<hbm>> -> memref<6144xi32, #tpu.memory_space<hbm>>
      %dma_wait3A_22 = tpu.memref_slice %arg3[%multiple_of3A_7] : memref<196608xi32, #tpu.memory_space<hbm>> -> memref<6144xi32, #tpu.memory_space<hbm>>
      tpu.wait_dma2 semaphore(%run_scoped3A : memref<!tpu.dma_semaphore, #tpu.memory_space<semaphore_mem>>) src(%dma_wait3A_22 : memref<6144xi32, #tpu.memory_space<hbm>>) dst(%arg7 : memref<6144xi32, #tpu.memory_space<vmem>>)
      tpu.yield
    }) : () -> ()
    %barrier3A = arith.constant 0 : index
    tpu.barrier barrier_id(%barrier3A)
    %scan3A = arith.constant 0 : i32
    %scan3A_8 = arith.constant 24 : i32
    %scan3A_9 = arith.addi %scan3A, %scan3A_8 : i32
    %scan3A_10 = arith.constant 1 : i32
    scf.for %scan3A_21 = %scan3A to %scan3A_9 step %scan3A_10  : i32 {
      %mul3A_22 = arith.constant 1 : i32
      %mul3A_23 = arith.muli %scan3A_21, %mul3A_22 : i32
      %add3A_24 = arith.constant 0 : i32
      %add3A_25 = arith.addi %add3A_24, %mul3A_23 : i32
      %mul3A_26 = arith.constant 256 : i32
      %mul3A_27 = arith.muli %add3A_25, %mul3A_26 : i32
      %multiple_of3A_28 = tpu.assume_multiple %mul3A_27, 256 : i32
      %add3A_29 = arith.constant 128 : i32
      %add3A_30 = arith.addi %multiple_of3A_28, %add3A_29 : i32
      %add3A_31 = arith.addi %multiple_of3A_7, %multiple_of3A_28 : i32
      "tpu.region"() ({
        %run_scoped3A = tpu.sem_alloc : memref<!tpu.dma_semaphore, #tpu.memory_space<semaphore_mem>>
        %dma_start3A_59 = tpu.memref_slice %arg4[%add3A_31] : memref<196608xi32, #tpu.memory_space<hbm>> -> memref<128xi32, #tpu.memory_space<hbm>>
        %dma_start3A_60 = tpu.memref_slice %arg4[%add3A_31] : memref<196608xi32, #tpu.memory_space<hbm>> -> memref<128xi32, #tpu.memory_space<hbm>>
        tpu.enqueue_dma source(%dma_start3A_60 : memref<128xi32, #tpu.memory_space<hbm>>) target(%arg8 : memref<128xi32, #tpu.memory_space<vmem>>) target_semaphore(%run_scoped3A : memref<!tpu.dma_semaphore, #tpu.memory_space<semaphore_mem>>)
        %dma_wait3A_61 = tpu.memref_slice %arg4[%add3A_31] : memref<196608xi32, #tpu.memory_space<hbm>> -> memref<128xi32, #tpu.memory_space<hbm>>
        %dma_wait3A_62 = tpu.memref_slice %arg4[%add3A_31] : memref<196608xi32, #tpu.memory_space<hbm>> -> memref<128xi32, #tpu.memory_space<hbm>>
        tpu.wait_dma2 semaphore(%run_scoped3A : memref<!tpu.dma_semaphore, #tpu.memory_space<semaphore_mem>>) src(%dma_wait3A_62 : memref<128xi32, #tpu.memory_space<hbm>>) dst(%arg8 : memref<128xi32, #tpu.memory_space<vmem>>)
        tpu.yield
      }) : () -> ()
      %dma_start3A = tpu.memref_slice %arg7[%multiple_of3A_28] : memref<6144xi32, #tpu.memory_space<vmem>> -> memref<128xi32, #tpu.memory_space<vmem>>
      %dma_start3A_32 = arith.constant 0 : i32
      %dma_start3A_33 = arith.constant 0 : i32
      %dma_start3A_34 = tpu.memref_slice %arg2[%dma_start3A_32, %dma_start3A_33] : memref<10240x128xf32, #tpu.memory_space<hbm>> -> memref<10240x128xf32, #tpu.memory_space<hbm>>
      tpu.enqueue_indirect_dma source(%dma_start3A_34 : memref<10240x128xf32, #tpu.memory_space<hbm>>) target(%arg10 : memref<128x128xf32, #tpu.memory_space<vmem>>) offsets(%dma_start3A : memref<128xi32, #tpu.memory_space<vmem>>) semaphore(%arg13 : memref<!tpu.dma_semaphore, #tpu.memory_space<semaphore_mem>>)
      %add3A_35 = arith.addi %multiple_of3A_7, %add3A_30 : i32
      "tpu.region"() ({
        %run_scoped3A = tpu.sem_alloc : memref<!tpu.dma_semaphore, #tpu.memory_space<semaphore_mem>>
        %dma_start3A_59 = tpu.memref_slice %arg4[%add3A_35] : memref<196608xi32, #tpu.memory_space<hbm>> -> memref<128xi32, #tpu.memory_space<hbm>>
        %dma_start3A_60 = tpu.memref_slice %arg4[%add3A_35] : memref<196608xi32, #tpu.memory_space<hbm>> -> memref<128xi32, #tpu.memory_space<hbm>>
        tpu.enqueue_dma source(%dma_start3A_60 : memref<128xi32, #tpu.memory_space<hbm>>) target(%arg9 : memref<128xi32, #tpu.memory_space<vmem>>) target_semaphore(%run_scoped3A : memref<!tpu.dma_semaphore, #tpu.memory_space<semaphore_mem>>)
        %dma_wait3A_61 = tpu.memref_slice %arg4[%add3A_35] : memref<196608xi32, #tpu.memory_space<hbm>> -> memref<128xi32, #tpu.memory_space<hbm>>
        %dma_wait3A_62 = tpu.memref_slice %arg4[%add3A_35] : memref<196608xi32, #tpu.memory_space<hbm>> -> memref<128xi32, #tpu.memory_space<hbm>>
        tpu.wait_dma2 semaphore(%run_scoped3A : memref<!tpu.dma_semaphore, #tpu.memory_space<semaphore_mem>>) src(%dma_wait3A_62 : memref<128xi32, #tpu.memory_space<hbm>>) dst(%arg9 : memref<128xi32, #tpu.memory_space<vmem>>)
        tpu.yield
      }) : () -> ()
      %dma_start3A_36 = tpu.memref_slice %arg7[%add3A_30] : memref<6144xi32, #tpu.memory_space<vmem>> -> memref<128xi32, #tpu.memory_space<vmem>>
      %dma_start3A_37 = arith.constant 0 : i32
      %dma_start3A_38 = arith.constant 0 : i32
      %dma_start3A_39 = tpu.memref_slice %arg2[%dma_start3A_37, %dma_start3A_38] : memref<10240x128xf32, #tpu.memory_space<hbm>> -> memref<10240x128xf32, #tpu.memory_space<hbm>>
      tpu.enqueue_indirect_dma source(%dma_start3A_39 : memref<10240x128xf32, #tpu.memory_space<hbm>>) target(%arg11 : memref<128x128xf32, #tpu.memory_space<vmem>>) offsets(%dma_start3A_36 : memref<128xi32, #tpu.memory_space<vmem>>) semaphore(%arg14 : memref<!tpu.dma_semaphore, #tpu.memory_space<semaphore_mem>>)
      %dma_wait3A = tpu.memref_slice %arg7[%multiple_of3A_28] : memref<6144xi32, #tpu.memory_space<vmem>> -> memref<128xi32, #tpu.memory_space<vmem>>
      %dma_wait3A_40 = arith.constant 0 : i32
      %dma_wait3A_41 = arith.constant 0 : i32
      %dma_wait3A_42 = tpu.memref_slice %arg2[%dma_wait3A_40, %dma_wait3A_41] : memref<10240x128xf32, #tpu.memory_space<hbm>> -> memref<10240x128xf32, #tpu.memory_space<hbm>>
      tpu.wait_indirect_dma semaphore(%arg13 : memref<!tpu.dma_semaphore, #tpu.memory_space<semaphore_mem>>) src(%dma_wait3A_42 : memref<10240x128xf32, #tpu.memory_space<hbm>>) dst(%arg10 : memref<128x128xf32, #tpu.memory_space<vmem>>)
      %dma_start3A_43 = arith.constant 0 : i32
      %dma_start3A_44 = arith.constant 0 : i32
      %dma_start3A_45 = tpu.memref_slice %arg12[%dma_start3A_43, %dma_start3A_44] : memref<10240x128xf32, #tpu.memory_space<vmem_shared>> -> memref<10240x128xf32, #tpu.memory_space<vmem_shared>>
      tpu.enqueue_indirect_dma source(%arg10 : memref<128x128xf32, #tpu.memory_space<vmem>>) target(%dma_start3A_45 : memref<10240x128xf32, #tpu.memory_space<vmem_shared>>) offsets(%arg8 : memref<128xi32, #tpu.memory_space<vmem>>) semaphore(%arg15 : memref<!tpu.dma_semaphore, #tpu.memory_space<semaphore_mem>>) {add = true}
      %dma_wait3A_46 = tpu.memref_slice %arg7[%add3A_30] : memref<6144xi32, #tpu.memory_space<vmem>> -> memref<128xi32, #tpu.memory_space<vmem>>
      %dma_wait3A_47 = arith.constant 0 : i32
      %dma_wait3A_48 = arith.constant 0 : i32
      %dma_wait3A_49 = tpu.memref_slice %arg2[%dma_wait3A_47, %dma_wait3A_48] : memref<10240x128xf32, #tpu.memory_space<hbm>> -> memref<10240x128xf32, #tpu.memory_space<hbm>>
      tpu.wait_indirect_dma semaphore(%arg14 : memref<!tpu.dma_semaphore, #tpu.memory_space<semaphore_mem>>) src(%dma_wait3A_49 : memref<10240x128xf32, #tpu.memory_space<hbm>>) dst(%arg11 : memref<128x128xf32, #tpu.memory_space<vmem>>)
      %dma_start3A_50 = arith.constant 0 : i32
      %dma_start3A_51 = arith.constant 0 : i32
      %dma_start3A_52 = tpu.memref_slice %arg12[%dma_start3A_50, %dma_start3A_51] : memref<10240x128xf32, #tpu.memory_space<vmem_shared>> -> memref<10240x128xf32, #tpu.memory_space<vmem_shared>>
      tpu.enqueue_indirect_dma source(%arg11 : memref<128x128xf32, #tpu.memory_space<vmem>>) target(%dma_start3A_52 : memref<10240x128xf32, #tpu.memory_space<vmem_shared>>) offsets(%arg9 : memref<128xi32, #tpu.memory_space<vmem>>) semaphore(%arg16 : memref<!tpu.dma_semaphore, #tpu.memory_space<semaphore_mem>>) {add = true}
      %dma_wait3A_53 = arith.constant 0 : i32
      %dma_wait3A_54 = arith.constant 0 : i32
      %dma_wait3A_55 = tpu.memref_slice %arg12[%dma_wait3A_53, %dma_wait3A_54] : memref<10240x128xf32, #tpu.memory_space<vmem_shared>> -> memref<10240x128xf32, #tpu.memory_space<vmem_shared>>
      tpu.wait_indirect_dma semaphore(%arg15 : memref<!tpu.dma_semaphore, #tpu.memory_space<semaphore_mem>>) src(%arg10 : memref<128x128xf32, #tpu.memory_space<vmem>>) dst(%dma_wait3A_55 : memref<10240x128xf32, #tpu.memory_space<vmem_shared>>)
      %dma_wait3A_56 = arith.constant 0 : i32
      %dma_wait3A_57 = arith.constant 0 : i32
      %dma_wait3A_58 = tpu.memref_slice %arg12[%dma_wait3A_56, %dma_wait3A_57] : memref<10240x128xf32, #tpu.memory_space<vmem_shared>> -> memref<10240x128xf32, #tpu.memory_space<vmem_shared>>
      tpu.wait_indirect_dma semaphore(%arg16 : memref<!tpu.dma_semaphore, #tpu.memory_space<semaphore_mem>>) src(%arg11 : memref<128x128xf32, #tpu.memory_space<vmem>>) dst(%dma_wait3A_58 : memref<10240x128xf32, #tpu.memory_space<vmem_shared>>)
    }
    %scan3A_11 = arith.constant 24 : i32
    %barrier3A_12 = arith.constant 0 : index
    tpu.barrier barrier_id(%barrier3A_12)
    %mul3A_13 = arith.constant 1 : i32
    %mul3A_14 = arith.muli %arg0, %mul3A_13 : i32
    %add3A_15 = arith.constant 0 : i32
    %add3A_16 = arith.addi %mul3A_14, %add3A_15 : i32
    %mul3A_17 = arith.constant 10240 : i32
    %mul3A_18 = arith.muli %add3A_16, %mul3A_17 : i32
    %add3A_19 = arith.addi %mul3A_18, %multiple_of3A : i32
    %multiple_of3A_20 = tpu.assume_multiple %add3A_19, 640 : i32
    "tpu.region"() ({
      %run_scoped3A = tpu.sem_alloc : memref<!tpu.dma_semaphore, #tpu.memory_space<semaphore_mem>>
      %dma_start3A = arith.constant 0 : i32
      %dma_start3A_21 = tpu.memref_slice %arg6[%multiple_of3A_20, %dma_start3A] : memref<20480x128xf32, #tpu.memory_space<hbm>> -> memref<640x128xf32, #tpu.memory_space<hbm>>
      %dma_start3A_22 = arith.constant 0 : i32
      %dma_start3A_23 = tpu.memref_slice %arg12[%multiple_of3A, %dma_start3A_22] : memref<10240x128xf32, #tpu.memory_space<vmem_shared>> -> memref<640x128xf32, #tpu.memory_space<vmem_shared>>
      tpu.enqueue_dma source(%dma_start3A_23 : memref<640x128xf32, #tpu.memory_space<vmem_shared>>) target(%dma_start3A_21 : memref<640x128xf32, #tpu.memory_space<hbm>>) target_semaphore(%run_scoped3A : memref<!tpu.dma_semaphore, #tpu.memory_space<semaphore_mem>>)
      %dma_wait3A = arith.constant 0 : i32
      %dma_wait3A_24 = tpu.memref_slice %arg6[%multiple_of3A_20, %dma_wait3A] : memref<20480x128xf32, #tpu.memory_space<hbm>> -> memref<640x128xf32, #tpu.memory_space<hbm>>
      %dma_wait3A_25 = arith.constant 0 : i32
      %dma_wait3A_26 = tpu.memref_slice %arg12[%multiple_of3A, %dma_wait3A_25] : memref<10240x128xf32, #tpu.memory_space<vmem_shared>> -> memref<640x128xf32, #tpu.memory_space<vmem_shared>>
      tpu.wait_dma2 semaphore(%run_scoped3A : memref<!tpu.dma_semaphore, #tpu.memory_space<semaphore_mem>>) src(%dma_wait3A_26 : memref<640x128xf32, #tpu.memory_space<vmem_shared>>) dst(%dma_wait3A_24 : memref<640x128xf32, #tpu.memory_space<hbm>>)
      tpu.yield
    }) : () -> ()
    return
  }
}

module attributes {stable_mosaic.version = 14 : i64} {
  func.func @body(%arg0: i32, %arg1: memref<640x256xf32, #tpu.memory_space<vmem>>, %arg2: memref<32x640xf32, #tpu.memory_space<vmem>>, %arg3: memref<256x128xf32, #tpu.memory_space<vmem>>, %arg4: memref<1x128xf32, #tpu.memory_space<vmem>>, %arg5: memref<128x128xf32, #tpu.memory_space<vmem>>, %arg6: memref<640x128xf32, #tpu.memory_space<vmem>>, %arg7: memref<640x128xf32, #tpu.memory_space<vmem>>, %arg8: memref<640x16xf32, #tpu.memory_space<vmem>>) attributes {dimension_semantics = [#tpu.dimension_semantics<arbitrary>], iteration_bounds = array<i64: 48>, scalar_prefetch = 0 : i64, scratch_operands = 0 : i64, tpu.core_type = #tpu.core_type<tc>, window_params = [{transform_indices = @transform_0, window_bounds = array<i64: 640, 256>}, {transform_indices = @transform_1, window_bounds = array<i64: 32, 640>}, {pipeline_mode = #tpu.pipeline_mode<synchronous>, transform_indices = @transform_2, window_bounds = array<i64: 256, 128>}, {pipeline_mode = #tpu.pipeline_mode<synchronous>, transform_indices = @transform_3, window_bounds = array<i64: 1, 128>}, {pipeline_mode = #tpu.pipeline_mode<synchronous>, transform_indices = @transform_4, window_bounds = array<i64: 128, 128>}, {transform_indices = @transform_5, window_bounds = array<i64: 640, 128>}, {transform_indices = @transform_6, window_bounds = array<i64: 640, 128>}, {transform_indices = @transform_7, window_bounds = array<i64: 640, 16>}]} {
    %get3A = arith.constant 0 : index
    %get3A_0 = arith.constant 0 : index
    %get3A_1 = vector.load %arg2[%get3A, %get3A_0] : memref<32x640xf32, #tpu.memory_space<vmem>>, vector<32x640xf32>
    %transpose3A = tpu.transpose %get3A_1, [1, 0] : vector<32x640xf32> -> vector<640x32xf32>
    %reduce_sum3A = arith.constant dense<0.000000e+00> : vector<640xf32>
    %reduce_sum3A_2 = vector.multi_reduction <add>, %transpose3A, %reduce_sum3A [1] : vector<640x32xf32> to vector<640xf32>
    %broadcast_in_dim3A = vector.shape_cast %reduce_sum3A_2 : vector<640xf32> to vector<640x1xf32>
    %broadcast_in_dim3A_3 = vector.shape_cast %broadcast_in_dim3A : vector<640x1xf32> to vector<640x1xf32>
    %broadcast_in_dim3A_4 = vector.broadcast %broadcast_in_dim3A_3 : vector<640x1xf32> to vector<640x16xf32>
    %swap3A = arith.constant 0 : index
    %swap3A_5 = arith.constant 0 : index
    %swap3A_6 = vector.load %arg8[%swap3A, %swap3A_5] : memref<640x16xf32, #tpu.memory_space<vmem>>, vector<640x16xf32>
    tpu.vector_store %arg8[%swap3A, %swap3A_5], %broadcast_in_dim3A_4 {strides = array<i32>} : memref<640x16xf32, #tpu.memory_space<vmem>>, vector<640x16xf32>,
    %get3A_7 = arith.constant 0 : index
    %get3A_8 = arith.constant 0 : index
    %get3A_9 = vector.load %arg1[%get3A_7, %get3A_8] : memref<640x256xf32, #tpu.memory_space<vmem>>, vector<640x256xf32>
    %get3A_10 = arith.constant 0 : index
    %get3A_11 = arith.constant 0 : index
    %get3A_12 = vector.load %arg3[%get3A_10, %get3A_11] : memref<256x128xf32, #tpu.memory_space<vmem>>, vector<256x128xf32>
    %dot_general3A = arith.constant dense<0.000000e+00> : vector<640x128xf32>
    %dot_general3A_13 = tpu.matmul %get3A_9, %get3A_12, %dot_general3A {dimension_numbers = #tpu.dot_dimension_numbers<[1], [0], [0], [1], [0, 0, 1, 1], [], []>, transpose_lhs_hint = false} : vector<640x256xf32>, vector<256x128xf32>, vector<640x128xf32> -> vector<640x128xf32>
    %get3A_14 = arith.constant 0 : index
    %get3A_15 = arith.constant 0 : index
    %get3A_16 = vector.load %arg4[%get3A_14, %get3A_15] : memref<1x128xf32, #tpu.memory_space<vmem>>, vector<1x128xf32>
    %add3A = vector.broadcast %get3A_16 : vector<1x128xf32> to vector<640x128xf32>
    %add3A_17 = arith.addf %dot_general3A_13, %add3A : vector<640x128xf32>
    %swap3A_18 = arith.constant 0 : index
    %swap3A_19 = arith.constant 0 : index
    %swap3A_20 = vector.load %arg6[%swap3A_18, %swap3A_19] : memref<640x128xf32, #tpu.memory_space<vmem>>, vector<640x128xf32>
    tpu.vector_store %arg6[%swap3A_18, %swap3A_19], %add3A_17 {strides = array<i32>} : memref<640x128xf32, #tpu.memory_space<vmem>>, vector<640x128xf32>,
    %gt3A = arith.constant 0.000000e+00 : f32
    %gt3A_21 = vector.broadcast %gt3A : f32 to vector<640x1xf32>
    %gt3A_22 = arith.cmpf ogt, %broadcast_in_dim3A, %gt3A_21 : vector<640x1xf32>
    %sqrt3A = math.sqrt %broadcast_in_dim3A : vector<640x1xf32>
    %div3A = arith.constant 1.000000e+00 : f32
    %div3A_23 = vector.broadcast %div3A : f32 to vector<640x1xf32>
    %div3A_24 = arith.divf %div3A_23, %sqrt3A : vector<640x1xf32>
    %jit3A = arith.constant 0.000000e+00 : f32
    %broadcast_in_dim3A_25 = vector.broadcast %jit3A : f32 to vector<640x1xf32>
    %select_n3A = arith.select %gt3A_22, %div3A_24, %broadcast_in_dim3A_25 : vector<640x1xi1>, vector<640x1xf32>
    %get3A_26 = arith.constant 0 : index
    %get3A_27 = arith.constant 0 : index
    %get3A_28 = vector.load %arg5[%get3A_26, %get3A_27] : memref<128x128xf32, #tpu.memory_space<vmem>>, vector<128x128xf32>
    %dot_general3A_29 = arith.constant dense<0.000000e+00> : vector<640x128xf32>
    %dot_general3A_30 = tpu.matmul %add3A_17, %get3A_28, %dot_general3A_29 {dimension_numbers = #tpu.dot_dimension_numbers<[1], [0], [0], [1], [0, 0, 1, 1], [], []>, transpose_lhs_hint = false} : vector<640x128xf32>, vector<128x128xf32>, vector<640x128xf32> -> vector<640x128xf32>
    %mul3A = vector.broadcast %select_n3A : vector<640x1xf32> to vector<640x128xf32>
    %mul3A_31 = arith.mulf %mul3A, %dot_general3A_30 : vector<640x128xf32>
    %swap3A_32 = arith.constant 0 : index
    %swap3A_33 = arith.constant 0 : index
    %swap3A_34 = vector.load %arg7[%swap3A_32, %swap3A_33] : memref<640x128xf32, #tpu.memory_space<vmem>>, vector<640x128xf32>
    tpu.vector_store %arg7[%swap3A_32, %swap3A_33], %mul3A_31 {strides = array<i32>} : memref<640x128xf32, #tpu.memory_space<vmem>>, vector<640x128xf32>,
    return
  }
  func.func @transform_0(%arg0: i32) -> (i32, i32) {
    %add3A = arith.constant 0 : i32
    %add3A_0 = arith.addi %arg0, %add3A : i32
    %c0_i32 = arith.constant 0 : i32
    %c0_i32_1 = arith.constant 0 : i32
    return %add3A_0, %c0_i32 : i32, i32
  }
  func.func @transform_1(%arg0: i32) -> (i32, i32) {
    %c0_i32 = arith.constant 0 : i32
    %c0_i32_0 = arith.constant 0 : i32
    return %c0_i32, %arg0 : i32, i32
  }
  func.func @transform_2(%arg0: i32) -> (i32, i32) {
    %c0_i32 = arith.constant 0 : i32
    %c0_i32_0 = arith.constant 0 : i32
    %c0_i32_1 = arith.constant 0 : i32
    return %c0_i32, %c0_i32_0 : i32, i32
  }
  func.func @transform_3(%arg0: i32) -> (i32, i32) {
    %c0_i32 = arith.constant 0 : i32
    %c0_i32_0 = arith.constant 0 : i32
    %c0_i32_1 = arith.constant 0 : i32
    return %c0_i32, %c0_i32_0 : i32, i32
  }
  func.func @transform_4(%arg0: i32) -> (i32, i32) {
    %c0_i32 = arith.constant 0 : i32
    %c0_i32_0 = arith.constant 0 : i32
    %c0_i32_1 = arith.constant 0 : i32
    return %c0_i32, %c0_i32_0 : i32, i32
  }
  func.func @transform_5(%arg0: i32) -> (i32, i32) {
    %add3A = arith.constant 0 : i32
    %add3A_0 = arith.addi %arg0, %add3A : i32
    %c0_i32 = arith.constant 0 : i32
    %c0_i32_1 = arith.constant 0 : i32
    return %add3A_0, %c0_i32 : i32, i32
  }
  func.func @transform_6(%arg0: i32) -> (i32, i32) {
    %add3A = arith.constant 0 : i32
    %add3A_0 = arith.addi %arg0, %add3A : i32
    %c0_i32 = arith.constant 0 : i32
    %c0_i32_1 = arith.constant 0 : i32
    return %add3A_0, %c0_i32 : i32, i32
  }
  func.func @transform_7(%arg0: i32) -> (i32, i32) {
    %add3A = arith.constant 0 : i32
    %add3A_0 = arith.addi %arg0, %add3A : i32
    %c0_i32 = arith.constant 0 : i32
    %c0_i32_1 = arith.constant 0 : i32
    return %add3A_0, %c0_i32 : i32, i32
  }
}

module attributes {stable_mosaic.version = 14 : i64} {
  func.func @body(%arg0: i32, %arg1: memref<640x128xf32, #tpu.memory_space<vmem>>, %arg2: memref<640x128xf32, #tpu.memory_space<vmem>>, %arg3: memref<640x16xf32, #tpu.memory_space<vmem>>, %arg4: memref<1x128xf32, #tpu.memory_space<vmem>>, %arg5: memref<128x128xf32, #tpu.memory_space<vmem>>, %arg6: memref<640x128xf32, #tpu.memory_space<vmem>>) attributes {dimension_semantics = [#tpu.dimension_semantics<arbitrary>], iteration_bounds = array<i64: 48>, scalar_prefetch = 0 : i64, scratch_operands = 0 : i64, tpu.core_type = #tpu.core_type<tc>, window_params = [{transform_indices = @transform_0, window_bounds = array<i64: 640, 128>}, {transform_indices = @transform_1, window_bounds = array<i64: 640, 128>}, {transform_indices = @transform_2, window_bounds = array<i64: 640, 16>}, {pipeline_mode = #tpu.pipeline_mode<synchronous>, transform_indices = @transform_3, window_bounds = array<i64: 1, 128>}, {pipeline_mode = #tpu.pipeline_mode<synchronous>, transform_indices = @transform_4, window_bounds = array<i64: 128, 128>}, {transform_indices = @transform_5, window_bounds = array<i64: 640, 128>}]} {
    %get3A = arith.constant 0 : index
    %get3A_0 = arith.constant 0 : index
    %get3A_1 = vector.load %arg3[%get3A, %get3A_0] : memref<640x16xf32, #tpu.memory_space<vmem>>, vector<640x16xf32>
    %slice3A = vector.extract_strided_slice %get3A_1 {offsets = [0, 0], sizes = [640, 1], strides = [1, 1]} : vector<640x16xf32> to vector<640x1xf32>
    %gt3A = arith.constant 0.000000e+00 : f32
    %gt3A_2 = vector.broadcast %gt3A : f32 to vector<640x1xf32>
    %gt3A_3 = arith.cmpf ogt, %slice3A, %gt3A_2 : vector<640x1xf32>
    %sqrt3A = math.sqrt %slice3A : vector<640x1xf32>
    %div3A = arith.constant 1.000000e+00 : f32
    %div3A_4 = vector.broadcast %div3A : f32 to vector<640x1xf32>
    %div3A_5 = arith.divf %div3A_4, %sqrt3A : vector<640x1xf32>
    %jit3A = arith.constant 0.000000e+00 : f32
    %broadcast_in_dim3A = vector.broadcast %jit3A : f32 to vector<640x1xf32>
    %select_n3A = arith.select %gt3A_3, %div3A_5, %broadcast_in_dim3A : vector<640x1xi1>, vector<640x1xf32>
    %get3A_6 = arith.constant 0 : index
    %get3A_7 = arith.constant 0 : index
    %get3A_8 = vector.load %arg1[%get3A_6, %get3A_7] : memref<640x128xf32, #tpu.memory_space<vmem>>, vector<640x128xf32>
    %get3A_9 = arith.constant 0 : index
    %get3A_10 = arith.constant 0 : index
    %get3A_11 = vector.load %arg2[%get3A_9, %get3A_10] : memref<640x128xf32, #tpu.memory_space<vmem>>, vector<640x128xf32>
    %add3A = arith.addf %get3A_8, %get3A_11 : vector<640x128xf32>
    %mul3A = vector.broadcast %select_n3A : vector<640x1xf32> to vector<640x128xf32>
    %mul3A_12 = arith.mulf %mul3A, %add3A : vector<640x128xf32>
    %get3A_13 = arith.constant 0 : index
    %get3A_14 = arith.constant 0 : index
    %get3A_15 = vector.load %arg4[%get3A_13, %get3A_14] : memref<1x128xf32, #tpu.memory_space<vmem>>, vector<1x128xf32>
    %add3A_16 = vector.broadcast %get3A_15 : vector<1x128xf32> to vector<640x128xf32>
    %add3A_17 = arith.addf %mul3A_12, %add3A_16 : vector<640x128xf32>
    %get3A_18 = arith.constant 0 : index
    %get3A_19 = arith.constant 0 : index
    %get3A_20 = vector.load %arg5[%get3A_18, %get3A_19] : memref<128x128xf32, #tpu.memory_space<vmem>>, vector<128x128xf32>
    %dot_general3A = arith.constant dense<0.000000e+00> : vector<640x128xf32>
    %dot_general3A_21 = tpu.matmul %add3A_17, %get3A_20, %dot_general3A {dimension_numbers = #tpu.dot_dimension_numbers<[1], [0], [0], [1], [0, 0, 1, 1], [], []>, transpose_lhs_hint = false} : vector<640x128xf32>, vector<128x128xf32>, vector<640x128xf32> -> vector<640x128xf32>
    %mul3A_22 = vector.broadcast %select_n3A : vector<640x1xf32> to vector<640x128xf32>
    %mul3A_23 = arith.mulf %mul3A_22, %dot_general3A_21 : vector<640x128xf32>
    %swap3A = arith.constant 0 : index
    %swap3A_24 = arith.constant 0 : index
    %swap3A_25 = vector.load %arg6[%swap3A, %swap3A_24] : memref<640x128xf32, #tpu.memory_space<vmem>>, vector<640x128xf32>
    tpu.vector_store %arg6[%swap3A, %swap3A_24], %mul3A_23 {strides = array<i32>} : memref<640x128xf32, #tpu.memory_space<vmem>>, vector<640x128xf32>,
    return
  }
  func.func @transform_0(%arg0: i32) -> (i32, i32) {
    %add3A = arith.constant 0 : i32
    %add3A_0 = arith.addi %arg0, %add3A : i32
    %c0_i32 = arith.constant 0 : i32
    %c0_i32_1 = arith.constant 0 : i32
    return %add3A_0, %c0_i32 : i32, i32
  }
  func.func @transform_1(%arg0: i32) -> (i32, i32) {
    %add3A = arith.constant 48 : i32
    %add3A_0 = arith.addi %arg0, %add3A : i32
    %c0_i32 = arith.constant 0 : i32
    %c0_i32_1 = arith.constant 0 : i32
    return %add3A_0, %c0_i32 : i32, i32
  }
  func.func @transform_2(%arg0: i32) -> (i32, i32) {
    %add3A = arith.constant 0 : i32
    %add3A_0 = arith.addi %arg0, %add3A : i32
    %c0_i32 = arith.constant 0 : i32
    %c0_i32_1 = arith.constant 0 : i32
    return %add3A_0, %c0_i32 : i32, i32
  }
  func.func @transform_3(%arg0: i32) -> (i32, i32) {
    %c0_i32 = arith.constant 0 : i32
    %c0_i32_0 = arith.constant 0 : i32
    %c0_i32_1 = arith.constant 0 : i32
    return %c0_i32, %c0_i32_0 : i32, i32
  }
  func.func @transform_4(%arg0: i32) -> (i32, i32) {
    %c0_i32 = arith.constant 0 : i32
    %c0_i32_0 = arith.constant 0 : i32
    %c0_i32_1 = arith.constant 0 : i32
    return %c0_i32, %c0_i32_0 : i32, i32
  }
  func.func @transform_5(%arg0: i32) -> (i32, i32) {
    %add3A = arith.constant 0 : i32
    %add3A_0 = arith.addi %arg0, %add3A : i32
    %c0_i32 = arith.constant 0 : i32
    %c0_i32_1 = arith.constant 0 : i32
    return %add3A_0, %c0_i32 : i32, i32
  }
}

module attributes {stable_mosaic.version = 14 : i64} {
  func.func @body(%arg0: i32, %arg1: memref<640x128xf32, #tpu.memory_space<vmem>>, %arg2: memref<640x128xf32, #tpu.memory_space<vmem>>, %arg3: memref<640x128xf32, #tpu.memory_space<vmem>>, %arg4: memref<640x128xf32, #tpu.memory_space<vmem>>, %arg5: memref<640x16xf32, #tpu.memory_space<vmem>>, %arg6: memref<640x16xf32, #tpu.memory_space<vmem>>, %arg7: memref<640x16xf32, #tpu.memory_space<vmem>>, %arg8: memref<1x128xf32, #tpu.memory_space<vmem>>, %arg9: memref<128x128xf32, #tpu.memory_space<vmem>>, %arg10: memref<640x128xf32, #tpu.memory_space<vmem>>, %arg11: memref<640x128xf32, #tpu.memory_space<vmem>>) attributes {dimension_semantics = [#tpu.dimension_semantics<arbitrary>], iteration_bounds = array<i64: 16>, scalar_prefetch = 0 : i64, scratch_operands = 0 : i64, tpu.core_type = #tpu.core_type<tc>, window_params = [{transform_indices = @transform_0, window_bounds = array<i64: 640, 128>}, {transform_indices = @transform_1, window_bounds = array<i64: 640, 128>}, {transform_indices = @transform_2, window_bounds = array<i64: 640, 128>}, {transform_indices = @transform_3, window_bounds = array<i64: 640, 128>}, {transform_indices = @transform_4, window_bounds = array<i64: 640, 16>}, {transform_indices = @transform_5, window_bounds = array<i64: 640, 16>}, {transform_indices = @transform_6, window_bounds = array<i64: 640, 16>}, {pipeline_mode = #tpu.pipeline_mode<synchronous>, transform_indices = @transform_7, window_bounds = array<i64: 1, 128>}, {pipeline_mode = #tpu.pipeline_mode<synchronous>, transform_indices = @transform_8, window_bounds = array<i64: 128, 128>}, {transform_indices = @transform_9, window_bounds = array<i64: 640, 128>}, {transform_indices = @transform_10, window_bounds = array<i64: 640, 128>}]} {
    %get3A = arith.constant 0 : index
    %get3A_0 = arith.constant 0 : index
    %get3A_1 = vector.load %arg6[%get3A, %get3A_0] : memref<640x16xf32, #tpu.memory_space<vmem>>, vector<640x16xf32>
    %slice3A = vector.extract_strided_slice %get3A_1 {offsets = [0, 0], sizes = [640, 1], strides = [1, 1]} : vector<640x16xf32> to vector<640x1xf32>
    %gt3A = arith.constant 0.000000e+00 : f32
    %gt3A_2 = vector.broadcast %gt3A : f32 to vector<640x1xf32>
    %gt3A_3 = arith.cmpf ogt, %slice3A, %gt3A_2 : vector<640x1xf32>
    %sqrt3A = math.sqrt %slice3A : vector<640x1xf32>
    %div3A = arith.constant 1.000000e+00 : f32
    %div3A_4 = vector.broadcast %div3A : f32 to vector<640x1xf32>
    %div3A_5 = arith.divf %div3A_4, %sqrt3A : vector<640x1xf32>
    %jit3A = arith.constant 0.000000e+00 : f32
    %broadcast_in_dim3A = vector.broadcast %jit3A : f32 to vector<640x1xf32>
    %select_n3A = arith.select %gt3A_3, %div3A_5, %broadcast_in_dim3A : vector<640x1xi1>, vector<640x1xf32>
    %get3A_6 = arith.constant 0 : index
    %get3A_7 = arith.constant 0 : index
    %get3A_8 = vector.load %arg1[%get3A_6, %get3A_7] : memref<640x128xf32, #tpu.memory_space<vmem>>, vector<640x128xf32>
    %get3A_9 = arith.constant 0 : index
    %get3A_10 = arith.constant 0 : index
    %get3A_11 = vector.load %arg2[%get3A_9, %get3A_10] : memref<640x128xf32, #tpu.memory_space<vmem>>, vector<640x128xf32>
    %add3A = arith.addf %get3A_8, %get3A_11 : vector<640x128xf32>
    %mul3A = vector.broadcast %select_n3A : vector<640x1xf32> to vector<640x128xf32>
    %mul3A_12 = arith.mulf %mul3A, %add3A : vector<640x128xf32>
    %get3A_13 = arith.constant 0 : index
    %get3A_14 = arith.constant 0 : index
    %get3A_15 = vector.load %arg8[%get3A_13, %get3A_14] : memref<1x128xf32, #tpu.memory_space<vmem>>, vector<1x128xf32>
    %add3A_16 = vector.broadcast %get3A_15 : vector<1x128xf32> to vector<640x128xf32>
    %add3A_17 = arith.addf %mul3A_12, %add3A_16 : vector<640x128xf32>
    %get3A_18 = arith.constant 0 : index
    %get3A_19 = arith.constant 0 : index
    %get3A_20 = vector.load %arg7[%get3A_18, %get3A_19] : memref<640x16xf32, #tpu.memory_space<vmem>>, vector<640x16xf32>
    %slice3A_21 = vector.extract_strided_slice %get3A_20 {offsets = [0, 0], sizes = [640, 1], strides = [1, 1]} : vector<640x16xf32> to vector<640x1xf32>
    %gt3A_22 = arith.constant 0.000000e+00 : f32
    %gt3A_23 = vector.broadcast %gt3A_22 : f32 to vector<640x1xf32>
    %gt3A_24 = arith.cmpf ogt, %slice3A_21, %gt3A_23 : vector<640x1xf32>
    %sqrt3A_25 = math.sqrt %slice3A_21 : vector<640x1xf32>
    %div3A_26 = arith.constant 1.000000e+00 : f32
    %div3A_27 = vector.broadcast %div3A_26 : f32 to vector<640x1xf32>
    %div3A_28 = arith.divf %div3A_27, %sqrt3A_25 : vector<640x1xf32>
    %jit3A_29 = arith.constant 0.000000e+00 : f32
    %broadcast_in_dim3A_30 = vector.broadcast %jit3A_29 : f32 to vector<640x1xf32>
    %select_n3A_31 = arith.select %gt3A_24, %div3A_28, %broadcast_in_dim3A_30 : vector<640x1xi1>, vector<640x1xf32>
    %get3A_32 = arith.constant 0 : index
    %get3A_33 = arith.constant 0 : index
    %get3A_34 = vector.load %arg3[%get3A_32, %get3A_33] : memref<640x128xf32, #tpu.memory_space<vmem>>, vector<640x128xf32>
    %get3A_35 = arith.constant 0 : index
    %get3A_36 = arith.constant 0 : index
    %get3A_37 = vector.load %arg4[%get3A_35, %get3A_36] : memref<640x128xf32, #tpu.memory_space<vmem>>, vector<640x128xf32>
    %add3A_38 = arith.addf %get3A_34, %get3A_37 : vector<640x128xf32>
    %mul3A_39 = vector.broadcast %select_n3A_31 : vector<640x1xf32> to vector<640x128xf32>
    %mul3A_40 = arith.mulf %mul3A_39, %add3A_38 : vector<640x128xf32>
    %get3A_41 = arith.constant 0 : index
    %get3A_42 = arith.constant 0 : index
    %get3A_43 = vector.load %arg8[%get3A_41, %get3A_42] : memref<1x128xf32, #tpu.memory_space<vmem>>, vector<1x128xf32>
    %add3A_44 = vector.broadcast %get3A_43 : vector<1x128xf32> to vector<640x128xf32>
    %add3A_45 = arith.addf %mul3A_40, %add3A_44 : vector<640x128xf32>
    %swap3A = arith.constant 0 : index
    %swap3A_46 = arith.constant 0 : index
    %swap3A_47 = vector.load %arg11[%swap3A, %swap3A_46] : memref<640x128xf32, #tpu.memory_space<vmem>>, vector<640x128xf32>
    tpu.vector_store %arg11[%swap3A, %swap3A_46], %add3A_45 {strides = array<i32>} : memref<640x128xf32, #tpu.memory_space<vmem>>, vector<640x128xf32>,
    %get3A_48 = arith.constant 0 : index
    %get3A_49 = arith.constant 0 : index
    %get3A_50 = vector.load %arg5[%get3A_48, %get3A_49] : memref<640x16xf32, #tpu.memory_space<vmem>>, vector<640x16xf32>
    %slice3A_51 = vector.extract_strided_slice %get3A_50 {offsets = [0, 0], sizes = [640, 1], strides = [1, 1]} : vector<640x16xf32> to vector<640x1xf32>
    %gt3A_52 = arith.constant 0.000000e+00 : f32
    %gt3A_53 = vector.broadcast %gt3A_52 : f32 to vector<640x1xf32>
    %gt3A_54 = arith.cmpf ogt, %slice3A_51, %gt3A_53 : vector<640x1xf32>
    %sqrt3A_55 = math.sqrt %slice3A_51 : vector<640x1xf32>
    %div3A_56 = arith.constant 1.000000e+00 : f32
    %div3A_57 = vector.broadcast %div3A_56 : f32 to vector<640x1xf32>
    %div3A_58 = arith.divf %div3A_57, %sqrt3A_55 : vector<640x1xf32>
    %jit3A_59 = arith.constant 0.000000e+00 : f32
    %broadcast_in_dim3A_60 = vector.broadcast %jit3A_59 : f32 to vector<640x1xf32>
    %select_n3A_61 = arith.select %gt3A_54, %div3A_58, %broadcast_in_dim3A_60 : vector<640x1xi1>, vector<640x1xf32>
    %add3A_62 = arith.addf %add3A_17, %add3A_45 : vector<640x128xf32>
    %get3A_63 = arith.constant 0 : index
    %get3A_64 = arith.constant 0 : index
    %get3A_65 = vector.load %arg9[%get3A_63, %get3A_64] : memref<128x128xf32, #tpu.memory_space<vmem>>, vector<128x128xf32>
    %dot_general3A = arith.constant dense<0.000000e+00> : vector<640x128xf32>
    %dot_general3A_66 = tpu.matmul %add3A_62, %get3A_65, %dot_general3A {dimension_numbers = #tpu.dot_dimension_numbers<[1], [0], [0], [1], [0, 0, 1, 1], [], []>, transpose_lhs_hint = false} : vector<640x128xf32>, vector<128x128xf32>, vector<640x128xf32> -> vector<640x128xf32>
    %mul3A_67 = vector.broadcast %select_n3A_61 : vector<640x1xf32> to vector<640x128xf32>
    %mul3A_68 = arith.mulf %mul3A_67, %dot_general3A_66 : vector<640x128xf32>
    %swap3A_69 = arith.constant 0 : index
    %swap3A_70 = arith.constant 0 : index
    %swap3A_71 = vector.load %arg10[%swap3A_69, %swap3A_70] : memref<640x128xf32, #tpu.memory_space<vmem>>, vector<640x128xf32>
    tpu.vector_store %arg10[%swap3A_69, %swap3A_70], %mul3A_68 {strides = array<i32>} : memref<640x128xf32, #tpu.memory_space<vmem>>, vector<640x128xf32>,
    return
  }
  func.func @transform_0(%arg0: i32) -> (i32, i32) {
    %add3A = arith.constant 16 : i32
    %add3A_0 = arith.addi %arg0, %add3A : i32
    %c0_i32 = arith.constant 0 : i32
    %c0_i32_1 = arith.constant 0 : i32
    return %add3A_0, %c0_i32 : i32, i32
  }
  func.func @transform_1(%arg0: i32) -> (i32, i32) {
    %add3A = arith.constant 64 : i32
    %add3A_0 = arith.addi %arg0, %add3A : i32
    %c0_i32 = arith.constant 0 : i32
    %c0_i32_1 = arith.constant 0 : i32
    return %add3A_0, %c0_i32 : i32, i32
  }
  func.func @transform_2(%arg0: i32) -> (i32, i32) {
    %add3A = arith.constant 32 : i32
    %add3A_0 = arith.addi %arg0, %add3A : i32
    %c0_i32 = arith.constant 0 : i32
    %c0_i32_1 = arith.constant 0 : i32
    return %add3A_0, %c0_i32 : i32, i32
  }
  func.func @transform_3(%arg0: i32) -> (i32, i32) {
    %add3A = arith.constant 80 : i32
    %add3A_0 = arith.addi %arg0, %add3A : i32
    %c0_i32 = arith.constant 0 : i32
    %c0_i32_1 = arith.constant 0 : i32
    return %add3A_0, %c0_i32 : i32, i32
  }
  func.func @transform_4(%arg0: i32) -> (i32, i32) {
    %add3A = arith.constant 0 : i32
    %add3A_0 = arith.addi %arg0, %add3A : i32
    %c0_i32 = arith.constant 0 : i32
    %c0_i32_1 = arith.constant 0 : i32
    return %add3A_0, %c0_i32 : i32, i32
  }
  func.func @transform_5(%arg0: i32) -> (i32, i32) {
    %add3A = arith.constant 16 : i32
    %add3A_0 = arith.addi %arg0, %add3A : i32
    %c0_i32 = arith.constant 0 : i32
    %c0_i32_1 = arith.constant 0 : i32
    return %add3A_0, %c0_i32 : i32, i32
  }
  func.func @transform_6(%arg0: i32) -> (i32, i32) {
    %add3A = arith.constant 32 : i32
    %add3A_0 = arith.addi %arg0, %add3A : i32
    %c0_i32 = arith.constant 0 : i32
    %c0_i32_1 = arith.constant 0 : i32
    return %add3A_0, %c0_i32 : i32, i32
  }
  func.func @transform_7(%arg0: i32) -> (i32, i32) {
    %c0_i32 = arith.constant 0 : i32
    %c0_i32_0 = arith.constant 0 : i32
    %c0_i32_1 = arith.constant 0 : i32
    return %c0_i32, %c0_i32_0 : i32, i32
  }
  func.func @transform_8(%arg0: i32) -> (i32, i32) {
    %c0_i32 = arith.constant 0 : i32
    %c0_i32_0 = arith.constant 0 : i32
    %c0_i32_1 = arith.constant 0 : i32
    return %c0_i32, %c0_i32_0 : i32, i32
  }
  func.func @transform_9(%arg0: i32) -> (i32, i32) {
    %add3A = arith.constant 0 : i32
    %add3A_0 = arith.addi %arg0, %add3A : i32
    %c0_i32 = arith.constant 0 : i32
    %c0_i32_1 = arith.constant 0 : i32
    return %add3A_0, %c0_i32 : i32, i32
  }
  func.func @transform_10(%arg0: i32) -> (i32, i32) {
    %add3A = arith.constant 0 : i32
    %add3A_0 = arith.addi %arg0, %add3A : i32
    %c0_i32 = arith.constant 0 : i32
    %c0_i32_1 = arith.constant 0 : i32
    return %add3A_0, %c0_i32 : i32, i32
  }
}

module attributes {stable_mosaic.version = 14 : i64} {
  func.func @body(%arg0: i32, %arg1: memref<640x128xf32, #tpu.memory_space<vmem>>, %arg2: memref<640x128xf32, #tpu.memory_space<vmem>>, %arg3: memref<640x16xf32, #tpu.memory_space<vmem>>, %arg4: memref<1x128xf32, #tpu.memory_space<vmem>>, %arg5: memref<128x128xf32, #tpu.memory_space<vmem>>, %arg6: memref<640x128xf32, #tpu.memory_space<vmem>>) attributes {dimension_semantics = [#tpu.dimension_semantics<arbitrary>], iteration_bounds = array<i64: 16>, scalar_prefetch = 0 : i64, scratch_operands = 0 : i64, tpu.core_type = #tpu.core_type<tc>, window_params = [{transform_indices = @transform_0, window_bounds = array<i64: 640, 128>}, {transform_indices = @transform_1, window_bounds = array<i64: 640, 128>}, {transform_indices = @transform_2, window_bounds = array<i64: 640, 16>}, {pipeline_mode = #tpu.pipeline_mode<synchronous>, transform_indices = @transform_3, window_bounds = array<i64: 1, 128>}, {pipeline_mode = #tpu.pipeline_mode<synchronous>, transform_indices = @transform_4, window_bounds = array<i64: 128, 128>}, {transform_indices = @transform_5, window_bounds = array<i64: 640, 128>}]} {
    %get3A = arith.constant 0 : index
    %get3A_0 = arith.constant 0 : index
    %get3A_1 = vector.load %arg3[%get3A, %get3A_0] : memref<640x16xf32, #tpu.memory_space<vmem>>, vector<640x16xf32>
    %slice3A = vector.extract_strided_slice %get3A_1 {offsets = [0, 0], sizes = [640, 1], strides = [1, 1]} : vector<640x16xf32> to vector<640x1xf32>
    %gt3A = arith.constant 0.000000e+00 : f32
    %gt3A_2 = vector.broadcast %gt3A : f32 to vector<640x1xf32>
    %gt3A_3 = arith.cmpf ogt, %slice3A, %gt3A_2 : vector<640x1xf32>
    %sqrt3A = math.sqrt %slice3A : vector<640x1xf32>
    %div3A = arith.constant 1.000000e+00 : f32
    %div3A_4 = vector.broadcast %div3A : f32 to vector<640x1xf32>
    %div3A_5 = arith.divf %div3A_4, %sqrt3A : vector<640x1xf32>
    %jit3A = arith.constant 0.000000e+00 : f32
    %broadcast_in_dim3A = vector.broadcast %jit3A : f32 to vector<640x1xf32>
    %select_n3A = arith.select %gt3A_3, %div3A_5, %broadcast_in_dim3A : vector<640x1xi1>, vector<640x1xf32>
    %get3A_6 = arith.constant 0 : index
    %get3A_7 = arith.constant 0 : index
    %get3A_8 = vector.load %arg1[%get3A_6, %get3A_7] : memref<640x128xf32, #tpu.memory_space<vmem>>, vector<640x128xf32>
    %get3A_9 = arith.constant 0 : index
    %get3A_10 = arith.constant 0 : index
    %get3A_11 = vector.load %arg2[%get3A_9, %get3A_10] : memref<640x128xf32, #tpu.memory_space<vmem>>, vector<640x128xf32>
    %add3A = arith.addf %get3A_8, %get3A_11 : vector<640x128xf32>
    %mul3A = vector.broadcast %select_n3A : vector<640x1xf32> to vector<640x128xf32>
    %mul3A_12 = arith.mulf %mul3A, %add3A : vector<640x128xf32>
    %get3A_13 = arith.constant 0 : index
    %get3A_14 = arith.constant 0 : index
    %get3A_15 = vector.load %arg4[%get3A_13, %get3A_14] : memref<1x128xf32, #tpu.memory_space<vmem>>, vector<1x128xf32>
    %add3A_16 = vector.broadcast %get3A_15 : vector<1x128xf32> to vector<640x128xf32>
    %add3A_17 = arith.addf %mul3A_12, %add3A_16 : vector<640x128xf32>
    %get3A_18 = arith.constant 0 : index
    %get3A_19 = arith.constant 0 : index
    %get3A_20 = vector.load %arg5[%get3A_18, %get3A_19] : memref<128x128xf32, #tpu.memory_space<vmem>>, vector<128x128xf32>
    %dot_general3A = arith.constant dense<0.000000e+00> : vector<640x128xf32>
    %dot_general3A_21 = tpu.matmul %add3A_17, %get3A_20, %dot_general3A {dimension_numbers = #tpu.dot_dimension_numbers<[1], [0], [0], [1], [0, 0, 1, 1], [], []>, transpose_lhs_hint = false} : vector<640x128xf32>, vector<128x128xf32>, vector<640x128xf32> -> vector<640x128xf32>
    %mul3A_22 = vector.broadcast %select_n3A : vector<640x1xf32> to vector<640x128xf32>
    %mul3A_23 = arith.mulf %mul3A_22, %dot_general3A_21 : vector<640x128xf32>
    %swap3A = arith.constant 0 : index
    %swap3A_24 = arith.constant 0 : index
    %swap3A_25 = vector.load %arg6[%swap3A, %swap3A_24] : memref<640x128xf32, #tpu.memory_space<vmem>>, vector<640x128xf32>
    tpu.vector_store %arg6[%swap3A, %swap3A_24], %mul3A_23 {strides = array<i32>} : memref<640x128xf32, #tpu.memory_space<vmem>>, vector<640x128xf32>,
    return
  }
  func.func @transform_0(%arg0: i32) -> (i32, i32) {
    %add3A = arith.constant 0 : i32
    %add3A_0 = arith.addi %arg0, %add3A : i32
    %c0_i32 = arith.constant 0 : i32
    %c0_i32_1 = arith.constant 0 : i32
    return %add3A_0, %c0_i32 : i32, i32
  }
  func.func @transform_1(%arg0: i32) -> (i32, i32) {
    %add3A = arith.constant 16 : i32
    %add3A_0 = arith.addi %arg0, %add3A : i32
    %c0_i32 = arith.constant 0 : i32
    %c0_i32_1 = arith.constant 0 : i32
    return %add3A_0, %c0_i32 : i32, i32
  }
  func.func @transform_2(%arg0: i32) -> (i32, i32) {
    %add3A = arith.constant 0 : i32
    %add3A_0 = arith.addi %arg0, %add3A : i32
    %c0_i32 = arith.constant 0 : i32
    %c0_i32_1 = arith.constant 0 : i32
    return %add3A_0, %c0_i32 : i32, i32
  }
  func.func @transform_3(%arg0: i32) -> (i32, i32) {
    %c0_i32 = arith.constant 0 : i32
    %c0_i32_0 = arith.constant 0 : i32
    %c0_i32_1 = arith.constant 0 : i32
    return %c0_i32, %c0_i32_0 : i32, i32
  }
  func.func @transform_4(%arg0: i32) -> (i32, i32) {
    %c0_i32 = arith.constant 0 : i32
    %c0_i32_0 = arith.constant 0 : i32
    %c0_i32_1 = arith.constant 0 : i32
    return %c0_i32, %c0_i32_0 : i32, i32
  }
  func.func @transform_5(%arg0: i32) -> (i32, i32) {
    %add3A = arith.constant 0 : i32
    %add3A_0 = arith.addi %arg0, %add3A : i32
    %c0_i32 = arith.constant 0 : i32
    %c0_i32_1 = arith.constant 0 : i32
    return %add3A_0, %c0_i32 : i32, i32
  }
}

module attributes {stable_mosaic.version = 14 : i64} {
  func.func @body(%arg0: i32, %arg1: memref<640x128xf32, #tpu.memory_space<vmem>>, %arg2: memref<640x128xf32, #tpu.memory_space<vmem>>, %arg3: memref<640x16xf32, #tpu.memory_space<vmem>>, %arg4: memref<640x16xf32, #tpu.memory_space<vmem>>, %arg5: memref<1x128xf32, #tpu.memory_space<vmem>>, %arg6: memref<640x128xf32, #tpu.memory_space<vmem>>, %arg7: memref<128x128xf32, #tpu.memory_space<vmem>>, %arg8: memref<640x128xf32, #tpu.memory_space<vmem>>, %arg9: memref<640x128xf32, #tpu.memory_space<vmem>>) attributes {dimension_semantics = [#tpu.dimension_semantics<arbitrary>], iteration_bounds = array<i64: 16>, scalar_prefetch = 0 : i64, scratch_operands = 0 : i64, tpu.core_type = #tpu.core_type<tc>, window_params = [{transform_indices = @transform_0, window_bounds = array<i64: 640, 128>}, {transform_indices = @transform_1, window_bounds = array<i64: 640, 128>}, {transform_indices = @transform_2, window_bounds = array<i64: 640, 16>}, {transform_indices = @transform_3, window_bounds = array<i64: 640, 16>}, {pipeline_mode = #tpu.pipeline_mode<synchronous>, transform_indices = @transform_4, window_bounds = array<i64: 1, 128>}, {transform_indices = @transform_5, window_bounds = array<i64: 640, 128>}, {pipeline_mode = #tpu.pipeline_mode<synchronous>, transform_indices = @transform_6, window_bounds = array<i64: 128, 128>}, {transform_indices = @transform_7, window_bounds = array<i64: 640, 128>}, {transform_indices = @transform_8, window_bounds = array<i64: 640, 128>}]} {
    %get3A = arith.constant 0 : index
    %get3A_0 = arith.constant 0 : index
    %get3A_1 = vector.load %arg3[%get3A, %get3A_0] : memref<640x16xf32, #tpu.memory_space<vmem>>, vector<640x16xf32>
    %slice3A = vector.extract_strided_slice %get3A_1 {offsets = [0, 0], sizes = [640, 1], strides = [1, 1]} : vector<640x16xf32> to vector<640x1xf32>
    %gt3A = arith.constant 0.000000e+00 : f32
    %gt3A_2 = vector.broadcast %gt3A : f32 to vector<640x1xf32>
    %gt3A_3 = arith.cmpf ogt, %slice3A, %gt3A_2 : vector<640x1xf32>
    %sqrt3A = math.sqrt %slice3A : vector<640x1xf32>
    %div3A = arith.constant 1.000000e+00 : f32
    %div3A_4 = vector.broadcast %div3A : f32 to vector<640x1xf32>
    %div3A_5 = arith.divf %div3A_4, %sqrt3A : vector<640x1xf32>
    %jit3A = arith.constant 0.000000e+00 : f32
    %broadcast_in_dim3A = vector.broadcast %jit3A : f32 to vector<640x1xf32>
    %select_n3A = arith.select %gt3A_3, %div3A_5, %broadcast_in_dim3A : vector<640x1xi1>, vector<640x1xf32>
    %get3A_6 = arith.constant 0 : index
    %get3A_7 = arith.constant 0 : index
    %get3A_8 = vector.load %arg1[%get3A_6, %get3A_7] : memref<640x128xf32, #tpu.memory_space<vmem>>, vector<640x128xf32>
    %get3A_9 = arith.constant 0 : index
    %get3A_10 = arith.constant 0 : index
    %get3A_11 = vector.load %arg2[%get3A_9, %get3A_10] : memref<640x128xf32, #tpu.memory_space<vmem>>, vector<640x128xf32>
    %add3A = arith.addf %get3A_8, %get3A_11 : vector<640x128xf32>
    %mul3A = vector.broadcast %select_n3A : vector<640x1xf32> to vector<640x128xf32>
    %mul3A_12 = arith.mulf %mul3A, %add3A : vector<640x128xf32>
    %get3A_13 = arith.constant 0 : index
    %get3A_14 = arith.constant 0 : index
    %get3A_15 = vector.load %arg5[%get3A_13, %get3A_14] : memref<1x128xf32, #tpu.memory_space<vmem>>, vector<1x128xf32>
    %add3A_16 = vector.broadcast %get3A_15 : vector<1x128xf32> to vector<640x128xf32>
    %add3A_17 = arith.addf %mul3A_12, %add3A_16 : vector<640x128xf32>
    %swap3A = arith.constant 0 : index
    %swap3A_18 = arith.constant 0 : index
    %swap3A_19 = vector.load %arg8[%swap3A, %swap3A_18] : memref<640x128xf32, #tpu.memory_space<vmem>>, vector<640x128xf32>
    tpu.vector_store %arg8[%swap3A, %swap3A_18], %add3A_17 {strides = array<i32>} : memref<640x128xf32, #tpu.memory_space<vmem>>, vector<640x128xf32>,
    %get3A_20 = arith.constant 0 : index
    %get3A_21 = arith.constant 0 : index
    %get3A_22 = vector.load %arg4[%get3A_20, %get3A_21] : memref<640x16xf32, #tpu.memory_space<vmem>>, vector<640x16xf32>
    %slice3A_23 = vector.extract_strided_slice %get3A_22 {offsets = [0, 0], sizes = [640, 1], strides = [1, 1]} : vector<640x16xf32> to vector<640x1xf32>
    %gt3A_24 = arith.constant 0.000000e+00 : f32
    %gt3A_25 = vector.broadcast %gt3A_24 : f32 to vector<640x1xf32>
    %gt3A_26 = arith.cmpf ogt, %slice3A_23, %gt3A_25 : vector<640x1xf32>
    %sqrt3A_27 = math.sqrt %slice3A_23 : vector<640x1xf32>
    %div3A_28 = arith.constant 1.000000e+00 : f32
    %div3A_29 = vector.broadcast %div3A_28 : f32 to vector<640x1xf32>
    %div3A_30 = arith.divf %div3A_29, %sqrt3A_27 : vector<640x1xf32>
    %jit3A_31 = arith.constant 0.000000e+00 : f32
    %broadcast_in_dim3A_32 = vector.broadcast %jit3A_31 : f32 to vector<640x1xf32>
    %select_n3A_33 = arith.select %gt3A_26, %div3A_30, %broadcast_in_dim3A_32 : vector<640x1xi1>, vector<640x1xf32>
    %get3A_34 = arith.constant 0 : index
    %get3A_35 = arith.constant 0 : index
    %get3A_36 = vector.load %arg6[%get3A_34, %get3A_35] : memref<640x128xf32, #tpu.memory_space<vmem>>, vector<640x128xf32>
    %add3A_37 = arith.addf %add3A_17, %get3A_36 : vector<640x128xf32>
    %get3A_38 = arith.constant 0 : index
    %get3A_39 = arith.constant 0 : index
    %get3A_40 = vector.load %arg7[%get3A_38, %get3A_39] : memref<128x128xf32, #tpu.memory_space<vmem>>, vector<128x128xf32>
    %dot_general3A = arith.constant dense<0.000000e+00> : vector<640x128xf32>
    %dot_general3A_41 = tpu.matmul %add3A_37, %get3A_40, %dot_general3A {dimension_numbers = #tpu.dot_dimension_numbers<[1], [0], [0], [1], [0, 0, 1, 1], [], []>, transpose_lhs_hint = false} : vector<640x128xf32>, vector<128x128xf32>, vector<640x128xf32> -> vector<640x128xf32>
    %mul3A_42 = vector.broadcast %select_n3A_33 : vector<640x1xf32> to vector<640x128xf32>
    %mul3A_43 = arith.mulf %mul3A_42, %dot_general3A_41 : vector<640x128xf32>
    %swap3A_44 = arith.constant 0 : index
    %swap3A_45 = arith.constant 0 : index
    %swap3A_46 = vector.load %arg9[%swap3A_44, %swap3A_45] : memref<640x128xf32, #tpu.memory_space<vmem>>, vector<640x128xf32>
    tpu.vector_store %arg9[%swap3A_44, %swap3A_45], %mul3A_43 {strides = array<i32>} : memref<640x128xf32, #tpu.memory_space<vmem>>, vector<640x128xf32>,
    return
  }
  func.func @transform_0(%arg0: i32) -> (i32, i32) {
    %add3A = arith.constant 0 : i32
    %add3A_0 = arith.addi %arg0, %add3A : i32
    %c0_i32 = arith.constant 0 : i32
    %c0_i32_1 = arith.constant 0 : i32
    return %add3A_0, %c0_i32 : i32, i32
  }
  func.func @transform_1(%arg0: i32) -> (i32, i32) {
    %add3A = arith.constant 16 : i32
    %add3A_0 = arith.addi %arg0, %add3A : i32
    %c0_i32 = arith.constant 0 : i32
    %c0_i32_1 = arith.constant 0 : i32
    return %add3A_0, %c0_i32 : i32, i32
  }
  func.func @transform_2(%arg0: i32) -> (i32, i32) {
    %add3A = arith.constant 0 : i32
    %add3A_0 = arith.addi %arg0, %add3A : i32
    %c0_i32 = arith.constant 0 : i32
    %c0_i32_1 = arith.constant 0 : i32
    return %add3A_0, %c0_i32 : i32, i32
  }
  func.func @transform_3(%arg0: i32) -> (i32, i32) {
    %add3A = arith.constant 16 : i32
    %add3A_0 = arith.addi %arg0, %add3A : i32
    %c0_i32 = arith.constant 0 : i32
    %c0_i32_1 = arith.constant 0 : i32
    return %add3A_0, %c0_i32 : i32, i32
  }
  func.func @transform_4(%arg0: i32) -> (i32, i32) {
    %c0_i32 = arith.constant 0 : i32
    %c0_i32_0 = arith.constant 0 : i32
    %c0_i32_1 = arith.constant 0 : i32
    return %c0_i32, %c0_i32_0 : i32, i32
  }
  func.func @transform_5(%arg0: i32) -> (i32, i32) {
    %add3A = arith.constant 0 : i32
    %add3A_0 = arith.addi %arg0, %add3A : i32
    %c0_i32 = arith.constant 0 : i32
    %c0_i32_1 = arith.constant 0 : i32
    return %add3A_0, %c0_i32 : i32, i32
  }
  func.func @transform_6(%arg0: i32) -> (i32, i32) {
    %c0_i32 = arith.constant 0 : i32
    %c0_i32_0 = arith.constant 0 : i32
    %c0_i32_1 = arith.constant 0 : i32
    return %c0_i32, %c0_i32_0 : i32, i32
  }
  func.func @transform_7(%arg0: i32) -> (i32, i32) {
    %add3A = arith.constant 0 : i32
    %add3A_0 = arith.addi %arg0, %add3A : i32
    %c0_i32 = arith.constant 0 : i32
    %c0_i32_1 = arith.constant 0 : i32
    return %add3A_0, %c0_i32 : i32, i32
  }
  func.func @transform_8(%arg0: i32) -> (i32, i32) {
    %add3A = arith.constant 0 : i32
    %add3A_0 = arith.addi %arg0, %add3A : i32
    %c0_i32 = arith.constant 0 : i32
    %c0_i32_1 = arith.constant 0 : i32
    return %add3A_0, %c0_i32 : i32, i32
  }
}

module attributes {stable_mosaic.version = 14 : i64} {
  func.func @body(%arg0: i32, %arg1: memref<640x128xf32, #tpu.memory_space<vmem>>, %arg2: memref<640x128xf32, #tpu.memory_space<vmem>>, %arg3: memref<640x16xf32, #tpu.memory_space<vmem>>, %arg4: memref<1x128xf32, #tpu.memory_space<vmem>>, %arg5: memref<128x128xf32, #tpu.memory_space<vmem>>, %arg6: memref<640x128xf32, #tpu.memory_space<vmem>>) attributes {dimension_semantics = [#tpu.dimension_semantics<arbitrary>], iteration_bounds = array<i64: 16>, scalar_prefetch = 0 : i64, scratch_operands = 0 : i64, tpu.core_type = #tpu.core_type<tc>, window_params = [{transform_indices = @transform_0, window_bounds = array<i64: 640, 128>}, {transform_indices = @transform_1, window_bounds = array<i64: 640, 128>}, {transform_indices = @transform_2, window_bounds = array<i64: 640, 16>}, {pipeline_mode = #tpu.pipeline_mode<synchronous>, transform_indices = @transform_3, window_bounds = array<i64: 1, 128>}, {pipeline_mode = #tpu.pipeline_mode<synchronous>, transform_indices = @transform_4, window_bounds = array<i64: 128, 128>}, {transform_indices = @transform_5, window_bounds = array<i64: 640, 128>}]} {
    %get3A = arith.constant 0 : index
    %get3A_0 = arith.constant 0 : index
    %get3A_1 = vector.load %arg3[%get3A, %get3A_0] : memref<640x16xf32, #tpu.memory_space<vmem>>, vector<640x16xf32>
    %slice3A = vector.extract_strided_slice %get3A_1 {offsets = [0, 0], sizes = [640, 1], strides = [1, 1]} : vector<640x16xf32> to vector<640x1xf32>
    %gt3A = arith.constant 0.000000e+00 : f32
    %gt3A_2 = vector.broadcast %gt3A : f32 to vector<640x1xf32>
    %gt3A_3 = arith.cmpf ogt, %slice3A, %gt3A_2 : vector<640x1xf32>
    %sqrt3A = math.sqrt %slice3A : vector<640x1xf32>
    %div3A = arith.constant 1.000000e+00 : f32
    %div3A_4 = vector.broadcast %div3A : f32 to vector<640x1xf32>
    %div3A_5 = arith.divf %div3A_4, %sqrt3A : vector<640x1xf32>
    %jit3A = arith.constant 0.000000e+00 : f32
    %broadcast_in_dim3A = vector.broadcast %jit3A : f32 to vector<640x1xf32>
    %select_n3A = arith.select %gt3A_3, %div3A_5, %broadcast_in_dim3A : vector<640x1xi1>, vector<640x1xf32>
    %get3A_6 = arith.constant 0 : index
    %get3A_7 = arith.constant 0 : index
    %get3A_8 = vector.load %arg1[%get3A_6, %get3A_7] : memref<640x128xf32, #tpu.memory_space<vmem>>, vector<640x128xf32>
    %get3A_9 = arith.constant 0 : index
    %get3A_10 = arith.constant 0 : index
    %get3A_11 = vector.load %arg2[%get3A_9, %get3A_10] : memref<640x128xf32, #tpu.memory_space<vmem>>, vector<640x128xf32>
    %add3A = arith.addf %get3A_8, %get3A_11 : vector<640x128xf32>
    %mul3A = vector.broadcast %select_n3A : vector<640x1xf32> to vector<640x128xf32>
    %mul3A_12 = arith.mulf %mul3A, %add3A : vector<640x128xf32>
    %get3A_13 = arith.constant 0 : index
    %get3A_14 = arith.constant 0 : index
    %get3A_15 = vector.load %arg4[%get3A_13, %get3A_14] : memref<1x128xf32, #tpu.memory_space<vmem>>, vector<1x128xf32>
    %add3A_16 = vector.broadcast %get3A_15 : vector<1x128xf32> to vector<640x128xf32>
    %add3A_17 = arith.addf %mul3A_12, %add3A_16 : vector<640x128xf32>
    %get3A_18 = arith.constant 0 : index
    %get3A_19 = arith.constant 0 : index
    %get3A_20 = vector.load %arg5[%get3A_18, %get3A_19] : memref<128x128xf32, #tpu.memory_space<vmem>>, vector<128x128xf32>
    %dot_general3A = arith.constant dense<0.000000e+00> : vector<640x128xf32>
    %dot_general3A_21 = tpu.matmul %add3A_17, %get3A_20, %dot_general3A {dimension_numbers = #tpu.dot_dimension_numbers<[1], [0], [0], [1], [0, 0, 1, 1], [], []>, transpose_lhs_hint = false} : vector<640x128xf32>, vector<128x128xf32>, vector<640x128xf32> -> vector<640x128xf32>
    %mul3A_22 = vector.broadcast %select_n3A : vector<640x1xf32> to vector<640x128xf32>
    %mul3A_23 = arith.mulf %mul3A_22, %dot_general3A_21 : vector<640x128xf32>
    %swap3A = arith.constant 0 : index
    %swap3A_24 = arith.constant 0 : index
    %swap3A_25 = vector.load %arg6[%swap3A, %swap3A_24] : memref<640x128xf32, #tpu.memory_space<vmem>>, vector<640x128xf32>
    tpu.vector_store %arg6[%swap3A, %swap3A_24], %mul3A_23 {strides = array<i32>} : memref<640x128xf32, #tpu.memory_space<vmem>>, vector<640x128xf32>,
    return
  }
  func.func @transform_0(%arg0: i32) -> (i32, i32) {
    %add3A = arith.constant 0 : i32
    %add3A_0 = arith.addi %arg0, %add3A : i32
    %c0_i32 = arith.constant 0 : i32
    %c0_i32_1 = arith.constant 0 : i32
    return %add3A_0, %c0_i32 : i32, i32
  }
  func.func @transform_1(%arg0: i32) -> (i32, i32) {
    %add3A = arith.constant 16 : i32
    %add3A_0 = arith.addi %arg0, %add3A : i32
    %c0_i32 = arith.constant 0 : i32
    %c0_i32_1 = arith.constant 0 : i32
    return %add3A_0, %c0_i32 : i32, i32
  }
  func.func @transform_2(%arg0: i32) -> (i32, i32) {
    %add3A = arith.constant 16 : i32
    %add3A_0 = arith.addi %arg0, %add3A : i32
    %c0_i32 = arith.constant 0 : i32
    %c0_i32_1 = arith.constant 0 : i32
    return %add3A_0, %c0_i32 : i32, i32
  }
  func.func @transform_3(%arg0: i32) -> (i32, i32) {
    %c0_i32 = arith.constant 0 : i32
    %c0_i32_0 = arith.constant 0 : i32
    %c0_i32_1 = arith.constant 0 : i32
    return %c0_i32, %c0_i32_0 : i32, i32
  }
  func.func @transform_4(%arg0: i32) -> (i32, i32) {
    %c0_i32 = arith.constant 0 : i32
    %c0_i32_0 = arith.constant 0 : i32
    %c0_i32_1 = arith.constant 0 : i32
    return %c0_i32, %c0_i32_0 : i32, i32
  }
  func.func @transform_5(%arg0: i32) -> (i32, i32) {
    %add3A = arith.constant 0 : i32
    %add3A_0 = arith.addi %arg0, %add3A : i32
    %c0_i32 = arith.constant 0 : i32
    %c0_i32_1 = arith.constant 0 : i32
    return %add3A_0, %c0_i32 : i32, i32
  }
}

module attributes {stable_mosaic.version = 14 : i64} {
  func.func @body(%arg0: i32, %arg1: memref<640x128xf32, #tpu.memory_space<vmem>>, %arg2: memref<640x128xf32, #tpu.memory_space<vmem>>, %arg3: memref<640x16xf32, #tpu.memory_space<vmem>>, %arg4: memref<640x16xf32, #tpu.memory_space<vmem>>, %arg5: memref<1x128xf32, #tpu.memory_space<vmem>>, %arg6: memref<640x128xf32, #tpu.memory_space<vmem>>, %arg7: memref<128x128xf32, #tpu.memory_space<vmem>>, %arg8: memref<640x128xf32, #tpu.memory_space<vmem>>, %arg9: memref<640x128xf32, #tpu.memory_space<vmem>>) attributes {dimension_semantics = [#tpu.dimension_semantics<arbitrary>], iteration_bounds = array<i64: 16>, scalar_prefetch = 0 : i64, scratch_operands = 0 : i64, tpu.core_type = #tpu.core_type<tc>, window_params = [{transform_indices = @transform_0, window_bounds = array<i64: 640, 128>}, {transform_indices = @transform_1, window_bounds = array<i64: 640, 128>}, {transform_indices = @transform_2, window_bounds = array<i64: 640, 16>}, {transform_indices = @transform_3, window_bounds = array<i64: 640, 16>}, {pipeline_mode = #tpu.pipeline_mode<synchronous>, transform_indices = @transform_4, window_bounds = array<i64: 1, 128>}, {transform_indices = @transform_5, window_bounds = array<i64: 640, 128>}, {pipeline_mode = #tpu.pipeline_mode<synchronous>, transform_indices = @transform_6, window_bounds = array<i64: 128, 128>}, {transform_indices = @transform_7, window_bounds = array<i64: 640, 128>}, {transform_indices = @transform_8, window_bounds = array<i64: 640, 128>}]} {
    %get3A = arith.constant 0 : index
    %get3A_0 = arith.constant 0 : index
    %get3A_1 = vector.load %arg3[%get3A, %get3A_0] : memref<640x16xf32, #tpu.memory_space<vmem>>, vector<640x16xf32>
    %slice3A = vector.extract_strided_slice %get3A_1 {offsets = [0, 0], sizes = [640, 1], strides = [1, 1]} : vector<640x16xf32> to vector<640x1xf32>
    %gt3A = arith.constant 0.000000e+00 : f32
    %gt3A_2 = vector.broadcast %gt3A : f32 to vector<640x1xf32>
    %gt3A_3 = arith.cmpf ogt, %slice3A, %gt3A_2 : vector<640x1xf32>
    %sqrt3A = math.sqrt %slice3A : vector<640x1xf32>
    %div3A = arith.constant 1.000000e+00 : f32
    %div3A_4 = vector.broadcast %div3A : f32 to vector<640x1xf32>
    %div3A_5 = arith.divf %div3A_4, %sqrt3A : vector<640x1xf32>
    %jit3A = arith.constant 0.000000e+00 : f32
    %broadcast_in_dim3A = vector.broadcast %jit3A : f32 to vector<640x1xf32>
    %select_n3A = arith.select %gt3A_3, %div3A_5, %broadcast_in_dim3A : vector<640x1xi1>, vector<640x1xf32>
    %get3A_6 = arith.constant 0 : index
    %get3A_7 = arith.constant 0 : index
    %get3A_8 = vector.load %arg1[%get3A_6, %get3A_7] : memref<640x128xf32, #tpu.memory_space<vmem>>, vector<640x128xf32>
    %get3A_9 = arith.constant 0 : index
    %get3A_10 = arith.constant 0 : index
    %get3A_11 = vector.load %arg2[%get3A_9, %get3A_10] : memref<640x128xf32, #tpu.memory_space<vmem>>, vector<640x128xf32>
    %add3A = arith.addf %get3A_8, %get3A_11 : vector<640x128xf32>
    %mul3A = vector.broadcast %select_n3A : vector<640x1xf32> to vector<640x128xf32>
    %mul3A_12 = arith.mulf %mul3A, %add3A : vector<640x128xf32>
    %get3A_13 = arith.constant 0 : index
    %get3A_14 = arith.constant 0 : index
    %get3A_15 = vector.load %arg5[%get3A_13, %get3A_14] : memref<1x128xf32, #tpu.memory_space<vmem>>, vector<1x128xf32>
    %add3A_16 = vector.broadcast %get3A_15 : vector<1x128xf32> to vector<640x128xf32>
    %add3A_17 = arith.addf %mul3A_12, %add3A_16 : vector<640x128xf32>
    %swap3A = arith.constant 0 : index
    %swap3A_18 = arith.constant 0 : index
    %swap3A_19 = vector.load %arg8[%swap3A, %swap3A_18] : memref<640x128xf32, #tpu.memory_space<vmem>>, vector<640x128xf32>
    tpu.vector_store %arg8[%swap3A, %swap3A_18], %add3A_17 {strides = array<i32>} : memref<640x128xf32, #tpu.memory_space<vmem>>, vector<640x128xf32>,
    %get3A_20 = arith.constant 0 : index
    %get3A_21 = arith.constant 0 : index
    %get3A_22 = vector.load %arg4[%get3A_20, %get3A_21] : memref<640x16xf32, #tpu.memory_space<vmem>>, vector<640x16xf32>
    %slice3A_23 = vector.extract_strided_slice %get3A_22 {offsets = [0, 0], sizes = [640, 1], strides = [1, 1]} : vector<640x16xf32> to vector<640x1xf32>
    %gt3A_24 = arith.constant 0.000000e+00 : f32
    %gt3A_25 = vector.broadcast %gt3A_24 : f32 to vector<640x1xf32>
    %gt3A_26 = arith.cmpf ogt, %slice3A_23, %gt3A_25 : vector<640x1xf32>
    %sqrt3A_27 = math.sqrt %slice3A_23 : vector<640x1xf32>
    %div3A_28 = arith.constant 1.000000e+00 : f32
    %div3A_29 = vector.broadcast %div3A_28 : f32 to vector<640x1xf32>
    %div3A_30 = arith.divf %div3A_29, %sqrt3A_27 : vector<640x1xf32>
    %jit3A_31 = arith.constant 0.000000e+00 : f32
    %broadcast_in_dim3A_32 = vector.broadcast %jit3A_31 : f32 to vector<640x1xf32>
    %select_n3A_33 = arith.select %gt3A_26, %div3A_30, %broadcast_in_dim3A_32 : vector<640x1xi1>, vector<640x1xf32>
    %get3A_34 = arith.constant 0 : index
    %get3A_35 = arith.constant 0 : index
    %get3A_36 = vector.load %arg6[%get3A_34, %get3A_35] : memref<640x128xf32, #tpu.memory_space<vmem>>, vector<640x128xf32>
    %add3A_37 = arith.addf %add3A_17, %get3A_36 : vector<640x128xf32>
    %get3A_38 = arith.constant 0 : index
    %get3A_39 = arith.constant 0 : index
    %get3A_40 = vector.load %arg7[%get3A_38, %get3A_39] : memref<128x128xf32, #tpu.memory_space<vmem>>, vector<128x128xf32>
    %dot_general3A = arith.constant dense<0.000000e+00> : vector<640x128xf32>
    %dot_general3A_41 = tpu.matmul %add3A_37, %get3A_40, %dot_general3A {dimension_numbers = #tpu.dot_dimension_numbers<[1], [0], [0], [1], [0, 0, 1, 1], [], []>, transpose_lhs_hint = false} : vector<640x128xf32>, vector<128x128xf32>, vector<640x128xf32> -> vector<640x128xf32>
    %mul3A_42 = vector.broadcast %select_n3A_33 : vector<640x1xf32> to vector<640x128xf32>
    %mul3A_43 = arith.mulf %mul3A_42, %dot_general3A_41 : vector<640x128xf32>
    %swap3A_44 = arith.constant 0 : index
    %swap3A_45 = arith.constant 0 : index
    %swap3A_46 = vector.load %arg9[%swap3A_44, %swap3A_45] : memref<640x128xf32, #tpu.memory_space<vmem>>, vector<640x128xf32>
    tpu.vector_store %arg9[%swap3A_44, %swap3A_45], %mul3A_43 {strides = array<i32>} : memref<640x128xf32, #tpu.memory_space<vmem>>, vector<640x128xf32>,
    return
  }
  func.func @transform_0(%arg0: i32) -> (i32, i32) {
    %add3A = arith.constant 0 : i32
    %add3A_0 = arith.addi %arg0, %add3A : i32
    %c0_i32 = arith.constant 0 : i32
    %c0_i32_1 = arith.constant 0 : i32
    return %add3A_0, %c0_i32 : i32, i32
  }
  func.func @transform_1(%arg0: i32) -> (i32, i32) {
    %add3A = arith.constant 16 : i32
    %add3A_0 = arith.addi %arg0, %add3A : i32
    %c0_i32 = arith.constant 0 : i32
    %c0_i32_1 = arith.constant 0 : i32
    return %add3A_0, %c0_i32 : i32, i32
  }
  func.func @transform_2(%arg0: i32) -> (i32, i32) {
    %add3A = arith.constant 16 : i32
    %add3A_0 = arith.addi %arg0, %add3A : i32
    %c0_i32 = arith.constant 0 : i32
    %c0_i32_1 = arith.constant 0 : i32
    return %add3A_0, %c0_i32 : i32, i32
  }
  func.func @transform_3(%arg0: i32) -> (i32, i32) {
    %add3A = arith.constant 32 : i32
    %add3A_0 = arith.addi %arg0, %add3A : i32
    %c0_i32 = arith.constant 0 : i32
    %c0_i32_1 = arith.constant 0 : i32
    return %add3A_0, %c0_i32 : i32, i32
  }
  func.func @transform_4(%arg0: i32) -> (i32, i32) {
    %c0_i32 = arith.constant 0 : i32
    %c0_i32_0 = arith.constant 0 : i32
    %c0_i32_1 = arith.constant 0 : i32
    return %c0_i32, %c0_i32_0 : i32, i32
  }
  func.func @transform_5(%arg0: i32) -> (i32, i32) {
    %add3A = arith.constant 0 : i32
    %add3A_0 = arith.addi %arg0, %add3A : i32
    %c0_i32 = arith.constant 0 : i32
    %c0_i32_1 = arith.constant 0 : i32
    return %add3A_0, %c0_i32 : i32, i32
  }
  func.func @transform_6(%arg0: i32) -> (i32, i32) {
    %c0_i32 = arith.constant 0 : i32
    %c0_i32_0 = arith.constant 0 : i32
    %c0_i32_1 = arith.constant 0 : i32
    return %c0_i32, %c0_i32_0 : i32, i32
  }
  func.func @transform_7(%arg0: i32) -> (i32, i32) {
    %add3A = arith.constant 0 : i32
    %add3A_0 = arith.addi %arg0, %add3A : i32
    %c0_i32 = arith.constant 0 : i32
    %c0_i32_1 = arith.constant 0 : i32
    return %add3A_0, %c0_i32 : i32, i32
  }
  func.func @transform_8(%arg0: i32) -> (i32, i32) {
    %add3A = arith.constant 0 : i32
    %add3A_0 = arith.addi %arg0, %add3A : i32
    %c0_i32 = arith.constant 0 : i32
    %c0_i32_1 = arith.constant 0 : i32
    return %add3A_0, %c0_i32 : i32, i32
  }
}

module attributes {stable_mosaic.version = 14 : i64} {
  func.func @body(%arg0: i32, %arg1: memref<640x128xf32, #tpu.memory_space<vmem>>, %arg2: memref<640x128xf32, #tpu.memory_space<vmem>>, %arg3: memref<640x16xf32, #tpu.memory_space<vmem>>, %arg4: memref<1x128xf32, #tpu.memory_space<vmem>>, %arg5: memref<128x128xf32, #tpu.memory_space<vmem>>, %arg6: memref<640x128xf32, #tpu.memory_space<vmem>>) attributes {dimension_semantics = [#tpu.dimension_semantics<arbitrary>], iteration_bounds = array<i64: 16>, scalar_prefetch = 0 : i64, scratch_operands = 0 : i64, tpu.core_type = #tpu.core_type<tc>, window_params = [{transform_indices = @transform_0, window_bounds = array<i64: 640, 128>}, {transform_indices = @transform_1, window_bounds = array<i64: 640, 128>}, {transform_indices = @transform_2, window_bounds = array<i64: 640, 16>}, {pipeline_mode = #tpu.pipeline_mode<synchronous>, transform_indices = @transform_3, window_bounds = array<i64: 1, 128>}, {pipeline_mode = #tpu.pipeline_mode<synchronous>, transform_indices = @transform_4, window_bounds = array<i64: 128, 128>}, {transform_indices = @transform_5, window_bounds = array<i64: 640, 128>}]} {
    %get3A = arith.constant 0 : index
    %get3A_0 = arith.constant 0 : index
    %get3A_1 = vector.load %arg3[%get3A, %get3A_0] : memref<640x16xf32, #tpu.memory_space<vmem>>, vector<640x16xf32>
    %slice3A = vector.extract_strided_slice %get3A_1 {offsets = [0, 0], sizes = [640, 1], strides = [1, 1]} : vector<640x16xf32> to vector<640x1xf32>
    %gt3A = arith.constant 0.000000e+00 : f32
    %gt3A_2 = vector.broadcast %gt3A : f32 to vector<640x1xf32>
    %gt3A_3 = arith.cmpf ogt, %slice3A, %gt3A_2 : vector<640x1xf32>
    %sqrt3A = math.sqrt %slice3A : vector<640x1xf32>
    %div3A = arith.constant 1.000000e+00 : f32
    %div3A_4 = vector.broadcast %div3A : f32 to vector<640x1xf32>
    %div3A_5 = arith.divf %div3A_4, %sqrt3A : vector<640x1xf32>
    %jit3A = arith.constant 0.000000e+00 : f32
    %broadcast_in_dim3A = vector.broadcast %jit3A : f32 to vector<640x1xf32>
    %select_n3A = arith.select %gt3A_3, %div3A_5, %broadcast_in_dim3A : vector<640x1xi1>, vector<640x1xf32>
    %get3A_6 = arith.constant 0 : index
    %get3A_7 = arith.constant 0 : index
    %get3A_8 = vector.load %arg1[%get3A_6, %get3A_7] : memref<640x128xf32, #tpu.memory_space<vmem>>, vector<640x128xf32>
    %get3A_9 = arith.constant 0 : index
    %get3A_10 = arith.constant 0 : index
    %get3A_11 = vector.load %arg2[%get3A_9, %get3A_10] : memref<640x128xf32, #tpu.memory_space<vmem>>, vector<640x128xf32>
    %add3A = arith.addf %get3A_8, %get3A_11 : vector<640x128xf32>
    %mul3A = vector.broadcast %select_n3A : vector<640x1xf32> to vector<640x128xf32>
    %mul3A_12 = arith.mulf %mul3A, %add3A : vector<640x128xf32>
    %get3A_13 = arith.constant 0 : index
    %get3A_14 = arith.constant 0 : index
    %get3A_15 = vector.load %arg4[%get3A_13, %get3A_14] : memref<1x128xf32, #tpu.memory_space<vmem>>, vector<1x128xf32>
    %add3A_16 = vector.broadcast %get3A_15 : vector<1x128xf32> to vector<640x128xf32>
    %add3A_17 = arith.addf %mul3A_12, %add3A_16 : vector<640x128xf32>
    %get3A_18 = arith.constant 0 : index
    %get3A_19 = arith.constant 0 : index
    %get3A_20 = vector.load %arg5[%get3A_18, %get3A_19] : memref<128x128xf32, #tpu.memory_space<vmem>>, vector<128x128xf32>
    %dot_general3A = arith.constant dense<0.000000e+00> : vector<640x128xf32>
    %dot_general3A_21 = tpu.matmul %add3A_17, %get3A_20, %dot_general3A {dimension_numbers = #tpu.dot_dimension_numbers<[1], [0], [0], [1], [0, 0, 1, 1], [], []>, transpose_lhs_hint = false} : vector<640x128xf32>, vector<128x128xf32>, vector<640x128xf32> -> vector<640x128xf32>
    %mul3A_22 = vector.broadcast %select_n3A : vector<640x1xf32> to vector<640x128xf32>
    %mul3A_23 = arith.mulf %mul3A_22, %dot_general3A_21 : vector<640x128xf32>
    %swap3A = arith.constant 0 : index
    %swap3A_24 = arith.constant 0 : index
    %swap3A_25 = vector.load %arg6[%swap3A, %swap3A_24] : memref<640x128xf32, #tpu.memory_space<vmem>>, vector<640x128xf32>
    tpu.vector_store %arg6[%swap3A, %swap3A_24], %mul3A_23 {strides = array<i32>} : memref<640x128xf32, #tpu.memory_space<vmem>>, vector<640x128xf32>,
    return
  }
  func.func @transform_0(%arg0: i32) -> (i32, i32) {
    %add3A = arith.constant 0 : i32
    %add3A_0 = arith.addi %arg0, %add3A : i32
    %c0_i32 = arith.constant 0 : i32
    %c0_i32_1 = arith.constant 0 : i32
    return %add3A_0, %c0_i32 : i32, i32
  }
  func.func @transform_1(%arg0: i32) -> (i32, i32) {
    %add3A = arith.constant 16 : i32
    %add3A_0 = arith.addi %arg0, %add3A : i32
    %c0_i32 = arith.constant 0 : i32
    %c0_i32_1 = arith.constant 0 : i32
    return %add3A_0, %c0_i32 : i32, i32
  }
  func.func @transform_2(%arg0: i32) -> (i32, i32) {
    %add3A = arith.constant 32 : i32
    %add3A_0 = arith.addi %arg0, %add3A : i32
    %c0_i32 = arith.constant 0 : i32
    %c0_i32_1 = arith.constant 0 : i32
    return %add3A_0, %c0_i32 : i32, i32
  }
  func.func @transform_3(%arg0: i32) -> (i32, i32) {
    %c0_i32 = arith.constant 0 : i32
    %c0_i32_0 = arith.constant 0 : i32
    %c0_i32_1 = arith.constant 0 : i32
    return %c0_i32, %c0_i32_0 : i32, i32
  }
  func.func @transform_4(%arg0: i32) -> (i32, i32) {
    %c0_i32 = arith.constant 0 : i32
    %c0_i32_0 = arith.constant 0 : i32
    %c0_i32_1 = arith.constant 0 : i32
    return %c0_i32, %c0_i32_0 : i32, i32
  }
  func.func @transform_5(%arg0: i32) -> (i32, i32) {
    %add3A = arith.constant 0 : i32
    %add3A_0 = arith.addi %arg0, %add3A : i32
    %c0_i32 = arith.constant 0 : i32
    %c0_i32_1 = arith.constant 0 : i32
    return %add3A_0, %c0_i32 : i32, i32
  }
}

module attributes {stable_mosaic.version = 14 : i64} {
  func.func @body(%arg0: i32, %arg1: memref<640x128xf32, #tpu.memory_space<vmem>>, %arg2: memref<640x128xf32, #tpu.memory_space<vmem>>, %arg3: memref<640x16xf32, #tpu.memory_space<vmem>>, %arg4: memref<1x128xf32, #tpu.memory_space<vmem>>, %arg5: memref<640x128xf32, #tpu.memory_space<vmem>>, %arg6: memref<640x128xf32, #tpu.memory_space<vmem>>, %arg7: memref<128x256xf32, #tpu.memory_space<vmem>>, %arg8: memref<1x256xf32, #tpu.memory_space<vmem>>, %arg9: memref<640x128xf32, #tpu.memory_space<vmem>>, %arg10: memref<640x128xf32, #tpu.memory_space<vmem>>, %arg11: memref<640x256xf32, #tpu.memory_space<vmem>>) attributes {dimension_semantics = [#tpu.dimension_semantics<arbitrary>], iteration_bounds = array<i64: 16>, scalar_prefetch = 0 : i64, scratch_operands = 0 : i64, tpu.core_type = #tpu.core_type<tc>, window_params = [{transform_indices = @transform_0, window_bounds = array<i64: 640, 128>}, {transform_indices = @transform_1, window_bounds = array<i64: 640, 128>}, {transform_indices = @transform_2, window_bounds = array<i64: 640, 16>}, {pipeline_mode = #tpu.pipeline_mode<synchronous>, transform_indices = @transform_3, window_bounds = array<i64: 1, 128>}, {transform_indices = @transform_4, window_bounds = array<i64: 640, 128>}, {transform_indices = @transform_5, window_bounds = array<i64: 640, 128>}, {pipeline_mode = #tpu.pipeline_mode<synchronous>, transform_indices = @transform_6, window_bounds = array<i64: 128, 256>}, {pipeline_mode = #tpu.pipeline_mode<synchronous>, transform_indices = @transform_7, window_bounds = array<i64: 1, 256>}, {transform_indices = @transform_8, window_bounds = array<i64: 640, 128>}, {transform_indices = @transform_9, window_bounds = array<i64: 640, 128>}, {transform_indices = @transform_10, window_bounds = array<i64: 640, 256>}]} {
    %get3A = arith.constant 0 : index
    %get3A_0 = arith.constant 0 : index
    %get3A_1 = vector.load %arg3[%get3A, %get3A_0] : memref<640x16xf32, #tpu.memory_space<vmem>>, vector<640x16xf32>
    %slice3A = vector.extract_strided_slice %get3A_1 {offsets = [0, 0], sizes = [640, 1], strides = [1, 1]} : vector<640x16xf32> to vector<640x1xf32>
    %gt3A = arith.constant 0.000000e+00 : f32
    %gt3A_2 = vector.broadcast %gt3A : f32 to vector<640x1xf32>
    %gt3A_3 = arith.cmpf ogt, %slice3A, %gt3A_2 : vector<640x1xf32>
    %sqrt3A = math.sqrt %slice3A : vector<640x1xf32>
    %div3A = arith.constant 1.000000e+00 : f32
    %div3A_4 = vector.broadcast %div3A : f32 to vector<640x1xf32>
    %div3A_5 = arith.divf %div3A_4, %sqrt3A : vector<640x1xf32>
    %jit3A = arith.constant 0.000000e+00 : f32
    %broadcast_in_dim3A = vector.broadcast %jit3A : f32 to vector<640x1xf32>
    %select_n3A = arith.select %gt3A_3, %div3A_5, %broadcast_in_dim3A : vector<640x1xi1>, vector<640x1xf32>
    %get3A_6 = arith.constant 0 : index
    %get3A_7 = arith.constant 0 : index
    %get3A_8 = vector.load %arg1[%get3A_6, %get3A_7] : memref<640x128xf32, #tpu.memory_space<vmem>>, vector<640x128xf32>
    %get3A_9 = arith.constant 0 : index
    %get3A_10 = arith.constant 0 : index
    %get3A_11 = vector.load %arg2[%get3A_9, %get3A_10] : memref<640x128xf32, #tpu.memory_space<vmem>>, vector<640x128xf32>
    %add3A = arith.addf %get3A_8, %get3A_11 : vector<640x128xf32>
    %mul3A = vector.broadcast %select_n3A : vector<640x1xf32> to vector<640x128xf32>
    %mul3A_12 = arith.mulf %mul3A, %add3A : vector<640x128xf32>
    %get3A_13 = arith.constant 0 : index
    %get3A_14 = arith.constant 0 : index
    %get3A_15 = vector.load %arg4[%get3A_13, %get3A_14] : memref<1x128xf32, #tpu.memory_space<vmem>>, vector<1x128xf32>
    %add3A_16 = vector.broadcast %get3A_15 : vector<1x128xf32> to vector<640x128xf32>
    %add3A_17 = arith.addf %mul3A_12, %add3A_16 : vector<640x128xf32>
    %swap3A = arith.constant 0 : index
    %swap3A_18 = arith.constant 0 : index
    %swap3A_19 = vector.load %arg9[%swap3A, %swap3A_18] : memref<640x128xf32, #tpu.memory_space<vmem>>, vector<640x128xf32>
    tpu.vector_store %arg9[%swap3A, %swap3A_18], %add3A_17 {strides = array<i32>} : memref<640x128xf32, #tpu.memory_space<vmem>>, vector<640x128xf32>,
    %get3A_20 = arith.constant 0 : index
    %get3A_21 = arith.constant 0 : index
    %get3A_22 = vector.load %arg5[%get3A_20, %get3A_21] : memref<640x128xf32, #tpu.memory_space<vmem>>, vector<640x128xf32>
    %get3A_23 = arith.constant 0 : index
    %get3A_24 = arith.constant 0 : index
    %get3A_25 = vector.load %arg6[%get3A_23, %get3A_24] : memref<640x128xf32, #tpu.memory_space<vmem>>, vector<640x128xf32>
    %mul3A_26 = arith.mulf %get3A_22, %get3A_25 : vector<640x128xf32>
    %logistic3A = arith.negf %mul3A_26 : vector<640x128xf32>
    %logistic3A_27 = math.exp %logistic3A : vector<640x128xf32>
    %logistic3A_28 = arith.constant 1.000000e+00 : f32
    %logistic3A_29 = vector.broadcast %logistic3A_28 : f32 to vector<640x128xf32>
    %logistic3A_30 = arith.addf %logistic3A_29, %logistic3A_27 : vector<640x128xf32>
    %logistic3A_31 = arith.divf %logistic3A_29, %logistic3A_30 : vector<640x128xf32>
    %swap3A_32 = arith.constant 0 : index
    %swap3A_33 = arith.constant 0 : index
    %swap3A_34 = vector.load %arg10[%swap3A_32, %swap3A_33] : memref<640x128xf32, #tpu.memory_space<vmem>>, vector<640x128xf32>
    tpu.vector_store %arg10[%swap3A_32, %swap3A_33], %logistic3A_31 {strides = array<i32>} : memref<640x128xf32, #tpu.memory_space<vmem>>, vector<640x128xf32>,
    %get3A_35 = arith.constant 0 : index
    %get3A_36 = arith.constant 0 : index
    %get3A_37 = vector.load %arg7[%get3A_35, %get3A_36] : memref<128x256xf32, #tpu.memory_space<vmem>>, vector<128x256xf32>
    %dot_general3A = arith.constant dense<0.000000e+00> : vector<640x256xf32>
    %dot_general3A_38 = tpu.matmul %logistic3A_31, %get3A_37, %dot_general3A {dimension_numbers = #tpu.dot_dimension_numbers<[1], [0], [0], [1], [0, 0, 1, 1], [], []>, transpose_lhs_hint = false} : vector<640x128xf32>, vector<128x256xf32>, vector<640x256xf32> -> vector<640x256xf32>
    %get3A_39 = arith.constant 0 : index
    %get3A_40 = arith.constant 0 : index
    %get3A_41 = vector.load %arg8[%get3A_39, %get3A_40] : memref<1x256xf32, #tpu.memory_space<vmem>>, vector<1x256xf32>
    %add3A_42 = vector.broadcast %get3A_41 : vector<1x256xf32> to vector<640x256xf32>
    %add3A_43 = arith.addf %dot_general3A_38, %add3A_42 : vector<640x256xf32>
    %swap3A_44 = arith.constant 0 : index
    %swap3A_45 = arith.constant 0 : index
    %swap3A_46 = vector.load %arg11[%swap3A_44, %swap3A_45] : memref<640x256xf32, #tpu.memory_space<vmem>>, vector<640x256xf32>
    tpu.vector_store %arg11[%swap3A_44, %swap3A_45], %add3A_43 {strides = array<i32>} : memref<640x256xf32, #tpu.memory_space<vmem>>, vector<640x256xf32>,
    return
  }
  func.func @transform_0(%arg0: i32) -> (i32, i32) {
    %add3A = arith.constant 0 : i32
    %add3A_0 = arith.addi %arg0, %add3A : i32
    %c0_i32 = arith.constant 0 : i32
    %c0_i32_1 = arith.constant 0 : i32
    return %add3A_0, %c0_i32 : i32, i32
  }
  func.func @transform_1(%arg0: i32) -> (i32, i32) {
    %add3A = arith.constant 16 : i32
    %add3A_0 = arith.addi %arg0, %add3A : i32
    %c0_i32 = arith.constant 0 : i32
    %c0_i32_1 = arith.constant 0 : i32
    return %add3A_0, %c0_i32 : i32, i32
  }
  func.func @transform_2(%arg0: i32) -> (i32, i32) {
    %add3A = arith.constant 32 : i32
    %add3A_0 = arith.addi %arg0, %add3A : i32
    %c0_i32 = arith.constant 0 : i32
    %c0_i32_1 = arith.constant 0 : i32
    return %add3A_0, %c0_i32 : i32, i32
  }
  func.func @transform_3(%arg0: i32) -> (i32, i32) {
    %c0_i32 = arith.constant 0 : i32
    %c0_i32_0 = arith.constant 0 : i32
    %c0_i32_1 = arith.constant 0 : i32
    return %c0_i32, %c0_i32_0 : i32, i32
  }
  func.func @transform_4(%arg0: i32) -> (i32, i32) {
    %add3A = arith.constant 0 : i32
    %add3A_0 = arith.addi %arg0, %add3A : i32
    %c0_i32 = arith.constant 0 : i32
    %c0_i32_1 = arith.constant 0 : i32
    return %add3A_0, %c0_i32 : i32, i32
  }
  func.func @transform_5(%arg0: i32) -> (i32, i32) {
    %add3A = arith.constant 0 : i32
    %add3A_0 = arith.addi %arg0, %add3A : i32
    %c0_i32 = arith.constant 0 : i32
    %c0_i32_1 = arith.constant 0 : i32
    return %add3A_0, %c0_i32 : i32, i32
  }
  func.func @transform_6(%arg0: i32) -> (i32, i32) {
    %c0_i32 = arith.constant 0 : i32
    %c0_i32_0 = arith.constant 0 : i32
    %c0_i32_1 = arith.constant 0 : i32
    return %c0_i32, %c0_i32_0 : i32, i32
  }
  func.func @transform_7(%arg0: i32) -> (i32, i32) {
    %c0_i32 = arith.constant 0 : i32
    %c0_i32_0 = arith.constant 0 : i32
    %c0_i32_1 = arith.constant 0 : i32
    return %c0_i32, %c0_i32_0 : i32, i32
  }
  func.func @transform_8(%arg0: i32) -> (i32, i32) {
    %add3A = arith.constant 0 : i32
    %add3A_0 = arith.addi %arg0, %add3A : i32
    %c0_i32 = arith.constant 0 : i32
    %c0_i32_1 = arith.constant 0 : i32
    return %add3A_0, %c0_i32 : i32, i32
  }
  func.func @transform_9(%arg0: i32) -> (i32, i32) {
    %add3A = arith.constant 0 : i32
    %add3A_0 = arith.addi %arg0, %add3A : i32
    %c0_i32 = arith.constant 0 : i32
    %c0_i32_1 = arith.constant 0 : i32
    return %add3A_0, %c0_i32 : i32, i32
  }
  func.func @transform_10(%arg0: i32) -> (i32, i32) {
    %add3A = arith.constant 0 : i32
    %add3A_0 = arith.addi %arg0, %add3A : i32
    %c0_i32 = arith.constant 0 : i32
    %c0_i32_1 = arith.constant 0 : i32
    return %add3A_0, %c0_i32 : i32, i32
  }
}

</mosaic_0001>

<sc_bundles>
// kernel: kernel.20.cloned.1.call-start
scs
__scs_entry_jumppad:
0x0: {  	(pc) =	sbr.rel $0x88, $3  }
0x1: {  	(tag) =	ssettag $0x0;
	lr =	simm.s32 $0x1  }
0x2: {  	[smem:$0x3F8F] =	sst lr;
	_ =	strace $0xD0000000  }
0x3: {  	_ = 	snop  }
0x4: {  	_ = 	snop  }
0x5: {  	_ = 	snop  }
0x6: {  	_ = 	snop  }
0x7: {  	_ = 	snop  }
__scs_overlays_trampoline_lowered:
0x8: {  	[smem:$0x3F9E] =	sst s0  }
0x9: {  	[smem:$0x3F9F] =	sst s1  }
0xa: {  	[smem:$0x3FA0] =	sst s2  }
0xb: {  	[smem:$0x3FA1] =	sst s3  }
0xc: {  	[smem:$0x3FA2] =	sst s4  }
0xd: {  	[smem:$0x3FA3] =	sst s5  }
0xe: {  	[smem:$0x3FA4] =	sst s6  }
0xf: {  	[smem:$0x3FA5] =	sst s7  }
0x10: {  	[smem:$0x3FA6] =	sst s8  }
0x11: {  	[smem:$0x3FA7] =	sst s9;
	s0 =	simm.s32 @!p0 $0x0  }
0x12: {  	s1 =	sld [smem:$0x3F8D];
	s0 =	simm.s32 @p0 $0x1  }
0x13: {  	[smem:$0x3FA8] =	sst s0;
	s0 =	simm.s32 @!p1 $0x0  }
0x14: {  	s2 =	sld [smem:$0x3F8C];
	s0 =	simm.s32 @p1 $0x1  }
0x15: {  	[smem:$0x3FA9] =	sst s0;
	s0 =	simm.s32 @!p2 $0x0  }
0x16: {  	s3 =	sld [smem:$0x3FDB];
	s0 =	simm.s32 @p2 $0x1  }
0x17: {  	s4 =	simm.s32 $0x1BF5;
	[smem:$0x3FAB] =	sst s0  }
0x18: {  	s0 =	sld [smem:$0x3F8E];
	_ =	swait.ge [sflag:s4], $0x0  }
0x19: {  	s7 =	sld [smem:$0x3F8F]  }
0x1a: {  	s8 =	sadd.s32 $0xFFFFE003, lr  }
0x1b: {  	s9 =	sadd.s32 $0xFFFFFEF7, lr;
	s5 =	simm.s32 $0xFFFFFFFF;
	p2 =	slt.u32 s8, $0xFFFFF086  }
0x1c: {  	p1 =	slt.u32 s9, $0xF7A;
	s5 =	simm.s32 @!p2 $0x0  }
0x1d: {  	s5 =	simm.s32 @p1 $0x1;
	p0 =	seq.s32 s7, s2  }
0x1e: {  	s7 =	smul.u32 @!p0 $0xF7A, s2;
	p2 =	seq.s32 @!p0 s5, $0x0  }
0x1f: {  	s9 =	smul.u32 $0xF7A, s1;
	s8 =	simm.s32 @!p0 $0x1BF5;
	p2 =	por !p2, p0  }
0x20: {  	[sflag:s8] =	ssyncset.s32 @!p0 $0xFFFFF086;
	s6 =	sadd.s32 @!p0 s3, s7;
	s7 =	simm.s32 @!p0 $0x108  }
0x21: {  	s3 =	sadd.s32 s3, s9;
	s6 =	sadd.s32 @!p0 $0x88, s6;
	s7 =	simm.s32 @p2 $0x1082  }
0x22: {  	[simem:s7], [sflag:s8] =	dma.local @!p0 [hbm:s6], $0xF7A  }
0x23: {  	s9 =	sor.u32 $0xD0000000, s2;
	s6 =	simm.s32 $0x108;
	_ =	swait.ge @!p0 [sflag:s8], $0x0  }
0x24: {  	s3 =	sadd.s32 $0x88, s3;
	s6 =	simm.s32 @!p1 $0x1082;
	[sflag:s4] =	ssyncset.s32 $0xFFFFF086  }
0x25: {  	[simem:s6], [sflag:s4] =	dma.local [hbm:s3], $0xF7A  }
0x26: {  	[smem:$0x3F8F] =	sst s1;
	(tag) =	ssettag s2;
	_ =	strace s9  }
0x27: {  	s1 =	sld [smem:$0x3F9F]  }
0x28: {  	s2 =	sld [smem:$0x3FA0]  }
0x29: {  	s4 =	sld [smem:$0x3FA2]  }
0x2a: {  	p0 =	seq.s32 s5, $0x0;
	s5 =	sld [smem:$0x3FA3]  }
0x2b: {  	s6 =	sld [smem:$0x3FA4]  }
0x2c: {  	s7 =	sld [smem:$0x3FA5]  }
0x2d: {  	s3 =	simm.s32 $0x108;
	s8 =	sld [smem:$0x3FA6]  }
0x2e: {  	s3 =	simm.s32 @!p0 $0x1082;
	s9 =	sld [smem:$0x3FA7]  }
0x2f: {  	lr =	sadd.s32 s0, s3;
	s0 =	sld [smem:$0x3F9E]  }
0x30: {  	s3 =	sld [smem:$0x3FA1]  }
0x31: {  	[smem:$0x3FAA] =	sst s10  }
0x32: {  	s10 =	sld [smem:$0x3FA8];
	_ =	sdelay $0x3  }
0x33: {  	p0 =	seq.s32 s10, $0x1;
	s10 =	sld [smem:$0x3FAA];
	_ =	sdelay $0x3  }
0x34: {  	[smem:$0x3FAA] =	sst s10  }
0x35: {  	s10 =	sld [smem:$0x3FA9];
	_ =	sdelay $0x3  }
0x36: {  	p1 =	seq.s32 s10, $0x1;
	s10 =	sld [smem:$0x3FAA];
	_ =	sdelay $0x3  }
0x37: {  	[smem:$0x3FAA] =	sst s10  }
0x38: {  	s10 =	sld [smem:$0x3FAB]  }
0x39: {  	_ = 	snop;
	(pc) =	sbr.ind lr, $3  }
0x3a: {  	_ = 	snop  }
0x3b: {  	_ = 	snop  }
0x3c: {  	p2 =	seq.s32 s10, $0x1;
	s10 =	sld [smem:$0x3FAA]  }
0x3d: {  	_ =	shalt  }
0x3e: {  	_ =	shalt  }
0x3f: {  	_ =	shalt  }
0x40: {  	_ =	shalt  }
0x41: {  	_ =	shalt  }
0x42: {  	_ =	shalt  }
0x43: {  	_ =	shalt  }
0x44: {  	_ =	shalt  }
0x45: {  	_ =	shalt  }
0x46: {  	_ =	shalt  }
0x47: {  	_ =	shalt  }
0x48: {  	_ =	shalt  }
0x49: {  	_ =	shalt  }
0x4a: {  	_ =	shalt  }
0x4b: {  	_ =	shalt  }
0x4c: {  	_ =	shalt  }
0x4d: {  	_ =	shalt  }
0x4e: {  	_ =	shalt  }
0x4f: {  	_ =	shalt  }
0x50: {  	_ =	shalt  }
0x51: {  	_ =	shalt  }
0x52: {  	_ =	shalt  }
0x53: {  	_ =	shalt  }
0x54: {  	_ =	shalt  }
0x55: {  	_ =	shalt  }
0x56: {  	_ =	shalt  }
0x57: {  	_ =	shalt  }
0x58: {  	_ =	shalt  }
0x59: {  	_ =	shalt  }
0x5a: {  	_ =	shalt  }
0x5b: {  	_ =	shalt  }
0x5c: {  	_ =	shalt  }
0x5d: {  	_ =	shalt  }
0x5e: {  	_ =	shalt  }
0x5f: {  	_ =	shalt  }
0x60: {  	_ =	shalt  }
0x61: {  	_ =	shalt  }
0x62: {  	_ =	shalt  }
0x63: {  	_ =	shalt  }
0x64: {  	_ =	shalt  }
0x65: {  	_ =	shalt  }
0x66: {  	_ =	shalt  }
0x67: {  	_ =	shalt  }
0x68: {  	_ =	shalt  }
0x69: {  	_ =	shalt  }
0x6a: {  	_ =	shalt  }
0x6b: {  	_ =	shalt  }
0x6c: {  	_ =	shalt  }
0x6d: {  	_ =	shalt  }
0x6e: {  	_ =	shalt  }
0x6f: {  	_ =	shalt  }
0x70: {  	_ =	shalt  }
0x71: {  	_ =	shalt  }
0x72: {  	_ =	shalt  }
0x73: {  	_ =	shalt  }
0x74: {  	_ =	shalt  }
0x75: {  	_ =	shalt  }
0x76: {  	_ =	shalt  }
0x77: {  	_ =	shalt  }
0x78: {  	_ =	shalt  }
0x79: {  	_ =	shalt  }
0x7a: {  	_ =	shalt  }
0x7b: {  	_ =	shalt  }
0x7c: {  	_ =	shalt  }
0x7d: {  	_ =	shalt  }
0x7e: {  	_ =	shalt  }
0x7f: {  	_ =	shalt  }
0x80: {  	_ =	shalt  }
0x81: {  	_ =	shalt  }
0x82: {  	_ =	shalt  }
0x83: {  	_ =	shalt  }
0x84: {  	_ =	shalt  }
0x85: {  	_ =	shalt  }
0x86: {  	_ =	shalt  }
0x87: {  	_ =	shalt  }
.Lfunc_end0:
.L_simem_size_0:
called_computation_lowered:
.L_overlay_start_0:
0x88: {  	s2 =	sld [smem:$0x3FD9]  }
0x89: {  	s3 =	sld [smem:$0x3FFE];
	_ =	sdelay $0x1  }
0x8a: {  	s1 =	srdreg.scid  }
0x8b: {  	s0 =	sand.u32 $0x1, s1  }
0x8c: {  	s15 =	sshll.u32 s0, $0xA;
	s2 =	sadd.s32 s3, s2  }
0x8d: {  	s2 =	sadd.s32 s2, s15  }
0x8e: {  	[smem:$0x3FB6] =	sst s2  }
0x8f: {  	_ = 	snop  }
0x90: {  	s2 =	sld [smem:$0x3FD0];
	_ =	sdelay $0x2  }
0x91: {  	s16 =	simm.s32 $0xA;
	s4 =	simm.s32 $0x10  }
0x92: {  	[smem:s4], [sflag:s16] =	dma.local [hbm:s2], $0x1  }
0x93: {  	_ =	swait.eq [sflag:s16], $0x1  }
0x94: {  	s17 =	sld [smem:$0x13];
	[sflag:s16] =	ssyncset.done $0x0  }
0x95: {  	s18 =	sld [smem:$0x16];
	[sflag:s16] =	ssyncadd.s32 $0xFFFFFFFF  }
0x96: {  	s19 =	sld [smem:$0x17];
	(tm) =	ssettm $0x1  }
0x97: {  	s5 =	sld [smem:$0x3FFB];
	_ =	sdelay $0x3  }
0x98: {  	_ =	strace s5  }
0x99: {  	s5 =	sld [smem:$0x3FFC];
	_ =	sdelay $0x3  }
0x9a: {  	_ =	strace s5  }
0x9b: {  	s5 =	sld [smem:$0x3FFD];
	_ =	sdelay $0x3  }
0x9c: {  	_ =	strace s5  }
0x9d: {  	_ =	strace $0x8FFFFFFF  }
0x9e: {  	s20 =	sld [smem:$0x3FDB];
	_ =	sdelay $0x1  }
0x9f: {  	s6 =	simm.s32 $_scs_section_size  }
0xa0: {  	s7 =	simm.s32 $_size__tile_overlayer_lowered;
	s8 =	simm.s32 $_tile_overlayer_lowered  }
0xa1: {  	s23 =	simm.s32 $0x1BFF;
	s22 =	sshll.u32 s8, $0x1;
	s5 =	sadd.s32 s6, s20  }
0xa2: {  	s9 =	simm.s32 $0x0;
	s21 =	sshll.u32 s7, $0x1;
	s7 =	sadd.s32 s22, s5  }
0xa3: {  	[timem:s9], [sflag:s23] =	dma.local [hbm:s7], s21  }
0xa4: {  	_ =	swait.ge [sflag:s23], s21  }
0xa5: {  	s6 =	ssub.s32 $0x0, s21;
	[sflag:s23] =	ssyncset.done $0x0  }
0xa6: {  	[sflag:s23] =	ssyncadd.s32 s6;
	_ =	sdelay $0x1  }
0xa7: {  	s24 =	simm.s32 $0x1B8B  }
0xa8: {  	_ =	swait.ge [sflag:s24], $0x1  }
0xa9: {  	[sflag:s24] =	ssyncset.done $0x0  }
0xaa: {  	s25 =	simm.s32 $0x1B8E;
	[sflag:s24] =	ssyncadd.s32 $0xFFFFFFFF  }
0xab: {  	s26 =	simm.s32 $execute0_lowered;
	[smem:$0x3FD2] =	sst s25  }
0xac: {  	s6 =	sshll.u32 s26, $0x1;
	_ =	strace $0x80000046;
	[dreg:$0x1] =	wrdreg $0xFFFFFFFF  }
0xad: {  	s28 =	simm.s32 $_size_execute0_lowered;
	s5 =	sadd.s32 s5, s6;
	[dreg:$0x0] =	wrdreg $0x0  }
0xae: {  	s6 =	sshll.u32 s28, $0x1;
	[dreg:$0x2] =	wrdreg s5  }
0xaf: {  	[dreg:$0x3] =	wrdreg s6  }
0xb0: {  	[dreg:$0x4] =	wrdreg $0xC0  }
0xb1: {  	_ =	task [dreg:s9], $0x5FFFF  }
0xb2: {  	[dreg:$0x1] =	wrdreg $0xFFFFFFFF  }
0xb3: {  	[dreg:$0x0] =	wrdreg $0x60  }
0xb4: {  	[dreg:$0x2] =	wrdreg s17  }
0xb5: {  	[dreg:$0x3] =	wrdreg s19  }
0xb6: {  	[dreg:$0x4] =	wrdreg s18  }
0xb7: {  	[dreg:$0x5] =	wrdreg $0x9  }
0xb8: {  	_ =	task.clear_ibuf [dreg:s9], $0x6FFFF;
	_ =	strace $0x90000046  }
0xb9: {  	s29 =	simm.s32 $0x9;
	_ =	strace $0x80000048  }
0xba: {  	_ =	swait.ge [sflag:s29], $0x1  }
0xbb: {  	[sflag:s29] =	ssyncadd.s32 $0xFFFFFFFF  }
0xbc: {  	_ =	strace $0x90000048  }
0xbd: {  	_ =	sfence  }
0xbe: {  	s30 =	sld [smem:$0x0];
	_ =	sdelay $0x2  }
0xbf: {  	s31 =	sshll.u32 s1, $0xD;
	s1 =	sshrl.u32 s1, $0x2  }
0xc0: {  	s3 =	sand.u32 $0x4000, s31;
	s1 =	sadd.s32 s1, s30  }
0xc1: {  	s0 =	sor.u32 s3, s0;
	s1 =	sshll.u32 s1, $0x11  }
0xc2: {  	s0 =	sor.u32 s1, s0  }
0xc3: {  	s0 =	sadd.s32 $0x8F2B, s0  }
0xc4: {  	[sflag:s0] =	ssyncadd.remote.s32 $0x1  }
0xc5: {  	_ =	sfence.sel $0xFFFF  }
0xc6: {  	[dreg:$0x0] =	wrdreg $0xFFFFFFFF;
	(pc) =	sbr.abs _section_cstart, $3  }
0xc7: {  	[dreg:$0x1] =	wrdreg $0xFFFFFFFF  }
0xc8: {  	_ =	task.clear_ibuf [dreg:s9], $0x2FFFF;
	_ =	strace $0x9FFFFFFF  }
0xc9: {  	(tm) =	ssettm $0x7FFFFFFF  }
tec
execute0_lowered:
.L_overlay_start_1:
0x0: {  	(tag) =	ssettag $0x1  }
0x1: {  	s4 =	rddreg [dreg:$0x0]  }
0x2: {  	s2 =	rddreg [dreg:$0x1]  }
0x3: {  	s5 =	rddreg [dreg:$0x2];
	s3 =	srdreg.scid  }
0x4: {  	s0 =	rddreg [dreg:$0x3];
	s1 =	stileid.u32;
	s6 =	sand.u32 $0x1, s3  }
0x5: {  	s3 =	simm.s32 $0x0;
	s8 =	sshll.u32 s1, $0x1;
	s31 =	sshll.u32 s1, $0xC  }
0x6: {  	s7 =	ssub.s32 $0x2, s6;
	[smem:$0x7FF] =	sst s3;
	s8 =	sor.u32 s6, s8  }
0x7: {  	s6 =	sshll.u32 s6, $0xB;
	s9 =	sshrl.u32 s7, $0x1;
	s8 =	smul.u32 $0xF00, s8  }
0x8: {  	_ =	strace $0x80000047;
	s7 =	ssub.s32 s7, s9;
	s9 =	sadd.s32 s31, s4  }
0x9: {  	s4 =	sadd.s32 s5, s8;
	s5 =	smax.u32 s7, $0x1;
	s6 =	sadd.s32 s6, s9  }
0xa: {  	v0 =	vimm.f32 $1.000000000e+00;
	s7 =	simm.s32 $0x80;
	s8 =	simm.s32 $0x1;
	s9 =	simm.s32 $0x0  }
.LBB2_1:
0xb: {  	[tilespmem:s7], [sflag:$0x1] =	stream.linear.gather [hbm4b:s2+s3], $0x7800, $0x38;
	[tilespmem:$0x7880] =	vst v63  }
0xc: {  	_ =	swait.ge [sflag:s8], $0x7800  }
0xd: {  	[sflag:s8] =	ssyncset.done $0x0  }
0xe: {  	s10 =	simm.s32 $0x0;
	[sflag:s8] =	ssyncadd.s32 $0xFFFF8800  }
.LBB2_2:
0xf: {  	s11 =	sadd.s32 s10, s6  }
0x10: {  	[tilespmem:s3], [sflag:$0x1] =	stream.linear.gather [hbm4b:s11+s3], $0x80, $0x38;
	[tilespmem:$0x7880] =	vst v63  }
0x11: {  	_ =	swait.ge [sflag:s8], $0x80  }
0x12: {  	[sflag:s8] =	ssyncset.done $0x0  }
0x13: {  	[sflag:s8] =	ssyncadd.s32 $0xFFFFFF80  }
0x14: {  	v1 =	vld [tilespmem:$0x0];
	_ =	sdelay $0x7  }
0x15: {  	[tilespmem:v1+s7+$0x0] =	vst.idx.add.f32.msk $0xffff, v0  }
0x16: {  	v1 =	vld [tilespmem:$0x10];
	_ =	sdelay $0x7  }
0x17: {  	[tilespmem:v1+s7+$0x0] =	vst.idx.add.f32.msk $0xffff, v0  }
0x18: {  	v1 =	vld [tilespmem:$0x20];
	_ =	sdelay $0x7  }
0x19: {  	[tilespmem:v1+s7+$0x0] =	vst.idx.add.f32.msk $0xffff, v0  }
0x1a: {  	v1 =	vld [tilespmem:$0x30];
	_ =	sdelay $0x7  }
0x1b: {  	[tilespmem:v1+s7+$0x0] =	vst.idx.add.f32.msk $0xffff, v0  }
0x1c: {  	v1 =	vld [tilespmem:$0x40];
	_ =	sdelay $0x7  }
0x1d: {  	[tilespmem:v1+s7+$0x0] =	vst.idx.add.f32.msk $0xffff, v0  }
0x1e: {  	v1 =	vld [tilespmem:$0x50];
	_ =	sdelay $0x7  }
0x1f: {  	[tilespmem:v1+s7+$0x0] =	vst.idx.add.f32.msk $0xffff, v0  }
0x20: {  	v1 =	vld [tilespmem:$0x60];
	_ =	sdelay $0x7  }
0x21: {  	[tilespmem:v1+s7+$0x0] =	vst.idx.add.f32.msk $0xffff, v0  }
0x22: {  	v1 =	vld [tilespmem:$0x70];
	_ =	sdelay $0x2  }
0x23: {  	p0 =	sne.s32 s10, $0x7F0  }
.Ltmp0:
0x24: {  	_ = 	snop;
	(pc) =	sbr.rel @p0 .LBB2_2-.Ltmp0, $2  }
0x25: {  	_ =	sdelay $0x2  }
0x26: {  	s10 =	sadd.s32 $0x10, s10;
	[tilespmem:v1+s7+$0x0] =	vst.idx.add.f32.msk $0xffff, v0  }
0x27: {  	s9 =	sadd.s32 $0x1, s9  }
0x28: {  	p0 =	sne.s32 s9, s5  }
.Ltmp1:
0x29: {  	_ = 	snop;
	(pc) =	sbr.rel @p0 .LBB2_1-.Ltmp1, $4  }
0x2a: {  	[hbm4b:s4+s3] =	stream.linear.scatter [tilespmem:s7], [sflag:$0x1], $0x7800, $0x38;
	[tilespmem:$0x7880] =	vst v63  }
0x2b: {  	_ =	swait.ge [sflag:s8], $0x7800  }
0x2c: {  	[sflag:s8] =	ssyncset.done $0x0  }
0x2d: {  	[sflag:s8] =	ssyncadd.s32 $0xFFFF8800  }
0x2e: {  	_ =	sfence.sel $0x180000  }
0x2f: {  	[bflag:$0x0] =	sbarrier.arrive $0xFFFF  }
0x30: {  	p0 =	sne.s32 s1, $0x0;
	_ =	strace $0x90000047  }
0x31: {  	s0 =	sadd.s32 @!p0 $0x100000, s0;
	[bflag:$0x2] =	sbarrier.arrive $0xFFFF  }
0x32: {  	[sflag:s0] =	ssyncadd.tile.s32 @!p0 $0x1;
	_ =	shalt  }
.Lfunc_end2:
_tile_overlayer_lowered:
.L_overlay_start_2:
0x33: {  	(tag) =	ssettag $0x2  }
0x34: {  	s0 =	rddreg [dreg:$0x0];
	s2 =	stileid.u32  }
0x35: {  	s1 =	rddreg [dreg:$0x1];
	p0 =	sne.s32 s2, $0x0  }
0x36: {  	s3 =	rddreg [dreg:$0x2];
	[bflag:$0x3] =	sbarrier.arrive $0xFFFF;
	s2 =	simm.s32 @!p0 $0x1C01  }
0x37: {  	[timem:s3], [sflag:s2] =	dma.local @!p0 [hbm:s0], s1  }
0x38: {  	s0 =	simm.s32 @!p0 $0x1  }
0x39: {  	_ =	swait.ge @!p0 [sflag:s0], s1  }
0x3a: {  	s1 =	ssub.s32 @!p0 $0x0, s1;
	[sflag:s0] =	ssyncset.done @!p0 $0x0  }
0x3b: {  	[sflag:s0] =	ssyncadd.s32 @!p0 s1  }
0x3c: {  	[bflag:$0x3] =	sbarrier.arrive $0xFFFF  }
0x3d: {  	_ =	shalt  }

// kernel: kernel.23.cloned.1.call-start
scs
__scs_entry_jumppad:
0x0: {  	(pc) =	sbr.rel $0x88, $3  }
0x1: {  	(tag) =	ssettag $0x0;
	lr =	simm.s32 $0x1  }
0x2: {  	[smem:$0x3F8F] =	sst lr;
	_ =	strace $0xD0000000  }
0x3: {  	_ = 	snop  }
0x4: {  	_ = 	snop  }
0x5: {  	_ = 	snop  }
0x6: {  	_ = 	snop  }
0x7: {  	_ = 	snop  }
__scs_overlays_trampoline_lowered:
0x8: {  	[smem:$0x3F9E] =	sst s0  }
0x9: {  	[smem:$0x3F9F] =	sst s1  }
0xa: {  	[smem:$0x3FA0] =	sst s2  }
0xb: {  	[smem:$0x3FA1] =	sst s3  }
0xc: {  	[smem:$0x3FA2] =	sst s4  }
0xd: {  	[smem:$0x3FA3] =	sst s5  }
0xe: {  	[smem:$0x3FA4] =	sst s6  }
0xf: {  	[smem:$0x3FA5] =	sst s7  }
0x10: {  	[smem:$0x3FA6] =	sst s8  }
0x11: {  	[smem:$0x3FA7] =	sst s9;
	s0 =	simm.s32 @!p0 $0x0  }
0x12: {  	s1 =	sld [smem:$0x3F8D];
	s0 =	simm.s32 @p0 $0x1  }
0x13: {  	[smem:$0x3FA8] =	sst s0;
	s0 =	simm.s32 @!p1 $0x0  }
0x14: {  	s2 =	sld [smem:$0x3F8C];
	s0 =	simm.s32 @p1 $0x1  }
0x15: {  	[smem:$0x3FA9] =	sst s0;
	s0 =	simm.s32 @!p2 $0x0  }
0x16: {  	s3 =	sld [smem:$0x3FDB];
	s0 =	simm.s32 @p2 $0x1  }
0x17: {  	s4 =	simm.s32 $0x1BF5;
	[smem:$0x3FAB] =	sst s0  }
0x18: {  	s0 =	sld [smem:$0x3F8E];
	_ =	swait.ge [sflag:s4], $0x0  }
0x19: {  	s7 =	sld [smem:$0x3F8F]  }
0x1a: {  	s8 =	sadd.s32 $0xFFFFE003, lr  }
0x1b: {  	s9 =	sadd.s32 $0xFFFFFEF7, lr;
	s5 =	simm.s32 $0xFFFFFFFF;
	p2 =	slt.u32 s8, $0xFFFFF086  }
0x1c: {  	p1 =	slt.u32 s9, $0xF7A;
	s5 =	simm.s32 @!p2 $0x0  }
0x1d: {  	s5 =	simm.s32 @p1 $0x1;
	p0 =	seq.s32 s7, s2  }
0x1e: {  	s7 =	smul.u32 @!p0 $0xF7A, s2;
	p2 =	seq.s32 @!p0 s5, $0x0  }
0x1f: {  	s9 =	smul.u32 $0xF7A, s1;
	s8 =	simm.s32 @!p0 $0x1BF5;
	p2 =	por !p2, p0  }
0x20: {  	[sflag:s8] =	ssyncset.s32 @!p0 $0xFFFFF086;
	s6 =	sadd.s32 @!p0 s3, s7;
	s7 =	simm.s32 @!p0 $0x108  }
0x21: {  	s3 =	sadd.s32 s3, s9;
	s6 =	sadd.s32 @!p0 $0x88, s6;
	s7 =	simm.s32 @p2 $0x1082  }
0x22: {  	[simem:s7], [sflag:s8] =	dma.local @!p0 [hbm:s6], $0xF7A  }
0x23: {  	s9 =	sor.u32 $0xD0000000, s2;
	s6 =	simm.s32 $0x108;
	_ =	swait.ge @!p0 [sflag:s8], $0x0  }
0x24: {  	s3 =	sadd.s32 $0x88, s3;
	s6 =	simm.s32 @!p1 $0x1082;
	[sflag:s4] =	ssyncset.s32 $0xFFFFF086  }
0x25: {  	[simem:s6], [sflag:s4] =	dma.local [hbm:s3], $0xF7A  }
0x26: {  	[smem:$0x3F8F] =	sst s1;
	(tag) =	ssettag s2;
	_ =	strace s9  }
0x27: {  	s1 =	sld [smem:$0x3F9F]  }
0x28: {  	s2 =	sld [smem:$0x3FA0]  }
0x29: {  	s4 =	sld [smem:$0x3FA2]  }
0x2a: {  	p0 =	seq.s32 s5, $0x0;
	s5 =	sld [smem:$0x3FA3]  }
0x2b: {  	s6 =	sld [smem:$0x3FA4]  }
0x2c: {  	s7 =	sld [smem:$0x3FA5]  }
0x2d: {  	s3 =	simm.s32 $0x108;
	s8 =	sld [smem:$0x3FA6]  }
0x2e: {  	s3 =	simm.s32 @!p0 $0x1082;
	s9 =	sld [smem:$0x3FA7]  }
0x2f: {  	lr =	sadd.s32 s0, s3;
	s0 =	sld [smem:$0x3F9E]  }
0x30: {  	s3 =	sld [smem:$0x3FA1]  }
0x31: {  	[smem:$0x3FAA] =	sst s10  }
0x32: {  	s10 =	sld [smem:$0x3FA8];
	_ =	sdelay $0x3  }
0x33: {  	p0 =	seq.s32 s10, $0x1;
	s10 =	sld [smem:$0x3FAA];
	_ =	sdelay $0x3  }
0x34: {  	[smem:$0x3FAA] =	sst s10  }
0x35: {  	s10 =	sld [smem:$0x3FA9];
	_ =	sdelay $0x3  }
0x36: {  	p1 =	seq.s32 s10, $0x1;
	s10 =	sld [smem:$0x3FAA];
	_ =	sdelay $0x3  }
0x37: {  	[smem:$0x3FAA] =	sst s10  }
0x38: {  	s10 =	sld [smem:$0x3FAB]  }
0x39: {  	_ = 	snop;
	(pc) =	sbr.ind lr, $3  }
0x3a: {  	_ = 	snop  }
0x3b: {  	_ = 	snop  }
0x3c: {  	p2 =	seq.s32 s10, $0x1;
	s10 =	sld [smem:$0x3FAA]  }
0x3d: {  	_ =	shalt  }
0x3e: {  	_ =	shalt  }
0x3f: {  	_ =	shalt  }
0x40: {  	_ =	shalt  }
0x41: {  	_ =	shalt  }
0x42: {  	_ =	shalt  }
0x43: {  	_ =	shalt  }
0x44: {  	_ =	shalt  }
0x45: {  	_ =	shalt  }
0x46: {  	_ =	shalt  }
0x47: {  	_ =	shalt  }
0x48: {  	_ =	shalt  }
0x49: {  	_ =	shalt  }
0x4a: {  	_ =	shalt  }
0x4b: {  	_ =	shalt  }
0x4c: {  	_ =	shalt  }
0x4d: {  	_ =	shalt  }
0x4e: {  	_ =	shalt  }
0x4f: {  	_ =	shalt  }
0x50: {  	_ =	shalt  }
0x51: {  	_ =	shalt  }
0x52: {  	_ =	shalt  }
0x53: {  	_ =	shalt  }
0x54: {  	_ =	shalt  }
0x55: {  	_ =	shalt  }
0x56: {  	_ =	shalt  }
0x57: {  	_ =	shalt  }
0x58: {  	_ =	shalt  }
0x59: {  	_ =	shalt  }
0x5a: {  	_ =	shalt  }
0x5b: {  	_ =	shalt  }
0x5c: {  	_ =	shalt  }
0x5d: {  	_ =	shalt  }
0x5e: {  	_ =	shalt  }
0x5f: {  	_ =	shalt  }
0x60: {  	_ =	shalt  }
0x61: {  	_ =	shalt  }
0x62: {  	_ =	shalt  }
0x63: {  	_ =	shalt  }
0x64: {  	_ =	shalt  }
0x65: {  	_ =	shalt  }
0x66: {  	_ =	shalt  }
0x67: {  	_ =	shalt  }
0x68: {  	_ =	shalt  }
0x69: {  	_ =	shalt  }
0x6a: {  	_ =	shalt  }
0x6b: {  	_ =	shalt  }
0x6c: {  	_ =	shalt  }
0x6d: {  	_ =	shalt  }
0x6e: {  	_ =	shalt  }
0x6f: {  	_ =	shalt  }
0x70: {  	_ =	shalt  }
0x71: {  	_ =	shalt  }
0x72: {  	_ =	shalt  }
0x73: {  	_ =	shalt  }
0x74: {  	_ =	shalt  }
0x75: {  	_ =	shalt  }
0x76: {  	_ =	shalt  }
0x77: {  	_ =	shalt  }
0x78: {  	_ =	shalt  }
0x79: {  	_ =	shalt  }
0x7a: {  	_ =	shalt  }
0x7b: {  	_ =	shalt  }
0x7c: {  	_ =	shalt  }
0x7d: {  	_ =	shalt  }
0x7e: {  	_ =	shalt  }
0x7f: {  	_ =	shalt  }
0x80: {  	_ =	shalt  }
0x81: {  	_ =	shalt  }
0x82: {  	_ =	shalt  }
0x83: {  	_ =	shalt  }
0x84: {  	_ =	shalt  }
0x85: {  	_ =	shalt  }
0x86: {  	_ =	shalt  }
0x87: {  	_ =	shalt  }
.Lfunc_end0:
.L_simem_size_0:
called_computation.1_lowered:
.L_overlay_start_0:
0x88: {  	s2 =	sld [smem:$0x3FD9]  }
0x89: {  	s3 =	sld [smem:$0x3FFE];
	_ =	sdelay $0x1  }
0x8a: {  	s1 =	srdreg.scid  }
0x8b: {  	s0 =	sand.u32 $0x1, s1  }
0x8c: {  	s14 =	sshll.u32 s0, $0xA;
	s2 =	sadd.s32 s3, s2  }
0x8d: {  	s2 =	sadd.s32 s2, s14  }
0x8e: {  	[smem:$0x3FB6] =	sst s2  }
0x8f: {  	_ = 	snop  }
0x90: {  	s2 =	sld [smem:$0x3FD0];
	_ =	sdelay $0x2  }
0x91: {  	s15 =	simm.s32 $0xA;
	s4 =	simm.s32 $0x10  }
0x92: {  	[smem:s4], [sflag:s15] =	dma.local [hbm:s2], $0x1  }
0x93: {  	_ =	swait.eq [sflag:s15], $0x1  }
0x94: {  	[sflag:s15] =	ssyncset.done $0x0  }
0x95: {  	s16 =	sld [smem:$0x14];
	[sflag:s15] =	ssyncadd.s32 $0xFFFFFFFF  }
0x96: {  	s17 =	sld [smem:$0x15];
	(tm) =	ssettm $0x1  }
0x97: {  	s18 =	sld [smem:$0x3FFB];
	_ =	sdelay $0x3  }
0x98: {  	_ =	strace s18  }
0x99: {  	s4 =	sld [smem:$0x3FFC];
	_ =	sdelay $0x3  }
0x9a: {  	_ =	strace s4  }
0x9b: {  	s4 =	sld [smem:$0x3FFD];
	_ =	sdelay $0x3  }
0x9c: {  	_ =	strace s4  }
0x9d: {  	_ =	strace $0x8FFFFFFF  }
0x9e: {  	s19 =	sld [smem:$0x3FDB];
	_ =	sdelay $0x1  }
0x9f: {  	s5 =	simm.s32 $_scs_section_size  }
0xa0: {  	s6 =	simm.s32 $_size__tile_overlayer_lowered;
	s7 =	simm.s32 $_tile_overlayer_lowered  }
0xa1: {  	s22 =	simm.s32 $0x1BFF;
	s21 =	sshll.u32 s7, $0x1;
	s4 =	sadd.s32 s5, s19  }
0xa2: {  	s8 =	simm.s32 $0x0;
	s20 =	sshll.u32 s6, $0x1;
	s6 =	sadd.s32 s21, s4  }
0xa3: {  	[timem:s8], [sflag:s22] =	dma.local [hbm:s6], s20  }
0xa4: {  	_ =	swait.ge [sflag:s22], s20  }
0xa5: {  	s5 =	ssub.s32 $0x0, s20;
	[sflag:s22] =	ssyncset.done $0x0  }
0xa6: {  	[sflag:s22] =	ssyncadd.s32 s5;
	_ =	sdelay $0x1  }
0xa7: {  	s23 =	simm.s32 $0x1B8B  }
0xa8: {  	_ =	swait.ge [sflag:s23], $0x1  }
0xa9: {  	[sflag:s23] =	ssyncset.done $0x0  }
0xaa: {  	s25 =	simm.s32 $0x1B8E;
	s24 =	sld [smem:$0x3FFE];
	[sflag:s23] =	ssyncadd.s32 $0xFFFFFFFF  }
0xab: {  	s26 =	simm.s32 $execute0_lowered;
	[smem:$0x3FD2] =	sst s25  }
0xac: {  	s6 =	sshll.u32 s26, $0x1;
	_ =	strace $0x80000049;
	[dreg:$0x1] =	wrdreg $0xFFFFFFFF  }
0xad: {  	s28 =	simm.s32 $_size_execute0_lowered;
	s4 =	sadd.s32 s4, s6;
	[dreg:$0x0] =	wrdreg $0x0  }
0xae: {  	s6 =	sshll.u32 s28, $0x1;
	[dreg:$0x2] =	wrdreg s4  }
0xaf: {  	[dreg:$0x3] =	wrdreg s6  }
0xb0: {  	[dreg:$0x4] =	wrdreg $0xC0  }
0xb1: {  	_ =	task [dreg:s8], $0x5FFFF  }
0xb2: {  	[dreg:$0x1] =	wrdreg $0xFFFFFFFF  }
0xb3: {  	[dreg:$0x0] =	wrdreg $0x60  }
0xb4: {  	[dreg:$0x2] =	wrdreg s24  }
0xb5: {  	[dreg:$0x3] =	wrdreg s17  }
0xb6: {  	[dreg:$0x4] =	wrdreg s16  }
0xb7: {  	[dreg:$0x5] =	wrdreg $0x99000  }
0xb8: {  	[dreg:$0x6] =	wrdreg $0x9  }
0xb9: {  	_ =	task.clear_ibuf [dreg:s8], $0x7FFFF;
	_ =	strace $0x90000049  }
0xba: {  	s29 =	simm.s32 $0x9;
	_ =	strace $0x8000004B  }
0xbb: {  	_ =	swait.ge [sflag:s29], $0x1  }
0xbc: {  	[sflag:s29] =	ssyncadd.s32 $0xFFFFFFFF  }
0xbd: {  	_ =	strace $0x9000004B  }
0xbe: {  	_ =	sfence  }
0xbf: {  	s30 =	sld [smem:$0x0];
	_ =	sdelay $0x2  }
0xc0: {  	s31 =	sshll.u32 s1, $0xD;
	s1 =	sshrl.u32 s1, $0x2  }
0xc1: {  	s3 =	sand.u32 $0x4000, s31;
	s1 =	sadd.s32 s1, s30  }
0xc2: {  	s0 =	sor.u32 s3, s0;
	s1 =	sshll.u32 s1, $0x11  }
0xc3: {  	s0 =	sor.u32 s1, s0  }
0xc4: {  	s0 =	sadd.s32 $0x8F2B, s0  }
0xc5: {  	[sflag:s0] =	ssyncadd.remote.s32 $0x1  }
0xc6: {  	_ =	sfence.sel $0xFFFF  }
0xc7: {  	[dreg:$0x0] =	wrdreg $0xFFFFFFFF;
	(pc) =	sbr.abs _section_cstart, $3  }
0xc8: {  	[dreg:$0x1] =	wrdreg $0xFFFFFFFF  }
0xc9: {  	_ =	task.clear_ibuf [dreg:s8], $0x2FFFF;
	_ =	strace $0x9FFFFFFF  }
0xca: {  	(tm) =	ssettm $0x7FFFFFFF  }
0xcb: {  	_ =	shalt  }
tec
execute0_lowered:
.L_overlay_start_1:
0x0: {  	(tag) =	ssettag $0x1  }
0x1: {  	s0 =	rddreg [dreg:$0x0]  }
0x2: {  	s1 =	rddreg [dreg:$0x1]  }
0x3: {  	s7 =	rddreg [dreg:$0x2]  }
0x4: {  	s2 =	rddreg [dreg:$0x3]  }
0x5: {  	s3 =	simm.s32 $0x0;
	s4 =	srdreg.scid;
	s14 =	stileid.u32  }
0x6: {  	s28 =	simm.s32 $0x1;
	s29 =	simm.s32 $0x2;
	s30 =	simm.s32 $0x3  }
0x7: {  	s31 =	simm.s32 $0x4;
	[smem:$0x7FF] =	sst s3;
	s6 =	smul.u32 $0x280, s14  }
0x8: {  	s8 =	sand.u32 $0x1, s4;
	s4 =	sadd.s32 $0x10C600, s0;
	s10 =	smul.u32 $0x50000, s14  }
0x9: {  	s5 =	sadd.s32 $0x94600, s0;
	s13 =	sshll.u32 s14, $0x1;
	s17 =	smul.u32 $0x3000, s14  }
0xa: {  	s15 =	sshll.u32 s14, $0x6;
	s9 =	smul.u32 $0x7800, s8;
	s11 =	ssub.s32 $0x2, s8  }
0xb: {  	_ =	strace $0x8000004A;
	s19 =	smul.u32 $0x1800, s8;
	s12 =	sshrl.u32 s11, $0x1  }
0xc: {  	s10 =	sshrl.u32 s10, $0x2;
	s6 =	sadd.s32 s6, s9;
	s9 =	sor.u32 s8, s13  }
0xd: {  	s13 =	ssub.s32 s11, s12;
	s20 =	sadd.s32 s10, s2;
	s8 =	sor.u32 $0x1C05, s15  }
0xe: {  	s24 =	sadd.s32 s19, s17;
	s6 =	sshll.u32 s6, $0x4;
	s9 =	smul.u32 $0x1800, s9  }
0xf: {  	s13 =	smax.u32 s13, $0x1;
	s15 =	sshrl.u32 s24, $0x3;
	s25 =	sadd.s32 $0x30000, s24  }
0x10: {  	s26 =	sadd.s32 $0x60080, s24;
	s20 =	sshrl.u32 s20, $0x3;
	s0 =	sadd.s32 s6, s0  }
0x11: {  	s15 =	sadd.s32 s15, s7;
	s16 =	sshrl.u32 s9, $0x3;
	s18 =	sadd.s32 $0x1FC600, s0  }
0x12: {  	s22 =	sadd.s32 $0x224600, s0;
	s0 =	sadd.s32 $0x24C600, s0;
	[dreg:$0x5] =	wrdreg s18  }
0x13: {  	s9 =	sadd.s32 $0x30080, s24;
	s6 =	sadd.s32 s1, s16;
	[dreg:$0x7] =	wrdreg s22  }
0x14: {  	[dreg:$0x9] =	wrdreg s0;
	s1 =	sor.u32 $0x80, s24;
	s9 =	sshrl.u32 s9, $0x3  }
0x15: {  	s0 =	sadd.s32 $0x60000, s24;
	s22 =	simm.s32 $0x1800;
	s24 =	simm.s32 $0x1900  }
0x16: {  	s21 =	sadd.s32 $0x6000, s6;
	s23 =	sadd.s32 $0xC000, s6;
	s1 =	sshrl.u32 s1, $0x3  }
0x17: {  	s16 =	sadd.s32 s9, s7;
	s9 =	sshrl.u32 s26, $0x3;
	[dreg:$0x6] =	wrdreg s21  }
0x18: {  	s0 =	sshrl.u32 s0, $0x3;
	s26 =	simm.s32 $0x5900;
	[dreg:$0x8] =	wrdreg s23  }
0x19: {  	s14 =	sadd.s32 s1, s7;
	s1 =	sshrl.u32 s25, $0x3;
	s18 =	sadd.s32 s9, s7  }
0x1a: {  	s19 =	sadd.s32 s0, s7;
	s21 =	simm.s32 $0x5;
	s23 =	simm.s32 $0x80  }
0x1b: {  	s25 =	simm.s32 $0x1880;
	s0 =	simm.s32 $0x0;
	s17 =	sadd.s32 s1, s7  }
.LBB2_1:
0x1c: {  	[spmem:s20], [sflag:s8] =	dma.local [hbm:s5], $0x2800  }
0x1d: {  	_ =	swait.ge [sflag:s21], $0x2800  }
0x1e: {  	[sflag:s21] =	ssyncset.done $0x0  }
0x1f: {  	[sflag:s21] =	ssyncadd.s32 $0xFFFFD800  }
0x20: {  	[tilespmem:s3], [sflag:$0x5] =	stream.linear.gather [hbm4b:s6+s3], $0x1800, $0x38;
	[tilespmem:$0x1D900] =	vst v63  }
0x21: {  	_ =	swait.ge [sflag:s21], $0x1800  }
0x22: {  	[sflag:s21] =	ssyncset.done $0x0  }
0x23: {  	[sflag:s21] =	ssyncadd.s32 $0xFFFFE800  }
0x24: {  	s1 =	sadd.s32 $0x0, s15;
	[bflag:$0x0] =	sbarrier.arrive $0xFFFF  }
0x25: {  	[tilespmem:s22], [sflag:$0x5] =	stream.linear.gather [hbm4b:s1+s3], $0x80, $0x38;
	[tilespmem:$0x1D900] =	vst v63  }
0x26: {  	_ =	swait.ge [sflag:s21], $0x80  }
0x27: {  	[sflag:s21] =	ssyncset.done $0x0  }
0x28: {  	[sflag:s21] =	ssyncadd.s32 $0xFFFFFF80  }
0x29: {  	[tilespmem:s24], [sflag:$0x1] =	stream.indirect.gather [hbm4b:s4+s23], $0x80, s3, s23, $0xb8;
	[tilespmem:$0x1D900] =	vst v63  }
0x2a: {  	s11 =	sadd.s32 $0x0, s14  }
0x2b: {  	[tilespmem:s25], [sflag:$0x5] =	stream.linear.gather [hbm4b:s11+s3], $0x80, $0x38;
	[tilespmem:$0x1D900] =	vst v63  }
0x2c: {  	_ =	swait.ge [sflag:s21], $0x80  }
0x2d: {  	[sflag:s21] =	ssyncset.done $0x0  }
0x2e: {  	s12 =	simm.s32 $0x80;
	[sflag:s21] =	ssyncadd.s32 $0xFFFFFF80  }
0x2f: {  	[tilespmem:s26], [sflag:$0x2] =	stream.indirect.gather [hbm4b:s4+s23], $0x80, s12, s23, $0xb8;
	[tilespmem:$0x1D900] =	vst v63  }
0x30: {  	_ =	swait.ge [sflag:s28], $0x4000  }
0x31: {  	[sflag:s28] =	ssyncset.done $0x0  }
0x32: {  	[sflag:s28] =	ssyncadd.s32 $0xFFFFC000  }
0x33: {  	[spmem:s2] =	stream.indirect.scatter.add.f32 [tilespmem:s24], [sflag:$0x3], $0x80, s22, s23, $0xb8;
	[tilespmem:$0x1D900] =	vst v63  }
0x34: {  	_ =	swait.ge [sflag:s29], $0x4000  }
0x35: {  	[sflag:s29] =	ssyncset.done $0x0  }
0x36: {  	[sflag:s29] =	ssyncadd.s32 $0xFFFFC000  }
0x37: {  	[spmem:s2] =	stream.indirect.scatter.add.f32 [tilespmem:s26], [sflag:$0x4], $0x80, s25, s23, $0xb8;
	[tilespmem:$0x1D900] =	vst v63  }
0x38: {  	_ =	swait.ge [sflag:s30], $0x4000  }
0x39: {  	[sflag:s30] =	ssyncset.done $0x0  }
0x3a: {  	[sflag:s30] =	ssyncadd.s32 $0xFFFFC000  }
0x3b: {  	s7 =	simm.s32 $0x20;
	_ =	swait.ge [sflag:s31], $0x4000  }
0x3c: {  	s9 =	simm.s32 $0x40;
	s1 =	simm.s32 $0x100;
	[sflag:s31] =	ssyncset.done $0x0  }
.LBB2_2:
0x3d: {  	s10 =	sadd.s32 s7, s15  }
0x3e: {  	[sflag:s31] =	ssyncadd.s32 $0xFFFFC000;
	s11 =	smov.u32 s9;
	s12 =	sadd.s32 $0x20, s9  }
0x3f: {  	[tilespmem:s22], [sflag:$0x5] =	stream.linear.gather [hbm4b:s10+s3], $0x80, $0x38;
	[tilespmem:$0x1D900] =	vst v63  }
0x40: {  	p0 =	sne.s32 s9, $0x2E0;
	_ =	swait.ge [sflag:s21], $0x80  }
0x41: {  	[sflag:s21] =	ssyncset.done $0x0  }
0x42: {  	[sflag:s21] =	ssyncadd.s32 $0xFFFFFF80  }
0x43: {  	[tilespmem:s24], [sflag:$0x1] =	stream.indirect.gather [hbm4b:s4+s23], $0x80, s1, s23, $0xb8;
	[tilespmem:$0x1D900] =	vst v63  }
0x44: {  	s9 =	sadd.s32 s7, s14;
	s7 =	smov.u32 s11  }
0x45: {  	[tilespmem:s25], [sflag:$0x5] =	stream.linear.gather [hbm4b:s9+s3], $0x80, $0x38;
	[tilespmem:$0x1D900] =	vst v63  }
0x46: {  	_ =	swait.ge [sflag:s21], $0x80  }
0x47: {  	[sflag:s21] =	ssyncset.done $0x0  }
0x48: {  	s9 =	sadd.s32 $0x80, s1;
	[sflag:s21] =	ssyncadd.s32 $0xFFFFFF80  }
0x49: {  	[tilespmem:s26], [sflag:$0x2] =	stream.indirect.gather [hbm4b:s4+s23], $0x80, s9, s23, $0xb8;
	[tilespmem:$0x1D900] =	vst v63  }
0x4a: {  	_ =	swait.ge [sflag:s28], $0x4000  }
0x4b: {  	[sflag:s28] =	ssyncset.done $0x0  }
0x4c: {  	[sflag:s28] =	ssyncadd.s32 $0xFFFFC000  }
0x4d: {  	[spmem:s2] =	stream.indirect.scatter.add.f32 [tilespmem:s24], [sflag:$0x3], $0x80, s22, s23, $0xb8;
	[tilespmem:$0x1D900] =	vst v63  }
0x4e: {  	_ =	swait.ge [sflag:s29], $0x4000  }
0x4f: {  	[sflag:s29] =	ssyncset.done $0x0  }
0x50: {  	[sflag:s29] =	ssyncadd.s32 $0xFFFFC000  }
0x51: {  	[spmem:s2] =	stream.indirect.scatter.add.f32 [tilespmem:s26], [sflag:$0x4], $0x80, s25, s23, $0xb8;
	[tilespmem:$0x1D900] =	vst v63  }
.Ltmp0:
0x52: {  	_ =	swait.ge [sflag:s30], $0x4000;
	(pc) =	sbr.rel @p0 .LBB2_2-.Ltmp0, $4  }
0x53: {  	[sflag:s30] =	ssyncset.done $0x0  }
0x54: {  	[sflag:s30] =	ssyncadd.s32 $0xFFFFC000  }
0x55: {  	_ =	swait.ge [sflag:s31], $0x4000  }
0x56: {  	s1 =	sadd.s32 $0x100, s1;
	s9 =	smov.u32 s12;
	[sflag:s31] =	ssyncset.done $0x0  }
0x57: {  	s9 =	sadd.s32 s7, s15;
	[sflag:s31] =	ssyncadd.s32 $0xFFFFC000  }
0x58: {  	[tilespmem:s22], [sflag:$0x5] =	stream.linear.gather [hbm4b:s9+s3], $0x80, $0x38;
	[tilespmem:$0x1D900] =	vst v63  }
0x59: {  	_ =	swait.ge [sflag:s21], $0x80  }
0x5a: {  	[sflag:s21] =	ssyncset.done $0x0  }
0x5b: {  	[sflag:s21] =	ssyncadd.s32 $0xFFFFFF80  }
0x5c: {  	[tilespmem:s24], [sflag:$0x1] =	stream.indirect.gather [hbm4b:s4+s23], $0x80, s1, s23, $0xb8;
	[tilespmem:$0x1D900] =	vst v63  }
0x5d: {  	s9 =	sadd.s32 s7, s14  }
0x5e: {  	[tilespmem:s25], [sflag:$0x5] =	stream.linear.gather [hbm4b:s9+s3], $0x80, $0x38;
	[tilespmem:$0x1D900] =	vst v63  }
0x5f: {  	_ =	swait.ge [sflag:s21], $0x80  }
0x60: {  	[sflag:s21] =	ssyncset.done $0x0  }
0x61: {  	s10 =	sadd.s32 $0x80, s1;
	[sflag:s21] =	ssyncadd.s32 $0xFFFFFF80  }
0x62: {  	[tilespmem:s26], [sflag:$0x2] =	stream.indirect.gather [hbm4b:s4+s23], $0x80, s10, s23, $0xb8;
	[tilespmem:$0x1D900] =	vst v63  }
0x63: {  	_ =	swait.ge [sflag:s28], $0x4000  }
0x64: {  	[sflag:s28] =	ssyncset.done $0x0  }
0x65: {  	[sflag:s28] =	ssyncadd.s32 $0xFFFFC000  }
0x66: {  	[spmem:s2] =	stream.indirect.scatter.add.f32 [tilespmem:s24], [sflag:$0x3], $0x80, s22, s23, $0xb8;
	[tilespmem:$0x1D900] =	vst v63  }
0x67: {  	_ =	swait.ge [sflag:s29], $0x4000  }
0x68: {  	[sflag:s29] =	ssyncset.done $0x0  }
0x69: {  	[sflag:s29] =	ssyncadd.s32 $0xFFFFC000  }
0x6a: {  	[spmem:s2] =	stream.indirect.scatter.add.f32 [tilespmem:s26], [sflag:$0x4], $0x80, s25, s23, $0xb8;
	[tilespmem:$0x1D900] =	vst v63  }
0x6b: {  	_ =	swait.ge [sflag:s30], $0x4000  }
0x6c: {  	[sflag:s30] =	ssyncset.done $0x0  }
0x6d: {  	[sflag:s30] =	ssyncadd.s32 $0xFFFFC000  }
0x6e: {  	_ =	swait.ge [sflag:s31], $0x4000  }
0x6f: {  	[sflag:s31] =	ssyncset.done $0x0  }
0x70: {  	[sflag:s31] =	ssyncadd.s32 $0xFFFFC000  }
0x71: {  	[bflag:$0x0] =	sbarrier.arrive $0xFFFF  }
0x72: {  	s11 =	rddreg [dreg:$0x5]  }
0x73: {  	[hbm:s11], [sflag:s8] =	dma.local [spmem:s20], $0x2800  }
0x74: {  	_ =	swait.ge [sflag:s21], $0x2800  }
0x75: {  	[sflag:s21] =	ssyncset.done $0x0  }
0x76: {  	[sflag:s21] =	ssyncadd.s32 $0xFFFFD800  }
0x77: {  	[bflag:$0x0] =	sbarrier.arrive $0xFFFF  }
0x78: {  	[spmem:s20], [sflag:s8] =	dma.local [hbm:s5], $0x2800  }
0x79: {  	_ =	swait.ge [sflag:s21], $0x2800  }
0x7a: {  	[sflag:s21] =	ssyncset.done $0x0  }
0x7b: {  	s12 =	simm.s32 $0x0;
	s9 =	rddreg [dreg:$0x6];
	[sflag:s21] =	ssyncadd.s32 $0xFFFFD800  }
0x7c: {  	[tilespmem:s12], [sflag:$0x5] =	stream.linear.gather [hbm4b:s9+s12], $0x1800, $0x38;
	[tilespmem:$0x1D900] =	vst v63  }
0x7d: {  	_ =	swait.ge [sflag:s21], $0x1800  }
0x7e: {  	[sflag:s21] =	ssyncset.done $0x0  }
0x7f: {  	[sflag:s21] =	ssyncadd.s32 $0xFFFFE800  }
0x80: {  	s10 =	sadd.s32 $0x0, s17;
	[bflag:$0x0] =	sbarrier.arrive $0xFFFF  }
0x81: {  	[tilespmem:s22], [sflag:$0x5] =	stream.linear.gather [hbm4b:s10+s3], $0x80, $0x38;
	[tilespmem:$0x1D900] =	vst v63  }
0x82: {  	_ =	swait.ge [sflag:s21], $0x80  }
0x83: {  	[sflag:s21] =	ssyncset.done $0x0  }
0x84: {  	[sflag:s21] =	ssyncadd.s32 $0xFFFFFF80  }
0x85: {  	[tilespmem:s24], [sflag:$0x1] =	stream.indirect.gather [hbm4b:s4+s23], $0x80, s12, s23, $0xb8;
	[tilespmem:$0x1D900] =	vst v63  }
0x86: {  	s11 =	sadd.s32 $0x0, s16  }
0x87: {  	[tilespmem:s25], [sflag:$0x5] =	stream.linear.gather [hbm4b:s11+s3], $0x80, $0x38;
	[tilespmem:$0x1D900] =	vst v63  }
0x88: {  	_ =	swait.ge [sflag:s21], $0x80  }
0x89: {  	[sflag:s21] =	ssyncset.done $0x0  }
0x8a: {  	s12 =	simm.s32 $0x80;
	[sflag:s21] =	ssyncadd.s32 $0xFFFFFF80  }
0x8b: {  	[tilespmem:s26], [sflag:$0x2] =	stream.indirect.gather [hbm4b:s4+s23], $0x80, s12, s23, $0xb8;
	[tilespmem:$0x1D900] =	vst v63  }
0x8c: {  	_ =	swait.ge [sflag:s28], $0x4000  }
0x8d: {  	[sflag:s28] =	ssyncset.done $0x0  }
0x8e: {  	[sflag:s28] =	ssyncadd.s32 $0xFFFFC000  }
0x8f: {  	[spmem:s2] =	stream.indirect.scatter.add.f32 [tilespmem:s24], [sflag:$0x3], $0x80, s22, s23, $0xb8;
	[tilespmem:$0x1D900] =	vst v63  }
0x90: {  	_ =	swait.ge [sflag:s29], $0x4000  }
0x91: {  	[sflag:s29] =	ssyncset.done $0x0  }
0x92: {  	[sflag:s29] =	ssyncadd.s32 $0xFFFFC000  }
0x93: {  	[spmem:s2] =	stream.indirect.scatter.add.f32 [tilespmem:s26], [sflag:$0x4], $0x80, s25, s23, $0xb8;
	[tilespmem:$0x1D900] =	vst v63  }
0x94: {  	_ =	swait.ge [sflag:s30], $0x4000  }
0x95: {  	[sflag:s30] =	ssyncset.done $0x0  }
0x96: {  	[sflag:s30] =	ssyncadd.s32 $0xFFFFC000  }
0x97: {  	s7 =	simm.s32 $0x20;
	_ =	swait.ge [sflag:s31], $0x4000  }
0x98: {  	s1 =	simm.s32 $0x100;
	s9 =	simm.s32 $0x40;
	[sflag:s31] =	ssyncset.done $0x0  }
.LBB2_4:
0x99: {  	s10 =	sadd.s32 s7, s17  }
0x9a: {  	[sflag:s31] =	ssyncadd.s32 $0xFFFFC000;
	s11 =	smov.u32 s9;
	s12 =	sadd.s32 $0x20, s9  }
0x9b: {  	[tilespmem:s22], [sflag:$0x5] =	stream.linear.gather [hbm4b:s10+s3], $0x80, $0x38;
	[tilespmem:$0x1D900] =	vst v63  }
0x9c: {  	p0 =	sne.s32 s9, $0x2E0;
	_ =	swait.ge [sflag:s21], $0x80  }
0x9d: {  	[sflag:s21] =	ssyncset.done $0x0  }
0x9e: {  	[sflag:s21] =	ssyncadd.s32 $0xFFFFFF80  }
0x9f: {  	[tilespmem:s24], [sflag:$0x1] =	stream.indirect.gather [hbm4b:s4+s23], $0x80, s1, s23, $0xb8;
	[tilespmem:$0x1D900] =	vst v63  }
0xa0: {  	s9 =	sadd.s32 s7, s16;
	s7 =	smov.u32 s11  }
0xa1: {  	[tilespmem:s25], [sflag:$0x5] =	stream.linear.gather [hbm4b:s9+s3], $0x80, $0x38;
	[tilespmem:$0x1D900] =	vst v63  }
0xa2: {  	_ =	swait.ge [sflag:s21], $0x80  }
0xa3: {  	[sflag:s21] =	ssyncset.done $0x0  }
0xa4: {  	s9 =	sadd.s32 $0x80, s1;
	[sflag:s21] =	ssyncadd.s32 $0xFFFFFF80  }
0xa5: {  	[tilespmem:s26], [sflag:$0x2] =	stream.indirect.gather [hbm4b:s4+s23], $0x80, s9, s23, $0xb8;
	[tilespmem:$0x1D900] =	vst v63  }
0xa6: {  	_ =	swait.ge [sflag:s28], $0x4000  }
0xa7: {  	[sflag:s28] =	ssyncset.done $0x0  }
0xa8: {  	[sflag:s28] =	ssyncadd.s32 $0xFFFFC000  }
0xa9: {  	[spmem:s2] =	stream.indirect.scatter.add.f32 [tilespmem:s24], [sflag:$0x3], $0x80, s22, s23, $0xb8;
	[tilespmem:$0x1D900] =	vst v63  }
0xaa: {  	_ =	swait.ge [sflag:s29], $0x4000  }
0xab: {  	[sflag:s29] =	ssyncset.done $0x0  }
0xac: {  	[sflag:s29] =	ssyncadd.s32 $0xFFFFC000  }
0xad: {  	[spmem:s2] =	stream.indirect.scatter.add.f32 [tilespmem:s26], [sflag:$0x4], $0x80, s25, s23, $0xb8;
	[tilespmem:$0x1D900] =	vst v63  }
.Ltmp1:
0xae: {  	_ =	swait.ge [sflag:s30], $0x4000;
	(pc) =	sbr.rel @p0 .LBB2_4-.Ltmp1, $4  }
0xaf: {  	[sflag:s30] =	ssyncset.done $0x0  }
0xb0: {  	[sflag:s30] =	ssyncadd.s32 $0xFFFFC000  }
0xb1: {  	_ =	swait.ge [sflag:s31], $0x4000  }
0xb2: {  	s1 =	sadd.s32 $0x100, s1;
	s9 =	smov.u32 s12;
	[sflag:s31] =	ssyncset.done $0x0  }
0xb3: {  	s9 =	sadd.s32 s7, s17;
	[sflag:s31] =	ssyncadd.s32 $0xFFFFC000  }
0xb4: {  	[tilespmem:s22], [sflag:$0x5] =	stream.linear.gather [hbm4b:s9+s3], $0x80, $0x38;
	[tilespmem:$0x1D900] =	vst v63  }
0xb5: {  	_ =	swait.ge [sflag:s21], $0x80  }
0xb6: {  	[sflag:s21] =	ssyncset.done $0x0  }
0xb7: {  	[sflag:s21] =	ssyncadd.s32 $0xFFFFFF80  }
0xb8: {  	[tilespmem:s24], [sflag:$0x1] =	stream.indirect.gather [hbm4b:s4+s23], $0x80, s1, s23, $0xb8;
	[tilespmem:$0x1D900] =	vst v63  }
0xb9: {  	s9 =	sadd.s32 s7, s16  }
0xba: {  	[tilespmem:s25], [sflag:$0x5] =	stream.linear.gather [hbm4b:s9+s3], $0x80, $0x38;
	[tilespmem:$0x1D900] =	vst v63  }
0xbb: {  	_ =	swait.ge [sflag:s21], $0x80  }
0xbc: {  	[sflag:s21] =	ssyncset.done $0x0  }
0xbd: {  	s10 =	sadd.s32 $0x80, s1;
	[sflag:s21] =	ssyncadd.s32 $0xFFFFFF80  }
0xbe: {  	[tilespmem:s26], [sflag:$0x2] =	stream.indirect.gather [hbm4b:s4+s23], $0x80, s10, s23, $0xb8;
	[tilespmem:$0x1D900] =	vst v63  }
0xbf: {  	_ =	swait.ge [sflag:s28], $0x4000  }
0xc0: {  	[sflag:s28] =	ssyncset.done $0x0  }
0xc1: {  	[sflag:s28] =	ssyncadd.s32 $0xFFFFC000  }
0xc2: {  	[spmem:s2] =	stream.indirect.scatter.add.f32 [tilespmem:s24], [sflag:$0x3], $0x80, s22, s23, $0xb8;
	[tilespmem:$0x1D900] =	vst v63  }
0xc3: {  	_ =	swait.ge [sflag:s29], $0x4000  }
0xc4: {  	[sflag:s29] =	ssyncset.done $0x0  }
0xc5: {  	[sflag:s29] =	ssyncadd.s32 $0xFFFFC000  }
0xc6: {  	[spmem:s2] =	stream.indirect.scatter.add.f32 [tilespmem:s26], [sflag:$0x4], $0x80, s25, s23, $0xb8;
	[tilespmem:$0x1D900] =	vst v63  }
0xc7: {  	_ =	swait.ge [sflag:s30], $0x4000  }
0xc8: {  	[sflag:s30] =	ssyncset.done $0x0  }
0xc9: {  	[sflag:s30] =	ssyncadd.s32 $0xFFFFC000  }
0xca: {  	_ =	swait.ge [sflag:s31], $0x4000  }
0xcb: {  	[sflag:s31] =	ssyncset.done $0x0  }
0xcc: {  	[sflag:s31] =	ssyncadd.s32 $0xFFFFC000  }
0xcd: {  	[bflag:$0x0] =	sbarrier.arrive $0xFFFF  }
0xce: {  	s11 =	rddreg [dreg:$0x7]  }
0xcf: {  	[hbm:s11], [sflag:s8] =	dma.local [spmem:s20], $0x2800  }
0xd0: {  	_ =	swait.ge [sflag:s21], $0x2800  }
0xd1: {  	[sflag:s21] =	ssyncset.done $0x0  }
0xd2: {  	[sflag:s21] =	ssyncadd.s32 $0xFFFFD800  }
0xd3: {  	[bflag:$0x0] =	sbarrier.arrive $0xFFFF  }
0xd4: {  	[spmem:s20], [sflag:s8] =	dma.local [hbm:s5], $0x2800  }
0xd5: {  	_ =	swait.ge [sflag:s21], $0x2800  }
0xd6: {  	[sflag:s21] =	ssyncset.done $0x0  }
0xd7: {  	s12 =	simm.s32 $0x0;
	s9 =	rddreg [dreg:$0x8];
	[sflag:s21] =	ssyncadd.s32 $0xFFFFD800  }
0xd8: {  	[tilespmem:s12], [sflag:$0x5] =	stream.linear.gather [hbm4b:s9+s12], $0x1800, $0x38;
	[tilespmem:$0x1D900] =	vst v63  }
0xd9: {  	_ =	swait.ge [sflag:s21], $0x1800  }
0xda: {  	[sflag:s21] =	ssyncset.done $0x0  }
0xdb: {  	[sflag:s21] =	ssyncadd.s32 $0xFFFFE800  }
0xdc: {  	s10 =	sadd.s32 $0x0, s19;
	[bflag:$0x0] =	sbarrier.arrive $0xFFFF  }
0xdd: {  	[tilespmem:s22], [sflag:$0x5] =	stream.linear.gather [hbm4b:s10+s3], $0x80, $0x38;
	[tilespmem:$0x1D900] =	vst v63  }
0xde: {  	_ =	swait.ge [sflag:s21], $0x80  }
0xdf: {  	[sflag:s21] =	ssyncset.done $0x0  }
0xe0: {  	[sflag:s21] =	ssyncadd.s32 $0xFFFFFF80  }
0xe1: {  	[tilespmem:s24], [sflag:$0x1] =	stream.indirect.gather [hbm4b:s4+s23], $0x80, s12, s23, $0xb8;
	[tilespmem:$0x1D900] =	vst v63  }
0xe2: {  	s11 =	sadd.s32 $0x0, s18  }
0xe3: {  	[tilespmem:s25], [sflag:$0x5] =	stream.linear.gather [hbm4b:s11+s3], $0x80, $0x38;
	[tilespmem:$0x1D900] =	vst v63  }
0xe4: {  	_ =	swait.ge [sflag:s21], $0x80  }
0xe5: {  	[sflag:s21] =	ssyncset.done $0x0  }
0xe6: {  	s12 =	simm.s32 $0x80;
	[sflag:s21] =	ssyncadd.s32 $0xFFFFFF80  }
0xe7: {  	[tilespmem:s26], [sflag:$0x2] =	stream.indirect.gather [hbm4b:s4+s23], $0x80, s12, s23, $0xb8;
	[tilespmem:$0x1D900] =	vst v63  }
0xe8: {  	_ =	swait.ge [sflag:s28], $0x4000  }
0xe9: {  	[sflag:s28] =	ssyncset.done $0x0  }
0xea: {  	[sflag:s28] =	ssyncadd.s32 $0xFFFFC000  }
0xeb: {  	[spmem:s2] =	stream.indirect.scatter.add.f32 [tilespmem:s24], [sflag:$0x3], $0x80, s22, s23, $0xb8;
	[tilespmem:$0x1D900] =	vst v63  }
0xec: {  	_ =	swait.ge [sflag:s29], $0x4000  }
0xed: {  	[sflag:s29] =	ssyncset.done $0x0  }
0xee: {  	[sflag:s29] =	ssyncadd.s32 $0xFFFFC000  }
0xef: {  	[spmem:s2] =	stream.indirect.scatter.add.f32 [tilespmem:s26], [sflag:$0x4], $0x80, s25, s23, $0xb8;
	[tilespmem:$0x1D900] =	vst v63  }
0xf0: {  	_ =	swait.ge [sflag:s30], $0x4000  }
0xf1: {  	[sflag:s30] =	ssyncset.done $0x0  }
0xf2: {  	[sflag:s30] =	ssyncadd.s32 $0xFFFFC000  }
0xf3: {  	s7 =	simm.s32 $0x20;
	_ =	swait.ge [sflag:s31], $0x4000  }
0xf4: {  	s1 =	simm.s32 $0x100;
	s9 =	simm.s32 $0x40;
	[sflag:s31] =	ssyncset.done $0x0  }
.LBB2_6:
0xf5: {  	s10 =	sadd.s32 s7, s19  }
0xf6: {  	[sflag:s31] =	ssyncadd.s32 $0xFFFFC000;
	s11 =	smov.u32 s9;
	s12 =	sadd.s32 $0x20, s9  }
0xf7: {  	[tilespmem:s22], [sflag:$0x5] =	stream.linear.gather [hbm4b:s10+s3], $0x80, $0x38;
	[tilespmem:$0x1D900] =	vst v63  }
0xf8: {  	p0 =	sne.s32 s9, $0x2E0;
	_ =	swait.ge [sflag:s21], $0x80  }
0xf9: {  	[sflag:s21] =	ssyncset.done $0x0  }
0xfa: {  	[sflag:s21] =	ssyncadd.s32 $0xFFFFFF80  }
0xfb: {  	[tilespmem:s24], [sflag:$0x1] =	stream.indirect.gather [hbm4b:s4+s23], $0x80, s1, s23, $0xb8;
	[tilespmem:$0x1D900] =	vst v63  }
0xfc: {  	s9 =	sadd.s32 s7, s18;
	s7 =	smov.u32 s11  }
0xfd: {  	[tilespmem:s25], [sflag:$0x5] =	stream.linear.gather [hbm4b:s9+s3], $0x80, $0x38;
	[tilespmem:$0x1D900] =	vst v63  }
0xfe: {  	_ =	swait.ge [sflag:s21], $0x80  }
0xff: {  	[sflag:s21] =	ssyncset.done $0x0  }
0x100: {  	s9 =	sadd.s32 $0x80, s1;
	[sflag:s21] =	ssyncadd.s32 $0xFFFFFF80  }
0x101: {  	[tilespmem:s26], [sflag:$0x2] =	stream.indirect.gather [hbm4b:s4+s23], $0x80, s9, s23, $0xb8;
	[tilespmem:$0x1D900] =	vst v63  }
0x102: {  	_ =	swait.ge [sflag:s28], $0x4000  }
0x103: {  	[sflag:s28] =	ssyncset.done $0x0  }
0x104: {  	[sflag:s28] =	ssyncadd.s32 $0xFFFFC000  }
0x105: {  	[spmem:s2] =	stream.indirect.scatter.add.f32 [tilespmem:s24], [sflag:$0x3], $0x80, s22, s23, $0xb8;
	[tilespmem:$0x1D900] =	vst v63  }
0x106: {  	_ =	swait.ge [sflag:s29], $0x4000  }
0x107: {  	[sflag:s29] =	ssyncset.done $0x0  }
0x108: {  	[sflag:s29] =	ssyncadd.s32 $0xFFFFC000  }
0x109: {  	[spmem:s2] =	stream.indirect.scatter.add.f32 [tilespmem:s26], [sflag:$0x4], $0x80, s25, s23, $0xb8;
	[tilespmem:$0x1D900] =	vst v63  }
.Ltmp2:
0x10a: {  	_ =	swait.ge [sflag:s30], $0x4000;
	(pc) =	sbr.rel @p0 .LBB2_6-.Ltmp2, $4  }
0x10b: {  	[sflag:s30] =	ssyncset.done $0x0  }
0x10c: {  	[sflag:s30] =	ssyncadd.s32 $0xFFFFC000  }
0x10d: {  	_ =	swait.ge [sflag:s31], $0x4000  }
0x10e: {  	s1 =	sadd.s32 $0x100, s1;
	s9 =	smov.u32 s12;
	[sflag:s31] =	ssyncset.done $0x0  }
0x10f: {  	s9 =	sadd.s32 s7, s19;
	[sflag:s31] =	ssyncadd.s32 $0xFFFFC000  }
0x110: {  	[tilespmem:s22], [sflag:$0x5] =	stream.linear.gather [hbm4b:s9+s3], $0x80, $0x38;
	[tilespmem:$0x1D900] =	vst v63  }
0x111: {  	_ =	swait.ge [sflag:s21], $0x80  }
0x112: {  	[sflag:s21] =	ssyncset.done $0x0  }
0x113: {  	[sflag:s21] =	ssyncadd.s32 $0xFFFFFF80  }
0x114: {  	[tilespmem:s24], [sflag:$0x1] =	stream.indirect.gather [hbm4b:s4+s23], $0x80, s1, s23, $0xb8;
	[tilespmem:$0x1D900] =	vst v63  }
0x115: {  	s10 =	sadd.s32 s7, s18  }
0x116: {  	[tilespmem:s25], [sflag:$0x5] =	stream.linear.gather [hbm4b:s10+s3], $0x80, $0x38;
	[tilespmem:$0x1D900] =	vst v63  }
0x117: {  	_ =	swait.ge [sflag:s21], $0x80  }
0x118: {  	[sflag:s21] =	ssyncset.done $0x0  }
0x119: {  	s11 =	sadd.s32 $0x80, s1;
	[sflag:s21] =	ssyncadd.s32 $0xFFFFFF80  }
0x11a: {  	[tilespmem:s26], [sflag:$0x2] =	stream.indirect.gather [hbm4b:s4+s23], $0x80, s11, s23, $0xb8;
	[tilespmem:$0x1D900] =	vst v63  }
0x11b: {  	_ =	swait.ge [sflag:s28], $0x4000  }
0x11c: {  	[sflag:s28] =	ssyncset.done $0x0  }
0x11d: {  	[sflag:s28] =	ssyncadd.s32 $0xFFFFC000  }
0x11e: {  	[spmem:s2] =	stream.indirect.scatter.add.f32 [tilespmem:s24], [sflag:$0x3], $0x80, s22, s23, $0xb8;
	[tilespmem:$0x1D900] =	vst v63  }
0x11f: {  	_ =	swait.ge [sflag:s29], $0x4000  }
0x120: {  	[sflag:s29] =	ssyncset.done $0x0  }
0x121: {  	[sflag:s29] =	ssyncadd.s32 $0xFFFFC000  }
0x122: {  	[spmem:s2] =	stream.indirect.scatter.add.f32 [tilespmem:s26], [sflag:$0x4], $0x80, s25, s23, $0xb8;
	[tilespmem:$0x1D900] =	vst v63  }
0x123: {  	_ =	swait.ge [sflag:s30], $0x4000  }
0x124: {  	[sflag:s30] =	ssyncset.done $0x0  }
0x125: {  	[sflag:s30] =	ssyncadd.s32 $0xFFFFC000  }
0x126: {  	_ =	swait.ge [sflag:s31], $0x4000  }
0x127: {  	[sflag:s31] =	ssyncset.done $0x0  }
0x128: {  	s0 =	sadd.s32 $0x1, s0;
	[sflag:s31] =	ssyncadd.s32 $0xFFFFC000  }
0x129: {  	p0 =	sne.s32 s0, s13;
	[bflag:$0x0] =	sbarrier.arrive $0xFFFF  }
.Ltmp3:
0x12a: {  	s12 =	rddreg [dreg:$0x9];
	(pc) =	sbr.rel @p0 .LBB2_1-.Ltmp3, $4  }
0x12b: {  	[hbm:s12], [sflag:s8] =	dma.local [spmem:s20], $0x2800  }
0x12c: {  	_ =	swait.ge [sflag:s21], $0x2800  }
0x12d: {  	[sflag:s21] =	ssyncset.done $0x0  }
0x12e: {  	[sflag:s21] =	ssyncadd.s32 $0xFFFFD800  }
0x12f: {  	_ =	sfence.sel $0x180000  }
0x130: {  	[bflag:$0x0] =	sbarrier.arrive $0xFFFF  }
0x131: {  	_ =	strace $0x9000004A  }
0x132: {  	s0 =	stileid.u32;
	[bflag:$0x2] =	sbarrier.arrive $0xFFFF  }
0x133: {  	p0 =	sne.s32 s0, $0x0;
	s0 =	rddreg [dreg:$0x4]  }
0x134: {  	s0 =	sadd.s32 @!p0 $0x100000, s0  }
0x135: {  	[sflag:s0] =	ssyncadd.tile.s32 @!p0 $0x1;
	_ =	shalt  }
.Lfunc_end2:
_tile_overlayer_lowered:
.L_overlay_start_2:
0x136: {  	(tag) =	ssettag $0x2  }
0x137: {  	s0 =	rddreg [dreg:$0x0];
	s2 =	stileid.u32  }
0x138: {  	s1 =	rddreg [dreg:$0x1];
	p0 =	sne.s32 s2, $0x0  }
0x139: {  	s3 =	rddreg [dreg:$0x2];
	[bflag:$0x3] =	sbarrier.arrive $0xFFFF;
	s2 =	simm.s32 @!p0 $0x1C05  }
0x13a: {  	[timem:s3], [sflag:s2] =	dma.local @!p0 [hbm:s0], s1  }
0x13b: {  	s0 =	simm.s32 @!p0 $0x5  }
0x13c: {  	_ =	swait.ge @!p0 [sflag:s0], s1  }
0x13d: {  	s1 =	ssub.s32 @!p0 $0x0, s1;
	[sflag:s0] =	ssyncset.done @!p0 $0x0  }
0x13e: {  	[sflag:s0] =	ssyncadd.s32 @!p0 s1  }
0x13f: {  	[bflag:$0x3] =	sbarrier.arrive $0xFFFF  }
0x140: {  	_ =	shalt  }

// kernel: kernel.26.cloned.1.call-start
scs
__scs_entry_jumppad:
0x0: {  	(pc) =	sbr.rel $0x88, $3  }
0x1: {  	(tag) =	ssettag $0x0;
	lr =	simm.s32 $0x1  }
0x2: {  	[smem:$0x3F8F] =	sst lr;
	_ =	strace $0xD0000000  }
0x3: {  	_ = 	snop  }
0x4: {  	_ = 	snop  }
0x5: {  	_ = 	snop  }
0x6: {  	_ = 	snop  }
0x7: {  	_ = 	snop  }
__scs_overlays_trampoline_lowered:
0x8: {  	[smem:$0x3F9E] =	sst s0  }
0x9: {  	[smem:$0x3F9F] =	sst s1  }
0xa: {  	[smem:$0x3FA0] =	sst s2  }
0xb: {  	[smem:$0x3FA1] =	sst s3  }
0xc: {  	[smem:$0x3FA2] =	sst s4  }
0xd: {  	[smem:$0x3FA3] =	sst s5  }
0xe: {  	[smem:$0x3FA4] =	sst s6  }
0xf: {  	[smem:$0x3FA5] =	sst s7  }
0x10: {  	[smem:$0x3FA6] =	sst s8  }
0x11: {  	[smem:$0x3FA7] =	sst s9;
	s0 =	simm.s32 @!p0 $0x0  }
0x12: {  	s1 =	sld [smem:$0x3F8D];
	s0 =	simm.s32 @p0 $0x1  }
0x13: {  	[smem:$0x3FA8] =	sst s0;
	s0 =	simm.s32 @!p1 $0x0  }
0x14: {  	s2 =	sld [smem:$0x3F8C];
	s0 =	simm.s32 @p1 $0x1  }
0x15: {  	[smem:$0x3FA9] =	sst s0;
	s0 =	simm.s32 @!p2 $0x0  }
0x16: {  	s3 =	sld [smem:$0x3FDB];
	s0 =	simm.s32 @p2 $0x1  }
0x17: {  	s4 =	simm.s32 $0x1BF5;
	[smem:$0x3FAB] =	sst s0  }
0x18: {  	s0 =	sld [smem:$0x3F8E];
	_ =	swait.ge [sflag:s4], $0x0  }
0x19: {  	s7 =	sld [smem:$0x3F8F]  }
0x1a: {  	s8 =	sadd.s32 $0xFFFFE003, lr  }
0x1b: {  	s9 =	sadd.s32 $0xFFFFFEF7, lr;
	s5 =	simm.s32 $0xFFFFFFFF;
	p2 =	slt.u32 s8, $0xFFFFF086  }
0x1c: {  	p1 =	slt.u32 s9, $0xF7A;
	s5 =	simm.s32 @!p2 $0x0  }
0x1d: {  	s5 =	simm.s32 @p1 $0x1;
	p0 =	seq.s32 s7, s2  }
0x1e: {  	s7 =	smul.u32 @!p0 $0xF7A, s2;
	p2 =	seq.s32 @!p0 s5, $0x0  }
0x1f: {  	s9 =	smul.u32 $0xF7A, s1;
	s8 =	simm.s32 @!p0 $0x1BF5;
	p2 =	por !p2, p0  }
0x20: {  	[sflag:s8] =	ssyncset.s32 @!p0 $0xFFFFF086;
	s6 =	sadd.s32 @!p0 s3, s7;
	s7 =	simm.s32 @!p0 $0x108  }
0x21: {  	s3 =	sadd.s32 s3, s9;
	s6 =	sadd.s32 @!p0 $0x88, s6;
	s7 =	simm.s32 @p2 $0x1082  }
0x22: {  	[simem:s7], [sflag:s8] =	dma.local @!p0 [hbm:s6], $0xF7A  }
0x23: {  	s9 =	sor.u32 $0xD0000000, s2;
	s6 =	simm.s32 $0x108;
	_ =	swait.ge @!p0 [sflag:s8], $0x0  }
0x24: {  	s3 =	sadd.s32 $0x88, s3;
	s6 =	simm.s32 @!p1 $0x1082;
	[sflag:s4] =	ssyncset.s32 $0xFFFFF086  }
0x25: {  	[simem:s6], [sflag:s4] =	dma.local [hbm:s3], $0xF7A  }
0x26: {  	[smem:$0x3F8F] =	sst s1;
	(tag) =	ssettag s2;
	_ =	strace s9  }
0x27: {  	s1 =	sld [smem:$0x3F9F]  }
0x28: {  	s2 =	sld [smem:$0x3FA0]  }
0x29: {  	s4 =	sld [smem:$0x3FA2]  }
0x2a: {  	p0 =	seq.s32 s5, $0x0;
	s5 =	sld [smem:$0x3FA3]  }
0x2b: {  	s6 =	sld [smem:$0x3FA4]  }
0x2c: {  	s7 =	sld [smem:$0x3FA5]  }
0x2d: {  	s3 =	simm.s32 $0x108;
	s8 =	sld [smem:$0x3FA6]  }
0x2e: {  	s3 =	simm.s32 @!p0 $0x1082;
	s9 =	sld [smem:$0x3FA7]  }
0x2f: {  	lr =	sadd.s32 s0, s3;
	s0 =	sld [smem:$0x3F9E]  }
0x30: {  	s3 =	sld [smem:$0x3FA1]  }
0x31: {  	[smem:$0x3FAA] =	sst s10  }
0x32: {  	s10 =	sld [smem:$0x3FA8];
	_ =	sdelay $0x3  }
0x33: {  	p0 =	seq.s32 s10, $0x1;
	s10 =	sld [smem:$0x3FAA];
	_ =	sdelay $0x3  }
0x34: {  	[smem:$0x3FAA] =	sst s10  }
0x35: {  	s10 =	sld [smem:$0x3FA9];
	_ =	sdelay $0x3  }
0x36: {  	p1 =	seq.s32 s10, $0x1;
	s10 =	sld [smem:$0x3FAA];
	_ =	sdelay $0x3  }
0x37: {  	[smem:$0x3FAA] =	sst s10  }
0x38: {  	s10 =	sld [smem:$0x3FAB]  }
0x39: {  	_ = 	snop;
	(pc) =	sbr.ind lr, $3  }
0x3a: {  	_ = 	snop  }
0x3b: {  	_ = 	snop  }
0x3c: {  	p2 =	seq.s32 s10, $0x1;
	s10 =	sld [smem:$0x3FAA]  }
0x3d: {  	_ =	shalt  }
0x3e: {  	_ =	shalt  }
0x3f: {  	_ =	shalt  }
0x40: {  	_ =	shalt  }
0x41: {  	_ =	shalt  }
0x42: {  	_ =	shalt  }
0x43: {  	_ =	shalt  }
0x44: {  	_ =	shalt  }
0x45: {  	_ =	shalt  }
0x46: {  	_ =	shalt  }
0x47: {  	_ =	shalt  }
0x48: {  	_ =	shalt  }
0x49: {  	_ =	shalt  }
0x4a: {  	_ =	shalt  }
0x4b: {  	_ =	shalt  }
0x4c: {  	_ =	shalt  }
0x4d: {  	_ =	shalt  }
0x4e: {  	_ =	shalt  }
0x4f: {  	_ =	shalt  }
0x50: {  	_ =	shalt  }
0x51: {  	_ =	shalt  }
0x52: {  	_ =	shalt  }
0x53: {  	_ =	shalt  }
0x54: {  	_ =	shalt  }
0x55: {  	_ =	shalt  }
0x56: {  	_ =	shalt  }
0x57: {  	_ =	shalt  }
0x58: {  	_ =	shalt  }
0x59: {  	_ =	shalt  }
0x5a: {  	_ =	shalt  }
0x5b: {  	_ =	shalt  }
0x5c: {  	_ =	shalt  }
0x5d: {  	_ =	shalt  }
0x5e: {  	_ =	shalt  }
0x5f: {  	_ =	shalt  }
0x60: {  	_ =	shalt  }
0x61: {  	_ =	shalt  }
0x62: {  	_ =	shalt  }
0x63: {  	_ =	shalt  }
0x64: {  	_ =	shalt  }
0x65: {  	_ =	shalt  }
0x66: {  	_ =	shalt  }
0x67: {  	_ =	shalt  }
0x68: {  	_ =	shalt  }
0x69: {  	_ =	shalt  }
0x6a: {  	_ =	shalt  }
0x6b: {  	_ =	shalt  }
0x6c: {  	_ =	shalt  }
0x6d: {  	_ =	shalt  }
0x6e: {  	_ =	shalt  }
0x6f: {  	_ =	shalt  }
0x70: {  	_ =	shalt  }
0x71: {  	_ =	shalt  }
0x72: {  	_ =	shalt  }
0x73: {  	_ =	shalt  }
0x74: {  	_ =	shalt  }
0x75: {  	_ =	shalt  }
0x76: {  	_ =	shalt  }
0x77: {  	_ =	shalt  }
0x78: {  	_ =	shalt  }
0x79: {  	_ =	shalt  }
0x7a: {  	_ =	shalt  }
0x7b: {  	_ =	shalt  }
0x7c: {  	_ =	shalt  }
0x7d: {  	_ =	shalt  }
0x7e: {  	_ =	shalt  }
0x7f: {  	_ =	shalt  }
0x80: {  	_ =	shalt  }
0x81: {  	_ =	shalt  }
0x82: {  	_ =	shalt  }
0x83: {  	_ =	shalt  }
0x84: {  	_ =	shalt  }
0x85: {  	_ =	shalt  }
0x86: {  	_ =	shalt  }
0x87: {  	_ =	shalt  }
.Lfunc_end0:
.L_simem_size_0:
called_computation.2_lowered:
.L_overlay_start_0:
0x88: {  	s2 =	sld [smem:$0x3FD9]  }
0x89: {  	s3 =	sld [smem:$0x3FFE];
	_ =	sdelay $0x1  }
0x8a: {  	s1 =	srdreg.scid  }
0x8b: {  	s0 =	sand.u32 $0x1, s1  }
0x8c: {  	s14 =	sshll.u32 s0, $0xA;
	s2 =	sadd.s32 s3, s2  }
0x8d: {  	s2 =	sadd.s32 s2, s14  }
0x8e: {  	[smem:$0x3FB6] =	sst s2  }
0x8f: {  	_ = 	snop  }
0x90: {  	s2 =	sld [smem:$0x3FD0];
	_ =	sdelay $0x2  }
0x91: {  	s15 =	simm.s32 $0xA;
	s4 =	simm.s32 $0x10  }
0x92: {  	[smem:s4], [sflag:s15] =	dma.local [hbm:s2], $0x1  }
0x93: {  	_ =	swait.eq [sflag:s15], $0x1  }
0x94: {  	[sflag:s15] =	ssyncset.done $0x0  }
0x95: {  	s16 =	sld [smem:$0x14];
	[sflag:s15] =	ssyncadd.s32 $0xFFFFFFFF  }
0x96: {  	s17 =	sld [smem:$0x15];
	(tm) =	ssettm $0x1  }
0x97: {  	s18 =	sld [smem:$0x3FFB];
	_ =	sdelay $0x3  }
0x98: {  	_ =	strace s18  }
0x99: {  	s4 =	sld [smem:$0x3FFC];
	_ =	sdelay $0x3  }
0x9a: {  	_ =	strace s4  }
0x9b: {  	s4 =	sld [smem:$0x3FFD];
	_ =	sdelay $0x3  }
0x9c: {  	_ =	strace s4  }
0x9d: {  	_ =	strace $0x8FFFFFFF  }
0x9e: {  	s19 =	sld [smem:$0x3FDB];
	_ =	sdelay $0x1  }
0x9f: {  	s5 =	simm.s32 $_scs_section_size  }
0xa0: {  	s6 =	simm.s32 $_size__tile_overlayer_lowered;
	s7 =	simm.s32 $_tile_overlayer_lowered  }
0xa1: {  	s22 =	simm.s32 $0x1BFF;
	s21 =	sshll.u32 s7, $0x1;
	s4 =	sadd.s32 s5, s19  }
0xa2: {  	s8 =	simm.s32 $0x0;
	s20 =	sshll.u32 s6, $0x1;
	s6 =	sadd.s32 s21, s4  }
0xa3: {  	[timem:s8], [sflag:s22] =	dma.local [hbm:s6], s20  }
0xa4: {  	_ =	swait.ge [sflag:s22], s20  }
0xa5: {  	s5 =	ssub.s32 $0x0, s20;
	[sflag:s22] =	ssyncset.done $0x0  }
0xa6: {  	[sflag:s22] =	ssyncadd.s32 s5;
	_ =	sdelay $0x1  }
0xa7: {  	s23 =	simm.s32 $0x1B8B  }
0xa8: {  	_ =	swait.ge [sflag:s23], $0x1  }
0xa9: {  	[sflag:s23] =	ssyncset.done $0x0  }
0xaa: {  	s25 =	simm.s32 $0x1B8E;
	s24 =	sld [smem:$0x3FFE];
	[sflag:s23] =	ssyncadd.s32 $0xFFFFFFFF  }
0xab: {  	s26 =	simm.s32 $execute0_lowered;
	[smem:$0x3FD2] =	sst s25  }
0xac: {  	s6 =	sshll.u32 s26, $0x1;
	_ =	strace $0x8000004C;
	[dreg:$0x1] =	wrdreg $0xFFFFFFFF  }
0xad: {  	s28 =	simm.s32 $_size_execute0_lowered;
	s4 =	sadd.s32 s4, s6;
	[dreg:$0x0] =	wrdreg $0x0  }
0xae: {  	s6 =	sshll.u32 s28, $0x1;
	[dreg:$0x2] =	wrdreg s4  }
0xaf: {  	[dreg:$0x3] =	wrdreg s6  }
0xb0: {  	[dreg:$0x4] =	wrdreg $0xC0  }
0xb1: {  	_ =	task [dreg:s8], $0x5FFFF  }
0xb2: {  	[dreg:$0x1] =	wrdreg $0xFFFFFFFF  }
0xb3: {  	[dreg:$0x0] =	wrdreg $0x60  }
0xb4: {  	[dreg:$0x2] =	wrdreg s24  }
0xb5: {  	[dreg:$0x3] =	wrdreg s17  }
0xb6: {  	[dreg:$0x4] =	wrdreg s16  }
0xb7: {  	[dreg:$0x5] =	wrdreg $0x99000  }
0xb8: {  	[dreg:$0x6] =	wrdreg $0x9  }
0xb9: {  	_ =	task.clear_ibuf [dreg:s8], $0x7FFFF;
	_ =	strace $0x9000004C  }
0xba: {  	s29 =	simm.s32 $0x9;
	_ =	strace $0x8000004E  }
0xbb: {  	_ =	swait.ge [sflag:s29], $0x1  }
0xbc: {  	[sflag:s29] =	ssyncadd.s32 $0xFFFFFFFF  }
0xbd: {  	_ =	strace $0x9000004E  }
0xbe: {  	_ =	sfence  }
0xbf: {  	s30 =	sld [smem:$0x0];
	_ =	sdelay $0x2  }
0xc0: {  	s31 =	sshll.u32 s1, $0xD;
	s1 =	sshrl.u32 s1, $0x2  }
0xc1: {  	s3 =	sand.u32 $0x4000, s31;
	s1 =	sadd.s32 s1, s30  }
0xc2: {  	s0 =	sor.u32 s3, s0;
	s1 =	sshll.u32 s1, $0x11  }
0xc3: {  	s0 =	sor.u32 s1, s0  }
0xc4: {  	s0 =	sadd.s32 $0x8F2B, s0  }
0xc5: {  	[sflag:s0] =	ssyncadd.remote.s32 $0x1  }
0xc6: {  	_ =	sfence.sel $0xFFFF  }
0xc7: {  	[dreg:$0x0] =	wrdreg $0xFFFFFFFF;
	(pc) =	sbr.abs _section_cstart, $3  }
0xc8: {  	[dreg:$0x1] =	wrdreg $0xFFFFFFFF  }
0xc9: {  	_ =	task.clear_ibuf [dreg:s8], $0x2FFFF;
	_ =	strace $0x9FFFFFFF  }
0xca: {  	(tm) =	ssettm $0x7FFFFFFF  }
0xcb: {  	_ =	shalt  }
tec
execute0_lowered:
.L_overlay_start_1:
0x0: {  	(tag) =	ssettag $0x1  }
0x1: {  	s0 =	rddreg [dreg:$0x0]  }
0x2: {  	s1 =	rddreg [dreg:$0x1]  }
0x3: {  	s7 =	rddreg [dreg:$0x2]  }
0x4: {  	s2 =	rddreg [dreg:$0x3]  }
0x5: {  	s4 =	srdreg.scid;
	s14 =	stileid.u32;
	s3 =	simm.s32 $0x0  }
0x6: {  	s28 =	simm.s32 $0x1;
	s29 =	simm.s32 $0x2;
	s30 =	simm.s32 $0x3  }
0x7: {  	s31 =	simm.s32 $0x4;
	s8 =	sand.u32 $0x1, s4;
	s6 =	smul.u32 $0x280, s14  }
0x8: {  	[smem:$0x7FF] =	sst s3;
	s4 =	sadd.s32 $0x96E00, s0;
	s10 =	smul.u32 $0x50000, s14  }
0x9: {  	s5 =	sadd.s32 $0x94600, s0;
	s13 =	sshll.u32 s14, $0x1;
	s17 =	smul.u32 $0x3000, s14  }
0xa: {  	s15 =	sshll.u32 s14, $0x6;
	s9 =	smul.u32 $0x7800, s8;
	s11 =	ssub.s32 $0x2, s8  }
0xb: {  	_ =	strace $0x8000004D;
	s19 =	smul.u32 $0x1800, s8;
	s12 =	sshrl.u32 s11, $0x1  }
0xc: {  	s10 =	sshrl.u32 s10, $0x2;
	s6 =	sadd.s32 s6, s9;
	s9 =	sor.u32 s8, s13  }
0xd: {  	s13 =	ssub.s32 s11, s12;
	s20 =	sadd.s32 s10, s2;
	s8 =	sor.u32 $0x1C05, s15  }
0xe: {  	s24 =	sadd.s32 s19, s17;
	s6 =	sshll.u32 s6, $0x4;
	s9 =	smul.u32 $0x1800, s9  }
0xf: {  	s13 =	smax.u32 s13, $0x1;
	s15 =	sshrl.u32 s24, $0x3;
	s25 =	sadd.s32 $0x30000, s24  }
0x10: {  	s26 =	sadd.s32 $0x60080, s24;
	s20 =	sshrl.u32 s20, $0x3;
	s0 =	sadd.s32 s6, s0  }
0x11: {  	s15 =	sadd.s32 s15, s7;
	s16 =	sshrl.u32 s9, $0x3;
	s18 =	sadd.s32 $0x1FC600, s0  }
0x12: {  	s22 =	sadd.s32 $0x224600, s0;
	s0 =	sadd.s32 $0x24C600, s0;
	[dreg:$0x5] =	wrdreg s18  }
0x13: {  	s9 =	sadd.s32 $0x30080, s24;
	s6 =	sadd.s32 s1, s16;
	[dreg:$0x7] =	wrdreg s22  }
0x14: {  	[dreg:$0x9] =	wrdreg s0;
	s1 =	sor.u32 $0x80, s24;
	s9 =	sshrl.u32 s9, $0x3  }
0x15: {  	s0 =	sadd.s32 $0x60000, s24;
	s22 =	simm.s32 $0x1800;
	s24 =	simm.s32 $0x1900  }
0x16: {  	s21 =	sadd.s32 $0x6000, s6;
	s23 =	sadd.s32 $0xC000, s6;
	s1 =	sshrl.u32 s1, $0x3  }
0x17: {  	s16 =	sadd.s32 s9, s7;
	s9 =	sshrl.u32 s26, $0x3;
	[dreg:$0x6] =	wrdreg s21  }
0x18: {  	s0 =	sshrl.u32 s0, $0x3;
	s26 =	simm.s32 $0x5900;
	[dreg:$0x8] =	wrdreg s23  }
0x19: {  	s14 =	sadd.s32 s1, s7;
	s1 =	sshrl.u32 s25, $0x3;
	s18 =	sadd.s32 s9, s7  }
0x1a: {  	s19 =	sadd.s32 s0, s7;
	s21 =	simm.s32 $0x5;
	s23 =	simm.s32 $0x80  }
0x1b: {  	s25 =	simm.s32 $0x1880;
	s0 =	simm.s32 $0x0;
	s17 =	sadd.s32 s1, s7  }
.LBB2_1:
0x1c: {  	[spmem:s20], [sflag:s8] =	dma.local [hbm:s5], $0x2800  }
0x1d: {  	_ =	swait.ge [sflag:s21], $0x2800  }
0x1e: {  	[sflag:s21] =	ssyncset.done $0x0  }
0x1f: {  	[sflag:s21] =	ssyncadd.s32 $0xFFFFD800  }
0x20: {  	[tilespmem:s3], [sflag:$0x5] =	stream.linear.gather [hbm4b:s6+s3], $0x1800, $0x38;
	[tilespmem:$0x1D900] =	vst v63  }
0x21: {  	_ =	swait.ge [sflag:s21], $0x1800  }
0x22: {  	[sflag:s21] =	ssyncset.done $0x0  }
0x23: {  	[sflag:s21] =	ssyncadd.s32 $0xFFFFE800  }
0x24: {  	s1 =	sadd.s32 $0x0, s15;
	[bflag:$0x0] =	sbarrier.arrive $0xFFFF  }
0x25: {  	[tilespmem:s22], [sflag:$0x5] =	stream.linear.gather [hbm4b:s1+s3], $0x80, $0x38;
	[tilespmem:$0x1D900] =	vst v63  }
0x26: {  	_ =	swait.ge [sflag:s21], $0x80  }
0x27: {  	[sflag:s21] =	ssyncset.done $0x0  }
0x28: {  	[sflag:s21] =	ssyncadd.s32 $0xFFFFFF80  }
0x29: {  	[tilespmem:s24], [sflag:$0x1] =	stream.indirect.gather [hbm4b:s4+s23], $0x80, s3, s23, $0xb8;
	[tilespmem:$0x1D900] =	vst v63  }
0x2a: {  	s11 =	sadd.s32 $0x0, s14  }
0x2b: {  	[tilespmem:s25], [sflag:$0x5] =	stream.linear.gather [hbm4b:s11+s3], $0x80, $0x38;
	[tilespmem:$0x1D900] =	vst v63  }
0x2c: {  	_ =	swait.ge [sflag:s21], $0x80  }
0x2d: {  	[sflag:s21] =	ssyncset.done $0x0  }
0x2e: {  	s12 =	simm.s32 $0x80;
	[sflag:s21] =	ssyncadd.s32 $0xFFFFFF80  }
0x2f: {  	[tilespmem:s26], [sflag:$0x2] =	stream.indirect.gather [hbm4b:s4+s23], $0x80, s12, s23, $0xb8;
	[tilespmem:$0x1D900] =	vst v63  }
0x30: {  	_ =	swait.ge [sflag:s28], $0x4000  }
0x31: {  	[sflag:s28] =	ssyncset.done $0x0  }
0x32: {  	[sflag:s28] =	ssyncadd.s32 $0xFFFFC000  }
0x33: {  	[spmem:s2] =	stream.indirect.scatter.add.f32 [tilespmem:s24], [sflag:$0x3], $0x80, s22, s23, $0xb8;
	[tilespmem:$0x1D900] =	vst v63  }
0x34: {  	_ =	swait.ge [sflag:s29], $0x4000  }
0x35: {  	[sflag:s29] =	ssyncset.done $0x0  }
0x36: {  	[sflag:s29] =	ssyncadd.s32 $0xFFFFC000  }
0x37: {  	[spmem:s2] =	stream.indirect.scatter.add.f32 [tilespmem:s26], [sflag:$0x4], $0x80, s25, s23, $0xb8;
	[tilespmem:$0x1D900] =	vst v63  }
0x38: {  	_ =	swait.ge [sflag:s30], $0x4000  }
0x39: {  	[sflag:s30] =	ssyncset.done $0x0  }
0x3a: {  	[sflag:s30] =	ssyncadd.s32 $0xFFFFC000  }
0x3b: {  	s7 =	simm.s32 $0x20;
	_ =	swait.ge [sflag:s31], $0x4000  }
0x3c: {  	s9 =	simm.s32 $0x40;
	s1 =	simm.s32 $0x100;
	[sflag:s31] =	ssyncset.done $0x0  }
.LBB2_2:
0x3d: {  	s10 =	sadd.s32 s7, s15  }
0x3e: {  	[sflag:s31] =	ssyncadd.s32 $0xFFFFC000;
	s11 =	smov.u32 s9;
	s12 =	sadd.s32 $0x20, s9  }
0x3f: {  	[tilespmem:s22], [sflag:$0x5] =	stream.linear.gather [hbm4b:s10+s3], $0x80, $0x38;
	[tilespmem:$0x1D900] =	vst v63  }
0x40: {  	p0 =	sne.s32 s9, $0x2E0;
	_ =	swait.ge [sflag:s21], $0x80  }
0x41: {  	[sflag:s21] =	ssyncset.done $0x0  }
0x42: {  	[sflag:s21] =	ssyncadd.s32 $0xFFFFFF80  }
0x43: {  	[tilespmem:s24], [sflag:$0x1] =	stream.indirect.gather [hbm4b:s4+s23], $0x80, s1, s23, $0xb8;
	[tilespmem:$0x1D900] =	vst v63  }
0x44: {  	s9 =	sadd.s32 s7, s14;
	s7 =	smov.u32 s11  }
0x45: {  	[tilespmem:s25], [sflag:$0x5] =	stream.linear.gather [hbm4b:s9+s3], $0x80, $0x38;
	[tilespmem:$0x1D900] =	vst v63  }
0x46: {  	_ =	swait.ge [sflag:s21], $0x80  }
0x47: {  	[sflag:s21] =	ssyncset.done $0x0  }
0x48: {  	s9 =	sadd.s32 $0x80, s1;
	[sflag:s21] =	ssyncadd.s32 $0xFFFFFF80  }
0x49: {  	[tilespmem:s26], [sflag:$0x2] =	stream.indirect.gather [hbm4b:s4+s23], $0x80, s9, s23, $0xb8;
	[tilespmem:$0x1D900] =	vst v63  }
0x4a: {  	_ =	swait.ge [sflag:s28], $0x4000  }
0x4b: {  	[sflag:s28] =	ssyncset.done $0x0  }
0x4c: {  	[sflag:s28] =	ssyncadd.s32 $0xFFFFC000  }
0x4d: {  	[spmem:s2] =	stream.indirect.scatter.add.f32 [tilespmem:s24], [sflag:$0x3], $0x80, s22, s23, $0xb8;
	[tilespmem:$0x1D900] =	vst v63  }
0x4e: {  	_ =	swait.ge [sflag:s29], $0x4000  }
0x4f: {  	[sflag:s29] =	ssyncset.done $0x0  }
0x50: {  	[sflag:s29] =	ssyncadd.s32 $0xFFFFC000  }
0x51: {  	[spmem:s2] =	stream.indirect.scatter.add.f32 [tilespmem:s26], [sflag:$0x4], $0x80, s25, s23, $0xb8;
	[tilespmem:$0x1D900] =	vst v63  }
.Ltmp0:
0x52: {  	_ =	swait.ge [sflag:s30], $0x4000;
	(pc) =	sbr.rel @p0 .LBB2_2-.Ltmp0, $4  }
0x53: {  	[sflag:s30] =	ssyncset.done $0x0  }
0x54: {  	[sflag:s30] =	ssyncadd.s32 $0xFFFFC000  }
0x55: {  	_ =	swait.ge [sflag:s31], $0x4000  }
0x56: {  	s1 =	sadd.s32 $0x100, s1;
	s9 =	smov.u32 s12;
	[sflag:s31] =	ssyncset.done $0x0  }
0x57: {  	s9 =	sadd.s32 s7, s15;
	[sflag:s31] =	ssyncadd.s32 $0xFFFFC000  }
0x58: {  	[tilespmem:s22], [sflag:$0x5] =	stream.linear.gather [hbm4b:s9+s3], $0x80, $0x38;
	[tilespmem:$0x1D900] =	vst v63  }
0x59: {  	_ =	swait.ge [sflag:s21], $0x80  }
0x5a: {  	[sflag:s21] =	ssyncset.done $0x0  }
0x5b: {  	[sflag:s21] =	ssyncadd.s32 $0xFFFFFF80  }
0x5c: {  	[tilespmem:s24], [sflag:$0x1] =	stream.indirect.gather [hbm4b:s4+s23], $0x80, s1, s23, $0xb8;
	[tilespmem:$0x1D900] =	vst v63  }
0x5d: {  	s9 =	sadd.s32 s7, s14  }
0x5e: {  	[tilespmem:s25], [sflag:$0x5] =	stream.linear.gather [hbm4b:s9+s3], $0x80, $0x38;
	[tilespmem:$0x1D900] =	vst v63  }
0x5f: {  	_ =	swait.ge [sflag:s21], $0x80  }
0x60: {  	[sflag:s21] =	ssyncset.done $0x0  }
0x61: {  	s10 =	sadd.s32 $0x80, s1;
	[sflag:s21] =	ssyncadd.s32 $0xFFFFFF80  }
0x62: {  	[tilespmem:s26], [sflag:$0x2] =	stream.indirect.gather [hbm4b:s4+s23], $0x80, s10, s23, $0xb8;
	[tilespmem:$0x1D900] =	vst v63  }
0x63: {  	_ =	swait.ge [sflag:s28], $0x4000  }
0x64: {  	[sflag:s28] =	ssyncset.done $0x0  }
0x65: {  	[sflag:s28] =	ssyncadd.s32 $0xFFFFC000  }
0x66: {  	[spmem:s2] =	stream.indirect.scatter.add.f32 [tilespmem:s24], [sflag:$0x3], $0x80, s22, s23, $0xb8;
	[tilespmem:$0x1D900] =	vst v63  }
0x67: {  	_ =	swait.ge [sflag:s29], $0x4000  }
0x68: {  	[sflag:s29] =	ssyncset.done $0x0  }
0x69: {  	[sflag:s29] =	ssyncadd.s32 $0xFFFFC000  }
0x6a: {  	[spmem:s2] =	stream.indirect.scatter.add.f32 [tilespmem:s26], [sflag:$0x4], $0x80, s25, s23, $0xb8;
	[tilespmem:$0x1D900] =	vst v63  }
0x6b: {  	_ =	swait.ge [sflag:s30], $0x4000  }
0x6c: {  	[sflag:s30] =	ssyncset.done $0x0  }
0x6d: {  	[sflag:s30] =	ssyncadd.s32 $0xFFFFC000  }
0x6e: {  	_ =	swait.ge [sflag:s31], $0x4000  }
0x6f: {  	[sflag:s31] =	ssyncset.done $0x0  }
0x70: {  	[sflag:s31] =	ssyncadd.s32 $0xFFFFC000  }
0x71: {  	[bflag:$0x0] =	sbarrier.arrive $0xFFFF  }
0x72: {  	s11 =	rddreg [dreg:$0x5]  }
0x73: {  	[hbm:s11], [sflag:s8] =	dma.local [spmem:s20], $0x2800  }
0x74: {  	_ =	swait.ge [sflag:s21], $0x2800  }
0x75: {  	[sflag:s21] =	ssyncset.done $0x0  }
0x76: {  	[sflag:s21] =	ssyncadd.s32 $0xFFFFD800  }
0x77: {  	[bflag:$0x0] =	sbarrier.arrive $0xFFFF  }
0x78: {  	[spmem:s20], [sflag:s8] =	dma.local [hbm:s5], $0x2800  }
0x79: {  	_ =	swait.ge [sflag:s21], $0x2800  }
0x7a: {  	[sflag:s21] =	ssyncset.done $0x0  }
0x7b: {  	s12 =	simm.s32 $0x0;
	s9 =	rddreg [dreg:$0x6];
	[sflag:s21] =	ssyncadd.s32 $0xFFFFD800  }
0x7c: {  	[tilespmem:s12], [sflag:$0x5] =	stream.linear.gather [hbm4b:s9+s12], $0x1800, $0x38;
	[tilespmem:$0x1D900] =	vst v63  }
0x7d: {  	_ =	swait.ge [sflag:s21], $0x1800  }
0x7e: {  	[sflag:s21] =	ssyncset.done $0x0  }
0x7f: {  	[sflag:s21] =	ssyncadd.s32 $0xFFFFE800  }
0x80: {  	s10 =	sadd.s32 $0x0, s17;
	[bflag:$0x0] =	sbarrier.arrive $0xFFFF  }
0x81: {  	[tilespmem:s22], [sflag:$0x5] =	stream.linear.gather [hbm4b:s10+s3], $0x80, $0x38;
	[tilespmem:$0x1D900] =	vst v63  }
0x82: {  	_ =	swait.ge [sflag:s21], $0x80  }
0x83: {  	[sflag:s21] =	ssyncset.done $0x0  }
0x84: {  	[sflag:s21] =	ssyncadd.s32 $0xFFFFFF80  }
0x85: {  	[tilespmem:s24], [sflag:$0x1] =	stream.indirect.gather [hbm4b:s4+s23], $0x80, s12, s23, $0xb8;
	[tilespmem:$0x1D900] =	vst v63  }
0x86: {  	s11 =	sadd.s32 $0x0, s16  }
0x87: {  	[tilespmem:s25], [sflag:$0x5] =	stream.linear.gather [hbm4b:s11+s3], $0x80, $0x38;
	[tilespmem:$0x1D900] =	vst v63  }
0x88: {  	_ =	swait.ge [sflag:s21], $0x80  }
0x89: {  	[sflag:s21] =	ssyncset.done $0x0  }
0x8a: {  	s12 =	simm.s32 $0x80;
	[sflag:s21] =	ssyncadd.s32 $0xFFFFFF80  }
0x8b: {  	[tilespmem:s26], [sflag:$0x2] =	stream.indirect.gather [hbm4b:s4+s23], $0x80, s12, s23, $0xb8;
	[tilespmem:$0x1D900] =	vst v63  }
0x8c: {  	_ =	swait.ge [sflag:s28], $0x4000  }
0x8d: {  	[sflag:s28] =	ssyncset.done $0x0  }
0x8e: {  	[sflag:s28] =	ssyncadd.s32 $0xFFFFC000  }
0x8f: {  	[spmem:s2] =	stream.indirect.scatter.add.f32 [tilespmem:s24], [sflag:$0x3], $0x80, s22, s23, $0xb8;
	[tilespmem:$0x1D900] =	vst v63  }
0x90: {  	_ =	swait.ge [sflag:s29], $0x4000  }
0x91: {  	[sflag:s29] =	ssyncset.done $0x0  }
0x92: {  	[sflag:s29] =	ssyncadd.s32 $0xFFFFC000  }
0x93: {  	[spmem:s2] =	stream.indirect.scatter.add.f32 [tilespmem:s26], [sflag:$0x4], $0x80, s25, s23, $0xb8;
	[tilespmem:$0x1D900] =	vst v63  }
0x94: {  	_ =	swait.ge [sflag:s30], $0x4000  }
0x95: {  	[sflag:s30] =	ssyncset.done $0x0  }
0x96: {  	[sflag:s30] =	ssyncadd.s32 $0xFFFFC000  }
0x97: {  	s7 =	simm.s32 $0x20;
	_ =	swait.ge [sflag:s31], $0x4000  }
0x98: {  	s1 =	simm.s32 $0x100;
	s9 =	simm.s32 $0x40;
	[sflag:s31] =	ssyncset.done $0x0  }
.LBB2_4:
0x99: {  	s10 =	sadd.s32 s7, s17  }
0x9a: {  	[sflag:s31] =	ssyncadd.s32 $0xFFFFC000;
	s11 =	smov.u32 s9;
	s12 =	sadd.s32 $0x20, s9  }
0x9b: {  	[tilespmem:s22], [sflag:$0x5] =	stream.linear.gather [hbm4b:s10+s3], $0x80, $0x38;
	[tilespmem:$0x1D900] =	vst v63  }
0x9c: {  	p0 =	sne.s32 s9, $0x2E0;
	_ =	swait.ge [sflag:s21], $0x80  }
0x9d: {  	[sflag:s21] =	ssyncset.done $0x0  }
0x9e: {  	[sflag:s21] =	ssyncadd.s32 $0xFFFFFF80  }
0x9f: {  	[tilespmem:s24], [sflag:$0x1] =	stream.indirect.gather [hbm4b:s4+s23], $0x80, s1, s23, $0xb8;
	[tilespmem:$0x1D900] =	vst v63  }
0xa0: {  	s9 =	sadd.s32 s7, s16;
	s7 =	smov.u32 s11  }
0xa1: {  	[tilespmem:s25], [sflag:$0x5] =	stream.linear.gather [hbm4b:s9+s3], $0x80, $0x38;
	[tilespmem:$0x1D900] =	vst v63  }
0xa2: {  	_ =	swait.ge [sflag:s21], $0x80  }
0xa3: {  	[sflag:s21] =	ssyncset.done $0x0  }
0xa4: {  	s9 =	sadd.s32 $0x80, s1;
	[sflag:s21] =	ssyncadd.s32 $0xFFFFFF80  }
0xa5: {  	[tilespmem:s26], [sflag:$0x2] =	stream.indirect.gather [hbm4b:s4+s23], $0x80, s9, s23, $0xb8;
	[tilespmem:$0x1D900] =	vst v63  }
0xa6: {  	_ =	swait.ge [sflag:s28], $0x4000  }
0xa7: {  	[sflag:s28] =	ssyncset.done $0x0  }
0xa8: {  	[sflag:s28] =	ssyncadd.s32 $0xFFFFC000  }
0xa9: {  	[spmem:s2] =	stream.indirect.scatter.add.f32 [tilespmem:s24], [sflag:$0x3], $0x80, s22, s23, $0xb8;
	[tilespmem:$0x1D900] =	vst v63  }
0xaa: {  	_ =	swait.ge [sflag:s29], $0x4000  }
0xab: {  	[sflag:s29] =	ssyncset.done $0x0  }
0xac: {  	[sflag:s29] =	ssyncadd.s32 $0xFFFFC000  }
0xad: {  	[spmem:s2] =	stream.indirect.scatter.add.f32 [tilespmem:s26], [sflag:$0x4], $0x80, s25, s23, $0xb8;
	[tilespmem:$0x1D900] =	vst v63  }
.Ltmp1:
0xae: {  	_ =	swait.ge [sflag:s30], $0x4000;
	(pc) =	sbr.rel @p0 .LBB2_4-.Ltmp1, $4  }
0xaf: {  	[sflag:s30] =	ssyncset.done $0x0  }
0xb0: {  	[sflag:s30] =	ssyncadd.s32 $0xFFFFC000  }
0xb1: {  	_ =	swait.ge [sflag:s31], $0x4000  }
0xb2: {  	s1 =	sadd.s32 $0x100, s1;
	s9 =	smov.u32 s12;
	[sflag:s31] =	ssyncset.done $0x0  }
0xb3: {  	s9 =	sadd.s32 s7, s17;
	[sflag:s31] =	ssyncadd.s32 $0xFFFFC000  }
0xb4: {  	[tilespmem:s22], [sflag:$0x5] =	stream.linear.gather [hbm4b:s9+s3], $0x80, $0x38;
	[tilespmem:$0x1D900] =	vst v63  }
0xb5: {  	_ =	swait.ge [sflag:s21], $0x80  }
0xb6: {  	[sflag:s21] =	ssyncset.done $0x0  }
0xb7: {  	[sflag:s21] =	ssyncadd.s32 $0xFFFFFF80  }
0xb8: {  	[tilespmem:s24], [sflag:$0x1] =	stream.indirect.gather [hbm4b:s4+s23], $0x80, s1, s23, $0xb8;
	[tilespmem:$0x1D900] =	vst v63  }
0xb9: {  	s9 =	sadd.s32 s7, s16  }
0xba: {  	[tilespmem:s25], [sflag:$0x5] =	stream.linear.gather [hbm4b:s9+s3], $0x80, $0x38;
	[tilespmem:$0x1D900] =	vst v63  }
0xbb: {  	_ =	swait.ge [sflag:s21], $0x80  }
0xbc: {  	[sflag:s21] =	ssyncset.done $0x0  }
0xbd: {  	s10 =	sadd.s32 $0x80, s1;
	[sflag:s21] =	ssyncadd.s32 $0xFFFFFF80  }
0xbe: {  	[tilespmem:s26], [sflag:$0x2] =	stream.indirect.gather [hbm4b:s4+s23], $0x80, s10, s23, $0xb8;
	[tilespmem:$0x1D900] =	vst v63  }
0xbf: {  	_ =	swait.ge [sflag:s28], $0x4000  }
0xc0: {  	[sflag:s28] =	ssyncset.done $0x0  }
0xc1: {  	[sflag:s28] =	ssyncadd.s32 $0xFFFFC000  }
0xc2: {  	[spmem:s2] =	stream.indirect.scatter.add.f32 [tilespmem:s24], [sflag:$0x3], $0x80, s22, s23, $0xb8;
	[tilespmem:$0x1D900] =	vst v63  }
0xc3: {  	_ =	swait.ge [sflag:s29], $0x4000  }
0xc4: {  	[sflag:s29] =	ssyncset.done $0x0  }
0xc5: {  	[sflag:s29] =	ssyncadd.s32 $0xFFFFC000  }
0xc6: {  	[spmem:s2] =	stream.indirect.scatter.add.f32 [tilespmem:s26], [sflag:$0x4], $0x80, s25, s23, $0xb8;
	[tilespmem:$0x1D900] =	vst v63  }
0xc7: {  	_ =	swait.ge [sflag:s30], $0x4000  }
0xc8: {  	[sflag:s30] =	ssyncset.done $0x0  }
0xc9: {  	[sflag:s30] =	ssyncadd.s32 $0xFFFFC000  }
0xca: {  	_ =	swait.ge [sflag:s31], $0x4000  }
0xcb: {  	[sflag:s31] =	ssyncset.done $0x0  }
0xcc: {  	[sflag:s31] =	ssyncadd.s32 $0xFFFFC000  }
0xcd: {  	[bflag:$0x0] =	sbarrier.arrive $0xFFFF  }
0xce: {  	s11 =	rddreg [dreg:$0x7]  }
0xcf: {  	[hbm:s11], [sflag:s8] =	dma.local [spmem:s20], $0x2800  }
0xd0: {  	_ =	swait.ge [sflag:s21], $0x2800  }
0xd1: {  	[sflag:s21] =	ssyncset.done $0x0  }
0xd2: {  	[sflag:s21] =	ssyncadd.s32 $0xFFFFD800  }
0xd3: {  	[bflag:$0x0] =	sbarrier.arrive $0xFFFF  }
0xd4: {  	[spmem:s20], [sflag:s8] =	dma.local [hbm:s5], $0x2800  }
0xd5: {  	_ =	swait.ge [sflag:s21], $0x2800  }
0xd6: {  	[sflag:s21] =	ssyncset.done $0x0  }
0xd7: {  	s12 =	simm.s32 $0x0;
	s9 =	rddreg [dreg:$0x8];
	[sflag:s21] =	ssyncadd.s32 $0xFFFFD800  }
0xd8: {  	[tilespmem:s12], [sflag:$0x5] =	stream.linear.gather [hbm4b:s9+s12], $0x1800, $0x38;
	[tilespmem:$0x1D900] =	vst v63  }
0xd9: {  	_ =	swait.ge [sflag:s21], $0x1800  }
0xda: {  	[sflag:s21] =	ssyncset.done $0x0  }
0xdb: {  	[sflag:s21] =	ssyncadd.s32 $0xFFFFE800  }
0xdc: {  	s10 =	sadd.s32 $0x0, s19;
	[bflag:$0x0] =	sbarrier.arrive $0xFFFF  }
0xdd: {  	[tilespmem:s22], [sflag:$0x5] =	stream.linear.gather [hbm4b:s10+s3], $0x80, $0x38;
	[tilespmem:$0x1D900] =	vst v63  }
0xde: {  	_ =	swait.ge [sflag:s21], $0x80  }
0xdf: {  	[sflag:s21] =	ssyncset.done $0x0  }
0xe0: {  	[sflag:s21] =	ssyncadd.s32 $0xFFFFFF80  }
0xe1: {  	[tilespmem:s24], [sflag:$0x1] =	stream.indirect.gather [hbm4b:s4+s23], $0x80, s12, s23, $0xb8;
	[tilespmem:$0x1D900] =	vst v63  }
0xe2: {  	s11 =	sadd.s32 $0x0, s18  }
0xe3: {  	[tilespmem:s25], [sflag:$0x5] =	stream.linear.gather [hbm4b:s11+s3], $0x80, $0x38;
	[tilespmem:$0x1D900] =	vst v63  }
0xe4: {  	_ =	swait.ge [sflag:s21], $0x80  }
0xe5: {  	[sflag:s21] =	ssyncset.done $0x0  }
0xe6: {  	s12 =	simm.s32 $0x80;
	[sflag:s21] =	ssyncadd.s32 $0xFFFFFF80  }
0xe7: {  	[tilespmem:s26], [sflag:$0x2] =	stream.indirect.gather [hbm4b:s4+s23], $0x80, s12, s23, $0xb8;
	[tilespmem:$0x1D900] =	vst v63  }
0xe8: {  	_ =	swait.ge [sflag:s28], $0x4000  }
0xe9: {  	[sflag:s28] =	ssyncset.done $0x0  }
0xea: {  	[sflag:s28] =	ssyncadd.s32 $0xFFFFC000  }
0xeb: {  	[spmem:s2] =	stream.indirect.scatter.add.f32 [tilespmem:s24], [sflag:$0x3], $0x80, s22, s23, $0xb8;
	[tilespmem:$0x1D900] =	vst v63  }
0xec: {  	_ =	swait.ge [sflag:s29], $0x4000  }
0xed: {  	[sflag:s29] =	ssyncset.done $0x0  }
0xee: {  	[sflag:s29] =	ssyncadd.s32 $0xFFFFC000  }
0xef: {  	[spmem:s2] =	stream.indirect.scatter.add.f32 [tilespmem:s26], [sflag:$0x4], $0x80, s25, s23, $0xb8;
	[tilespmem:$0x1D900] =	vst v63  }
0xf0: {  	_ =	swait.ge [sflag:s30], $0x4000  }
0xf1: {  	[sflag:s30] =	ssyncset.done $0x0  }
0xf2: {  	[sflag:s30] =	ssyncadd.s32 $0xFFFFC000  }
0xf3: {  	s7 =	simm.s32 $0x20;
	_ =	swait.ge [sflag:s31], $0x4000  }
0xf4: {  	s1 =	simm.s32 $0x100;
	s9 =	simm.s32 $0x40;
	[sflag:s31] =	ssyncset.done $0x0  }
.LBB2_6:
0xf5: {  	s10 =	sadd.s32 s7, s19  }
0xf6: {  	[sflag:s31] =	ssyncadd.s32 $0xFFFFC000;
	s11 =	smov.u32 s9;
	s12 =	sadd.s32 $0x20, s9  }
0xf7: {  	[tilespmem:s22], [sflag:$0x5] =	stream.linear.gather [hbm4b:s10+s3], $0x80, $0x38;
	[tilespmem:$0x1D900] =	vst v63  }
0xf8: {  	p0 =	sne.s32 s9, $0x2E0;
	_ =	swait.ge [sflag:s21], $0x80  }
0xf9: {  	[sflag:s21] =	ssyncset.done $0x0  }
0xfa: {  	[sflag:s21] =	ssyncadd.s32 $0xFFFFFF80  }
0xfb: {  	[tilespmem:s24], [sflag:$0x1] =	stream.indirect.gather [hbm4b:s4+s23], $0x80, s1, s23, $0xb8;
	[tilespmem:$0x1D900] =	vst v63  }
0xfc: {  	s9 =	sadd.s32 s7, s18;
	s7 =	smov.u32 s11  }
0xfd: {  	[tilespmem:s25], [sflag:$0x5] =	stream.linear.gather [hbm4b:s9+s3], $0x80, $0x38;
	[tilespmem:$0x1D900] =	vst v63  }
0xfe: {  	_ =	swait.ge [sflag:s21], $0x80  }
0xff: {  	[sflag:s21] =	ssyncset.done $0x0  }
0x100: {  	s9 =	sadd.s32 $0x80, s1;
	[sflag:s21] =	ssyncadd.s32 $0xFFFFFF80  }
0x101: {  	[tilespmem:s26], [sflag:$0x2] =	stream.indirect.gather [hbm4b:s4+s23], $0x80, s9, s23, $0xb8;
	[tilespmem:$0x1D900] =	vst v63  }
0x102: {  	_ =	swait.ge [sflag:s28], $0x4000  }
0x103: {  	[sflag:s28] =	ssyncset.done $0x0  }
0x104: {  	[sflag:s28] =	ssyncadd.s32 $0xFFFFC000  }
0x105: {  	[spmem:s2] =	stream.indirect.scatter.add.f32 [tilespmem:s24], [sflag:$0x3], $0x80, s22, s23, $0xb8;
	[tilespmem:$0x1D900] =	vst v63  }
0x106: {  	_ =	swait.ge [sflag:s29], $0x4000  }
0x107: {  	[sflag:s29] =	ssyncset.done $0x0  }
0x108: {  	[sflag:s29] =	ssyncadd.s32 $0xFFFFC000  }
0x109: {  	[spmem:s2] =	stream.indirect.scatter.add.f32 [tilespmem:s26], [sflag:$0x4], $0x80, s25, s23, $0xb8;
	[tilespmem:$0x1D900] =	vst v63  }
.Ltmp2:
0x10a: {  	_ =	swait.ge [sflag:s30], $0x4000;
	(pc) =	sbr.rel @p0 .LBB2_6-.Ltmp2, $4  }
0x10b: {  	[sflag:s30] =	ssyncset.done $0x0  }
0x10c: {  	[sflag:s30] =	ssyncadd.s32 $0xFFFFC000  }
0x10d: {  	_ =	swait.ge [sflag:s31], $0x4000  }
0x10e: {  	s1 =	sadd.s32 $0x100, s1;
	s9 =	smov.u32 s12;
	[sflag:s31] =	ssyncset.done $0x0  }
0x10f: {  	s9 =	sadd.s32 s7, s19;
	[sflag:s31] =	ssyncadd.s32 $0xFFFFC000  }
0x110: {  	[tilespmem:s22], [sflag:$0x5] =	stream.linear.gather [hbm4b:s9+s3], $0x80, $0x38;
	[tilespmem:$0x1D900] =	vst v63  }
0x111: {  	_ =	swait.ge [sflag:s21], $0x80  }
0x112: {  	[sflag:s21] =	ssyncset.done $0x0  }
0x113: {  	[sflag:s21] =	ssyncadd.s32 $0xFFFFFF80  }
0x114: {  	[tilespmem:s24], [sflag:$0x1] =	stream.indirect.gather [hbm4b:s4+s23], $0x80, s1, s23, $0xb8;
	[tilespmem:$0x1D900] =	vst v63  }
0x115: {  	s10 =	sadd.s32 s7, s18  }
0x116: {  	[tilespmem:s25], [sflag:$0x5] =	stream.linear.gather [hbm4b:s10+s3], $0x80, $0x38;
	[tilespmem:$0x1D900] =	vst v63  }
0x117: {  	_ =	swait.ge [sflag:s21], $0x80  }
0x118: {  	[sflag:s21] =	ssyncset.done $0x0  }
0x119: {  	s11 =	sadd.s32 $0x80, s1;
	[sflag:s21] =	ssyncadd.s32 $0xFFFFFF80  }
0x11a: {  	[tilespmem:s26], [sflag:$0x2] =	stream.indirect.gather [hbm4b:s4+s23], $0x80, s11, s23, $0xb8;
	[tilespmem:$0x1D900] =	vst v63  }
0x11b: {  	_ =	swait.ge [sflag:s28], $0x4000  }
0x11c: {  	[sflag:s28] =	ssyncset.done $0x0  }
0x11d: {  	[sflag:s28] =	ssyncadd.s32 $0xFFFFC000  }
0x11e: {  	[spmem:s2] =	stream.indirect.scatter.add.f32 [tilespmem:s24], [sflag:$0x3], $0x80, s22, s23, $0xb8;
	[tilespmem:$0x1D900] =	vst v63  }
0x11f: {  	_ =	swait.ge [sflag:s29], $0x4000  }
0x120: {  	[sflag:s29] =	ssyncset.done $0x0  }
0x121: {  	[sflag:s29] =	ssyncadd.s32 $0xFFFFC000  }
0x122: {  	[spmem:s2] =	stream.indirect.scatter.add.f32 [tilespmem:s26], [sflag:$0x4], $0x80, s25, s23, $0xb8;
	[tilespmem:$0x1D900] =	vst v63  }
0x123: {  	_ =	swait.ge [sflag:s30], $0x4000  }
0x124: {  	[sflag:s30] =	ssyncset.done $0x0  }
0x125: {  	[sflag:s30] =	ssyncadd.s32 $0xFFFFC000  }
0x126: {  	_ =	swait.ge [sflag:s31], $0x4000  }
0x127: {  	[sflag:s31] =	ssyncset.done $0x0  }
0x128: {  	s0 =	sadd.s32 $0x1, s0;
	[sflag:s31] =	ssyncadd.s32 $0xFFFFC000  }
0x129: {  	p0 =	sne.s32 s0, s13;
	[bflag:$0x0] =	sbarrier.arrive $0xFFFF  }
.Ltmp3:
0x12a: {  	s12 =	rddreg [dreg:$0x9];
	(pc) =	sbr.rel @p0 .LBB2_1-.Ltmp3, $4  }
0x12b: {  	[hbm:s12], [sflag:s8] =	dma.local [spmem:s20], $0x2800  }
0x12c: {  	_ =	swait.ge [sflag:s21], $0x2800  }
0x12d: {  	[sflag:s21] =	ssyncset.done $0x0  }
0x12e: {  	[sflag:s21] =	ssyncadd.s32 $0xFFFFD800  }
0x12f: {  	_ =	sfence.sel $0x180000  }
0x130: {  	[bflag:$0x0] =	sbarrier.arrive $0xFFFF  }
0x131: {  	_ =	strace $0x9000004D  }
0x132: {  	s0 =	stileid.u32;
	[bflag:$0x2] =	sbarrier.arrive $0xFFFF  }
0x133: {  	p0 =	sne.s32 s0, $0x0;
	s0 =	rddreg [dreg:$0x4]  }
0x134: {  	s0 =	sadd.s32 @!p0 $0x100000, s0  }
0x135: {  	[sflag:s0] =	ssyncadd.tile.s32 @!p0 $0x1;
	_ =	shalt  }
.Lfunc_end2:
_tile_overlayer_lowered:
.L_overlay_start_2:
0x136: {  	(tag) =	ssettag $0x2  }
0x137: {  	s0 =	rddreg [dreg:$0x0];
	s2 =	stileid.u32  }
0x138: {  	s1 =	rddreg [dreg:$0x1];
	p0 =	sne.s32 s2, $0x0  }
0x139: {  	s3 =	rddreg [dreg:$0x2];
	[bflag:$0x3] =	sbarrier.arrive $0xFFFF;
	s2 =	simm.s32 @!p0 $0x1C05  }
0x13a: {  	[timem:s3], [sflag:s2] =	dma.local @!p0 [hbm:s0], s1  }
0x13b: {  	s0 =	simm.s32 @!p0 $0x5  }
0x13c: {  	_ =	swait.ge @!p0 [sflag:s0], s1  }
0x13d: {  	s1 =	ssub.s32 @!p0 $0x0, s1;
	[sflag:s0] =	ssyncset.done @!p0 $0x0  }
0x13e: {  	[sflag:s0] =	ssyncadd.s32 @!p0 s1  }
0x13f: {  	[bflag:$0x3] =	sbarrier.arrive $0xFFFF  }
0x140: {  	_ =	shalt  }

// kernel: kernel.29.cloned.1.call-start
scs
__scs_entry_jumppad:
0x0: {  	(pc) =	sbr.rel $0x88, $3  }
0x1: {  	(tag) =	ssettag $0x0;
	lr =	simm.s32 $0x1  }
0x2: {  	[smem:$0x3F8F] =	sst lr;
	_ =	strace $0xD0000000  }
0x3: {  	_ = 	snop  }
0x4: {  	_ = 	snop  }
0x5: {  	_ = 	snop  }
0x6: {  	_ = 	snop  }
0x7: {  	_ = 	snop  }
__scs_overlays_trampoline_lowered:
0x8: {  	[smem:$0x3F9E] =	sst s0  }
0x9: {  	[smem:$0x3F9F] =	sst s1  }
0xa: {  	[smem:$0x3FA0] =	sst s2  }
0xb: {  	[smem:$0x3FA1] =	sst s3  }
0xc: {  	[smem:$0x3FA2] =	sst s4  }
0xd: {  	[smem:$0x3FA3] =	sst s5  }
0xe: {  	[smem:$0x3FA4] =	sst s6  }
0xf: {  	[smem:$0x3FA5] =	sst s7  }
0x10: {  	[smem:$0x3FA6] =	sst s8  }
0x11: {  	[smem:$0x3FA7] =	sst s9;
	s0 =	simm.s32 @!p0 $0x0  }
0x12: {  	s1 =	sld [smem:$0x3F8D];
	s0 =	simm.s32 @p0 $0x1  }
0x13: {  	[smem:$0x3FA8] =	sst s0;
	s0 =	simm.s32 @!p1 $0x0  }
0x14: {  	s2 =	sld [smem:$0x3F8C];
	s0 =	simm.s32 @p1 $0x1  }
0x15: {  	[smem:$0x3FA9] =	sst s0;
	s0 =	simm.s32 @!p2 $0x0  }
0x16: {  	s3 =	sld [smem:$0x3FDB];
	s0 =	simm.s32 @p2 $0x1  }
0x17: {  	s4 =	simm.s32 $0x1BF5;
	[smem:$0x3FAB] =	sst s0  }
0x18: {  	s0 =	sld [smem:$0x3F8E];
	_ =	swait.ge [sflag:s4], $0x0  }
0x19: {  	s7 =	sld [smem:$0x3F8F]  }
0x1a: {  	s8 =	sadd.s32 $0xFFFFE003, lr  }
0x1b: {  	s9 =	sadd.s32 $0xFFFFFEF7, lr;
	s5 =	simm.s32 $0xFFFFFFFF;
	p2 =	slt.u32 s8, $0xFFFFF086  }
0x1c: {  	p1 =	slt.u32 s9, $0xF7A;
	s5 =	simm.s32 @!p2 $0x0  }
0x1d: {  	s5 =	simm.s32 @p1 $0x1;
	p0 =	seq.s32 s7, s2  }
0x1e: {  	s7 =	smul.u32 @!p0 $0xF7A, s2;
	p2 =	seq.s32 @!p0 s5, $0x0  }
0x1f: {  	s9 =	smul.u32 $0xF7A, s1;
	s8 =	simm.s32 @!p0 $0x1BF5;
	p2 =	por !p2, p0  }
0x20: {  	[sflag:s8] =	ssyncset.s32 @!p0 $0xFFFFF086;
	s6 =	sadd.s32 @!p0 s3, s7;
	s7 =	simm.s32 @!p0 $0x108  }
0x21: {  	s3 =	sadd.s32 s3, s9;
	s6 =	sadd.s32 @!p0 $0x88, s6;
	s7 =	simm.s32 @p2 $0x1082  }
0x22: {  	[simem:s7], [sflag:s8] =	dma.local @!p0 [hbm:s6], $0xF7A  }
0x23: {  	s9 =	sor.u32 $0xD0000000, s2;
	s6 =	simm.s32 $0x108;
	_ =	swait.ge @!p0 [sflag:s8], $0x0  }
0x24: {  	s3 =	sadd.s32 $0x88, s3;
	s6 =	simm.s32 @!p1 $0x1082;
	[sflag:s4] =	ssyncset.s32 $0xFFFFF086  }
0x25: {  	[simem:s6], [sflag:s4] =	dma.local [hbm:s3], $0xF7A  }
0x26: {  	[smem:$0x3F8F] =	sst s1;
	(tag) =	ssettag s2;
	_ =	strace s9  }
0x27: {  	s1 =	sld [smem:$0x3F9F]  }
0x28: {  	s2 =	sld [smem:$0x3FA0]  }
0x29: {  	s4 =	sld [smem:$0x3FA2]  }
0x2a: {  	p0 =	seq.s32 s5, $0x0;
	s5 =	sld [smem:$0x3FA3]  }
0x2b: {  	s6 =	sld [smem:$0x3FA4]  }
0x2c: {  	s7 =	sld [smem:$0x3FA5]  }
0x2d: {  	s3 =	simm.s32 $0x108;
	s8 =	sld [smem:$0x3FA6]  }
0x2e: {  	s3 =	simm.s32 @!p0 $0x1082;
	s9 =	sld [smem:$0x3FA7]  }
0x2f: {  	lr =	sadd.s32 s0, s3;
	s0 =	sld [smem:$0x3F9E]  }
0x30: {  	s3 =	sld [smem:$0x3FA1]  }
0x31: {  	[smem:$0x3FAA] =	sst s10  }
0x32: {  	s10 =	sld [smem:$0x3FA8];
	_ =	sdelay $0x3  }
0x33: {  	p0 =	seq.s32 s10, $0x1;
	s10 =	sld [smem:$0x3FAA];
	_ =	sdelay $0x3  }
0x34: {  	[smem:$0x3FAA] =	sst s10  }
0x35: {  	s10 =	sld [smem:$0x3FA9];
	_ =	sdelay $0x3  }
0x36: {  	p1 =	seq.s32 s10, $0x1;
	s10 =	sld [smem:$0x3FAA];
	_ =	sdelay $0x3  }
0x37: {  	[smem:$0x3FAA] =	sst s10  }
0x38: {  	s10 =	sld [smem:$0x3FAB]  }
0x39: {  	_ = 	snop;
	(pc) =	sbr.ind lr, $3  }
0x3a: {  	_ = 	snop  }
0x3b: {  	_ = 	snop  }
0x3c: {  	p2 =	seq.s32 s10, $0x1;
	s10 =	sld [smem:$0x3FAA]  }
0x3d: {  	_ =	shalt  }
0x3e: {  	_ =	shalt  }
0x3f: {  	_ =	shalt  }
0x40: {  	_ =	shalt  }
0x41: {  	_ =	shalt  }
0x42: {  	_ =	shalt  }
0x43: {  	_ =	shalt  }
0x44: {  	_ =	shalt  }
0x45: {  	_ =	shalt  }
0x46: {  	_ =	shalt  }
0x47: {  	_ =	shalt  }
0x48: {  	_ =	shalt  }
0x49: {  	_ =	shalt  }
0x4a: {  	_ =	shalt  }
0x4b: {  	_ =	shalt  }
0x4c: {  	_ =	shalt  }
0x4d: {  	_ =	shalt  }
0x4e: {  	_ =	shalt  }
0x4f: {  	_ =	shalt  }
0x50: {  	_ =	shalt  }
0x51: {  	_ =	shalt  }
0x52: {  	_ =	shalt  }
0x53: {  	_ =	shalt  }
0x54: {  	_ =	shalt  }
0x55: {  	_ =	shalt  }
0x56: {  	_ =	shalt  }
0x57: {  	_ =	shalt  }
0x58: {  	_ =	shalt  }
0x59: {  	_ =	shalt  }
0x5a: {  	_ =	shalt  }
0x5b: {  	_ =	shalt  }
0x5c: {  	_ =	shalt  }
0x5d: {  	_ =	shalt  }
0x5e: {  	_ =	shalt  }
0x5f: {  	_ =	shalt  }
0x60: {  	_ =	shalt  }
0x61: {  	_ =	shalt  }
0x62: {  	_ =	shalt  }
0x63: {  	_ =	shalt  }
0x64: {  	_ =	shalt  }
0x65: {  	_ =	shalt  }
0x66: {  	_ =	shalt  }
0x67: {  	_ =	shalt  }
0x68: {  	_ =	shalt  }
0x69: {  	_ =	shalt  }
0x6a: {  	_ =	shalt  }
0x6b: {  	_ =	shalt  }
0x6c: {  	_ =	shalt  }
0x6d: {  	_ =	shalt  }
0x6e: {  	_ =	shalt  }
0x6f: {  	_ =	shalt  }
0x70: {  	_ =	shalt  }
0x71: {  	_ =	shalt  }
0x72: {  	_ =	shalt  }
0x73: {  	_ =	shalt  }
0x74: {  	_ =	shalt  }
0x75: {  	_ =	shalt  }
0x76: {  	_ =	shalt  }
0x77: {  	_ =	shalt  }
0x78: {  	_ =	shalt  }
0x79: {  	_ =	shalt  }
0x7a: {  	_ =	shalt  }
0x7b: {  	_ =	shalt  }
0x7c: {  	_ =	shalt  }
0x7d: {  	_ =	shalt  }
0x7e: {  	_ =	shalt  }
0x7f: {  	_ =	shalt  }
0x80: {  	_ =	shalt  }
0x81: {  	_ =	shalt  }
0x82: {  	_ =	shalt  }
0x83: {  	_ =	shalt  }
0x84: {  	_ =	shalt  }
0x85: {  	_ =	shalt  }
0x86: {  	_ =	shalt  }
0x87: {  	_ =	shalt  }
.Lfunc_end0:
.L_simem_size_0:
called_computation.3_lowered:
.L_overlay_start_0:
0x88: {  	s2 =	sld [smem:$0x3FD9]  }
0x89: {  	s3 =	sld [smem:$0x3FFE];
	_ =	sdelay $0x1  }
0x8a: {  	s1 =	srdreg.scid  }
0x8b: {  	s0 =	sand.u32 $0x1, s1  }
0x8c: {  	s14 =	sshll.u32 s0, $0xA;
	s2 =	sadd.s32 s3, s2  }
0x8d: {  	s2 =	sadd.s32 s2, s14  }
0x8e: {  	[smem:$0x3FB6] =	sst s2  }
0x8f: {  	_ = 	snop  }
0x90: {  	s2 =	sld [smem:$0x3FD0];
	_ =	sdelay $0x2  }
0x91: {  	s15 =	simm.s32 $0xA;
	s4 =	simm.s32 $0x10  }
0x92: {  	[smem:s4], [sflag:s15] =	dma.local [hbm:s2], $0x1  }
0x93: {  	_ =	swait.eq [sflag:s15], $0x1  }
0x94: {  	s16 =	sld [smem:$0x13];
	[sflag:s15] =	ssyncset.done $0x0  }
0x95: {  	s17 =	sld [smem:$0x16];
	[sflag:s15] =	ssyncadd.s32 $0xFFFFFFFF  }
0x96: {  	s18 =	sld [smem:$0x17];
	(tm) =	ssettm $0x1  }
0x97: {  	s5 =	sld [smem:$0x3FFB];
	_ =	sdelay $0x3  }
0x98: {  	_ =	strace s5  }
0x99: {  	s5 =	sld [smem:$0x3FFC];
	_ =	sdelay $0x3  }
0x9a: {  	_ =	strace s5  }
0x9b: {  	s5 =	sld [smem:$0x3FFD];
	_ =	sdelay $0x3  }
0x9c: {  	_ =	strace s5  }
0x9d: {  	_ =	strace $0x8FFFFFFF  }
0x9e: {  	s19 =	sld [smem:$0x3FDB];
	_ =	sdelay $0x1  }
0x9f: {  	s6 =	simm.s32 $_scs_section_size  }
0xa0: {  	s7 =	simm.s32 $_size__tile_overlayer_lowered;
	s8 =	simm.s32 $_tile_overlayer_lowered  }
0xa1: {  	s22 =	simm.s32 $0x1BFF;
	s21 =	sshll.u32 s8, $0x1;
	s5 =	sadd.s32 s6, s19  }
0xa2: {  	s9 =	simm.s32 $0x0;
	s20 =	sshll.u32 s7, $0x1;
	s7 =	sadd.s32 s21, s5  }
0xa3: {  	[timem:s9], [sflag:s22] =	dma.local [hbm:s7], s20  }
0xa4: {  	_ =	swait.ge [sflag:s22], s20  }
0xa5: {  	s6 =	ssub.s32 $0x0, s20;
	[sflag:s22] =	ssyncset.done $0x0  }
0xa6: {  	[sflag:s22] =	ssyncadd.s32 s6;
	_ =	sdelay $0x1  }
0xa7: {  	s23 =	simm.s32 $0x1B8B  }
0xa8: {  	_ =	swait.ge [sflag:s23], $0x1  }
0xa9: {  	[sflag:s23] =	ssyncset.done $0x0  }
0xaa: {  	s25 =	simm.s32 $0x1B8E;
	s24 =	sld [smem:$0x3FFE];
	[sflag:s23] =	ssyncadd.s32 $0xFFFFFFFF  }
0xab: {  	s26 =	simm.s32 $execute0_lowered;
	[smem:$0x3FD2] =	sst s25  }
0xac: {  	s7 =	sshll.u32 s26, $0x1;
	_ =	strace $0x8000004F;
	[dreg:$0x1] =	wrdreg $0xFFFFFFFF  }
0xad: {  	s28 =	simm.s32 $_size_execute0_lowered;
	s5 =	sadd.s32 s5, s7;
	[dreg:$0x0] =	wrdreg $0x0  }
0xae: {  	s7 =	sshll.u32 s28, $0x1;
	[dreg:$0x2] =	wrdreg s5  }
0xaf: {  	[dreg:$0x3] =	wrdreg s7  }
0xb0: {  	[dreg:$0x4] =	wrdreg $0xC0  }
0xb1: {  	_ =	task [dreg:s9], $0x5FFFF  }
0xb2: {  	[dreg:$0x1] =	wrdreg $0xFFFFFFFF  }
0xb3: {  	[dreg:$0x0] =	wrdreg $0x60  }
0xb4: {  	[dreg:$0x2] =	wrdreg s18  }
0xb5: {  	[dreg:$0x3] =	wrdreg s17  }
0xb6: {  	[dreg:$0x4] =	wrdreg s16  }
0xb7: {  	[dreg:$0x5] =	wrdreg s24  }
0xb8: {  	[dreg:$0x6] =	wrdreg $0x99000  }
0xb9: {  	[dreg:$0x7] =	wrdreg $0x9  }
0xba: {  	_ =	task.clear_ibuf [dreg:s9], $0x8FFFF;
	_ =	strace $0x9000004F  }
0xbb: {  	s29 =	simm.s32 $0x9;
	_ =	strace $0x80000051  }
0xbc: {  	_ =	swait.ge [sflag:s29], $0x1  }
0xbd: {  	[sflag:s29] =	ssyncadd.s32 $0xFFFFFFFF  }
0xbe: {  	_ =	strace $0x90000051  }
0xbf: {  	_ =	sfence  }
0xc0: {  	s30 =	sld [smem:$0x0];
	_ =	sdelay $0x2  }
0xc1: {  	s31 =	sshll.u32 s1, $0xD;
	s1 =	sshrl.u32 s1, $0x2  }
0xc2: {  	s3 =	sand.u32 $0x4000, s31;
	s1 =	sadd.s32 s1, s30  }
0xc3: {  	s0 =	sor.u32 s3, s0;
	s1 =	sshll.u32 s1, $0x11  }
0xc4: {  	s0 =	sor.u32 s1, s0  }
0xc5: {  	s0 =	sadd.s32 $0x8F2B, s0  }
0xc6: {  	[sflag:s0] =	ssyncadd.remote.s32 $0x1  }
0xc7: {  	_ =	sfence.sel $0xFFFF  }
0xc8: {  	[dreg:$0x0] =	wrdreg $0xFFFFFFFF;
	(pc) =	sbr.abs _section_cstart, $3  }
0xc9: {  	[dreg:$0x1] =	wrdreg $0xFFFFFFFF  }
0xca: {  	_ =	task.clear_ibuf [dreg:s9], $0x2FFFF;
	_ =	strace $0x9FFFFFFF  }
0xcb: {  	(tm) =	ssettm $0x7FFFFFFF  }
tec
execute0_lowered:
.L_overlay_start_1:
0x0: {  	(tag) =	ssettag $0x1  }
0x1: {  	s1 =	rddreg [dreg:$0x0]  }
0x2: {  	s7 =	rddreg [dreg:$0x1]  }
0x3: {  	s11 =	rddreg [dreg:$0x2]  }
0x4: {  	s6 =	rddreg [dreg:$0x3]  }
0x5: {  	s3 =	rddreg [dreg:$0x4]  }
0x6: {  	s0 =	rddreg [dreg:$0x5]  }
0x7: {  	s5 =	srdreg.scid;
	s2 =	stileid.u32  }
0x8: {  	s4 =	simm.s32 $0x0;
	s16 =	simm.s32 $0x1900;
	s17 =	simm.s32 $0x1880  }
0x9: {  	s18 =	simm.s32 $0x5900;
	s19 =	simm.s32 $0x1;
	s20 =	simm.s32 $0x2  }
0xa: {  	s21 =	simm.s32 $0x3;
	s22 =	simm.s32 $0x4;
	s9 =	smul.u32 $0x280, s2  }
0xb: {  	s23 =	simm.s32 $0x0;
	s8 =	sand.u32 $0x1, s5;
	s13 =	smul.u32 $0x50000, s2  }
0xc: {  	[smem:$0x7FF] =	sst s4;
	s26 =	sshll.u32 s2, $0x1;
	s14 =	smul.u32 $0x3000, s2  }
0xd: {  	s5 =	sadd.s32 $0x94600, s6;
	s30 =	sshll.u32 s2, $0x6;
	s10 =	smul.u32 $0x2800, s8  }
0xe: {  	s12 =	sor.u32 s8, s26;
	s29 =	ssub.s32 $0x2, s8;
	s8 =	smul.u32 $0x1800, s8  }
0xf: {  	_ =	strace $0x80000050;
	s28 =	smul.u32 $0x1800, s12;
	s15 =	sshrl.u32 s29, $0x1  }
0x10: {  	s13 =	sshrl.u32 s13, $0x2;
	s9 =	sadd.s32 s9, s10;
	s12 =	ssub.s32 s29, s15  }
0x11: {  	s13 =	sadd.s32 s13, s3;
	s14 =	sadd.s32 s8, s14;
	s15 =	simm.s32 $0x80  }
0x12: {  	s9 =	sshll.u32 s9, $0x4;
	s10 =	sshrl.u32 s28, $0x3;
	s31 =	sor.u32 $0x80, s14  }
0x13: {  	s14 =	sshrl.u32 s14, $0x3;
	s9 =	sadd.s32 s9, s6;
	s6 =	sor.u32 $0x1C05, s30  }
0x14: {  	s7 =	sadd.s32 s7, s10;
	s10 =	sshrl.u32 s31, $0x3;
	s8 =	sadd.s32 $0x96E00, s9  }
0x15: {  	s9 =	smax.u32 s12, $0x1;
	s10 =	sadd.s32 s10, s11;
	s11 =	sadd.s32 s14, s11  }
0x16: {  	s12 =	sshrl.u32 s13, $0x3;
	s13 =	simm.s32 $0x5;
	s14 =	simm.s32 $0x1800  }
.LBB2_1:
0x17: {  	[spmem:s12], [sflag:s6] =	dma.local [hbm:s5], $0x2800  }
0x18: {  	_ =	swait.ge [sflag:s13], $0x2800  }
0x19: {  	[sflag:s13] =	ssyncset.done $0x0  }
0x1a: {  	[sflag:s13] =	ssyncadd.s32 $0xFFFFD800  }
0x1b: {  	[tilespmem:s4], [sflag:$0x5] =	stream.linear.gather [hbm4b:s7+s4], $0x1800, $0x38;
	[tilespmem:$0x1D900] =	vst v63  }
0x1c: {  	_ =	swait.ge [sflag:s13], $0x1800  }
0x1d: {  	[sflag:s13] =	ssyncset.done $0x0  }
0x1e: {  	[sflag:s13] =	ssyncadd.s32 $0xFFFFE800  }
0x1f: {  	s24 =	sadd.s32 $0x0, s11;
	[bflag:$0x0] =	sbarrier.arrive $0xFFFF  }
0x20: {  	[tilespmem:s14], [sflag:$0x5] =	stream.linear.gather [hbm4b:s24+s4], $0x80, $0x38;
	[tilespmem:$0x1D900] =	vst v63  }
0x21: {  	_ =	swait.ge [sflag:s13], $0x80  }
0x22: {  	[sflag:s13] =	ssyncset.done $0x0  }
0x23: {  	[sflag:s13] =	ssyncadd.s32 $0xFFFFFF80  }
0x24: {  	[tilespmem:s16], [sflag:$0x1] =	stream.indirect.gather [hbm4b:s1+s15], $0x80, s4, s15, $0xb8;
	[tilespmem:$0x1D900] =	vst v63  }
0x25: {  	s30 =	sadd.s32 $0x0, s10  }
0x26: {  	[tilespmem:s17], [sflag:$0x5] =	stream.linear.gather [hbm4b:s30+s4], $0x80, $0x38;
	[tilespmem:$0x1D900] =	vst v63  }
0x27: {  	_ =	swait.ge [sflag:s13], $0x80  }
0x28: {  	[sflag:s13] =	ssyncset.done $0x0  }
0x29: {  	s31 =	simm.s32 $0x80;
	[sflag:s13] =	ssyncadd.s32 $0xFFFFFF80  }
0x2a: {  	[tilespmem:s18], [sflag:$0x2] =	stream.indirect.gather [hbm4b:s1+s15], $0x80, s31, s15, $0xb8;
	[tilespmem:$0x1D900] =	vst v63  }
0x2b: {  	_ =	swait.ge [sflag:s19], $0x4000  }
0x2c: {  	[sflag:s19] =	ssyncset.done $0x0  }
0x2d: {  	[sflag:s19] =	ssyncadd.s32 $0xFFFFC000  }
0x2e: {  	[spmem:s3] =	stream.indirect.scatter.add.f32 [tilespmem:s16], [sflag:$0x3], $0x80, s14, s15, $0xb8;
	[tilespmem:$0x1D900] =	vst v63  }
0x2f: {  	_ =	swait.ge [sflag:s20], $0x4000  }
0x30: {  	[sflag:s20] =	ssyncset.done $0x0  }
0x31: {  	[sflag:s20] =	ssyncadd.s32 $0xFFFFC000  }
0x32: {  	[spmem:s3] =	stream.indirect.scatter.add.f32 [tilespmem:s18], [sflag:$0x4], $0x80, s17, s15, $0xb8;
	[tilespmem:$0x1D900] =	vst v63  }
0x33: {  	_ =	swait.ge [sflag:s21], $0x4000  }
0x34: {  	[sflag:s21] =	ssyncset.done $0x0  }
0x35: {  	[sflag:s21] =	ssyncadd.s32 $0xFFFFC000  }
0x36: {  	s25 =	simm.s32 $0x20;
	_ =	swait.ge [sflag:s22], $0x4000  }
0x37: {  	s26 =	simm.s32 $0x40;
	s24 =	simm.s32 $0x100;
	[sflag:s22] =	ssyncset.done $0x0  }
.LBB2_2:
0x38: {  	s28 =	sadd.s32 s25, s11  }
0x39: {  	[sflag:s22] =	ssyncadd.s32 $0xFFFFC000;
	s29 =	smov.u32 s26;
	s30 =	sadd.s32 $0x20, s26  }
0x3a: {  	[tilespmem:s14], [sflag:$0x5] =	stream.linear.gather [hbm4b:s28+s4], $0x80, $0x38;
	[tilespmem:$0x1D900] =	vst v63  }
0x3b: {  	p0 =	sne.s32 s26, $0x2E0;
	_ =	swait.ge [sflag:s13], $0x80  }
0x3c: {  	[sflag:s13] =	ssyncset.done $0x0  }
0x3d: {  	[sflag:s13] =	ssyncadd.s32 $0xFFFFFF80  }
0x3e: {  	[tilespmem:s16], [sflag:$0x1] =	stream.indirect.gather [hbm4b:s1+s15], $0x80, s24, s15, $0xb8;
	[tilespmem:$0x1D900] =	vst v63  }
0x3f: {  	s26 =	sadd.s32 s25, s10;
	s25 =	smov.u32 s29  }
0x40: {  	[tilespmem:s17], [sflag:$0x5] =	stream.linear.gather [hbm4b:s26+s4], $0x80, $0x38;
	[tilespmem:$0x1D900] =	vst v63  }
0x41: {  	_ =	swait.ge [sflag:s13], $0x80  }
0x42: {  	[sflag:s13] =	ssyncset.done $0x0  }
0x43: {  	s26 =	sadd.s32 $0x80, s24;
	[sflag:s13] =	ssyncadd.s32 $0xFFFFFF80  }
0x44: {  	[tilespmem:s18], [sflag:$0x2] =	stream.indirect.gather [hbm4b:s1+s15], $0x80, s26, s15, $0xb8;
	[tilespmem:$0x1D900] =	vst v63  }
0x45: {  	_ =	swait.ge [sflag:s19], $0x4000  }
0x46: {  	[sflag:s19] =	ssyncset.done $0x0  }
0x47: {  	[sflag:s19] =	ssyncadd.s32 $0xFFFFC000  }
0x48: {  	[spmem:s3] =	stream.indirect.scatter.add.f32 [tilespmem:s16], [sflag:$0x3], $0x80, s14, s15, $0xb8;
	[tilespmem:$0x1D900] =	vst v63  }
0x49: {  	_ =	swait.ge [sflag:s20], $0x4000  }
0x4a: {  	[sflag:s20] =	ssyncset.done $0x0  }
0x4b: {  	[sflag:s20] =	ssyncadd.s32 $0xFFFFC000  }
0x4c: {  	[spmem:s3] =	stream.indirect.scatter.add.f32 [tilespmem:s18], [sflag:$0x4], $0x80, s17, s15, $0xb8;
	[tilespmem:$0x1D900] =	vst v63  }
.Ltmp0:
0x4d: {  	_ =	swait.ge [sflag:s21], $0x4000;
	(pc) =	sbr.rel @p0 .LBB2_2-.Ltmp0, $4  }
0x4e: {  	[sflag:s21] =	ssyncset.done $0x0  }
0x4f: {  	[sflag:s21] =	ssyncadd.s32 $0xFFFFC000  }
0x50: {  	_ =	swait.ge [sflag:s22], $0x4000  }
0x51: {  	s24 =	sadd.s32 $0x100, s24;
	s26 =	smov.u32 s30;
	[sflag:s22] =	ssyncset.done $0x0  }
0x52: {  	s26 =	sadd.s32 s25, s11;
	[sflag:s22] =	ssyncadd.s32 $0xFFFFC000  }
0x53: {  	[tilespmem:s14], [sflag:$0x5] =	stream.linear.gather [hbm4b:s26+s4], $0x80, $0x38;
	[tilespmem:$0x1D900] =	vst v63  }
0x54: {  	_ =	swait.ge [sflag:s13], $0x80  }
0x55: {  	[sflag:s13] =	ssyncset.done $0x0  }
0x56: {  	[sflag:s13] =	ssyncadd.s32 $0xFFFFFF80  }
0x57: {  	[tilespmem:s16], [sflag:$0x1] =	stream.indirect.gather [hbm4b:s1+s15], $0x80, s24, s15, $0xb8;
	[tilespmem:$0x1D900] =	vst v63  }
0x58: {  	s30 =	sadd.s32 s25, s10  }
0x59: {  	[tilespmem:s17], [sflag:$0x5] =	stream.linear.gather [hbm4b:s30+s4], $0x80, $0x38;
	[tilespmem:$0x1D900] =	vst v63  }
0x5a: {  	_ =	swait.ge [sflag:s13], $0x80  }
0x5b: {  	[sflag:s13] =	ssyncset.done $0x0  }
0x5c: {  	s31 =	sadd.s32 $0x80, s24;
	[sflag:s13] =	ssyncadd.s32 $0xFFFFFF80  }
0x5d: {  	[tilespmem:s18], [sflag:$0x2] =	stream.indirect.gather [hbm4b:s1+s15], $0x80, s31, s15, $0xb8;
	[tilespmem:$0x1D900] =	vst v63  }
0x5e: {  	_ =	swait.ge [sflag:s19], $0x4000  }
0x5f: {  	[sflag:s19] =	ssyncset.done $0x0  }
0x60: {  	[sflag:s19] =	ssyncadd.s32 $0xFFFFC000  }
0x61: {  	[spmem:s3] =	stream.indirect.scatter.add.f32 [tilespmem:s16], [sflag:$0x3], $0x80, s14, s15, $0xb8;
	[tilespmem:$0x1D900] =	vst v63  }
0x62: {  	_ =	swait.ge [sflag:s20], $0x4000  }
0x63: {  	[sflag:s20] =	ssyncset.done $0x0  }
0x64: {  	[sflag:s20] =	ssyncadd.s32 $0xFFFFC000  }
0x65: {  	[spmem:s3] =	stream.indirect.scatter.add.f32 [tilespmem:s18], [sflag:$0x4], $0x80, s17, s15, $0xb8;
	[tilespmem:$0x1D900] =	vst v63  }
0x66: {  	_ =	swait.ge [sflag:s21], $0x4000  }
0x67: {  	[sflag:s21] =	ssyncset.done $0x0  }
0x68: {  	[sflag:s21] =	ssyncadd.s32 $0xFFFFC000  }
0x69: {  	_ =	swait.ge [sflag:s22], $0x4000  }
0x6a: {  	s23 =	sadd.s32 $0x1, s23;
	[sflag:s22] =	ssyncset.done $0x0  }
0x6b: {  	p0 =	sne.s32 s23, s9;
	[sflag:s22] =	ssyncadd.s32 $0xFFFFC000  }
.Ltmp1:
0x6c: {  	[bflag:$0x0] =	sbarrier.arrive $0xFFFF;
	(pc) =	sbr.rel @p0 .LBB2_1-.Ltmp1, $4  }
0x6d: {  	[hbm:s8], [sflag:s6] =	dma.local [spmem:s12], $0x2800  }
0x6e: {  	_ =	swait.ge [sflag:s13], $0x2800  }
0x6f: {  	[sflag:s13] =	ssyncset.done $0x0  }
0x70: {  	[sflag:s13] =	ssyncadd.s32 $0xFFFFD800  }
0x71: {  	_ =	sfence.sel $0x180000  }
0x72: {  	[bflag:$0x0] =	sbarrier.arrive $0xFFFF  }
0x73: {  	p0 =	sne.s32 s2, $0x0;
	_ =	strace $0x90000050  }
0x74: {  	s0 =	sadd.s32 @!p0 $0x100000, s0;
	[bflag:$0x2] =	sbarrier.arrive $0xFFFF  }
0x75: {  	[sflag:s0] =	ssyncadd.tile.s32 @!p0 $0x1;
	_ =	shalt  }
.Lfunc_end2:
_tile_overlayer_lowered:
.L_overlay_start_2:
0x76: {  	(tag) =	ssettag $0x2  }
0x77: {  	s0 =	rddreg [dreg:$0x0];
	s2 =	stileid.u32  }
0x78: {  	s1 =	rddreg [dreg:$0x1];
	p0 =	sne.s32 s2, $0x0  }
0x79: {  	s3 =	rddreg [dreg:$0x2];
	[bflag:$0x3] =	sbarrier.arrive $0xFFFF;
	s2 =	simm.s32 @!p0 $0x1C05  }
0x7a: {  	[timem:s3], [sflag:s2] =	dma.local @!p0 [hbm:s0], s1  }
0x7b: {  	s0 =	simm.s32 @!p0 $0x5  }
0x7c: {  	_ =	swait.ge @!p0 [sflag:s0], s1  }
0x7d: {  	s1 =	ssub.s32 @!p0 $0x0, s1;
	[sflag:s0] =	ssyncset.done @!p0 $0x0  }
0x7e: {  	[sflag:s0] =	ssyncadd.s32 @!p0 s1  }
0x7f: {  	[bflag:$0x3] =	sbarrier.arrive $0xFFFF  }
0x80: {  	_ =	shalt  }

// kernel: kernel.32.cloned.1.call-start
scs
__scs_entry_jumppad:
0x0: {  	(pc) =	sbr.rel $0x88, $3  }
0x1: {  	(tag) =	ssettag $0x0;
	lr =	simm.s32 $0x1  }
0x2: {  	[smem:$0x3F8F] =	sst lr;
	_ =	strace $0xD0000000  }
0x3: {  	_ = 	snop  }
0x4: {  	_ = 	snop  }
0x5: {  	_ = 	snop  }
0x6: {  	_ = 	snop  }
0x7: {  	_ = 	snop  }
__scs_overlays_trampoline_lowered:
0x8: {  	[smem:$0x3F9E] =	sst s0  }
0x9: {  	[smem:$0x3F9F] =	sst s1  }
0xa: {  	[smem:$0x3FA0] =	sst s2  }
0xb: {  	[smem:$0x3FA1] =	sst s3  }
0xc: {  	[smem:$0x3FA2] =	sst s4  }
0xd: {  	[smem:$0x3FA3] =	sst s5  }
0xe: {  	[smem:$0x3FA4] =	sst s6  }
0xf: {  	[smem:$0x3FA5] =	sst s7  }
0x10: {  	[smem:$0x3FA6] =	sst s8  }
0x11: {  	[smem:$0x3FA7] =	sst s9;
	s0 =	simm.s32 @!p0 $0x0  }
0x12: {  	s1 =	sld [smem:$0x3F8D];
	s0 =	simm.s32 @p0 $0x1  }
0x13: {  	[smem:$0x3FA8] =	sst s0;
	s0 =	simm.s32 @!p1 $0x0  }
0x14: {  	s2 =	sld [smem:$0x3F8C];
	s0 =	simm.s32 @p1 $0x1  }
0x15: {  	[smem:$0x3FA9] =	sst s0;
	s0 =	simm.s32 @!p2 $0x0  }
0x16: {  	s3 =	sld [smem:$0x3FDB];
	s0 =	simm.s32 @p2 $0x1  }
0x17: {  	s4 =	simm.s32 $0x1BF5;
	[smem:$0x3FAB] =	sst s0  }
0x18: {  	s0 =	sld [smem:$0x3F8E];
	_ =	swait.ge [sflag:s4], $0x0  }
0x19: {  	s7 =	sld [smem:$0x3F8F]  }
0x1a: {  	s8 =	sadd.s32 $0xFFFFE003, lr  }
0x1b: {  	s9 =	sadd.s32 $0xFFFFFEF7, lr;
	s5 =	simm.s32 $0xFFFFFFFF;
	p2 =	slt.u32 s8, $0xFFFFF086  }
0x1c: {  	p1 =	slt.u32 s9, $0xF7A;
	s5 =	simm.s32 @!p2 $0x0  }
0x1d: {  	s5 =	simm.s32 @p1 $0x1;
	p0 =	seq.s32 s7, s2  }
0x1e: {  	s7 =	smul.u32 @!p0 $0xF7A, s2;
	p2 =	seq.s32 @!p0 s5, $0x0  }
0x1f: {  	s9 =	smul.u32 $0xF7A, s1;
	s8 =	simm.s32 @!p0 $0x1BF5;
	p2 =	por !p2, p0  }
0x20: {  	[sflag:s8] =	ssyncset.s32 @!p0 $0xFFFFF086;
	s6 =	sadd.s32 @!p0 s3, s7;
	s7 =	simm.s32 @!p0 $0x108  }
0x21: {  	s3 =	sadd.s32 s3, s9;
	s6 =	sadd.s32 @!p0 $0x88, s6;
	s7 =	simm.s32 @p2 $0x1082  }
0x22: {  	[simem:s7], [sflag:s8] =	dma.local @!p0 [hbm:s6], $0xF7A  }
0x23: {  	s9 =	sor.u32 $0xD0000000, s2;
	s6 =	simm.s32 $0x108;
	_ =	swait.ge @!p0 [sflag:s8], $0x0  }
0x24: {  	s3 =	sadd.s32 $0x88, s3;
	s6 =	simm.s32 @!p1 $0x1082;
	[sflag:s4] =	ssyncset.s32 $0xFFFFF086  }
0x25: {  	[simem:s6], [sflag:s4] =	dma.local [hbm:s3], $0xF7A  }
0x26: {  	[smem:$0x3F8F] =	sst s1;
	(tag) =	ssettag s2;
	_ =	strace s9  }
0x27: {  	s1 =	sld [smem:$0x3F9F]  }
0x28: {  	s2 =	sld [smem:$0x3FA0]  }
0x29: {  	s4 =	sld [smem:$0x3FA2]  }
0x2a: {  	p0 =	seq.s32 s5, $0x0;
	s5 =	sld [smem:$0x3FA3]  }
0x2b: {  	s6 =	sld [smem:$0x3FA4]  }
0x2c: {  	s7 =	sld [smem:$0x3FA5]  }
0x2d: {  	s3 =	simm.s32 $0x108;
	s8 =	sld [smem:$0x3FA6]  }
0x2e: {  	s3 =	simm.s32 @!p0 $0x1082;
	s9 =	sld [smem:$0x3FA7]  }
0x2f: {  	lr =	sadd.s32 s0, s3;
	s0 =	sld [smem:$0x3F9E]  }
0x30: {  	s3 =	sld [smem:$0x3FA1]  }
0x31: {  	[smem:$0x3FAA] =	sst s10  }
0x32: {  	s10 =	sld [smem:$0x3FA8];
	_ =	sdelay $0x3  }
0x33: {  	p0 =	seq.s32 s10, $0x1;
	s10 =	sld [smem:$0x3FAA];
	_ =	sdelay $0x3  }
0x34: {  	[smem:$0x3FAA] =	sst s10  }
0x35: {  	s10 =	sld [smem:$0x3FA9];
	_ =	sdelay $0x3  }
0x36: {  	p1 =	seq.s32 s10, $0x1;
	s10 =	sld [smem:$0x3FAA];
	_ =	sdelay $0x3  }
0x37: {  	[smem:$0x3FAA] =	sst s10  }
0x38: {  	s10 =	sld [smem:$0x3FAB]  }
0x39: {  	_ = 	snop;
	(pc) =	sbr.ind lr, $3  }
0x3a: {  	_ = 	snop  }
0x3b: {  	_ = 	snop  }
0x3c: {  	p2 =	seq.s32 s10, $0x1;
	s10 =	sld [smem:$0x3FAA]  }
0x3d: {  	_ =	shalt  }
0x3e: {  	_ =	shalt  }
0x3f: {  	_ =	shalt  }
0x40: {  	_ =	shalt  }
0x41: {  	_ =	shalt  }
0x42: {  	_ =	shalt  }
0x43: {  	_ =	shalt  }
0x44: {  	_ =	shalt  }
0x45: {  	_ =	shalt  }
0x46: {  	_ =	shalt  }
0x47: {  	_ =	shalt  }
0x48: {  	_ =	shalt  }
0x49: {  	_ =	shalt  }
0x4a: {  	_ =	shalt  }
0x4b: {  	_ =	shalt  }
0x4c: {  	_ =	shalt  }
0x4d: {  	_ =	shalt  }
0x4e: {  	_ =	shalt  }
0x4f: {  	_ =	shalt  }
0x50: {  	_ =	shalt  }
0x51: {  	_ =	shalt  }
0x52: {  	_ =	shalt  }
0x53: {  	_ =	shalt  }
0x54: {  	_ =	shalt  }
0x55: {  	_ =	shalt  }
0x56: {  	_ =	shalt  }
0x57: {  	_ =	shalt  }
0x58: {  	_ =	shalt  }
0x59: {  	_ =	shalt  }
0x5a: {  	_ =	shalt  }
0x5b: {  	_ =	shalt  }
0x5c: {  	_ =	shalt  }
0x5d: {  	_ =	shalt  }
0x5e: {  	_ =	shalt  }
0x5f: {  	_ =	shalt  }
0x60: {  	_ =	shalt  }
0x61: {  	_ =	shalt  }
0x62: {  	_ =	shalt  }
0x63: {  	_ =	shalt  }
0x64: {  	_ =	shalt  }
0x65: {  	_ =	shalt  }
0x66: {  	_ =	shalt  }
0x67: {  	_ =	shalt  }
0x68: {  	_ =	shalt  }
0x69: {  	_ =	shalt  }
0x6a: {  	_ =	shalt  }
0x6b: {  	_ =	shalt  }
0x6c: {  	_ =	shalt  }
0x6d: {  	_ =	shalt  }
0x6e: {  	_ =	shalt  }
0x6f: {  	_ =	shalt  }
0x70: {  	_ =	shalt  }
0x71: {  	_ =	shalt  }
0x72: {  	_ =	shalt  }
0x73: {  	_ =	shalt  }
0x74: {  	_ =	shalt  }
0x75: {  	_ =	shalt  }
0x76: {  	_ =	shalt  }
0x77: {  	_ =	shalt  }
0x78: {  	_ =	shalt  }
0x79: {  	_ =	shalt  }
0x7a: {  	_ =	shalt  }
0x7b: {  	_ =	shalt  }
0x7c: {  	_ =	shalt  }
0x7d: {  	_ =	shalt  }
0x7e: {  	_ =	shalt  }
0x7f: {  	_ =	shalt  }
0x80: {  	_ =	shalt  }
0x81: {  	_ =	shalt  }
0x82: {  	_ =	shalt  }
0x83: {  	_ =	shalt  }
0x84: {  	_ =	shalt  }
0x85: {  	_ =	shalt  }
0x86: {  	_ =	shalt  }
0x87: {  	_ =	shalt  }
.Lfunc_end0:
.L_simem_size_0:
called_computation.4_lowered:
.L_overlay_start_0:
0x88: {  	s2 =	sld [smem:$0x3FD9]  }
0x89: {  	s3 =	sld [smem:$0x3FFE];
	_ =	sdelay $0x1  }
0x8a: {  	s1 =	srdreg.scid  }
0x8b: {  	s0 =	sand.u32 $0x1, s1  }
0x8c: {  	s14 =	sshll.u32 s0, $0xA;
	s2 =	sadd.s32 s3, s2  }
0x8d: {  	s2 =	sadd.s32 s2, s14  }
0x8e: {  	[smem:$0x3FB6] =	sst s2  }
0x8f: {  	_ = 	snop  }
0x90: {  	s2 =	sld [smem:$0x3FD0];
	_ =	sdelay $0x2  }
0x91: {  	s15 =	simm.s32 $0xA;
	s4 =	simm.s32 $0x10  }
0x92: {  	[smem:s4], [sflag:s15] =	dma.local [hbm:s2], $0x1  }
0x93: {  	_ =	swait.eq [sflag:s15], $0x1  }
0x94: {  	s16 =	sld [smem:$0x13];
	[sflag:s15] =	ssyncset.done $0x0  }
0x95: {  	s17 =	sld [smem:$0x16];
	[sflag:s15] =	ssyncadd.s32 $0xFFFFFFFF  }
0x96: {  	s18 =	sld [smem:$0x17];
	(tm) =	ssettm $0x1  }
0x97: {  	s5 =	sld [smem:$0x3FFB];
	_ =	sdelay $0x3  }
0x98: {  	_ =	strace s5  }
0x99: {  	s5 =	sld [smem:$0x3FFC];
	_ =	sdelay $0x3  }
0x9a: {  	_ =	strace s5  }
0x9b: {  	s5 =	sld [smem:$0x3FFD];
	_ =	sdelay $0x3  }
0x9c: {  	_ =	strace s5  }
0x9d: {  	_ =	strace $0x8FFFFFFF  }
0x9e: {  	s19 =	sld [smem:$0x3FDB];
	_ =	sdelay $0x1  }
0x9f: {  	s6 =	simm.s32 $_scs_section_size  }
0xa0: {  	s7 =	simm.s32 $_size__tile_overlayer_lowered;
	s8 =	simm.s32 $_tile_overlayer_lowered  }
0xa1: {  	s22 =	simm.s32 $0x1BFF;
	s21 =	sshll.u32 s8, $0x1;
	s5 =	sadd.s32 s6, s19  }
0xa2: {  	s9 =	simm.s32 $0x0;
	s20 =	sshll.u32 s7, $0x1;
	s7 =	sadd.s32 s21, s5  }
0xa3: {  	[timem:s9], [sflag:s22] =	dma.local [hbm:s7], s20  }
0xa4: {  	_ =	swait.ge [sflag:s22], s20  }
0xa5: {  	s6 =	ssub.s32 $0x0, s20;
	[sflag:s22] =	ssyncset.done $0x0  }
0xa6: {  	[sflag:s22] =	ssyncadd.s32 s6;
	_ =	sdelay $0x1  }
0xa7: {  	s23 =	simm.s32 $0x1B8B  }
0xa8: {  	_ =	swait.ge [sflag:s23], $0x1  }
0xa9: {  	[sflag:s23] =	ssyncset.done $0x0  }
0xaa: {  	s25 =	simm.s32 $0x1B8E;
	s24 =	sld [smem:$0x3FFE];
	[sflag:s23] =	ssyncadd.s32 $0xFFFFFFFF  }
0xab: {  	s26 =	simm.s32 $execute0_lowered;
	[smem:$0x3FD2] =	sst s25  }
0xac: {  	s7 =	sshll.u32 s26, $0x1;
	_ =	strace $0x80000052;
	[dreg:$0x1] =	wrdreg $0xFFFFFFFF  }
0xad: {  	s28 =	simm.s32 $_size_execute0_lowered;
	s5 =	sadd.s32 s5, s7;
	[dreg:$0x0] =	wrdreg $0x0  }
0xae: {  	s7 =	sshll.u32 s28, $0x1;
	[dreg:$0x2] =	wrdreg s5  }
0xaf: {  	[dreg:$0x3] =	wrdreg s7  }
0xb0: {  	[dreg:$0x4] =	wrdreg $0xC0  }
0xb1: {  	_ =	task [dreg:s9], $0x5FFFF  }
0xb2: {  	[dreg:$0x1] =	wrdreg $0xFFFFFFFF  }
0xb3: {  	[dreg:$0x0] =	wrdreg $0x60  }
0xb4: {  	[dreg:$0x2] =	wrdreg s18  }
0xb5: {  	[dreg:$0x3] =	wrdreg s17  }
0xb6: {  	[dreg:$0x4] =	wrdreg s16  }
0xb7: {  	[dreg:$0x5] =	wrdreg s24  }
0xb8: {  	[dreg:$0x6] =	wrdreg $0x99000  }
0xb9: {  	[dreg:$0x7] =	wrdreg $0x9  }
0xba: {  	_ =	task.clear_ibuf [dreg:s9], $0x8FFFF;
	_ =	strace $0x90000052  }
0xbb: {  	s29 =	simm.s32 $0x9;
	_ =	strace $0x80000054  }
0xbc: {  	_ =	swait.ge [sflag:s29], $0x1  }
0xbd: {  	[sflag:s29] =	ssyncadd.s32 $0xFFFFFFFF  }
0xbe: {  	_ =	strace $0x90000054  }
0xbf: {  	_ =	sfence  }
0xc0: {  	s30 =	sld [smem:$0x0];
	_ =	sdelay $0x2  }
0xc1: {  	s31 =	sshll.u32 s1, $0xD;
	s1 =	sshrl.u32 s1, $0x2  }
0xc2: {  	s3 =	sand.u32 $0x4000, s31;
	s1 =	sadd.s32 s1, s30  }
0xc3: {  	s0 =	sor.u32 s3, s0;
	s1 =	sshll.u32 s1, $0x11  }
0xc4: {  	s0 =	sor.u32 s1, s0  }
0xc5: {  	s0 =	sadd.s32 $0x8F2B, s0  }
0xc6: {  	[sflag:s0] =	ssyncadd.remote.s32 $0x1  }
0xc7: {  	_ =	sfence.sel $0xFFFF  }
0xc8: {  	[dreg:$0x0] =	wrdreg $0xFFFFFFFF;
	(pc) =	sbr.abs _section_cstart, $3  }
0xc9: {  	[dreg:$0x1] =	wrdreg $0xFFFFFFFF  }
0xca: {  	_ =	task.clear_ibuf [dreg:s9], $0x2FFFF;
	_ =	strace $0x9FFFFFFF  }
0xcb: {  	(tm) =	ssettm $0x7FFFFFFF  }
tec
execute0_lowered:
.L_overlay_start_1:
0x0: {  	(tag) =	ssettag $0x1  }
0x1: {  	s1 =	rddreg [dreg:$0x0]  }
0x2: {  	s7 =	rddreg [dreg:$0x1]  }
0x3: {  	s11 =	rddreg [dreg:$0x2]  }
0x4: {  	s6 =	rddreg [dreg:$0x3]  }
0x5: {  	s3 =	rddreg [dreg:$0x4]  }
0x6: {  	s0 =	rddreg [dreg:$0x5]  }
0x7: {  	s5 =	srdreg.scid;
	s2 =	stileid.u32  }
0x8: {  	s4 =	simm.s32 $0x0;
	s16 =	simm.s32 $0x1900;
	s17 =	simm.s32 $0x1880  }
0x9: {  	s18 =	simm.s32 $0x5900;
	s19 =	simm.s32 $0x1;
	s20 =	simm.s32 $0x2  }
0xa: {  	s21 =	simm.s32 $0x3;
	s22 =	simm.s32 $0x4;
	s9 =	smul.u32 $0x280, s2  }
0xb: {  	s23 =	simm.s32 $0x0;
	s8 =	sand.u32 $0x1, s5;
	s13 =	smul.u32 $0x50000, s2  }
0xc: {  	[smem:$0x7FF] =	sst s4;
	s26 =	sshll.u32 s2, $0x1;
	s14 =	smul.u32 $0x3000, s2  }
0xd: {  	s5 =	sadd.s32 $0x94600, s6;
	s30 =	sshll.u32 s2, $0x6;
	s10 =	smul.u32 $0x2800, s8  }
0xe: {  	s12 =	sor.u32 s8, s26;
	s29 =	ssub.s32 $0x2, s8;
	s8 =	smul.u32 $0x1800, s8  }
0xf: {  	_ =	strace $0x80000053;
	s28 =	smul.u32 $0x1800, s12;
	s15 =	sshrl.u32 s29, $0x1  }
0x10: {  	s13 =	sshrl.u32 s13, $0x2;
	s9 =	sadd.s32 s9, s10;
	s12 =	ssub.s32 s29, s15  }
0x11: {  	s13 =	sadd.s32 s13, s3;
	s14 =	sadd.s32 s8, s14;
	s15 =	simm.s32 $0x80  }
0x12: {  	s9 =	sshll.u32 s9, $0x4;
	s10 =	sshrl.u32 s28, $0x3;
	s31 =	sor.u32 $0x80, s14  }
0x13: {  	s14 =	sshrl.u32 s14, $0x3;
	s9 =	sadd.s32 s9, s6;
	s6 =	sor.u32 $0x1C05, s30  }
0x14: {  	s7 =	sadd.s32 s7, s10;
	s10 =	sshrl.u32 s31, $0x3;
	s8 =	sadd.s32 $0x96E00, s9  }
0x15: {  	s9 =	smax.u32 s12, $0x1;
	s10 =	sadd.s32 s10, s11;
	s11 =	sadd.s32 s14, s11  }
0x16: {  	s12 =	sshrl.u32 s13, $0x3;
	s13 =	simm.s32 $0x5;
	s14 =	simm.s32 $0x1800  }
.LBB2_1:
0x17: {  	[spmem:s12], [sflag:s6] =	dma.local [hbm:s5], $0x2800  }
0x18: {  	_ =	swait.ge [sflag:s13], $0x2800  }
0x19: {  	[sflag:s13] =	ssyncset.done $0x0  }
0x1a: {  	[sflag:s13] =	ssyncadd.s32 $0xFFFFD800  }
0x1b: {  	[tilespmem:s4], [sflag:$0x5] =	stream.linear.gather [hbm4b:s7+s4], $0x1800, $0x38;
	[tilespmem:$0x1D900] =	vst v63  }
0x1c: {  	_ =	swait.ge [sflag:s13], $0x1800  }
0x1d: {  	[sflag:s13] =	ssyncset.done $0x0  }
0x1e: {  	[sflag:s13] =	ssyncadd.s32 $0xFFFFE800  }
0x1f: {  	s24 =	sadd.s32 $0x0, s11;
	[bflag:$0x0] =	sbarrier.arrive $0xFFFF  }
0x20: {  	[tilespmem:s14], [sflag:$0x5] =	stream.linear.gather [hbm4b:s24+s4], $0x80, $0x38;
	[tilespmem:$0x1D900] =	vst v63  }
0x21: {  	_ =	swait.ge [sflag:s13], $0x80  }
0x22: {  	[sflag:s13] =	ssyncset.done $0x0  }
0x23: {  	[sflag:s13] =	ssyncadd.s32 $0xFFFFFF80  }
0x24: {  	[tilespmem:s16], [sflag:$0x1] =	stream.indirect.gather [hbm4b:s1+s15], $0x80, s4, s15, $0xb8;
	[tilespmem:$0x1D900] =	vst v63  }
0x25: {  	s30 =	sadd.s32 $0x0, s10  }
0x26: {  	[tilespmem:s17], [sflag:$0x5] =	stream.linear.gather [hbm4b:s30+s4], $0x80, $0x38;
	[tilespmem:$0x1D900] =	vst v63  }
0x27: {  	_ =	swait.ge [sflag:s13], $0x80  }
0x28: {  	[sflag:s13] =	ssyncset.done $0x0  }
0x29: {  	s31 =	simm.s32 $0x80;
	[sflag:s13] =	ssyncadd.s32 $0xFFFFFF80  }
0x2a: {  	[tilespmem:s18], [sflag:$0x2] =	stream.indirect.gather [hbm4b:s1+s15], $0x80, s31, s15, $0xb8;
	[tilespmem:$0x1D900] =	vst v63  }
0x2b: {  	_ =	swait.ge [sflag:s19], $0x4000  }
0x2c: {  	[sflag:s19] =	ssyncset.done $0x0  }
0x2d: {  	[sflag:s19] =	ssyncadd.s32 $0xFFFFC000  }
0x2e: {  	[spmem:s3] =	stream.indirect.scatter.add.f32 [tilespmem:s16], [sflag:$0x3], $0x80, s14, s15, $0xb8;
	[tilespmem:$0x1D900] =	vst v63  }
0x2f: {  	_ =	swait.ge [sflag:s20], $0x4000  }
0x30: {  	[sflag:s20] =	ssyncset.done $0x0  }
0x31: {  	[sflag:s20] =	ssyncadd.s32 $0xFFFFC000  }
0x32: {  	[spmem:s3] =	stream.indirect.scatter.add.f32 [tilespmem:s18], [sflag:$0x4], $0x80, s17, s15, $0xb8;
	[tilespmem:$0x1D900] =	vst v63  }
0x33: {  	_ =	swait.ge [sflag:s21], $0x4000  }
0x34: {  	[sflag:s21] =	ssyncset.done $0x0  }
0x35: {  	[sflag:s21] =	ssyncadd.s32 $0xFFFFC000  }
0x36: {  	s25 =	simm.s32 $0x20;
	_ =	swait.ge [sflag:s22], $0x4000  }
0x37: {  	s26 =	simm.s32 $0x40;
	s24 =	simm.s32 $0x100;
	[sflag:s22] =	ssyncset.done $0x0  }
.LBB2_2:
0x38: {  	s28 =	sadd.s32 s25, s11  }
0x39: {  	[sflag:s22] =	ssyncadd.s32 $0xFFFFC000;
	s29 =	smov.u32 s26;
	s30 =	sadd.s32 $0x20, s26  }
0x3a: {  	[tilespmem:s14], [sflag:$0x5] =	stream.linear.gather [hbm4b:s28+s4], $0x80, $0x38;
	[tilespmem:$0x1D900] =	vst v63  }
0x3b: {  	p0 =	sne.s32 s26, $0x2E0;
	_ =	swait.ge [sflag:s13], $0x80  }
0x3c: {  	[sflag:s13] =	ssyncset.done $0x0  }
0x3d: {  	[sflag:s13] =	ssyncadd.s32 $0xFFFFFF80  }
0x3e: {  	[tilespmem:s16], [sflag:$0x1] =	stream.indirect.gather [hbm4b:s1+s15], $0x80, s24, s15, $0xb8;
	[tilespmem:$0x1D900] =	vst v63  }
0x3f: {  	s26 =	sadd.s32 s25, s10;
	s25 =	smov.u32 s29  }
0x40: {  	[tilespmem:s17], [sflag:$0x5] =	stream.linear.gather [hbm4b:s26+s4], $0x80, $0x38;
	[tilespmem:$0x1D900] =	vst v63  }
0x41: {  	_ =	swait.ge [sflag:s13], $0x80  }
0x42: {  	[sflag:s13] =	ssyncset.done $0x0  }
0x43: {  	s26 =	sadd.s32 $0x80, s24;
	[sflag:s13] =	ssyncadd.s32 $0xFFFFFF80  }
0x44: {  	[tilespmem:s18], [sflag:$0x2] =	stream.indirect.gather [hbm4b:s1+s15], $0x80, s26, s15, $0xb8;
	[tilespmem:$0x1D900] =	vst v63  }
0x45: {  	_ =	swait.ge [sflag:s19], $0x4000  }
0x46: {  	[sflag:s19] =	ssyncset.done $0x0  }
0x47: {  	[sflag:s19] =	ssyncadd.s32 $0xFFFFC000  }
0x48: {  	[spmem:s3] =	stream.indirect.scatter.add.f32 [tilespmem:s16], [sflag:$0x3], $0x80, s14, s15, $0xb8;
	[tilespmem:$0x1D900] =	vst v63  }
0x49: {  	_ =	swait.ge [sflag:s20], $0x4000  }
0x4a: {  	[sflag:s20] =	ssyncset.done $0x0  }
0x4b: {  	[sflag:s20] =	ssyncadd.s32 $0xFFFFC000  }
0x4c: {  	[spmem:s3] =	stream.indirect.scatter.add.f32 [tilespmem:s18], [sflag:$0x4], $0x80, s17, s15, $0xb8;
	[tilespmem:$0x1D900] =	vst v63  }
.Ltmp0:
0x4d: {  	_ =	swait.ge [sflag:s21], $0x4000;
	(pc) =	sbr.rel @p0 .LBB2_2-.Ltmp0, $4  }
0x4e: {  	[sflag:s21] =	ssyncset.done $0x0  }
0x4f: {  	[sflag:s21] =	ssyncadd.s32 $0xFFFFC000  }
0x50: {  	_ =	swait.ge [sflag:s22], $0x4000  }
0x51: {  	s24 =	sadd.s32 $0x100, s24;
	s26 =	smov.u32 s30;
	[sflag:s22] =	ssyncset.done $0x0  }
0x52: {  	s26 =	sadd.s32 s25, s11;
	[sflag:s22] =	ssyncadd.s32 $0xFFFFC000  }
0x53: {  	[tilespmem:s14], [sflag:$0x5] =	stream.linear.gather [hbm4b:s26+s4], $0x80, $0x38;
	[tilespmem:$0x1D900] =	vst v63  }
0x54: {  	_ =	swait.ge [sflag:s13], $0x80  }
0x55: {  	[sflag:s13] =	ssyncset.done $0x0  }
0x56: {  	[sflag:s13] =	ssyncadd.s32 $0xFFFFFF80  }
0x57: {  	[tilespmem:s16], [sflag:$0x1] =	stream.indirect.gather [hbm4b:s1+s15], $0x80, s24, s15, $0xb8;
	[tilespmem:$0x1D900] =	vst v63  }
0x58: {  	s30 =	sadd.s32 s25, s10  }
0x59: {  	[tilespmem:s17], [sflag:$0x5] =	stream.linear.gather [hbm4b:s30+s4], $0x80, $0x38;
	[tilespmem:$0x1D900] =	vst v63  }
0x5a: {  	_ =	swait.ge [sflag:s13], $0x80  }
0x5b: {  	[sflag:s13] =	ssyncset.done $0x0  }
0x5c: {  	s31 =	sadd.s32 $0x80, s24;
	[sflag:s13] =	ssyncadd.s32 $0xFFFFFF80  }
0x5d: {  	[tilespmem:s18], [sflag:$0x2] =	stream.indirect.gather [hbm4b:s1+s15], $0x80, s31, s15, $0xb8;
	[tilespmem:$0x1D900] =	vst v63  }
0x5e: {  	_ =	swait.ge [sflag:s19], $0x4000  }
0x5f: {  	[sflag:s19] =	ssyncset.done $0x0  }
0x60: {  	[sflag:s19] =	ssyncadd.s32 $0xFFFFC000  }
0x61: {  	[spmem:s3] =	stream.indirect.scatter.add.f32 [tilespmem:s16], [sflag:$0x3], $0x80, s14, s15, $0xb8;
	[tilespmem:$0x1D900] =	vst v63  }
0x62: {  	_ =	swait.ge [sflag:s20], $0x4000  }
0x63: {  	[sflag:s20] =	ssyncset.done $0x0  }
0x64: {  	[sflag:s20] =	ssyncadd.s32 $0xFFFFC000  }
0x65: {  	[spmem:s3] =	stream.indirect.scatter.add.f32 [tilespmem:s18], [sflag:$0x4], $0x80, s17, s15, $0xb8;
	[tilespmem:$0x1D900] =	vst v63  }
0x66: {  	_ =	swait.ge [sflag:s21], $0x4000  }
0x67: {  	[sflag:s21] =	ssyncset.done $0x0  }
0x68: {  	[sflag:s21] =	ssyncadd.s32 $0xFFFFC000  }
0x69: {  	_ =	swait.ge [sflag:s22], $0x4000  }
0x6a: {  	s23 =	sadd.s32 $0x1, s23;
	[sflag:s22] =	ssyncset.done $0x0  }
0x6b: {  	p0 =	sne.s32 s23, s9;
	[sflag:s22] =	ssyncadd.s32 $0xFFFFC000  }
.Ltmp1:
0x6c: {  	[bflag:$0x0] =	sbarrier.arrive $0xFFFF;
	(pc) =	sbr.rel @p0 .LBB2_1-.Ltmp1, $4  }
0x6d: {  	[hbm:s8], [sflag:s6] =	dma.local [spmem:s12], $0x2800  }
0x6e: {  	_ =	swait.ge [sflag:s13], $0x2800  }
0x6f: {  	[sflag:s13] =	ssyncset.done $0x0  }
0x70: {  	[sflag:s13] =	ssyncadd.s32 $0xFFFFD800  }
0x71: {  	_ =	sfence.sel $0x180000  }
0x72: {  	[bflag:$0x0] =	sbarrier.arrive $0xFFFF  }
0x73: {  	p0 =	sne.s32 s2, $0x0;
	_ =	strace $0x90000053  }
0x74: {  	s0 =	sadd.s32 @!p0 $0x100000, s0;
	[bflag:$0x2] =	sbarrier.arrive $0xFFFF  }
0x75: {  	[sflag:s0] =	ssyncadd.tile.s32 @!p0 $0x1;
	_ =	shalt  }
.Lfunc_end2:
_tile_overlayer_lowered:
.L_overlay_start_2:
0x76: {  	(tag) =	ssettag $0x2  }
0x77: {  	s0 =	rddreg [dreg:$0x0];
	s2 =	stileid.u32  }
0x78: {  	s1 =	rddreg [dreg:$0x1];
	p0 =	sne.s32 s2, $0x0  }
0x79: {  	s3 =	rddreg [dreg:$0x2];
	[bflag:$0x3] =	sbarrier.arrive $0xFFFF;
	s2 =	simm.s32 @!p0 $0x1C05  }
0x7a: {  	[timem:s3], [sflag:s2] =	dma.local @!p0 [hbm:s0], s1  }
0x7b: {  	s0 =	simm.s32 @!p0 $0x5  }
0x7c: {  	_ =	swait.ge @!p0 [sflag:s0], s1  }
0x7d: {  	s1 =	ssub.s32 @!p0 $0x0, s1;
	[sflag:s0] =	ssyncset.done @!p0 $0x0  }
0x7e: {  	[sflag:s0] =	ssyncadd.s32 @!p0 s1  }
0x7f: {  	[bflag:$0x3] =	sbarrier.arrive $0xFFFF  }
0x80: {  	_ =	shalt  }

// kernel: kernel.35.cloned.1.call-start
scs
__scs_entry_jumppad:
0x0: {  	(pc) =	sbr.rel $0x88, $3  }
0x1: {  	(tag) =	ssettag $0x0;
	lr =	simm.s32 $0x1  }
0x2: {  	[smem:$0x3F8F] =	sst lr;
	_ =	strace $0xD0000000  }
0x3: {  	_ = 	snop  }
0x4: {  	_ = 	snop  }
0x5: {  	_ = 	snop  }
0x6: {  	_ = 	snop  }
0x7: {  	_ = 	snop  }
__scs_overlays_trampoline_lowered:
0x8: {  	[smem:$0x3F9E] =	sst s0  }
0x9: {  	[smem:$0x3F9F] =	sst s1  }
0xa: {  	[smem:$0x3FA0] =	sst s2  }
0xb: {  	[smem:$0x3FA1] =	sst s3  }
0xc: {  	[smem:$0x3FA2] =	sst s4  }
0xd: {  	[smem:$0x3FA3] =	sst s5  }
0xe: {  	[smem:$0x3FA4] =	sst s6  }
0xf: {  	[smem:$0x3FA5] =	sst s7  }
0x10: {  	[smem:$0x3FA6] =	sst s8  }
0x11: {  	[smem:$0x3FA7] =	sst s9;
	s0 =	simm.s32 @!p0 $0x0  }
0x12: {  	s1 =	sld [smem:$0x3F8D];
	s0 =	simm.s32 @p0 $0x1  }
0x13: {  	[smem:$0x3FA8] =	sst s0;
	s0 =	simm.s32 @!p1 $0x0  }
0x14: {  	s2 =	sld [smem:$0x3F8C];
	s0 =	simm.s32 @p1 $0x1  }
0x15: {  	[smem:$0x3FA9] =	sst s0;
	s0 =	simm.s32 @!p2 $0x0  }
0x16: {  	s3 =	sld [smem:$0x3FDB];
	s0 =	simm.s32 @p2 $0x1  }
0x17: {  	s4 =	simm.s32 $0x1BF5;
	[smem:$0x3FAB] =	sst s0  }
0x18: {  	s0 =	sld [smem:$0x3F8E];
	_ =	swait.ge [sflag:s4], $0x0  }
0x19: {  	s7 =	sld [smem:$0x3F8F]  }
0x1a: {  	s8 =	sadd.s32 $0xFFFFE003, lr  }
0x1b: {  	s9 =	sadd.s32 $0xFFFFFEF7, lr;
	s5 =	simm.s32 $0xFFFFFFFF;
	p2 =	slt.u32 s8, $0xFFFFF086  }
0x1c: {  	p1 =	slt.u32 s9, $0xF7A;
	s5 =	simm.s32 @!p2 $0x0  }
0x1d: {  	s5 =	simm.s32 @p1 $0x1;
	p0 =	seq.s32 s7, s2  }
0x1e: {  	s7 =	smul.u32 @!p0 $0xF7A, s2;
	p2 =	seq.s32 @!p0 s5, $0x0  }
0x1f: {  	s9 =	smul.u32 $0xF7A, s1;
	s8 =	simm.s32 @!p0 $0x1BF5;
	p2 =	por !p2, p0  }
0x20: {  	[sflag:s8] =	ssyncset.s32 @!p0 $0xFFFFF086;
	s6 =	sadd.s32 @!p0 s3, s7;
	s7 =	simm.s32 @!p0 $0x108  }
0x21: {  	s3 =	sadd.s32 s3, s9;
	s6 =	sadd.s32 @!p0 $0x88, s6;
	s7 =	simm.s32 @p2 $0x1082  }
0x22: {  	[simem:s7], [sflag:s8] =	dma.local @!p0 [hbm:s6], $0xF7A  }
0x23: {  	s9 =	sor.u32 $0xD0000000, s2;
	s6 =	simm.s32 $0x108;
	_ =	swait.ge @!p0 [sflag:s8], $0x0  }
0x24: {  	s3 =	sadd.s32 $0x88, s3;
	s6 =	simm.s32 @!p1 $0x1082;
	[sflag:s4] =	ssyncset.s32 $0xFFFFF086  }
0x25: {  	[simem:s6], [sflag:s4] =	dma.local [hbm:s3], $0xF7A  }
0x26: {  	[smem:$0x3F8F] =	sst s1;
	(tag) =	ssettag s2;
	_ =	strace s9  }
0x27: {  	s1 =	sld [smem:$0x3F9F]  }
0x28: {  	s2 =	sld [smem:$0x3FA0]  }
0x29: {  	s4 =	sld [smem:$0x3FA2]  }
0x2a: {  	p0 =	seq.s32 s5, $0x0;
	s5 =	sld [smem:$0x3FA3]  }
0x2b: {  	s6 =	sld [smem:$0x3FA4]  }
0x2c: {  	s7 =	sld [smem:$0x3FA5]  }
0x2d: {  	s3 =	simm.s32 $0x108;
	s8 =	sld [smem:$0x3FA6]  }
0x2e: {  	s3 =	simm.s32 @!p0 $0x1082;
	s9 =	sld [smem:$0x3FA7]  }
0x2f: {  	lr =	sadd.s32 s0, s3;
	s0 =	sld [smem:$0x3F9E]  }
0x30: {  	s3 =	sld [smem:$0x3FA1]  }
0x31: {  	[smem:$0x3FAA] =	sst s10  }
0x32: {  	s10 =	sld [smem:$0x3FA8];
	_ =	sdelay $0x3  }
0x33: {  	p0 =	seq.s32 s10, $0x1;
	s10 =	sld [smem:$0x3FAA];
	_ =	sdelay $0x3  }
0x34: {  	[smem:$0x3FAA] =	sst s10  }
0x35: {  	s10 =	sld [smem:$0x3FA9];
	_ =	sdelay $0x3  }
0x36: {  	p1 =	seq.s32 s10, $0x1;
	s10 =	sld [smem:$0x3FAA];
	_ =	sdelay $0x3  }
0x37: {  	[smem:$0x3FAA] =	sst s10  }
0x38: {  	s10 =	sld [smem:$0x3FAB]  }
0x39: {  	_ = 	snop;
	(pc) =	sbr.ind lr, $3  }
0x3a: {  	_ = 	snop  }
0x3b: {  	_ = 	snop  }
0x3c: {  	p2 =	seq.s32 s10, $0x1;
	s10 =	sld [smem:$0x3FAA]  }
0x3d: {  	_ =	shalt  }
0x3e: {  	_ =	shalt  }
0x3f: {  	_ =	shalt  }
0x40: {  	_ =	shalt  }
0x41: {  	_ =	shalt  }
0x42: {  	_ =	shalt  }
0x43: {  	_ =	shalt  }
0x44: {  	_ =	shalt  }
0x45: {  	_ =	shalt  }
0x46: {  	_ =	shalt  }
0x47: {  	_ =	shalt  }
0x48: {  	_ =	shalt  }
0x49: {  	_ =	shalt  }
0x4a: {  	_ =	shalt  }
0x4b: {  	_ =	shalt  }
0x4c: {  	_ =	shalt  }
0x4d: {  	_ =	shalt  }
0x4e: {  	_ =	shalt  }
0x4f: {  	_ =	shalt  }
0x50: {  	_ =	shalt  }
0x51: {  	_ =	shalt  }
0x52: {  	_ =	shalt  }
0x53: {  	_ =	shalt  }
0x54: {  	_ =	shalt  }
0x55: {  	_ =	shalt  }
0x56: {  	_ =	shalt  }
0x57: {  	_ =	shalt  }
0x58: {  	_ =	shalt  }
0x59: {  	_ =	shalt  }
0x5a: {  	_ =	shalt  }
0x5b: {  	_ =	shalt  }
0x5c: {  	_ =	shalt  }
0x5d: {  	_ =	shalt  }
0x5e: {  	_ =	shalt  }
0x5f: {  	_ =	shalt  }
0x60: {  	_ =	shalt  }
0x61: {  	_ =	shalt  }
0x62: {  	_ =	shalt  }
0x63: {  	_ =	shalt  }
0x64: {  	_ =	shalt  }
0x65: {  	_ =	shalt  }
0x66: {  	_ =	shalt  }
0x67: {  	_ =	shalt  }
0x68: {  	_ =	shalt  }
0x69: {  	_ =	shalt  }
0x6a: {  	_ =	shalt  }
0x6b: {  	_ =	shalt  }
0x6c: {  	_ =	shalt  }
0x6d: {  	_ =	shalt  }
0x6e: {  	_ =	shalt  }
0x6f: {  	_ =	shalt  }
0x70: {  	_ =	shalt  }
0x71: {  	_ =	shalt  }
0x72: {  	_ =	shalt  }
0x73: {  	_ =	shalt  }
0x74: {  	_ =	shalt  }
0x75: {  	_ =	shalt  }
0x76: {  	_ =	shalt  }
0x77: {  	_ =	shalt  }
0x78: {  	_ =	shalt  }
0x79: {  	_ =	shalt  }
0x7a: {  	_ =	shalt  }
0x7b: {  	_ =	shalt  }
0x7c: {  	_ =	shalt  }
0x7d: {  	_ =	shalt  }
0x7e: {  	_ =	shalt  }
0x7f: {  	_ =	shalt  }
0x80: {  	_ =	shalt  }
0x81: {  	_ =	shalt  }
0x82: {  	_ =	shalt  }
0x83: {  	_ =	shalt  }
0x84: {  	_ =	shalt  }
0x85: {  	_ =	shalt  }
0x86: {  	_ =	shalt  }
0x87: {  	_ =	shalt  }
.Lfunc_end0:
.L_simem_size_0:
called_computation.5_lowered:
.L_overlay_start_0:
0x88: {  	s2 =	sld [smem:$0x3FD9]  }
0x89: {  	s3 =	sld [smem:$0x3FFE];
	_ =	sdelay $0x1  }
0x8a: {  	s1 =	srdreg.scid  }
0x8b: {  	s0 =	sand.u32 $0x1, s1  }
0x8c: {  	s14 =	sshll.u32 s0, $0xA;
	s2 =	sadd.s32 s3, s2  }
0x8d: {  	s2 =	sadd.s32 s2, s14  }
0x8e: {  	[smem:$0x3FB6] =	sst s2  }
0x8f: {  	_ = 	snop  }
0x90: {  	s2 =	sld [smem:$0x3FD0];
	_ =	sdelay $0x2  }
0x91: {  	s15 =	simm.s32 $0xA;
	s4 =	simm.s32 $0x10  }
0x92: {  	[smem:s4], [sflag:s15] =	dma.local [hbm:s2], $0x1  }
0x93: {  	_ =	swait.eq [sflag:s15], $0x1  }
0x94: {  	s16 =	sld [smem:$0x10];
	[sflag:s15] =	ssyncset.done $0x0  }
0x95: {  	s17 =	sld [smem:$0x15];
	[sflag:s15] =	ssyncadd.s32 $0xFFFFFFFF  }
0x96: {  	s18 =	sld [smem:$0x17];
	(tm) =	ssettm $0x1  }
0x97: {  	s5 =	sld [smem:$0x3FFB];
	_ =	sdelay $0x3  }
0x98: {  	_ =	strace s5  }
0x99: {  	s5 =	sld [smem:$0x3FFC];
	_ =	sdelay $0x3  }
0x9a: {  	_ =	strace s5  }
0x9b: {  	s5 =	sld [smem:$0x3FFD];
	_ =	sdelay $0x3  }
0x9c: {  	_ =	strace s5  }
0x9d: {  	_ =	strace $0x8FFFFFFF  }
0x9e: {  	s19 =	sld [smem:$0x3FDB];
	_ =	sdelay $0x1  }
0x9f: {  	s6 =	simm.s32 $_scs_section_size  }
0xa0: {  	s7 =	simm.s32 $_size__tile_overlayer_lowered;
	s8 =	simm.s32 $_tile_overlayer_lowered  }
0xa1: {  	s22 =	simm.s32 $0x1BFF;
	s21 =	sshll.u32 s8, $0x1;
	s5 =	sadd.s32 s6, s19  }
0xa2: {  	s9 =	simm.s32 $0x0;
	s20 =	sshll.u32 s7, $0x1;
	s7 =	sadd.s32 s21, s5  }
0xa3: {  	[timem:s9], [sflag:s22] =	dma.local [hbm:s7], s20  }
0xa4: {  	_ =	swait.ge [sflag:s22], s20  }
0xa5: {  	s6 =	ssub.s32 $0x0, s20;
	[sflag:s22] =	ssyncset.done $0x0  }
0xa6: {  	[sflag:s22] =	ssyncadd.s32 s6;
	_ =	sdelay $0x1  }
0xa7: {  	s23 =	simm.s32 $0x1B8B  }
0xa8: {  	_ =	swait.ge [sflag:s23], $0x1  }
0xa9: {  	[sflag:s23] =	ssyncset.done $0x0  }
0xaa: {  	s25 =	simm.s32 $0x1B8E;
	s24 =	sld [smem:$0x3FFE];
	[sflag:s23] =	ssyncadd.s32 $0xFFFFFFFF  }
0xab: {  	s26 =	simm.s32 $execute0_lowered;
	[smem:$0x3FD2] =	sst s25  }
0xac: {  	s7 =	sshll.u32 s26, $0x1;
	_ =	strace $0x80000055;
	[dreg:$0x1] =	wrdreg $0xFFFFFFFF  }
0xad: {  	s28 =	simm.s32 $_size_execute0_lowered;
	s5 =	sadd.s32 s5, s7;
	[dreg:$0x0] =	wrdreg $0x0  }
0xae: {  	s7 =	sshll.u32 s28, $0x1;
	[dreg:$0x2] =	wrdreg s5  }
0xaf: {  	[dreg:$0x3] =	wrdreg s7  }
0xb0: {  	[dreg:$0x4] =	wrdreg $0xC0  }
0xb1: {  	_ =	task [dreg:s9], $0x5FFFF  }
0xb2: {  	[dreg:$0x1] =	wrdreg $0xFFFFFFFF  }
0xb3: {  	[dreg:$0x0] =	wrdreg $0x60  }
0xb4: {  	[dreg:$0x2] =	wrdreg s18  }
0xb5: {  	[dreg:$0x3] =	wrdreg s16  }
0xb6: {  	[dreg:$0x4] =	wrdreg s17  }
0xb7: {  	[dreg:$0x5] =	wrdreg s24  }
0xb8: {  	[dreg:$0x6] =	wrdreg $0x99000  }
0xb9: {  	[dreg:$0x7] =	wrdreg $0x9  }
0xba: {  	_ =	task.clear_ibuf [dreg:s9], $0x8FFFF;
	_ =	strace $0x90000055  }
0xbb: {  	s29 =	simm.s32 $0x9;
	_ =	strace $0x80000057  }
0xbc: {  	_ =	swait.ge [sflag:s29], $0x1  }
0xbd: {  	[sflag:s29] =	ssyncadd.s32 $0xFFFFFFFF  }
0xbe: {  	_ =	strace $0x90000057  }
0xbf: {  	_ =	sfence  }
0xc0: {  	s30 =	sld [smem:$0x0];
	_ =	sdelay $0x2  }
0xc1: {  	s31 =	sshll.u32 s1, $0xD;
	s1 =	sshrl.u32 s1, $0x2  }
0xc2: {  	s3 =	sand.u32 $0x4000, s31;
	s1 =	sadd.s32 s1, s30  }
0xc3: {  	s0 =	sor.u32 s3, s0;
	s1 =	sshll.u32 s1, $0x11  }
0xc4: {  	s0 =	sor.u32 s1, s0  }
0xc5: {  	s0 =	sadd.s32 $0x8F2B, s0  }
0xc6: {  	[sflag:s0] =	ssyncadd.remote.s32 $0x1  }
0xc7: {  	_ =	sfence.sel $0xFFFF  }
0xc8: {  	[dreg:$0x0] =	wrdreg $0xFFFFFFFF;
	(pc) =	sbr.abs _section_cstart, $3  }
0xc9: {  	[dreg:$0x1] =	wrdreg $0xFFFFFFFF  }
0xca: {  	_ =	task.clear_ibuf [dreg:s9], $0x2FFFF;
	_ =	strace $0x9FFFFFFF  }
0xcb: {  	(tm) =	ssettm $0x7FFFFFFF  }
tec
execute0_lowered:
.L_overlay_start_1:
0x0: {  	(tag) =	ssettag $0x1  }
0x1: {  	s1 =	rddreg [dreg:$0x0]  }
0x2: {  	s7 =	rddreg [dreg:$0x1]  }
0x3: {  	s11 =	rddreg [dreg:$0x2]  }
0x4: {  	s6 =	rddreg [dreg:$0x3]  }
0x5: {  	s3 =	rddreg [dreg:$0x4]  }
0x6: {  	s0 =	rddreg [dreg:$0x5]  }
0x7: {  	s5 =	srdreg.scid;
	s2 =	stileid.u32  }
0x8: {  	s4 =	simm.s32 $0x0;
	s16 =	simm.s32 $0x1900;
	s17 =	simm.s32 $0x1880  }
0x9: {  	s18 =	simm.s32 $0x5900;
	s19 =	simm.s32 $0x1;
	s20 =	simm.s32 $0x2  }
0xa: {  	s21 =	simm.s32 $0x3;
	s22 =	simm.s32 $0x4;
	s9 =	smul.u32 $0x280, s2  }
0xb: {  	s23 =	simm.s32 $0x0;
	s8 =	sand.u32 $0x1, s5;
	s13 =	smul.u32 $0x50000, s2  }
0xc: {  	[smem:$0x7FF] =	sst s4;
	s26 =	sshll.u32 s2, $0x1;
	s14 =	smul.u32 $0x3000, s2  }
0xd: {  	s5 =	sadd.s32 $0x94600, s6;
	s30 =	sshll.u32 s2, $0x6;
	s10 =	smul.u32 $0x2800, s8  }
0xe: {  	s12 =	sor.u32 s8, s26;
	s29 =	ssub.s32 $0x2, s8;
	s8 =	smul.u32 $0x1800, s8  }
0xf: {  	_ =	strace $0x80000056;
	s28 =	smul.u32 $0x1800, s12;
	s15 =	sshrl.u32 s29, $0x1  }
0x10: {  	s13 =	sshrl.u32 s13, $0x2;
	s9 =	sadd.s32 s9, s10;
	s12 =	ssub.s32 s29, s15  }
0x11: {  	s13 =	sadd.s32 s13, s3;
	s14 =	sadd.s32 s8, s14;
	s15 =	simm.s32 $0x80  }
0x12: {  	s9 =	sshll.u32 s9, $0x4;
	s10 =	sshrl.u32 s28, $0x3;
	s31 =	sor.u32 $0x80, s14  }
0x13: {  	s14 =	sshrl.u32 s14, $0x3;
	s9 =	sadd.s32 s9, s6;
	s6 =	sor.u32 $0x1C05, s30  }
0x14: {  	s7 =	sadd.s32 s7, s10;
	s10 =	sshrl.u32 s31, $0x3;
	s8 =	sadd.s32 $0x96E00, s9  }
0x15: {  	s9 =	smax.u32 s12, $0x1;
	s10 =	sadd.s32 s10, s11;
	s11 =	sadd.s32 s14, s11  }
0x16: {  	s12 =	sshrl.u32 s13, $0x3;
	s13 =	simm.s32 $0x5;
	s14 =	simm.s32 $0x1800  }
.LBB2_1:
0x17: {  	[spmem:s12], [sflag:s6] =	dma.local [hbm:s5], $0x2800  }
0x18: {  	_ =	swait.ge [sflag:s13], $0x2800  }
0x19: {  	[sflag:s13] =	ssyncset.done $0x0  }
0x1a: {  	[sflag:s13] =	ssyncadd.s32 $0xFFFFD800  }
0x1b: {  	[tilespmem:s4], [sflag:$0x5] =	stream.linear.gather [hbm4b:s7+s4], $0x1800, $0x38;
	[tilespmem:$0x1D900] =	vst v63  }
0x1c: {  	_ =	swait.ge [sflag:s13], $0x1800  }
0x1d: {  	[sflag:s13] =	ssyncset.done $0x0  }
0x1e: {  	[sflag:s13] =	ssyncadd.s32 $0xFFFFE800  }
0x1f: {  	s24 =	sadd.s32 $0x0, s11;
	[bflag:$0x0] =	sbarrier.arrive $0xFFFF  }
0x20: {  	[tilespmem:s14], [sflag:$0x5] =	stream.linear.gather [hbm4b:s24+s4], $0x80, $0x38;
	[tilespmem:$0x1D900] =	vst v63  }
0x21: {  	_ =	swait.ge [sflag:s13], $0x80  }
0x22: {  	[sflag:s13] =	ssyncset.done $0x0  }
0x23: {  	[sflag:s13] =	ssyncadd.s32 $0xFFFFFF80  }
0x24: {  	[tilespmem:s16], [sflag:$0x1] =	stream.indirect.gather [hbm4b:s1+s15], $0x80, s4, s15, $0xb8;
	[tilespmem:$0x1D900] =	vst v63  }
0x25: {  	s30 =	sadd.s32 $0x0, s10  }
0x26: {  	[tilespmem:s17], [sflag:$0x5] =	stream.linear.gather [hbm4b:s30+s4], $0x80, $0x38;
	[tilespmem:$0x1D900] =	vst v63  }
0x27: {  	_ =	swait.ge [sflag:s13], $0x80  }
0x28: {  	[sflag:s13] =	ssyncset.done $0x0  }
0x29: {  	s31 =	simm.s32 $0x80;
	[sflag:s13] =	ssyncadd.s32 $0xFFFFFF80  }
0x2a: {  	[tilespmem:s18], [sflag:$0x2] =	stream.indirect.gather [hbm4b:s1+s15], $0x80, s31, s15, $0xb8;
	[tilespmem:$0x1D900] =	vst v63  }
0x2b: {  	_ =	swait.ge [sflag:s19], $0x4000  }
0x2c: {  	[sflag:s19] =	ssyncset.done $0x0  }
0x2d: {  	[sflag:s19] =	ssyncadd.s32 $0xFFFFC000  }
0x2e: {  	[spmem:s3] =	stream.indirect.scatter.add.f32 [tilespmem:s16], [sflag:$0x3], $0x80, s14, s15, $0xb8;
	[tilespmem:$0x1D900] =	vst v63  }
0x2f: {  	_ =	swait.ge [sflag:s20], $0x4000  }
0x30: {  	[sflag:s20] =	ssyncset.done $0x0  }
0x31: {  	[sflag:s20] =	ssyncadd.s32 $0xFFFFC000  }
0x32: {  	[spmem:s3] =	stream.indirect.scatter.add.f32 [tilespmem:s18], [sflag:$0x4], $0x80, s17, s15, $0xb8;
	[tilespmem:$0x1D900] =	vst v63  }
0x33: {  	_ =	swait.ge [sflag:s21], $0x4000  }
0x34: {  	[sflag:s21] =	ssyncset.done $0x0  }
0x35: {  	[sflag:s21] =	ssyncadd.s32 $0xFFFFC000  }
0x36: {  	s25 =	simm.s32 $0x20;
	_ =	swait.ge [sflag:s22], $0x4000  }
0x37: {  	s26 =	simm.s32 $0x40;
	s24 =	simm.s32 $0x100;
	[sflag:s22] =	ssyncset.done $0x0  }
.LBB2_2:
0x38: {  	s28 =	sadd.s32 s25, s11  }
0x39: {  	[sflag:s22] =	ssyncadd.s32 $0xFFFFC000;
	s29 =	smov.u32 s26;
	s30 =	sadd.s32 $0x20, s26  }
0x3a: {  	[tilespmem:s14], [sflag:$0x5] =	stream.linear.gather [hbm4b:s28+s4], $0x80, $0x38;
	[tilespmem:$0x1D900] =	vst v63  }
0x3b: {  	p0 =	sne.s32 s26, $0x2E0;
	_ =	swait.ge [sflag:s13], $0x80  }
0x3c: {  	[sflag:s13] =	ssyncset.done $0x0  }
0x3d: {  	[sflag:s13] =	ssyncadd.s32 $0xFFFFFF80  }
0x3e: {  	[tilespmem:s16], [sflag:$0x1] =	stream.indirect.gather [hbm4b:s1+s15], $0x80, s24, s15, $0xb8;
	[tilespmem:$0x1D900] =	vst v63  }
0x3f: {  	s26 =	sadd.s32 s25, s10;
	s25 =	smov.u32 s29  }
0x40: {  	[tilespmem:s17], [sflag:$0x5] =	stream.linear.gather [hbm4b:s26+s4], $0x80, $0x38;
	[tilespmem:$0x1D900] =	vst v63  }
0x41: {  	_ =	swait.ge [sflag:s13], $0x80  }
0x42: {  	[sflag:s13] =	ssyncset.done $0x0  }
0x43: {  	s26 =	sadd.s32 $0x80, s24;
	[sflag:s13] =	ssyncadd.s32 $0xFFFFFF80  }
0x44: {  	[tilespmem:s18], [sflag:$0x2] =	stream.indirect.gather [hbm4b:s1+s15], $0x80, s26, s15, $0xb8;
	[tilespmem:$0x1D900] =	vst v63  }
0x45: {  	_ =	swait.ge [sflag:s19], $0x4000  }
0x46: {  	[sflag:s19] =	ssyncset.done $0x0  }
0x47: {  	[sflag:s19] =	ssyncadd.s32 $0xFFFFC000  }
0x48: {  	[spmem:s3] =	stream.indirect.scatter.add.f32 [tilespmem:s16], [sflag:$0x3], $0x80, s14, s15, $0xb8;
	[tilespmem:$0x1D900] =	vst v63  }
0x49: {  	_ =	swait.ge [sflag:s20], $0x4000  }
0x4a: {  	[sflag:s20] =	ssyncset.done $0x0  }
0x4b: {  	[sflag:s20] =	ssyncadd.s32 $0xFFFFC000  }
0x4c: {  	[spmem:s3] =	stream.indirect.scatter.add.f32 [tilespmem:s18], [sflag:$0x4], $0x80, s17, s15, $0xb8;
	[tilespmem:$0x1D900] =	vst v63  }
.Ltmp0:
0x4d: {  	_ =	swait.ge [sflag:s21], $0x4000;
	(pc) =	sbr.rel @p0 .LBB2_2-.Ltmp0, $4  }
0x4e: {  	[sflag:s21] =	ssyncset.done $0x0  }
0x4f: {  	[sflag:s21] =	ssyncadd.s32 $0xFFFFC000  }
0x50: {  	_ =	swait.ge [sflag:s22], $0x4000  }
0x51: {  	s24 =	sadd.s32 $0x100, s24;
	s26 =	smov.u32 s30;
	[sflag:s22] =	ssyncset.done $0x0  }
0x52: {  	s26 =	sadd.s32 s25, s11;
	[sflag:s22] =	ssyncadd.s32 $0xFFFFC000  }
0x53: {  	[tilespmem:s14], [sflag:$0x5] =	stream.linear.gather [hbm4b:s26+s4], $0x80, $0x38;
	[tilespmem:$0x1D900] =	vst v63  }
0x54: {  	_ =	swait.ge [sflag:s13], $0x80  }
0x55: {  	[sflag:s13] =	ssyncset.done $0x0  }
0x56: {  	[sflag:s13] =	ssyncadd.s32 $0xFFFFFF80  }
0x57: {  	[tilespmem:s16], [sflag:$0x1] =	stream.indirect.gather [hbm4b:s1+s15], $0x80, s24, s15, $0xb8;
	[tilespmem:$0x1D900] =	vst v63  }
0x58: {  	s30 =	sadd.s32 s25, s10  }
0x59: {  	[tilespmem:s17], [sflag:$0x5] =	stream.linear.gather [hbm4b:s30+s4], $0x80, $0x38;
	[tilespmem:$0x1D900] =	vst v63  }
0x5a: {  	_ =	swait.ge [sflag:s13], $0x80  }
0x5b: {  	[sflag:s13] =	ssyncset.done $0x0  }
0x5c: {  	s31 =	sadd.s32 $0x80, s24;
	[sflag:s13] =	ssyncadd.s32 $0xFFFFFF80  }
0x5d: {  	[tilespmem:s18], [sflag:$0x2] =	stream.indirect.gather [hbm4b:s1+s15], $0x80, s31, s15, $0xb8;
	[tilespmem:$0x1D900] =	vst v63  }
0x5e: {  	_ =	swait.ge [sflag:s19], $0x4000  }
0x5f: {  	[sflag:s19] =	ssyncset.done $0x0  }
0x60: {  	[sflag:s19] =	ssyncadd.s32 $0xFFFFC000  }
0x61: {  	[spmem:s3] =	stream.indirect.scatter.add.f32 [tilespmem:s16], [sflag:$0x3], $0x80, s14, s15, $0xb8;
	[tilespmem:$0x1D900] =	vst v63  }
0x62: {  	_ =	swait.ge [sflag:s20], $0x4000  }
0x63: {  	[sflag:s20] =	ssyncset.done $0x0  }
0x64: {  	[sflag:s20] =	ssyncadd.s32 $0xFFFFC000  }
0x65: {  	[spmem:s3] =	stream.indirect.scatter.add.f32 [tilespmem:s18], [sflag:$0x4], $0x80, s17, s15, $0xb8;
	[tilespmem:$0x1D900] =	vst v63  }
0x66: {  	_ =	swait.ge [sflag:s21], $0x4000  }
0x67: {  	[sflag:s21] =	ssyncset.done $0x0  }
0x68: {  	[sflag:s21] =	ssyncadd.s32 $0xFFFFC000  }
0x69: {  	_ =	swait.ge [sflag:s22], $0x4000  }
0x6a: {  	s23 =	sadd.s32 $0x1, s23;
	[sflag:s22] =	ssyncset.done $0x0  }
0x6b: {  	p0 =	sne.s32 s23, s9;
	[sflag:s22] =	ssyncadd.s32 $0xFFFFC000  }
.Ltmp1:
0x6c: {  	[bflag:$0x0] =	sbarrier.arrive $0xFFFF;
	(pc) =	sbr.rel @p0 .LBB2_1-.Ltmp1, $4  }
0x6d: {  	[hbm:s8], [sflag:s6] =	dma.local [spmem:s12], $0x2800  }
0x6e: {  	_ =	swait.ge [sflag:s13], $0x2800  }
0x6f: {  	[sflag:s13] =	ssyncset.done $0x0  }
0x70: {  	[sflag:s13] =	ssyncadd.s32 $0xFFFFD800  }
0x71: {  	_ =	sfence.sel $0x180000  }
0x72: {  	[bflag:$0x0] =	sbarrier.arrive $0xFFFF  }
0x73: {  	p0 =	sne.s32 s2, $0x0;
	_ =	strace $0x90000056  }
0x74: {  	s0 =	sadd.s32 @!p0 $0x100000, s0;
	[bflag:$0x2] =	sbarrier.arrive $0xFFFF  }
0x75: {  	[sflag:s0] =	ssyncadd.tile.s32 @!p0 $0x1;
	_ =	shalt  }
.Lfunc_end2:
_tile_overlayer_lowered:
.L_overlay_start_2:
0x76: {  	(tag) =	ssettag $0x2  }
0x77: {  	s0 =	rddreg [dreg:$0x0];
	s2 =	stileid.u32  }
0x78: {  	s1 =	rddreg [dreg:$0x1];
	p0 =	sne.s32 s2, $0x0  }
0x79: {  	s3 =	rddreg [dreg:$0x2];
	[bflag:$0x3] =	sbarrier.arrive $0xFFFF;
	s2 =	simm.s32 @!p0 $0x1C05  }
0x7a: {  	[timem:s3], [sflag:s2] =	dma.local @!p0 [hbm:s0], s1  }
0x7b: {  	s0 =	simm.s32 @!p0 $0x5  }
0x7c: {  	_ =	swait.ge @!p0 [sflag:s0], s1  }
0x7d: {  	s1 =	ssub.s32 @!p0 $0x0, s1;
	[sflag:s0] =	ssyncset.done @!p0 $0x0  }
0x7e: {  	[sflag:s0] =	ssyncadd.s32 @!p0 s1  }
0x7f: {  	[bflag:$0x3] =	sbarrier.arrive $0xFFFF  }
0x80: {  	_ =	shalt  }

// kernel: kernel.38.cloned.1.call-start
scs
__scs_entry_jumppad:
0x0: {  	(pc) =	sbr.rel $0x88, $3  }
0x1: {  	(tag) =	ssettag $0x0;
	lr =	simm.s32 $0x1  }
0x2: {  	[smem:$0x3F8F] =	sst lr;
	_ =	strace $0xD0000000  }
0x3: {  	_ = 	snop  }
0x4: {  	_ = 	snop  }
0x5: {  	_ = 	snop  }
0x6: {  	_ = 	snop  }
0x7: {  	_ = 	snop  }
__scs_overlays_trampoline_lowered:
0x8: {  	[smem:$0x3F9E] =	sst s0  }
0x9: {  	[smem:$0x3F9F] =	sst s1  }
0xa: {  	[smem:$0x3FA0] =	sst s2  }
0xb: {  	[smem:$0x3FA1] =	sst s3  }
0xc: {  	[smem:$0x3FA2] =	sst s4  }
0xd: {  	[smem:$0x3FA3] =	sst s5  }
0xe: {  	[smem:$0x3FA4] =	sst s6  }
0xf: {  	[smem:$0x3FA5] =	sst s7  }
0x10: {  	[smem:$0x3FA6] =	sst s8  }
0x11: {  	[smem:$0x3FA7] =	sst s9;
	s0 =	simm.s32 @!p0 $0x0  }
0x12: {  	s1 =	sld [smem:$0x3F8D];
	s0 =	simm.s32 @p0 $0x1  }
0x13: {  	[smem:$0x3FA8] =	sst s0;
	s0 =	simm.s32 @!p1 $0x0  }
0x14: {  	s2 =	sld [smem:$0x3F8C];
	s0 =	simm.s32 @p1 $0x1  }
0x15: {  	[smem:$0x3FA9] =	sst s0;
	s0 =	simm.s32 @!p2 $0x0  }
0x16: {  	s3 =	sld [smem:$0x3FDB];
	s0 =	simm.s32 @p2 $0x1  }
0x17: {  	s4 =	simm.s32 $0x1BF5;
	[smem:$0x3FAB] =	sst s0  }
0x18: {  	s0 =	sld [smem:$0x3F8E];
	_ =	swait.ge [sflag:s4], $0x0  }
0x19: {  	s7 =	sld [smem:$0x3F8F]  }
0x1a: {  	s8 =	sadd.s32 $0xFFFFE003, lr  }
0x1b: {  	s9 =	sadd.s32 $0xFFFFFEF7, lr;
	s5 =	simm.s32 $0xFFFFFFFF;
	p2 =	slt.u32 s8, $0xFFFFF086  }
0x1c: {  	p1 =	slt.u32 s9, $0xF7A;
	s5 =	simm.s32 @!p2 $0x0  }
0x1d: {  	s5 =	simm.s32 @p1 $0x1;
	p0 =	seq.s32 s7, s2  }
0x1e: {  	s7 =	smul.u32 @!p0 $0xF7A, s2;
	p2 =	seq.s32 @!p0 s5, $0x0  }
0x1f: {  	s9 =	smul.u32 $0xF7A, s1;
	s8 =	simm.s32 @!p0 $0x1BF5;
	p2 =	por !p2, p0  }
0x20: {  	[sflag:s8] =	ssyncset.s32 @!p0 $0xFFFFF086;
	s6 =	sadd.s32 @!p0 s3, s7;
	s7 =	simm.s32 @!p0 $0x108  }
0x21: {  	s3 =	sadd.s32 s3, s9;
	s6 =	sadd.s32 @!p0 $0x88, s6;
	s7 =	simm.s32 @p2 $0x1082  }
0x22: {  	[simem:s7], [sflag:s8] =	dma.local @!p0 [hbm:s6], $0xF7A  }
0x23: {  	s9 =	sor.u32 $0xD0000000, s2;
	s6 =	simm.s32 $0x108;
	_ =	swait.ge @!p0 [sflag:s8], $0x0  }
0x24: {  	s3 =	sadd.s32 $0x88, s3;
	s6 =	simm.s32 @!p1 $0x1082;
	[sflag:s4] =	ssyncset.s32 $0xFFFFF086  }
0x25: {  	[simem:s6], [sflag:s4] =	dma.local [hbm:s3], $0xF7A  }
0x26: {  	[smem:$0x3F8F] =	sst s1;
	(tag) =	ssettag s2;
	_ =	strace s9  }
0x27: {  	s1 =	sld [smem:$0x3F9F]  }
0x28: {  	s2 =	sld [smem:$0x3FA0]  }
0x29: {  	s4 =	sld [smem:$0x3FA2]  }
0x2a: {  	p0 =	seq.s32 s5, $0x0;
	s5 =	sld [smem:$0x3FA3]  }
0x2b: {  	s6 =	sld [smem:$0x3FA4]  }
0x2c: {  	s7 =	sld [smem:$0x3FA5]  }
0x2d: {  	s3 =	simm.s32 $0x108;
	s8 =	sld [smem:$0x3FA6]  }
0x2e: {  	s3 =	simm.s32 @!p0 $0x1082;
	s9 =	sld [smem:$0x3FA7]  }
0x2f: {  	lr =	sadd.s32 s0, s3;
	s0 =	sld [smem:$0x3F9E]  }
0x30: {  	s3 =	sld [smem:$0x3FA1]  }
0x31: {  	[smem:$0x3FAA] =	sst s10  }
0x32: {  	s10 =	sld [smem:$0x3FA8];
	_ =	sdelay $0x3  }
0x33: {  	p0 =	seq.s32 s10, $0x1;
	s10 =	sld [smem:$0x3FAA];
	_ =	sdelay $0x3  }
0x34: {  	[smem:$0x3FAA] =	sst s10  }
0x35: {  	s10 =	sld [smem:$0x3FA9];
	_ =	sdelay $0x3  }
0x36: {  	p1 =	seq.s32 s10, $0x1;
	s10 =	sld [smem:$0x3FAA];
	_ =	sdelay $0x3  }
0x37: {  	[smem:$0x3FAA] =	sst s10  }
0x38: {  	s10 =	sld [smem:$0x3FAB]  }
0x39: {  	_ = 	snop;
	(pc) =	sbr.ind lr, $3  }
0x3a: {  	_ = 	snop  }
0x3b: {  	_ = 	snop  }
0x3c: {  	p2 =	seq.s32 s10, $0x1;
	s10 =	sld [smem:$0x3FAA]  }
0x3d: {  	_ =	shalt  }
0x3e: {  	_ =	shalt  }
0x3f: {  	_ =	shalt  }
0x40: {  	_ =	shalt  }
0x41: {  	_ =	shalt  }
0x42: {  	_ =	shalt  }
0x43: {  	_ =	shalt  }
0x44: {  	_ =	shalt  }
0x45: {  	_ =	shalt  }
0x46: {  	_ =	shalt  }
0x47: {  	_ =	shalt  }
0x48: {  	_ =	shalt  }
0x49: {  	_ =	shalt  }
0x4a: {  	_ =	shalt  }
0x4b: {  	_ =	shalt  }
0x4c: {  	_ =	shalt  }
0x4d: {  	_ =	shalt  }
0x4e: {  	_ =	shalt  }
0x4f: {  	_ =	shalt  }
0x50: {  	_ =	shalt  }
0x51: {  	_ =	shalt  }
0x52: {  	_ =	shalt  }
0x53: {  	_ =	shalt  }
0x54: {  	_ =	shalt  }
0x55: {  	_ =	shalt  }
0x56: {  	_ =	shalt  }
0x57: {  	_ =	shalt  }
0x58: {  	_ =	shalt  }
0x59: {  	_ =	shalt  }
0x5a: {  	_ =	shalt  }
0x5b: {  	_ =	shalt  }
0x5c: {  	_ =	shalt  }
0x5d: {  	_ =	shalt  }
0x5e: {  	_ =	shalt  }
0x5f: {  	_ =	shalt  }
0x60: {  	_ =	shalt  }
0x61: {  	_ =	shalt  }
0x62: {  	_ =	shalt  }
0x63: {  	_ =	shalt  }
0x64: {  	_ =	shalt  }
0x65: {  	_ =	shalt  }
0x66: {  	_ =	shalt  }
0x67: {  	_ =	shalt  }
0x68: {  	_ =	shalt  }
0x69: {  	_ =	shalt  }
0x6a: {  	_ =	shalt  }
0x6b: {  	_ =	shalt  }
0x6c: {  	_ =	shalt  }
0x6d: {  	_ =	shalt  }
0x6e: {  	_ =	shalt  }
0x6f: {  	_ =	shalt  }
0x70: {  	_ =	shalt  }
0x71: {  	_ =	shalt  }
0x72: {  	_ =	shalt  }
0x73: {  	_ =	shalt  }
0x74: {  	_ =	shalt  }
0x75: {  	_ =	shalt  }
0x76: {  	_ =	shalt  }
0x77: {  	_ =	shalt  }
0x78: {  	_ =	shalt  }
0x79: {  	_ =	shalt  }
0x7a: {  	_ =	shalt  }
0x7b: {  	_ =	shalt  }
0x7c: {  	_ =	shalt  }
0x7d: {  	_ =	shalt  }
0x7e: {  	_ =	shalt  }
0x7f: {  	_ =	shalt  }
0x80: {  	_ =	shalt  }
0x81: {  	_ =	shalt  }
0x82: {  	_ =	shalt  }
0x83: {  	_ =	shalt  }
0x84: {  	_ =	shalt  }
0x85: {  	_ =	shalt  }
0x86: {  	_ =	shalt  }
0x87: {  	_ =	shalt  }
.Lfunc_end0:
.L_simem_size_0:
called_computation.6_lowered:
.L_overlay_start_0:
0x88: {  	s2 =	sld [smem:$0x3FD9]  }
0x89: {  	s3 =	sld [smem:$0x3FFE];
	_ =	sdelay $0x1  }
0x8a: {  	s1 =	srdreg.scid  }
0x8b: {  	s0 =	sand.u32 $0x1, s1  }
0x8c: {  	s14 =	sshll.u32 s0, $0xA;
	s2 =	sadd.s32 s3, s2  }
0x8d: {  	s2 =	sadd.s32 s2, s14  }
0x8e: {  	[smem:$0x3FB6] =	sst s2  }
0x8f: {  	_ = 	snop  }
0x90: {  	s2 =	sld [smem:$0x3FD0];
	_ =	sdelay $0x2  }
0x91: {  	s15 =	simm.s32 $0xA;
	s4 =	simm.s32 $0x10  }
0x92: {  	[smem:s4], [sflag:s15] =	dma.local [hbm:s2], $0x1  }
0x93: {  	_ =	swait.eq [sflag:s15], $0x1  }
0x94: {  	s16 =	sld [smem:$0x10];
	[sflag:s15] =	ssyncset.done $0x0  }
0x95: {  	s17 =	sld [smem:$0x15];
	[sflag:s15] =	ssyncadd.s32 $0xFFFFFFFF  }
0x96: {  	s18 =	sld [smem:$0x17];
	(tm) =	ssettm $0x1  }
0x97: {  	s5 =	sld [smem:$0x3FFB];
	_ =	sdelay $0x3  }
0x98: {  	_ =	strace s5  }
0x99: {  	s5 =	sld [smem:$0x3FFC];
	_ =	sdelay $0x3  }
0x9a: {  	_ =	strace s5  }
0x9b: {  	s5 =	sld [smem:$0x3FFD];
	_ =	sdelay $0x3  }
0x9c: {  	_ =	strace s5  }
0x9d: {  	_ =	strace $0x8FFFFFFF  }
0x9e: {  	s19 =	sld [smem:$0x3FDB];
	_ =	sdelay $0x1  }
0x9f: {  	s6 =	simm.s32 $_scs_section_size  }
0xa0: {  	s7 =	simm.s32 $_size__tile_overlayer_lowered;
	s8 =	simm.s32 $_tile_overlayer_lowered  }
0xa1: {  	s22 =	simm.s32 $0x1BFF;
	s21 =	sshll.u32 s8, $0x1;
	s5 =	sadd.s32 s6, s19  }
0xa2: {  	s9 =	simm.s32 $0x0;
	s20 =	sshll.u32 s7, $0x1;
	s7 =	sadd.s32 s21, s5  }
0xa3: {  	[timem:s9], [sflag:s22] =	dma.local [hbm:s7], s20  }
0xa4: {  	_ =	swait.ge [sflag:s22], s20  }
0xa5: {  	s6 =	ssub.s32 $0x0, s20;
	[sflag:s22] =	ssyncset.done $0x0  }
0xa6: {  	[sflag:s22] =	ssyncadd.s32 s6;
	_ =	sdelay $0x1  }
0xa7: {  	s23 =	simm.s32 $0x1B8B  }
0xa8: {  	_ =	swait.ge [sflag:s23], $0x1  }
0xa9: {  	[sflag:s23] =	ssyncset.done $0x0  }
0xaa: {  	s25 =	simm.s32 $0x1B8E;
	s24 =	sld [smem:$0x3FFE];
	[sflag:s23] =	ssyncadd.s32 $0xFFFFFFFF  }
0xab: {  	s26 =	simm.s32 $execute0_lowered;
	[smem:$0x3FD2] =	sst s25  }
0xac: {  	s7 =	sshll.u32 s26, $0x1;
	_ =	strace $0x80000058;
	[dreg:$0x1] =	wrdreg $0xFFFFFFFF  }
0xad: {  	s28 =	simm.s32 $_size_execute0_lowered;
	s5 =	sadd.s32 s5, s7;
	[dreg:$0x0] =	wrdreg $0x0  }
0xae: {  	s7 =	sshll.u32 s28, $0x1;
	[dreg:$0x2] =	wrdreg s5  }
0xaf: {  	[dreg:$0x3] =	wrdreg s7  }
0xb0: {  	[dreg:$0x4] =	wrdreg $0xC0  }
0xb1: {  	_ =	task [dreg:s9], $0x5FFFF  }
0xb2: {  	[dreg:$0x1] =	wrdreg $0xFFFFFFFF  }
0xb3: {  	[dreg:$0x0] =	wrdreg $0x60  }
0xb4: {  	[dreg:$0x2] =	wrdreg s18  }
0xb5: {  	[dreg:$0x3] =	wrdreg s16  }
0xb6: {  	[dreg:$0x4] =	wrdreg s17  }
0xb7: {  	[dreg:$0x5] =	wrdreg s24  }
0xb8: {  	[dreg:$0x6] =	wrdreg $0x99000  }
0xb9: {  	[dreg:$0x7] =	wrdreg $0x9  }
0xba: {  	_ =	task.clear_ibuf [dreg:s9], $0x8FFFF;
	_ =	strace $0x90000058  }
0xbb: {  	s29 =	simm.s32 $0x9;
	_ =	strace $0x8000005A  }
0xbc: {  	_ =	swait.ge [sflag:s29], $0x1  }
0xbd: {  	[sflag:s29] =	ssyncadd.s32 $0xFFFFFFFF  }
0xbe: {  	_ =	strace $0x9000005A  }
0xbf: {  	_ =	sfence  }
0xc0: {  	s30 =	sld [smem:$0x0];
	_ =	sdelay $0x2  }
0xc1: {  	s31 =	sshll.u32 s1, $0xD;
	s1 =	sshrl.u32 s1, $0x2  }
0xc2: {  	s3 =	sand.u32 $0x4000, s31;
	s1 =	sadd.s32 s1, s30  }
0xc3: {  	s0 =	sor.u32 s3, s0;
	s1 =	sshll.u32 s1, $0x11  }
0xc4: {  	s0 =	sor.u32 s1, s0  }
0xc5: {  	s0 =	sadd.s32 $0x8F2B, s0  }
0xc6: {  	[sflag:s0] =	ssyncadd.remote.s32 $0x1  }
0xc7: {  	_ =	sfence.sel $0xFFFF  }
0xc8: {  	[dreg:$0x0] =	wrdreg $0xFFFFFFFF;
	(pc) =	sbr.abs _section_cstart, $3  }
0xc9: {  	[dreg:$0x1] =	wrdreg $0xFFFFFFFF  }
0xca: {  	_ =	task.clear_ibuf [dreg:s9], $0x2FFFF;
	_ =	strace $0x9FFFFFFF  }
0xcb: {  	(tm) =	ssettm $0x7FFFFFFF  }
tec
execute0_lowered:
.L_overlay_start_1:
0x0: {  	(tag) =	ssettag $0x1  }
0x1: {  	s1 =	rddreg [dreg:$0x0]  }
0x2: {  	s7 =	rddreg [dreg:$0x1]  }
0x3: {  	s11 =	rddreg [dreg:$0x2]  }
0x4: {  	s6 =	rddreg [dreg:$0x3]  }
0x5: {  	s3 =	rddreg [dreg:$0x4]  }
0x6: {  	s0 =	rddreg [dreg:$0x5]  }
0x7: {  	s5 =	srdreg.scid;
	s2 =	stileid.u32  }
0x8: {  	s4 =	simm.s32 $0x0;
	s16 =	simm.s32 $0x1900;
	s17 =	simm.s32 $0x1880  }
0x9: {  	s18 =	simm.s32 $0x5900;
	s19 =	simm.s32 $0x1;
	s20 =	simm.s32 $0x2  }
0xa: {  	s21 =	simm.s32 $0x3;
	s22 =	simm.s32 $0x4;
	s9 =	smul.u32 $0x280, s2  }
0xb: {  	s23 =	simm.s32 $0x0;
	s8 =	sand.u32 $0x1, s5;
	s13 =	smul.u32 $0x50000, s2  }
0xc: {  	[smem:$0x7FF] =	sst s4;
	s26 =	sshll.u32 s2, $0x1;
	s14 =	smul.u32 $0x3000, s2  }
0xd: {  	s5 =	sadd.s32 $0x94600, s6;
	s30 =	sshll.u32 s2, $0x6;
	s10 =	smul.u32 $0x2800, s8  }
0xe: {  	s12 =	sor.u32 s8, s26;
	s29 =	ssub.s32 $0x2, s8;
	s8 =	smul.u32 $0x1800, s8  }
0xf: {  	_ =	strace $0x80000059;
	s28 =	smul.u32 $0x1800, s12;
	s15 =	sshrl.u32 s29, $0x1  }
0x10: {  	s13 =	sshrl.u32 s13, $0x2;
	s9 =	sadd.s32 s9, s10;
	s12 =	ssub.s32 s29, s15  }
0x11: {  	s13 =	sadd.s32 s13, s3;
	s14 =	sadd.s32 s8, s14;
	s15 =	simm.s32 $0x80  }
0x12: {  	s9 =	sshll.u32 s9, $0x4;
	s10 =	sshrl.u32 s28, $0x3;
	s31 =	sor.u32 $0x80, s14  }
0x13: {  	s14 =	sshrl.u32 s14, $0x3;
	s9 =	sadd.s32 s9, s6;
	s6 =	sor.u32 $0x1C05, s30  }
0x14: {  	s7 =	sadd.s32 s7, s10;
	s10 =	sshrl.u32 s31, $0x3;
	s8 =	sadd.s32 $0x96E00, s9  }
0x15: {  	s9 =	smax.u32 s12, $0x1;
	s10 =	sadd.s32 s10, s11;
	s11 =	sadd.s32 s14, s11  }
0x16: {  	s12 =	sshrl.u32 s13, $0x3;
	s13 =	simm.s32 $0x5;
	s14 =	simm.s32 $0x1800  }
.LBB2_1:
0x17: {  	[spmem:s12], [sflag:s6] =	dma.local [hbm:s5], $0x2800  }
0x18: {  	_ =	swait.ge [sflag:s13], $0x2800  }
0x19: {  	[sflag:s13] =	ssyncset.done $0x0  }
0x1a: {  	[sflag:s13] =	ssyncadd.s32 $0xFFFFD800  }
0x1b: {  	[tilespmem:s4], [sflag:$0x5] =	stream.linear.gather [hbm4b:s7+s4], $0x1800, $0x38;
	[tilespmem:$0x1D900] =	vst v63  }
0x1c: {  	_ =	swait.ge [sflag:s13], $0x1800  }
0x1d: {  	[sflag:s13] =	ssyncset.done $0x0  }
0x1e: {  	[sflag:s13] =	ssyncadd.s32 $0xFFFFE800  }
0x1f: {  	s24 =	sadd.s32 $0x0, s11;
	[bflag:$0x0] =	sbarrier.arrive $0xFFFF  }
0x20: {  	[tilespmem:s14], [sflag:$0x5] =	stream.linear.gather [hbm4b:s24+s4], $0x80, $0x38;
	[tilespmem:$0x1D900] =	vst v63  }
0x21: {  	_ =	swait.ge [sflag:s13], $0x80  }
0x22: {  	[sflag:s13] =	ssyncset.done $0x0  }
0x23: {  	[sflag:s13] =	ssyncadd.s32 $0xFFFFFF80  }
0x24: {  	[tilespmem:s16], [sflag:$0x1] =	stream.indirect.gather [hbm4b:s1+s15], $0x80, s4, s15, $0xb8;
	[tilespmem:$0x1D900] =	vst v63  }
0x25: {  	s30 =	sadd.s32 $0x0, s10  }
0x26: {  	[tilespmem:s17], [sflag:$0x5] =	stream.linear.gather [hbm4b:s30+s4], $0x80, $0x38;
	[tilespmem:$0x1D900] =	vst v63  }
0x27: {  	_ =	swait.ge [sflag:s13], $0x80  }
0x28: {  	[sflag:s13] =	ssyncset.done $0x0  }
0x29: {  	s31 =	simm.s32 $0x80;
	[sflag:s13] =	ssyncadd.s32 $0xFFFFFF80  }
0x2a: {  	[tilespmem:s18], [sflag:$0x2] =	stream.indirect.gather [hbm4b:s1+s15], $0x80, s31, s15, $0xb8;
	[tilespmem:$0x1D900] =	vst v63  }
0x2b: {  	_ =	swait.ge [sflag:s19], $0x4000  }
0x2c: {  	[sflag:s19] =	ssyncset.done $0x0  }
0x2d: {  	[sflag:s19] =	ssyncadd.s32 $0xFFFFC000  }
0x2e: {  	[spmem:s3] =	stream.indirect.scatter.add.f32 [tilespmem:s16], [sflag:$0x3], $0x80, s14, s15, $0xb8;
	[tilespmem:$0x1D900] =	vst v63  }
0x2f: {  	_ =	swait.ge [sflag:s20], $0x4000  }
0x30: {  	[sflag:s20] =	ssyncset.done $0x0  }
0x31: {  	[sflag:s20] =	ssyncadd.s32 $0xFFFFC000  }
0x32: {  	[spmem:s3] =	stream.indirect.scatter.add.f32 [tilespmem:s18], [sflag:$0x4], $0x80, s17, s15, $0xb8;
	[tilespmem:$0x1D900] =	vst v63  }
0x33: {  	_ =	swait.ge [sflag:s21], $0x4000  }
0x34: {  	[sflag:s21] =	ssyncset.done $0x0  }
0x35: {  	[sflag:s21] =	ssyncadd.s32 $0xFFFFC000  }
0x36: {  	s25 =	simm.s32 $0x20;
	_ =	swait.ge [sflag:s22], $0x4000  }
0x37: {  	s26 =	simm.s32 $0x40;
	s24 =	simm.s32 $0x100;
	[sflag:s22] =	ssyncset.done $0x0  }
.LBB2_2:
0x38: {  	s28 =	sadd.s32 s25, s11  }
0x39: {  	[sflag:s22] =	ssyncadd.s32 $0xFFFFC000;
	s29 =	smov.u32 s26;
	s30 =	sadd.s32 $0x20, s26  }
0x3a: {  	[tilespmem:s14], [sflag:$0x5] =	stream.linear.gather [hbm4b:s28+s4], $0x80, $0x38;
	[tilespmem:$0x1D900] =	vst v63  }
0x3b: {  	p0 =	sne.s32 s26, $0x2E0;
	_ =	swait.ge [sflag:s13], $0x80  }
0x3c: {  	[sflag:s13] =	ssyncset.done $0x0  }
0x3d: {  	[sflag:s13] =	ssyncadd.s32 $0xFFFFFF80  }
0x3e: {  	[tilespmem:s16], [sflag:$0x1] =	stream.indirect.gather [hbm4b:s1+s15], $0x80, s24, s15, $0xb8;
	[tilespmem:$0x1D900] =	vst v63  }
0x3f: {  	s26 =	sadd.s32 s25, s10;
	s25 =	smov.u32 s29  }
0x40: {  	[tilespmem:s17], [sflag:$0x5] =	stream.linear.gather [hbm4b:s26+s4], $0x80, $0x38;
	[tilespmem:$0x1D900] =	vst v63  }
0x41: {  	_ =	swait.ge [sflag:s13], $0x80  }
0x42: {  	[sflag:s13] =	ssyncset.done $0x0  }
0x43: {  	s26 =	sadd.s32 $0x80, s24;
	[sflag:s13] =	ssyncadd.s32 $0xFFFFFF80  }
0x44: {  	[tilespmem:s18], [sflag:$0x2] =	stream.indirect.gather [hbm4b:s1+s15], $0x80, s26, s15, $0xb8;
	[tilespmem:$0x1D900] =	vst v63  }
0x45: {  	_ =	swait.ge [sflag:s19], $0x4000  }
0x46: {  	[sflag:s19] =	ssyncset.done $0x0  }
0x47: {  	[sflag:s19] =	ssyncadd.s32 $0xFFFFC000  }
0x48: {  	[spmem:s3] =	stream.indirect.scatter.add.f32 [tilespmem:s16], [sflag:$0x3], $0x80, s14, s15, $0xb8;
	[tilespmem:$0x1D900] =	vst v63  }
0x49: {  	_ =	swait.ge [sflag:s20], $0x4000  }
0x4a: {  	[sflag:s20] =	ssyncset.done $0x0  }
0x4b: {  	[sflag:s20] =	ssyncadd.s32 $0xFFFFC000  }
0x4c: {  	[spmem:s3] =	stream.indirect.scatter.add.f32 [tilespmem:s18], [sflag:$0x4], $0x80, s17, s15, $0xb8;
	[tilespmem:$0x1D900] =	vst v63  }
.Ltmp0:
0x4d: {  	_ =	swait.ge [sflag:s21], $0x4000;
	(pc) =	sbr.rel @p0 .LBB2_2-.Ltmp0, $4  }
0x4e: {  	[sflag:s21] =	ssyncset.done $0x0  }
0x4f: {  	[sflag:s21] =	ssyncadd.s32 $0xFFFFC000  }
0x50: {  	_ =	swait.ge [sflag:s22], $0x4000  }
0x51: {  	s24 =	sadd.s32 $0x100, s24;
	s26 =	smov.u32 s30;
	[sflag:s22] =	ssyncset.done $0x0  }
0x52: {  	s26 =	sadd.s32 s25, s11;
	[sflag:s22] =	ssyncadd.s32 $0xFFFFC000  }
0x53: {  	[tilespmem:s14], [sflag:$0x5] =	stream.linear.gather [hbm4b:s26+s4], $0x80, $0x38;
	[tilespmem:$0x1D900] =	vst v63  }
0x54: {  	_ =	swait.ge [sflag:s13], $0x80  }
0x55: {  	[sflag:s13] =	ssyncset.done $0x0  }
0x56: {  	[sflag:s13] =	ssyncadd.s32 $0xFFFFFF80  }
0x57: {  	[tilespmem:s16], [sflag:$0x1] =	stream.indirect.gather [hbm4b:s1+s15], $0x80, s24, s15, $0xb8;
	[tilespmem:$0x1D900] =	vst v63  }
0x58: {  	s30 =	sadd.s32 s25, s10  }
0x59: {  	[tilespmem:s17], [sflag:$0x5] =	stream.linear.gather [hbm4b:s30+s4], $0x80, $0x38;
	[tilespmem:$0x1D900] =	vst v63  }
0x5a: {  	_ =	swait.ge [sflag:s13], $0x80  }
0x5b: {  	[sflag:s13] =	ssyncset.done $0x0  }
0x5c: {  	s31 =	sadd.s32 $0x80, s24;
	[sflag:s13] =	ssyncadd.s32 $0xFFFFFF80  }
0x5d: {  	[tilespmem:s18], [sflag:$0x2] =	stream.indirect.gather [hbm4b:s1+s15], $0x80, s31, s15, $0xb8;
	[tilespmem:$0x1D900] =	vst v63  }
0x5e: {  	_ =	swait.ge [sflag:s19], $0x4000  }
0x5f: {  	[sflag:s19] =	ssyncset.done $0x0  }
0x60: {  	[sflag:s19] =	ssyncadd.s32 $0xFFFFC000  }
0x61: {  	[spmem:s3] =	stream.indirect.scatter.add.f32 [tilespmem:s16], [sflag:$0x3], $0x80, s14, s15, $0xb8;
	[tilespmem:$0x1D900] =	vst v63  }
0x62: {  	_ =	swait.ge [sflag:s20], $0x4000  }
0x63: {  	[sflag:s20] =	ssyncset.done $0x0  }
0x64: {  	[sflag:s20] =	ssyncadd.s32 $0xFFFFC000  }
0x65: {  	[spmem:s3] =	stream.indirect.scatter.add.f32 [tilespmem:s18], [sflag:$0x4], $0x80, s17, s15, $0xb8;
	[tilespmem:$0x1D900] =	vst v63  }
0x66: {  	_ =	swait.ge [sflag:s21], $0x4000  }
0x67: {  	[sflag:s21] =	ssyncset.done $0x0  }
0x68: {  	[sflag:s21] =	ssyncadd.s32 $0xFFFFC000  }
0x69: {  	_ =	swait.ge [sflag:s22], $0x4000  }
0x6a: {  	s23 =	sadd.s32 $0x1, s23;
	[sflag:s22] =	ssyncset.done $0x0  }
0x6b: {  	p0 =	sne.s32 s23, s9;
	[sflag:s22] =	ssyncadd.s32 $0xFFFFC000  }
.Ltmp1:
0x6c: {  	[bflag:$0x0] =	sbarrier.arrive $0xFFFF;
	(pc) =	sbr.rel @p0 .LBB2_1-.Ltmp1, $4  }
0x6d: {  	[hbm:s8], [sflag:s6] =	dma.local [spmem:s12], $0x2800  }
0x6e: {  	_ =	swait.ge [sflag:s13], $0x2800  }
0x6f: {  	[sflag:s13] =	ssyncset.done $0x0  }
0x70: {  	[sflag:s13] =	ssyncadd.s32 $0xFFFFD800  }
0x71: {  	_ =	sfence.sel $0x180000  }
0x72: {  	[bflag:$0x0] =	sbarrier.arrive $0xFFFF  }
0x73: {  	p0 =	sne.s32 s2, $0x0;
	_ =	strace $0x90000059  }
0x74: {  	s0 =	sadd.s32 @!p0 $0x100000, s0;
	[bflag:$0x2] =	sbarrier.arrive $0xFFFF  }
0x75: {  	[sflag:s0] =	ssyncadd.tile.s32 @!p0 $0x1;
	_ =	shalt  }
.Lfunc_end2:
_tile_overlayer_lowered:
.L_overlay_start_2:
0x76: {  	(tag) =	ssettag $0x2  }
0x77: {  	s0 =	rddreg [dreg:$0x0];
	s2 =	stileid.u32  }
0x78: {  	s1 =	rddreg [dreg:$0x1];
	p0 =	sne.s32 s2, $0x0  }
0x79: {  	s3 =	rddreg [dreg:$0x2];
	[bflag:$0x3] =	sbarrier.arrive $0xFFFF;
	s2 =	simm.s32 @!p0 $0x1C05  }
0x7a: {  	[timem:s3], [sflag:s2] =	dma.local @!p0 [hbm:s0], s1  }
0x7b: {  	s0 =	simm.s32 @!p0 $0x5  }
0x7c: {  	_ =	swait.ge @!p0 [sflag:s0], s1  }
0x7d: {  	s1 =	ssub.s32 @!p0 $0x0, s1;
	[sflag:s0] =	ssyncset.done @!p0 $0x0  }
0x7e: {  	[sflag:s0] =	ssyncadd.s32 @!p0 s1  }
0x7f: {  	[bflag:$0x3] =	sbarrier.arrive $0xFFFF  }
0x80: {  	_ =	shalt  }

// kernel: kernel.41.cloned.1.call-start
scs
__scs_entry_jumppad:
0x0: {  	(pc) =	sbr.rel $0x88, $3  }
0x1: {  	(tag) =	ssettag $0x0;
	lr =	simm.s32 $0x1  }
0x2: {  	[smem:$0x3F8F] =	sst lr;
	_ =	strace $0xD0000000  }
0x3: {  	_ = 	snop  }
0x4: {  	_ = 	snop  }
0x5: {  	_ = 	snop  }
0x6: {  	_ = 	snop  }
0x7: {  	_ = 	snop  }
__scs_overlays_trampoline_lowered:
0x8: {  	[smem:$0x3F9E] =	sst s0  }
0x9: {  	[smem:$0x3F9F] =	sst s1  }
0xa: {  	[smem:$0x3FA0] =	sst s2  }
0xb: {  	[smem:$0x3FA1] =	sst s3  }
0xc: {  	[smem:$0x3FA2] =	sst s4  }
0xd: {  	[smem:$0x3FA3] =	sst s5  }
0xe: {  	[smem:$0x3FA4] =	sst s6  }
0xf: {  	[smem:$0x3FA5] =	sst s7  }
0x10: {  	[smem:$0x3FA6] =	sst s8  }
0x11: {  	[smem:$0x3FA7] =	sst s9;
	s0 =	simm.s32 @!p0 $0x0  }
0x12: {  	s1 =	sld [smem:$0x3F8D];
	s0 =	simm.s32 @p0 $0x1  }
0x13: {  	[smem:$0x3FA8] =	sst s0;
	s0 =	simm.s32 @!p1 $0x0  }
0x14: {  	s2 =	sld [smem:$0x3F8C];
	s0 =	simm.s32 @p1 $0x1  }
0x15: {  	[smem:$0x3FA9] =	sst s0;
	s0 =	simm.s32 @!p2 $0x0  }
0x16: {  	s3 =	sld [smem:$0x3FDB];
	s0 =	simm.s32 @p2 $0x1  }
0x17: {  	s4 =	simm.s32 $0x1BF5;
	[smem:$0x3FAB] =	sst s0  }
0x18: {  	s0 =	sld [smem:$0x3F8E];
	_ =	swait.ge [sflag:s4], $0x0  }
0x19: {  	s7 =	sld [smem:$0x3F8F]  }
0x1a: {  	s8 =	sadd.s32 $0xFFFFE003, lr  }
0x1b: {  	s9 =	sadd.s32 $0xFFFFFEF7, lr;
	s5 =	simm.s32 $0xFFFFFFFF;
	p2 =	slt.u32 s8, $0xFFFFF086  }
0x1c: {  	p1 =	slt.u32 s9, $0xF7A;
	s5 =	simm.s32 @!p2 $0x0  }
0x1d: {  	s5 =	simm.s32 @p1 $0x1;
	p0 =	seq.s32 s7, s2  }
0x1e: {  	s7 =	smul.u32 @!p0 $0xF7A, s2;
	p2 =	seq.s32 @!p0 s5, $0x0  }
0x1f: {  	s9 =	smul.u32 $0xF7A, s1;
	s8 =	simm.s32 @!p0 $0x1BF5;
	p2 =	por !p2, p0  }
0x20: {  	[sflag:s8] =	ssyncset.s32 @!p0 $0xFFFFF086;
	s6 =	sadd.s32 @!p0 s3, s7;
	s7 =	simm.s32 @!p0 $0x108  }
0x21: {  	s3 =	sadd.s32 s3, s9;
	s6 =	sadd.s32 @!p0 $0x88, s6;
	s7 =	simm.s32 @p2 $0x1082  }
0x22: {  	[simem:s7], [sflag:s8] =	dma.local @!p0 [hbm:s6], $0xF7A  }
0x23: {  	s9 =	sor.u32 $0xD0000000, s2;
	s6 =	simm.s32 $0x108;
	_ =	swait.ge @!p0 [sflag:s8], $0x0  }
0x24: {  	s3 =	sadd.s32 $0x88, s3;
	s6 =	simm.s32 @!p1 $0x1082;
	[sflag:s4] =	ssyncset.s32 $0xFFFFF086  }
0x25: {  	[simem:s6], [sflag:s4] =	dma.local [hbm:s3], $0xF7A  }
0x26: {  	[smem:$0x3F8F] =	sst s1;
	(tag) =	ssettag s2;
	_ =	strace s9  }
0x27: {  	s1 =	sld [smem:$0x3F9F]  }
0x28: {  	s2 =	sld [smem:$0x3FA0]  }
0x29: {  	s4 =	sld [smem:$0x3FA2]  }
0x2a: {  	p0 =	seq.s32 s5, $0x0;
	s5 =	sld [smem:$0x3FA3]  }
0x2b: {  	s6 =	sld [smem:$0x3FA4]  }
0x2c: {  	s7 =	sld [smem:$0x3FA5]  }
0x2d: {  	s3 =	simm.s32 $0x108;
	s8 =	sld [smem:$0x3FA6]  }
0x2e: {  	s3 =	simm.s32 @!p0 $0x1082;
	s9 =	sld [smem:$0x3FA7]  }
0x2f: {  	lr =	sadd.s32 s0, s3;
	s0 =	sld [smem:$0x3F9E]  }
0x30: {  	s3 =	sld [smem:$0x3FA1]  }
0x31: {  	[smem:$0x3FAA] =	sst s10  }
0x32: {  	s10 =	sld [smem:$0x3FA8];
	_ =	sdelay $0x3  }
0x33: {  	p0 =	seq.s32 s10, $0x1;
	s10 =	sld [smem:$0x3FAA];
	_ =	sdelay $0x3  }
0x34: {  	[smem:$0x3FAA] =	sst s10  }
0x35: {  	s10 =	sld [smem:$0x3FA9];
	_ =	sdelay $0x3  }
0x36: {  	p1 =	seq.s32 s10, $0x1;
	s10 =	sld [smem:$0x3FAA];
	_ =	sdelay $0x3  }
0x37: {  	[smem:$0x3FAA] =	sst s10  }
0x38: {  	s10 =	sld [smem:$0x3FAB]  }
0x39: {  	_ = 	snop;
	(pc) =	sbr.ind lr, $3  }
0x3a: {  	_ = 	snop  }
0x3b: {  	_ = 	snop  }
0x3c: {  	p2 =	seq.s32 s10, $0x1;
	s10 =	sld [smem:$0x3FAA]  }
0x3d: {  	_ =	shalt  }
0x3e: {  	_ =	shalt  }
0x3f: {  	_ =	shalt  }
0x40: {  	_ =	shalt  }
0x41: {  	_ =	shalt  }
0x42: {  	_ =	shalt  }
0x43: {  	_ =	shalt  }
0x44: {  	_ =	shalt  }
0x45: {  	_ =	shalt  }
0x46: {  	_ =	shalt  }
0x47: {  	_ =	shalt  }
0x48: {  	_ =	shalt  }
0x49: {  	_ =	shalt  }
0x4a: {  	_ =	shalt  }
0x4b: {  	_ =	shalt  }
0x4c: {  	_ =	shalt  }
0x4d: {  	_ =	shalt  }
0x4e: {  	_ =	shalt  }
0x4f: {  	_ =	shalt  }
0x50: {  	_ =	shalt  }
0x51: {  	_ =	shalt  }
0x52: {  	_ =	shalt  }
0x53: {  	_ =	shalt  }
0x54: {  	_ =	shalt  }
0x55: {  	_ =	shalt  }
0x56: {  	_ =	shalt  }
0x57: {  	_ =	shalt  }
0x58: {  	_ =	shalt  }
0x59: {  	_ =	shalt  }
0x5a: {  	_ =	shalt  }
0x5b: {  	_ =	shalt  }
0x5c: {  	_ =	shalt  }
0x5d: {  	_ =	shalt  }
0x5e: {  	_ =	shalt  }
0x5f: {  	_ =	shalt  }
0x60: {  	_ =	shalt  }
0x61: {  	_ =	shalt  }
0x62: {  	_ =	shalt  }
0x63: {  	_ =	shalt  }
0x64: {  	_ =	shalt  }
0x65: {  	_ =	shalt  }
0x66: {  	_ =	shalt  }
0x67: {  	_ =	shalt  }
0x68: {  	_ =	shalt  }
0x69: {  	_ =	shalt  }
0x6a: {  	_ =	shalt  }
0x6b: {  	_ =	shalt  }
0x6c: {  	_ =	shalt  }
0x6d: {  	_ =	shalt  }
0x6e: {  	_ =	shalt  }
0x6f: {  	_ =	shalt  }
0x70: {  	_ =	shalt  }
0x71: {  	_ =	shalt  }
0x72: {  	_ =	shalt  }
0x73: {  	_ =	shalt  }
0x74: {  	_ =	shalt  }
0x75: {  	_ =	shalt  }
0x76: {  	_ =	shalt  }
0x77: {  	_ =	shalt  }
0x78: {  	_ =	shalt  }
0x79: {  	_ =	shalt  }
0x7a: {  	_ =	shalt  }
0x7b: {  	_ =	shalt  }
0x7c: {  	_ =	shalt  }
0x7d: {  	_ =	shalt  }
0x7e: {  	_ =	shalt  }
0x7f: {  	_ =	shalt  }
0x80: {  	_ =	shalt  }
0x81: {  	_ =	shalt  }
0x82: {  	_ =	shalt  }
0x83: {  	_ =	shalt  }
0x84: {  	_ =	shalt  }
0x85: {  	_ =	shalt  }
0x86: {  	_ =	shalt  }
0x87: {  	_ =	shalt  }
.Lfunc_end0:
.L_simem_size_0:
called_computation.7_lowered:
.L_overlay_start_0:
0x88: {  	s2 =	sld [smem:$0x3FD9]  }
0x89: {  	s3 =	sld [smem:$0x3FFE];
	_ =	sdelay $0x1  }
0x8a: {  	s1 =	srdreg.scid  }
0x8b: {  	s0 =	sand.u32 $0x1, s1  }
0x8c: {  	s14 =	sshll.u32 s0, $0xA;
	s2 =	sadd.s32 s3, s2  }
0x8d: {  	s2 =	sadd.s32 s2, s14  }
0x8e: {  	[smem:$0x3FB6] =	sst s2  }
0x8f: {  	_ = 	snop  }
0x90: {  	s2 =	sld [smem:$0x3FD0];
	_ =	sdelay $0x2  }
0x91: {  	s15 =	simm.s32 $0xA;
	s4 =	simm.s32 $0x10  }
0x92: {  	[smem:s4], [sflag:s15] =	dma.local [hbm:s2], $0x1  }
0x93: {  	_ =	swait.eq [sflag:s15], $0x1  }
0x94: {  	[sflag:s15] =	ssyncset.done $0x0  }
0x95: {  	s16 =	sld [smem:$0x16];
	[sflag:s15] =	ssyncadd.s32 $0xFFFFFFFF  }
0x96: {  	s17 =	sld [smem:$0x17];
	(tm) =	ssettm $0x1  }
0x97: {  	s18 =	sld [smem:$0x3FFB];
	_ =	sdelay $0x3  }
0x98: {  	_ =	strace s18  }
0x99: {  	s4 =	sld [smem:$0x3FFC];
	_ =	sdelay $0x3  }
0x9a: {  	_ =	strace s4  }
0x9b: {  	s4 =	sld [smem:$0x3FFD];
	_ =	sdelay $0x3  }
0x9c: {  	_ =	strace s4  }
0x9d: {  	_ =	strace $0x8FFFFFFF  }
0x9e: {  	s19 =	sld [smem:$0x3FDB];
	_ =	sdelay $0x1  }
0x9f: {  	s5 =	simm.s32 $_scs_section_size  }
0xa0: {  	s6 =	simm.s32 $_size__tile_overlayer_lowered;
	s7 =	simm.s32 $_tile_overlayer_lowered  }
0xa1: {  	s22 =	simm.s32 $0x1BFF;
	s21 =	sshll.u32 s7, $0x1;
	s4 =	sadd.s32 s5, s19  }
0xa2: {  	s8 =	simm.s32 $0x0;
	s20 =	sshll.u32 s6, $0x1;
	s6 =	sadd.s32 s21, s4  }
0xa3: {  	[timem:s8], [sflag:s22] =	dma.local [hbm:s6], s20  }
0xa4: {  	_ =	swait.ge [sflag:s22], s20  }
0xa5: {  	s5 =	ssub.s32 $0x0, s20;
	[sflag:s22] =	ssyncset.done $0x0  }
0xa6: {  	[sflag:s22] =	ssyncadd.s32 s5;
	_ =	sdelay $0x1  }
0xa7: {  	s23 =	simm.s32 $0x1B8B  }
0xa8: {  	_ =	swait.ge [sflag:s23], $0x1  }
0xa9: {  	[sflag:s23] =	ssyncset.done $0x0  }
0xaa: {  	s25 =	simm.s32 $0x1B8E;
	s24 =	sld [smem:$0x3FFE];
	[sflag:s23] =	ssyncadd.s32 $0xFFFFFFFF  }
0xab: {  	s26 =	simm.s32 $execute0_lowered;
	[smem:$0x3FD2] =	sst s25  }
0xac: {  	s6 =	sshll.u32 s26, $0x1;
	_ =	strace $0x8000005B;
	[dreg:$0x1] =	wrdreg $0xFFFFFFFF  }
0xad: {  	s28 =	simm.s32 $_size_execute0_lowered;
	s4 =	sadd.s32 s4, s6;
	[dreg:$0x0] =	wrdreg $0x0  }
0xae: {  	s6 =	sshll.u32 s28, $0x1;
	[dreg:$0x2] =	wrdreg s4  }
0xaf: {  	[dreg:$0x3] =	wrdreg s6  }
0xb0: {  	[dreg:$0x4] =	wrdreg $0xC0  }
0xb1: {  	_ =	task [dreg:s8], $0x5FFFF  }
0xb2: {  	[dreg:$0x1] =	wrdreg $0xFFFFFFFF  }
0xb3: {  	[dreg:$0x0] =	wrdreg $0x60  }
0xb4: {  	[dreg:$0x2] =	wrdreg s17  }
0xb5: {  	[dreg:$0x3] =	wrdreg s24  }
0xb6: {  	[dreg:$0x4] =	wrdreg s16  }
0xb7: {  	[dreg:$0x5] =	wrdreg $0x99000  }
0xb8: {  	[dreg:$0x6] =	wrdreg $0x9  }
0xb9: {  	_ =	task.clear_ibuf [dreg:s8], $0x7FFFF;
	_ =	strace $0x9000005B  }
0xba: {  	s29 =	simm.s32 $0x9;
	_ =	strace $0x8000005D  }
0xbb: {  	_ =	swait.ge [sflag:s29], $0x1  }
0xbc: {  	[sflag:s29] =	ssyncadd.s32 $0xFFFFFFFF  }
0xbd: {  	_ =	strace $0x9000005D  }
0xbe: {  	_ =	sfence  }
0xbf: {  	s30 =	sld [smem:$0x0];
	_ =	sdelay $0x2  }
0xc0: {  	s31 =	sshll.u32 s1, $0xD;
	s1 =	sshrl.u32 s1, $0x2  }
0xc1: {  	s3 =	sand.u32 $0x4000, s31;
	s1 =	sadd.s32 s1, s30  }
0xc2: {  	s0 =	sor.u32 s3, s0;
	s1 =	sshll.u32 s1, $0x11  }
0xc3: {  	s0 =	sor.u32 s1, s0  }
0xc4: {  	s0 =	sadd.s32 $0x8F2B, s0  }
0xc5: {  	[sflag:s0] =	ssyncadd.remote.s32 $0x1  }
0xc6: {  	_ =	sfence.sel $0xFFFF  }
0xc7: {  	[dreg:$0x0] =	wrdreg $0xFFFFFFFF;
	(pc) =	sbr.abs _section_cstart, $3  }
0xc8: {  	[dreg:$0x1] =	wrdreg $0xFFFFFFFF  }
0xc9: {  	_ =	task.clear_ibuf [dreg:s8], $0x2FFFF;
	_ =	strace $0x9FFFFFFF  }
0xca: {  	(tm) =	ssettm $0x7FFFFFFF  }
0xcb: {  	_ =	shalt  }
tec
execute0_lowered:
.L_overlay_start_1:
0x0: {  	(tag) =	ssettag $0x1  }
0x1: {  	s1 =	rddreg [dreg:$0x0]  }
0x2: {  	s6 =	rddreg [dreg:$0x1];
	s2 =	srdreg.scid  }
0x3: {  	s0 =	stileid.u32;
	s11 =	rddreg [dreg:$0x2]  }
0x4: {  	s3 =	rddreg [dreg:$0x3];
	s4 =	simm.s32 $0x0;
	s15 =	simm.s32 $0x80  }
0x5: {  	s16 =	simm.s32 $0x1900;
	s17 =	simm.s32 $0x1880;
	s18 =	simm.s32 $0x5900  }
0x6: {  	s19 =	simm.s32 $0x1;
	s20 =	simm.s32 $0x2;
	s21 =	simm.s32 $0x3  }
0x7: {  	s22 =	simm.s32 $0x4;
	s23 =	simm.s32 $0x0;
	s8 =	smul.u32 $0x280, s0  }
0x8: {  	s7 =	sand.u32 $0x1, s2;
	s2 =	rddreg [dreg:$0x4];
	s12 =	smul.u32 $0x50000, s0  }
0x9: {  	s26 =	sshll.u32 s0, $0x1;
	[smem:$0x7FF] =	sst s4;
	s13 =	smul.u32 $0x3000, s0  }
0xa: {  	s30 =	sshll.u32 s0, $0x6;
	s5 =	sor.u32 s7, s26;
	s9 =	smul.u32 $0x2800, s7  }
0xb: {  	_ =	strace $0x8000005C;
	s28 =	ssub.s32 $0x2, s7;
	s7 =	smul.u32 $0x1800, s7  }
0xc: {  	s5 =	smul.u32 $0x1800, s5;
	s14 =	sshrl.u32 s28, $0x1;
	s29 =	sshrl.u32 s12, $0x2  }
0xd: {  	s8 =	sadd.s32 s8, s9;
	s9 =	ssub.s32 s28, s14;
	s12 =	sadd.s32 s29, s3  }
0xe: {  	s13 =	sadd.s32 s7, s13;
	s14 =	simm.s32 $0x1800;
	s5 =	sshrl.u32 s5, $0x3  }
0xf: {  	s8 =	sshll.u32 s8, $0x4;
	s31 =	sor.u32 $0x80, s13;
	s13 =	sshrl.u32 s13, $0x3  }
0x10: {  	s9 =	smax.u32 s9, $0x1;
	s12 =	sshrl.u32 s12, $0x3;
	s10 =	sadd.s32 s5, s6  }
0x11: {  	s5 =	sadd.s32 $0x94600, s6;
	s8 =	sadd.s32 s8, s6;
	s6 =	sor.u32 $0x1C05, s30  }
0x12: {  	s7 =	sadd.s32 $0x16600, s10;
	s8 =	sadd.s32 $0x96E00, s8;
	s10 =	sshrl.u32 s31, $0x3  }
0x13: {  	s10 =	sadd.s32 s10, s11;
	s11 =	sadd.s32 s13, s11;
	s13 =	simm.s32 $0x5  }
.LBB2_1:
0x14: {  	[spmem:s12], [sflag:s6] =	dma.local [hbm:s5], $0x2800  }
0x15: {  	_ =	swait.ge [sflag:s13], $0x2800  }
0x16: {  	[sflag:s13] =	ssyncset.done $0x0  }
0x17: {  	[sflag:s13] =	ssyncadd.s32 $0xFFFFD800  }
0x18: {  	[tilespmem:s4], [sflag:$0x5] =	stream.linear.gather [hbm4b:s7+s4], $0x1800, $0x38;
	[tilespmem:$0x1D900] =	vst v63  }
0x19: {  	_ =	swait.ge [sflag:s13], $0x1800  }
0x1a: {  	[sflag:s13] =	ssyncset.done $0x0  }
0x1b: {  	[sflag:s13] =	ssyncadd.s32 $0xFFFFE800  }
0x1c: {  	s24 =	sadd.s32 $0x0, s11;
	[bflag:$0x0] =	sbarrier.arrive $0xFFFF  }
0x1d: {  	[tilespmem:s14], [sflag:$0x5] =	stream.linear.gather [hbm4b:s24+s4], $0x80, $0x38;
	[tilespmem:$0x1D900] =	vst v63  }
0x1e: {  	_ =	swait.ge [sflag:s13], $0x80  }
0x1f: {  	[sflag:s13] =	ssyncset.done $0x0  }
0x20: {  	[sflag:s13] =	ssyncadd.s32 $0xFFFFFF80  }
0x21: {  	[tilespmem:s16], [sflag:$0x1] =	stream.indirect.gather [hbm4b:s1+s15], $0x80, s4, s15, $0xb8;
	[tilespmem:$0x1D900] =	vst v63  }
0x22: {  	s30 =	sadd.s32 $0x0, s10  }
0x23: {  	[tilespmem:s17], [sflag:$0x5] =	stream.linear.gather [hbm4b:s30+s4], $0x80, $0x38;
	[tilespmem:$0x1D900] =	vst v63  }
0x24: {  	_ =	swait.ge [sflag:s13], $0x80  }
0x25: {  	[sflag:s13] =	ssyncset.done $0x0  }
0x26: {  	s31 =	simm.s32 $0x80;
	[sflag:s13] =	ssyncadd.s32 $0xFFFFFF80  }
0x27: {  	[tilespmem:s18], [sflag:$0x2] =	stream.indirect.gather [hbm4b:s1+s15], $0x80, s31, s15, $0xb8;
	[tilespmem:$0x1D900] =	vst v63  }
0x28: {  	_ =	swait.ge [sflag:s19], $0x4000  }
0x29: {  	[sflag:s19] =	ssyncset.done $0x0  }
0x2a: {  	[sflag:s19] =	ssyncadd.s32 $0xFFFFC000  }
0x2b: {  	[spmem:s3] =	stream.indirect.scatter.add.f32 [tilespmem:s16], [sflag:$0x3], $0x80, s14, s15, $0xb8;
	[tilespmem:$0x1D900] =	vst v63  }
0x2c: {  	_ =	swait.ge [sflag:s20], $0x4000  }
0x2d: {  	[sflag:s20] =	ssyncset.done $0x0  }
0x2e: {  	[sflag:s20] =	ssyncadd.s32 $0xFFFFC000  }
0x2f: {  	[spmem:s3] =	stream.indirect.scatter.add.f32 [tilespmem:s18], [sflag:$0x4], $0x80, s17, s15, $0xb8;
	[tilespmem:$0x1D900] =	vst v63  }
0x30: {  	_ =	swait.ge [sflag:s21], $0x4000  }
0x31: {  	[sflag:s21] =	ssyncset.done $0x0  }
0x32: {  	[sflag:s21] =	ssyncadd.s32 $0xFFFFC000  }
0x33: {  	s25 =	simm.s32 $0x20;
	_ =	swait.ge [sflag:s22], $0x4000  }
0x34: {  	s26 =	simm.s32 $0x40;
	s24 =	simm.s32 $0x100;
	[sflag:s22] =	ssyncset.done $0x0  }
.LBB2_2:
0x35: {  	s28 =	sadd.s32 s25, s11  }
0x36: {  	[sflag:s22] =	ssyncadd.s32 $0xFFFFC000;
	s29 =	smov.u32 s26;
	s30 =	sadd.s32 $0x20, s26  }
0x37: {  	[tilespmem:s14], [sflag:$0x5] =	stream.linear.gather [hbm4b:s28+s4], $0x80, $0x38;
	[tilespmem:$0x1D900] =	vst v63  }
0x38: {  	p0 =	sne.s32 s26, $0x2E0;
	_ =	swait.ge [sflag:s13], $0x80  }
0x39: {  	[sflag:s13] =	ssyncset.done $0x0  }
0x3a: {  	[sflag:s13] =	ssyncadd.s32 $0xFFFFFF80  }
0x3b: {  	[tilespmem:s16], [sflag:$0x1] =	stream.indirect.gather [hbm4b:s1+s15], $0x80, s24, s15, $0xb8;
	[tilespmem:$0x1D900] =	vst v63  }
0x3c: {  	s26 =	sadd.s32 s25, s10;
	s25 =	smov.u32 s29  }
0x3d: {  	[tilespmem:s17], [sflag:$0x5] =	stream.linear.gather [hbm4b:s26+s4], $0x80, $0x38;
	[tilespmem:$0x1D900] =	vst v63  }
0x3e: {  	_ =	swait.ge [sflag:s13], $0x80  }
0x3f: {  	[sflag:s13] =	ssyncset.done $0x0  }
0x40: {  	s26 =	sadd.s32 $0x80, s24;
	[sflag:s13] =	ssyncadd.s32 $0xFFFFFF80  }
0x41: {  	[tilespmem:s18], [sflag:$0x2] =	stream.indirect.gather [hbm4b:s1+s15], $0x80, s26, s15, $0xb8;
	[tilespmem:$0x1D900] =	vst v63  }
0x42: {  	_ =	swait.ge [sflag:s19], $0x4000  }
0x43: {  	[sflag:s19] =	ssyncset.done $0x0  }
0x44: {  	[sflag:s19] =	ssyncadd.s32 $0xFFFFC000  }
0x45: {  	[spmem:s3] =	stream.indirect.scatter.add.f32 [tilespmem:s16], [sflag:$0x3], $0x80, s14, s15, $0xb8;
	[tilespmem:$0x1D900] =	vst v63  }
0x46: {  	_ =	swait.ge [sflag:s20], $0x4000  }
0x47: {  	[sflag:s20] =	ssyncset.done $0x0  }
0x48: {  	[sflag:s20] =	ssyncadd.s32 $0xFFFFC000  }
0x49: {  	[spmem:s3] =	stream.indirect.scatter.add.f32 [tilespmem:s18], [sflag:$0x4], $0x80, s17, s15, $0xb8;
	[tilespmem:$0x1D900] =	vst v63  }
.Ltmp0:
0x4a: {  	_ =	swait.ge [sflag:s21], $0x4000;
	(pc) =	sbr.rel @p0 .LBB2_2-.Ltmp0, $4  }
0x4b: {  	[sflag:s21] =	ssyncset.done $0x0  }
0x4c: {  	[sflag:s21] =	ssyncadd.s32 $0xFFFFC000  }
0x4d: {  	_ =	swait.ge [sflag:s22], $0x4000  }
0x4e: {  	s24 =	sadd.s32 $0x100, s24;
	s26 =	smov.u32 s30;
	[sflag:s22] =	ssyncset.done $0x0  }
0x4f: {  	s26 =	sadd.s32 s25, s11;
	[sflag:s22] =	ssyncadd.s32 $0xFFFFC000  }
0x50: {  	[tilespmem:s14], [sflag:$0x5] =	stream.linear.gather [hbm4b:s26+s4], $0x80, $0x38;
	[tilespmem:$0x1D900] =	vst v63  }
0x51: {  	_ =	swait.ge [sflag:s13], $0x80  }
0x52: {  	[sflag:s13] =	ssyncset.done $0x0  }
0x53: {  	[sflag:s13] =	ssyncadd.s32 $0xFFFFFF80  }
0x54: {  	[tilespmem:s16], [sflag:$0x1] =	stream.indirect.gather [hbm4b:s1+s15], $0x80, s24, s15, $0xb8;
	[tilespmem:$0x1D900] =	vst v63  }
0x55: {  	s30 =	sadd.s32 s25, s10  }
0x56: {  	[tilespmem:s17], [sflag:$0x5] =	stream.linear.gather [hbm4b:s30+s4], $0x80, $0x38;
	[tilespmem:$0x1D900] =	vst v63  }
0x57: {  	_ =	swait.ge [sflag:s13], $0x80  }
0x58: {  	[sflag:s13] =	ssyncset.done $0x0  }
0x59: {  	s31 =	sadd.s32 $0x80, s24;
	[sflag:s13] =	ssyncadd.s32 $0xFFFFFF80  }
0x5a: {  	[tilespmem:s18], [sflag:$0x2] =	stream.indirect.gather [hbm4b:s1+s15], $0x80, s31, s15, $0xb8;
	[tilespmem:$0x1D900] =	vst v63  }
0x5b: {  	_ =	swait.ge [sflag:s19], $0x4000  }
0x5c: {  	[sflag:s19] =	ssyncset.done $0x0  }
0x5d: {  	[sflag:s19] =	ssyncadd.s32 $0xFFFFC000  }
0x5e: {  	[spmem:s3] =	stream.indirect.scatter.add.f32 [tilespmem:s16], [sflag:$0x3], $0x80, s14, s15, $0xb8;
	[tilespmem:$0x1D900] =	vst v63  }
0x5f: {  	_ =	swait.ge [sflag:s20], $0x4000  }
0x60: {  	[sflag:s20] =	ssyncset.done $0x0  }
0x61: {  	[sflag:s20] =	ssyncadd.s32 $0xFFFFC000  }
0x62: {  	[spmem:s3] =	stream.indirect.scatter.add.f32 [tilespmem:s18], [sflag:$0x4], $0x80, s17, s15, $0xb8;
	[tilespmem:$0x1D900] =	vst v63  }
0x63: {  	_ =	swait.ge [sflag:s21], $0x4000  }
0x64: {  	[sflag:s21] =	ssyncset.done $0x0  }
0x65: {  	[sflag:s21] =	ssyncadd.s32 $0xFFFFC000  }
0x66: {  	_ =	swait.ge [sflag:s22], $0x4000  }
0x67: {  	s23 =	sadd.s32 $0x1, s23;
	[sflag:s22] =	ssyncset.done $0x0  }
0x68: {  	p0 =	sne.s32 s23, s9;
	[sflag:s22] =	ssyncadd.s32 $0xFFFFC000  }
.Ltmp1:
0x69: {  	[bflag:$0x0] =	sbarrier.arrive $0xFFFF;
	(pc) =	sbr.rel @p0 .LBB2_1-.Ltmp1, $4  }
0x6a: {  	[hbm:s8], [sflag:s6] =	dma.local [spmem:s12], $0x2800  }
0x6b: {  	_ =	swait.ge [sflag:s13], $0x2800  }
0x6c: {  	[sflag:s13] =	ssyncset.done $0x0  }
0x6d: {  	[sflag:s13] =	ssyncadd.s32 $0xFFFFD800  }
0x6e: {  	_ =	sfence.sel $0x180000  }
0x6f: {  	[bflag:$0x0] =	sbarrier.arrive $0xFFFF  }
0x70: {  	p0 =	sne.s32 s0, $0x0;
	_ =	strace $0x9000005C  }
0x71: {  	s0 =	sadd.s32 @!p0 $0x100000, s2;
	[bflag:$0x2] =	sbarrier.arrive $0xFFFF  }
0x72: {  	[sflag:s0] =	ssyncadd.tile.s32 @!p0 $0x1;
	_ =	shalt  }
.Lfunc_end2:
_tile_overlayer_lowered:
.L_overlay_start_2:
0x73: {  	(tag) =	ssettag $0x2  }
0x74: {  	s0 =	rddreg [dreg:$0x0];
	s2 =	stileid.u32  }
0x75: {  	s1 =	rddreg [dreg:$0x1];
	p0 =	sne.s32 s2, $0x0  }
0x76: {  	s3 =	rddreg [dreg:$0x2];
	[bflag:$0x3] =	sbarrier.arrive $0xFFFF;
	s2 =	simm.s32 @!p0 $0x1C05  }
0x77: {  	[timem:s3], [sflag:s2] =	dma.local @!p0 [hbm:s0], s1  }
0x78: {  	s0 =	simm.s32 @!p0 $0x5  }
0x79: {  	_ =	swait.ge @!p0 [sflag:s0], s1  }
0x7a: {  	s1 =	ssub.s32 @!p0 $0x0, s1;
	[sflag:s0] =	ssyncset.done @!p0 $0x0  }
0x7b: {  	[sflag:s0] =	ssyncadd.s32 @!p0 s1  }
0x7c: {  	[bflag:$0x3] =	sbarrier.arrive $0xFFFF  }
0x7d: {  	_ =	shalt  }

// kernel: kernel.44.cloned.1.call-start
scs
__scs_entry_jumppad:
0x0: {  	(pc) =	sbr.rel $0x88, $3  }
0x1: {  	(tag) =	ssettag $0x0;
	lr =	simm.s32 $0x1  }
0x2: {  	[smem:$0x3F8F] =	sst lr;
	_ =	strace $0xD0000000  }
0x3: {  	_ = 	snop  }
0x4: {  	_ = 	snop  }
0x5: {  	_ = 	snop  }
0x6: {  	_ = 	snop  }
0x7: {  	_ = 	snop  }
__scs_overlays_trampoline_lowered:
0x8: {  	[smem:$0x3F9E] =	sst s0  }
0x9: {  	[smem:$0x3F9F] =	sst s1  }
0xa: {  	[smem:$0x3FA0] =	sst s2  }
0xb: {  	[smem:$0x3FA1] =	sst s3  }
0xc: {  	[smem:$0x3FA2] =	sst s4  }
0xd: {  	[smem:$0x3FA3] =	sst s5  }
0xe: {  	[smem:$0x3FA4] =	sst s6  }
0xf: {  	[smem:$0x3FA5] =	sst s7  }
0x10: {  	[smem:$0x3FA6] =	sst s8  }
0x11: {  	[smem:$0x3FA7] =	sst s9;
	s0 =	simm.s32 @!p0 $0x0  }
0x12: {  	s1 =	sld [smem:$0x3F8D];
	s0 =	simm.s32 @p0 $0x1  }
0x13: {  	[smem:$0x3FA8] =	sst s0;
	s0 =	simm.s32 @!p1 $0x0  }
0x14: {  	s2 =	sld [smem:$0x3F8C];
	s0 =	simm.s32 @p1 $0x1  }
0x15: {  	[smem:$0x3FA9] =	sst s0;
	s0 =	simm.s32 @!p2 $0x0  }
0x16: {  	s3 =	sld [smem:$0x3FDB];
	s0 =	simm.s32 @p2 $0x1  }
0x17: {  	s4 =	simm.s32 $0x1BF5;
	[smem:$0x3FAB] =	sst s0  }
0x18: {  	s0 =	sld [smem:$0x3F8E];
	_ =	swait.ge [sflag:s4], $0x0  }
0x19: {  	s7 =	sld [smem:$0x3F8F]  }
0x1a: {  	s8 =	sadd.s32 $0xFFFFE003, lr  }
0x1b: {  	s9 =	sadd.s32 $0xFFFFFEF7, lr;
	s5 =	simm.s32 $0xFFFFFFFF;
	p2 =	slt.u32 s8, $0xFFFFF086  }
0x1c: {  	p1 =	slt.u32 s9, $0xF7A;
	s5 =	simm.s32 @!p2 $0x0  }
0x1d: {  	s5 =	simm.s32 @p1 $0x1;
	p0 =	seq.s32 s7, s2  }
0x1e: {  	s7 =	smul.u32 @!p0 $0xF7A, s2;
	p2 =	seq.s32 @!p0 s5, $0x0  }
0x1f: {  	s9 =	smul.u32 $0xF7A, s1;
	s8 =	simm.s32 @!p0 $0x1BF5;
	p2 =	por !p2, p0  }
0x20: {  	[sflag:s8] =	ssyncset.s32 @!p0 $0xFFFFF086;
	s6 =	sadd.s32 @!p0 s3, s7;
	s7 =	simm.s32 @!p0 $0x108  }
0x21: {  	s3 =	sadd.s32 s3, s9;
	s6 =	sadd.s32 @!p0 $0x88, s6;
	s7 =	simm.s32 @p2 $0x1082  }
0x22: {  	[simem:s7], [sflag:s8] =	dma.local @!p0 [hbm:s6], $0xF7A  }
0x23: {  	s9 =	sor.u32 $0xD0000000, s2;
	s6 =	simm.s32 $0x108;
	_ =	swait.ge @!p0 [sflag:s8], $0x0  }
0x24: {  	s3 =	sadd.s32 $0x88, s3;
	s6 =	simm.s32 @!p1 $0x1082;
	[sflag:s4] =	ssyncset.s32 $0xFFFFF086  }
0x25: {  	[simem:s6], [sflag:s4] =	dma.local [hbm:s3], $0xF7A  }
0x26: {  	[smem:$0x3F8F] =	sst s1;
	(tag) =	ssettag s2;
	_ =	strace s9  }
0x27: {  	s1 =	sld [smem:$0x3F9F]  }
0x28: {  	s2 =	sld [smem:$0x3FA0]  }
0x29: {  	s4 =	sld [smem:$0x3FA2]  }
0x2a: {  	p0 =	seq.s32 s5, $0x0;
	s5 =	sld [smem:$0x3FA3]  }
0x2b: {  	s6 =	sld [smem:$0x3FA4]  }
0x2c: {  	s7 =	sld [smem:$0x3FA5]  }
0x2d: {  	s3 =	simm.s32 $0x108;
	s8 =	sld [smem:$0x3FA6]  }
0x2e: {  	s3 =	simm.s32 @!p0 $0x1082;
	s9 =	sld [smem:$0x3FA7]  }
0x2f: {  	lr =	sadd.s32 s0, s3;
	s0 =	sld [smem:$0x3F9E]  }
0x30: {  	s3 =	sld [smem:$0x3FA1]  }
0x31: {  	[smem:$0x3FAA] =	sst s10  }
0x32: {  	s10 =	sld [smem:$0x3FA8];
	_ =	sdelay $0x3  }
0x33: {  	p0 =	seq.s32 s10, $0x1;
	s10 =	sld [smem:$0x3FAA];
	_ =	sdelay $0x3  }
0x34: {  	[smem:$0x3FAA] =	sst s10  }
0x35: {  	s10 =	sld [smem:$0x3FA9];
	_ =	sdelay $0x3  }
0x36: {  	p1 =	seq.s32 s10, $0x1;
	s10 =	sld [smem:$0x3FAA];
	_ =	sdelay $0x3  }
0x37: {  	[smem:$0x3FAA] =	sst s10  }
0x38: {  	s10 =	sld [smem:$0x3FAB]  }
0x39: {  	_ = 	snop;
	(pc) =	sbr.ind lr, $3  }
0x3a: {  	_ = 	snop  }
0x3b: {  	_ = 	snop  }
0x3c: {  	p2 =	seq.s32 s10, $0x1;
	s10 =	sld [smem:$0x3FAA]  }
0x3d: {  	_ =	shalt  }
0x3e: {  	_ =	shalt  }
0x3f: {  	_ =	shalt  }
0x40: {  	_ =	shalt  }
0x41: {  	_ =	shalt  }
0x42: {  	_ =	shalt  }
0x43: {  	_ =	shalt  }
0x44: {  	_ =	shalt  }
0x45: {  	_ =	shalt  }
0x46: {  	_ =	shalt  }
0x47: {  	_ =	shalt  }
0x48: {  	_ =	shalt  }
0x49: {  	_ =	shalt  }
0x4a: {  	_ =	shalt  }
0x4b: {  	_ =	shalt  }
0x4c: {  	_ =	shalt  }
0x4d: {  	_ =	shalt  }
0x4e: {  	_ =	shalt  }
0x4f: {  	_ =	shalt  }
0x50: {  	_ =	shalt  }
0x51: {  	_ =	shalt  }
0x52: {  	_ =	shalt  }
0x53: {  	_ =	shalt  }
0x54: {  	_ =	shalt  }
0x55: {  	_ =	shalt  }
0x56: {  	_ =	shalt  }
0x57: {  	_ =	shalt  }
0x58: {  	_ =	shalt  }
0x59: {  	_ =	shalt  }
0x5a: {  	_ =	shalt  }
0x5b: {  	_ =	shalt  }
0x5c: {  	_ =	shalt  }
0x5d: {  	_ =	shalt  }
0x5e: {  	_ =	shalt  }
0x5f: {  	_ =	shalt  }
0x60: {  	_ =	shalt  }
0x61: {  	_ =	shalt  }
0x62: {  	_ =	shalt  }
0x63: {  	_ =	shalt  }
0x64: {  	_ =	shalt  }
0x65: {  	_ =	shalt  }
0x66: {  	_ =	shalt  }
0x67: {  	_ =	shalt  }
0x68: {  	_ =	shalt  }
0x69: {  	_ =	shalt  }
0x6a: {  	_ =	shalt  }
0x6b: {  	_ =	shalt  }
0x6c: {  	_ =	shalt  }
0x6d: {  	_ =	shalt  }
0x6e: {  	_ =	shalt  }
0x6f: {  	_ =	shalt  }
0x70: {  	_ =	shalt  }
0x71: {  	_ =	shalt  }
0x72: {  	_ =	shalt  }
0x73: {  	_ =	shalt  }
0x74: {  	_ =	shalt  }
0x75: {  	_ =	shalt  }
0x76: {  	_ =	shalt  }
0x77: {  	_ =	shalt  }
0x78: {  	_ =	shalt  }
0x79: {  	_ =	shalt  }
0x7a: {  	_ =	shalt  }
0x7b: {  	_ =	shalt  }
0x7c: {  	_ =	shalt  }
0x7d: {  	_ =	shalt  }
0x7e: {  	_ =	shalt  }
0x7f: {  	_ =	shalt  }
0x80: {  	_ =	shalt  }
0x81: {  	_ =	shalt  }
0x82: {  	_ =	shalt  }
0x83: {  	_ =	shalt  }
0x84: {  	_ =	shalt  }
0x85: {  	_ =	shalt  }
0x86: {  	_ =	shalt  }
0x87: {  	_ =	shalt  }
.Lfunc_end0:
.L_simem_size_0:
called_computation.8_lowered:
.L_overlay_start_0:
0x88: {  	s2 =	sld [smem:$0x3FD9]  }
0x89: {  	s3 =	sld [smem:$0x3FFE];
	_ =	sdelay $0x1  }
0x8a: {  	s1 =	srdreg.scid  }
0x8b: {  	s0 =	sand.u32 $0x1, s1  }
0x8c: {  	s14 =	sshll.u32 s0, $0xA;
	s2 =	sadd.s32 s3, s2  }
0x8d: {  	s2 =	sadd.s32 s2, s14  }
0x8e: {  	[smem:$0x3FB6] =	sst s2  }
0x8f: {  	_ = 	snop  }
0x90: {  	s2 =	sld [smem:$0x3FD0];
	_ =	sdelay $0x2  }
0x91: {  	s15 =	simm.s32 $0xA;
	s4 =	simm.s32 $0x10  }
0x92: {  	[smem:s4], [sflag:s15] =	dma.local [hbm:s2], $0x1  }
0x93: {  	_ =	swait.eq [sflag:s15], $0x1  }
0x94: {  	[sflag:s15] =	ssyncset.done $0x0  }
0x95: {  	s16 =	sld [smem:$0x16];
	[sflag:s15] =	ssyncadd.s32 $0xFFFFFFFF  }
0x96: {  	s17 =	sld [smem:$0x17];
	(tm) =	ssettm $0x1  }
0x97: {  	s18 =	sld [smem:$0x3FFB];
	_ =	sdelay $0x3  }
0x98: {  	_ =	strace s18  }
0x99: {  	s4 =	sld [smem:$0x3FFC];
	_ =	sdelay $0x3  }
0x9a: {  	_ =	strace s4  }
0x9b: {  	s4 =	sld [smem:$0x3FFD];
	_ =	sdelay $0x3  }
0x9c: {  	_ =	strace s4  }
0x9d: {  	_ =	strace $0x8FFFFFFF  }
0x9e: {  	s19 =	sld [smem:$0x3FDB];
	_ =	sdelay $0x1  }
0x9f: {  	s5 =	simm.s32 $_scs_section_size  }
0xa0: {  	s6 =	simm.s32 $_size__tile_overlayer_lowered;
	s7 =	simm.s32 $_tile_overlayer_lowered  }
0xa1: {  	s22 =	simm.s32 $0x1BFF;
	s21 =	sshll.u32 s7, $0x1;
	s4 =	sadd.s32 s5, s19  }
0xa2: {  	s8 =	simm.s32 $0x0;
	s20 =	sshll.u32 s6, $0x1;
	s6 =	sadd.s32 s21, s4  }
0xa3: {  	[timem:s8], [sflag:s22] =	dma.local [hbm:s6], s20  }
0xa4: {  	_ =	swait.ge [sflag:s22], s20  }
0xa5: {  	s5 =	ssub.s32 $0x0, s20;
	[sflag:s22] =	ssyncset.done $0x0  }
0xa6: {  	[sflag:s22] =	ssyncadd.s32 s5;
	_ =	sdelay $0x1  }
0xa7: {  	s23 =	simm.s32 $0x1B8B  }
0xa8: {  	_ =	swait.ge [sflag:s23], $0x1  }
0xa9: {  	[sflag:s23] =	ssyncset.done $0x0  }
0xaa: {  	s25 =	simm.s32 $0x1B8E;
	s24 =	sld [smem:$0x3FFE];
	[sflag:s23] =	ssyncadd.s32 $0xFFFFFFFF  }
0xab: {  	s26 =	simm.s32 $execute0_lowered;
	[smem:$0x3FD2] =	sst s25  }
0xac: {  	s6 =	sshll.u32 s26, $0x1;
	_ =	strace $0x8000005E;
	[dreg:$0x1] =	wrdreg $0xFFFFFFFF  }
0xad: {  	s28 =	simm.s32 $_size_execute0_lowered;
	s4 =	sadd.s32 s4, s6;
	[dreg:$0x0] =	wrdreg $0x0  }
0xae: {  	s6 =	sshll.u32 s28, $0x1;
	[dreg:$0x2] =	wrdreg s4  }
0xaf: {  	[dreg:$0x3] =	wrdreg s6  }
0xb0: {  	[dreg:$0x4] =	wrdreg $0xC0  }
0xb1: {  	_ =	task [dreg:s8], $0x5FFFF  }
0xb2: {  	[dreg:$0x1] =	wrdreg $0xFFFFFFFF  }
0xb3: {  	[dreg:$0x0] =	wrdreg $0x60  }
0xb4: {  	[dreg:$0x2] =	wrdreg s17  }
0xb5: {  	[dreg:$0x3] =	wrdreg s24  }
0xb6: {  	[dreg:$0x4] =	wrdreg s16  }
0xb7: {  	[dreg:$0x5] =	wrdreg $0x99000  }
0xb8: {  	[dreg:$0x6] =	wrdreg $0x9  }
0xb9: {  	_ =	task.clear_ibuf [dreg:s8], $0x7FFFF;
	_ =	strace $0x9000005E  }
0xba: {  	s29 =	simm.s32 $0x9;
	_ =	strace $0x80000060  }
0xbb: {  	_ =	swait.ge [sflag:s29], $0x1  }
0xbc: {  	[sflag:s29] =	ssyncadd.s32 $0xFFFFFFFF  }
0xbd: {  	_ =	strace $0x90000060  }
0xbe: {  	_ =	sfence  }
0xbf: {  	s30 =	sld [smem:$0x0];
	_ =	sdelay $0x2  }
0xc0: {  	s31 =	sshll.u32 s1, $0xD;
	s1 =	sshrl.u32 s1, $0x2  }
0xc1: {  	s3 =	sand.u32 $0x4000, s31;
	s1 =	sadd.s32 s1, s30  }
0xc2: {  	s0 =	sor.u32 s3, s0;
	s1 =	sshll.u32 s1, $0x11  }
0xc3: {  	s0 =	sor.u32 s1, s0  }
0xc4: {  	s0 =	sadd.s32 $0x8F2B, s0  }
0xc5: {  	[sflag:s0] =	ssyncadd.remote.s32 $0x1  }
0xc6: {  	_ =	sfence.sel $0xFFFF  }
0xc7: {  	[dreg:$0x0] =	wrdreg $0xFFFFFFFF;
	(pc) =	sbr.abs _section_cstart, $3  }
0xc8: {  	[dreg:$0x1] =	wrdreg $0xFFFFFFFF  }
0xc9: {  	_ =	task.clear_ibuf [dreg:s8], $0x2FFFF;
	_ =	strace $0x9FFFFFFF  }
0xca: {  	(tm) =	ssettm $0x7FFFFFFF  }
0xcb: {  	_ =	shalt  }
tec
execute0_lowered:
.L_overlay_start_1:
0x0: {  	(tag) =	ssettag $0x1  }
0x1: {  	s1 =	rddreg [dreg:$0x0]  }
0x2: {  	s6 =	rddreg [dreg:$0x1];
	s2 =	srdreg.scid  }
0x3: {  	s0 =	stileid.u32;
	s11 =	rddreg [dreg:$0x2]  }
0x4: {  	s3 =	rddreg [dreg:$0x3];
	s4 =	simm.s32 $0x0;
	s15 =	simm.s32 $0x80  }
0x5: {  	s16 =	simm.s32 $0x1900;
	s17 =	simm.s32 $0x1880;
	s18 =	simm.s32 $0x5900  }
0x6: {  	s19 =	simm.s32 $0x1;
	s20 =	simm.s32 $0x2;
	s21 =	simm.s32 $0x3  }
0x7: {  	s22 =	simm.s32 $0x4;
	s23 =	simm.s32 $0x0;
	s8 =	smul.u32 $0x280, s0  }
0x8: {  	s7 =	sand.u32 $0x1, s2;
	s2 =	rddreg [dreg:$0x4];
	s12 =	smul.u32 $0x50000, s0  }
0x9: {  	s26 =	sshll.u32 s0, $0x1;
	[smem:$0x7FF] =	sst s4;
	s13 =	smul.u32 $0x3000, s0  }
0xa: {  	s30 =	sshll.u32 s0, $0x6;
	s5 =	sor.u32 s7, s26;
	s9 =	smul.u32 $0x2800, s7  }
0xb: {  	_ =	strace $0x8000005F;
	s28 =	ssub.s32 $0x2, s7;
	s7 =	smul.u32 $0x1800, s7  }
0xc: {  	s5 =	smul.u32 $0x1800, s5;
	s14 =	sshrl.u32 s28, $0x1;
	s29 =	sshrl.u32 s12, $0x2  }
0xd: {  	s8 =	sadd.s32 s8, s9;
	s9 =	ssub.s32 s28, s14;
	s12 =	sadd.s32 s29, s3  }
0xe: {  	s13 =	sadd.s32 s7, s13;
	s14 =	simm.s32 $0x1800;
	s5 =	sshrl.u32 s5, $0x3  }
0xf: {  	s8 =	sshll.u32 s8, $0x4;
	s31 =	sor.u32 $0x80, s13;
	s13 =	sshrl.u32 s13, $0x3  }
0x10: {  	s9 =	smax.u32 s9, $0x1;
	s12 =	sshrl.u32 s12, $0x3;
	s10 =	sadd.s32 s5, s6  }
0x11: {  	s5 =	sadd.s32 $0x94600, s6;
	s8 =	sadd.s32 s8, s6;
	s6 =	sor.u32 $0x1C05, s30  }
0x12: {  	s7 =	sadd.s32 $0x16600, s10;
	s8 =	sadd.s32 $0x96E00, s8;
	s10 =	sshrl.u32 s31, $0x3  }
0x13: {  	s10 =	sadd.s32 s10, s11;
	s11 =	sadd.s32 s13, s11;
	s13 =	simm.s32 $0x5  }
.LBB2_1:
0x14: {  	[spmem:s12], [sflag:s6] =	dma.local [hbm:s5], $0x2800  }
0x15: {  	_ =	swait.ge [sflag:s13], $0x2800  }
0x16: {  	[sflag:s13] =	ssyncset.done $0x0  }
0x17: {  	[sflag:s13] =	ssyncadd.s32 $0xFFFFD800  }
0x18: {  	[tilespmem:s4], [sflag:$0x5] =	stream.linear.gather [hbm4b:s7+s4], $0x1800, $0x38;
	[tilespmem:$0x1D900] =	vst v63  }
0x19: {  	_ =	swait.ge [sflag:s13], $0x1800  }
0x1a: {  	[sflag:s13] =	ssyncset.done $0x0  }
0x1b: {  	[sflag:s13] =	ssyncadd.s32 $0xFFFFE800  }
0x1c: {  	s24 =	sadd.s32 $0x0, s11;
	[bflag:$0x0] =	sbarrier.arrive $0xFFFF  }
0x1d: {  	[tilespmem:s14], [sflag:$0x5] =	stream.linear.gather [hbm4b:s24+s4], $0x80, $0x38;
	[tilespmem:$0x1D900] =	vst v63  }
0x1e: {  	_ =	swait.ge [sflag:s13], $0x80  }
0x1f: {  	[sflag:s13] =	ssyncset.done $0x0  }
0x20: {  	[sflag:s13] =	ssyncadd.s32 $0xFFFFFF80  }
0x21: {  	[tilespmem:s16], [sflag:$0x1] =	stream.indirect.gather [hbm4b:s1+s15], $0x80, s4, s15, $0xb8;
	[tilespmem:$0x1D900] =	vst v63  }
0x22: {  	s30 =	sadd.s32 $0x0, s10  }
0x23: {  	[tilespmem:s17], [sflag:$0x5] =	stream.linear.gather [hbm4b:s30+s4], $0x80, $0x38;
	[tilespmem:$0x1D900] =	vst v63  }
0x24: {  	_ =	swait.ge [sflag:s13], $0x80  }
0x25: {  	[sflag:s13] =	ssyncset.done $0x0  }
0x26: {  	s31 =	simm.s32 $0x80;
	[sflag:s13] =	ssyncadd.s32 $0xFFFFFF80  }
0x27: {  	[tilespmem:s18], [sflag:$0x2] =	stream.indirect.gather [hbm4b:s1+s15], $0x80, s31, s15, $0xb8;
	[tilespmem:$0x1D900] =	vst v63  }
0x28: {  	_ =	swait.ge [sflag:s19], $0x4000  }
0x29: {  	[sflag:s19] =	ssyncset.done $0x0  }
0x2a: {  	[sflag:s19] =	ssyncadd.s32 $0xFFFFC000  }
0x2b: {  	[spmem:s3] =	stream.indirect.scatter.add.f32 [tilespmem:s16], [sflag:$0x3], $0x80, s14, s15, $0xb8;
	[tilespmem:$0x1D900] =	vst v63  }
0x2c: {  	_ =	swait.ge [sflag:s20], $0x4000  }
0x2d: {  	[sflag:s20] =	ssyncset.done $0x0  }
0x2e: {  	[sflag:s20] =	ssyncadd.s32 $0xFFFFC000  }
0x2f: {  	[spmem:s3] =	stream.indirect.scatter.add.f32 [tilespmem:s18], [sflag:$0x4], $0x80, s17, s15, $0xb8;
	[tilespmem:$0x1D900] =	vst v63  }
0x30: {  	_ =	swait.ge [sflag:s21], $0x4000  }
0x31: {  	[sflag:s21] =	ssyncset.done $0x0  }
0x32: {  	[sflag:s21] =	ssyncadd.s32 $0xFFFFC000  }
0x33: {  	s25 =	simm.s32 $0x20;
	_ =	swait.ge [sflag:s22], $0x4000  }
0x34: {  	s26 =	simm.s32 $0x40;
	s24 =	simm.s32 $0x100;
	[sflag:s22] =	ssyncset.done $0x0  }
.LBB2_2:
0x35: {  	s28 =	sadd.s32 s25, s11  }
0x36: {  	[sflag:s22] =	ssyncadd.s32 $0xFFFFC000;
	s29 =	smov.u32 s26;
	s30 =	sadd.s32 $0x20, s26  }
0x37: {  	[tilespmem:s14], [sflag:$0x5] =	stream.linear.gather [hbm4b:s28+s4], $0x80, $0x38;
	[tilespmem:$0x1D900] =	vst v63  }
0x38: {  	p0 =	sne.s32 s26, $0x2E0;
	_ =	swait.ge [sflag:s13], $0x80  }
0x39: {  	[sflag:s13] =	ssyncset.done $0x0  }
0x3a: {  	[sflag:s13] =	ssyncadd.s32 $0xFFFFFF80  }
0x3b: {  	[tilespmem:s16], [sflag:$0x1] =	stream.indirect.gather [hbm4b:s1+s15], $0x80, s24, s15, $0xb8;
	[tilespmem:$0x1D900] =	vst v63  }
0x3c: {  	s26 =	sadd.s32 s25, s10;
	s25 =	smov.u32 s29  }
0x3d: {  	[tilespmem:s17], [sflag:$0x5] =	stream.linear.gather [hbm4b:s26+s4], $0x80, $0x38;
	[tilespmem:$0x1D900] =	vst v63  }
0x3e: {  	_ =	swait.ge [sflag:s13], $0x80  }
0x3f: {  	[sflag:s13] =	ssyncset.done $0x0  }
0x40: {  	s26 =	sadd.s32 $0x80, s24;
	[sflag:s13] =	ssyncadd.s32 $0xFFFFFF80  }
0x41: {  	[tilespmem:s18], [sflag:$0x2] =	stream.indirect.gather [hbm4b:s1+s15], $0x80, s26, s15, $0xb8;
	[tilespmem:$0x1D900] =	vst v63  }
0x42: {  	_ =	swait.ge [sflag:s19], $0x4000  }
0x43: {  	[sflag:s19] =	ssyncset.done $0x0  }
0x44: {  	[sflag:s19] =	ssyncadd.s32 $0xFFFFC000  }
0x45: {  	[spmem:s3] =	stream.indirect.scatter.add.f32 [tilespmem:s16], [sflag:$0x3], $0x80, s14, s15, $0xb8;
	[tilespmem:$0x1D900] =	vst v63  }
0x46: {  	_ =	swait.ge [sflag:s20], $0x4000  }
0x47: {  	[sflag:s20] =	ssyncset.done $0x0  }
0x48: {  	[sflag:s20] =	ssyncadd.s32 $0xFFFFC000  }
0x49: {  	[spmem:s3] =	stream.indirect.scatter.add.f32 [tilespmem:s18], [sflag:$0x4], $0x80, s17, s15, $0xb8;
	[tilespmem:$0x1D900] =	vst v63  }
.Ltmp0:
0x4a: {  	_ =	swait.ge [sflag:s21], $0x4000;
	(pc) =	sbr.rel @p0 .LBB2_2-.Ltmp0, $4  }
0x4b: {  	[sflag:s21] =	ssyncset.done $0x0  }
0x4c: {  	[sflag:s21] =	ssyncadd.s32 $0xFFFFC000  }
0x4d: {  	_ =	swait.ge [sflag:s22], $0x4000  }
0x4e: {  	s24 =	sadd.s32 $0x100, s24;
	s26 =	smov.u32 s30;
	[sflag:s22] =	ssyncset.done $0x0  }
0x4f: {  	s26 =	sadd.s32 s25, s11;
	[sflag:s22] =	ssyncadd.s32 $0xFFFFC000  }
0x50: {  	[tilespmem:s14], [sflag:$0x5] =	stream.linear.gather [hbm4b:s26+s4], $0x80, $0x38;
	[tilespmem:$0x1D900] =	vst v63  }
0x51: {  	_ =	swait.ge [sflag:s13], $0x80  }
0x52: {  	[sflag:s13] =	ssyncset.done $0x0  }
0x53: {  	[sflag:s13] =	ssyncadd.s32 $0xFFFFFF80  }
0x54: {  	[tilespmem:s16], [sflag:$0x1] =	stream.indirect.gather [hbm4b:s1+s15], $0x80, s24, s15, $0xb8;
	[tilespmem:$0x1D900] =	vst v63  }
0x55: {  	s30 =	sadd.s32 s25, s10  }
0x56: {  	[tilespmem:s17], [sflag:$0x5] =	stream.linear.gather [hbm4b:s30+s4], $0x80, $0x38;
	[tilespmem:$0x1D900] =	vst v63  }
0x57: {  	_ =	swait.ge [sflag:s13], $0x80  }
0x58: {  	[sflag:s13] =	ssyncset.done $0x0  }
0x59: {  	s31 =	sadd.s32 $0x80, s24;
	[sflag:s13] =	ssyncadd.s32 $0xFFFFFF80  }
0x5a: {  	[tilespmem:s18], [sflag:$0x2] =	stream.indirect.gather [hbm4b:s1+s15], $0x80, s31, s15, $0xb8;
	[tilespmem:$0x1D900] =	vst v63  }
0x5b: {  	_ =	swait.ge [sflag:s19], $0x4000  }
0x5c: {  	[sflag:s19] =	ssyncset.done $0x0  }
0x5d: {  	[sflag:s19] =	ssyncadd.s32 $0xFFFFC000  }
0x5e: {  	[spmem:s3] =	stream.indirect.scatter.add.f32 [tilespmem:s16], [sflag:$0x3], $0x80, s14, s15, $0xb8;
	[tilespmem:$0x1D900] =	vst v63  }
0x5f: {  	_ =	swait.ge [sflag:s20], $0x4000  }
0x60: {  	[sflag:s20] =	ssyncset.done $0x0  }
0x61: {  	[sflag:s20] =	ssyncadd.s32 $0xFFFFC000  }
0x62: {  	[spmem:s3] =	stream.indirect.scatter.add.f32 [tilespmem:s18], [sflag:$0x4], $0x80, s17, s15, $0xb8;
	[tilespmem:$0x1D900] =	vst v63  }
0x63: {  	_ =	swait.ge [sflag:s21], $0x4000  }
0x64: {  	[sflag:s21] =	ssyncset.done $0x0  }
0x65: {  	[sflag:s21] =	ssyncadd.s32 $0xFFFFC000  }
0x66: {  	_ =	swait.ge [sflag:s22], $0x4000  }
0x67: {  	s23 =	sadd.s32 $0x1, s23;
	[sflag:s22] =	ssyncset.done $0x0  }
0x68: {  	p0 =	sne.s32 s23, s9;
	[sflag:s22] =	ssyncadd.s32 $0xFFFFC000  }
.Ltmp1:
0x69: {  	[bflag:$0x0] =	sbarrier.arrive $0xFFFF;
	(pc) =	sbr.rel @p0 .LBB2_1-.Ltmp1, $4  }
0x6a: {  	[hbm:s8], [sflag:s6] =	dma.local [spmem:s12], $0x2800  }
0x6b: {  	_ =	swait.ge [sflag:s13], $0x2800  }
0x6c: {  	[sflag:s13] =	ssyncset.done $0x0  }
0x6d: {  	[sflag:s13] =	ssyncadd.s32 $0xFFFFD800  }
0x6e: {  	_ =	sfence.sel $0x180000  }
0x6f: {  	[bflag:$0x0] =	sbarrier.arrive $0xFFFF  }
0x70: {  	p0 =	sne.s32 s0, $0x0;
	_ =	strace $0x9000005F  }
0x71: {  	s0 =	sadd.s32 @!p0 $0x100000, s2;
	[bflag:$0x2] =	sbarrier.arrive $0xFFFF  }
0x72: {  	[sflag:s0] =	ssyncadd.tile.s32 @!p0 $0x1;
	_ =	shalt  }
.Lfunc_end2:
_tile_overlayer_lowered:
.L_overlay_start_2:
0x73: {  	(tag) =	ssettag $0x2  }
0x74: {  	s0 =	rddreg [dreg:$0x0];
	s2 =	stileid.u32  }
0x75: {  	s1 =	rddreg [dreg:$0x1];
	p0 =	sne.s32 s2, $0x0  }
0x76: {  	s3 =	rddreg [dreg:$0x2];
	[bflag:$0x3] =	sbarrier.arrive $0xFFFF;
	s2 =	simm.s32 @!p0 $0x1C05  }
0x77: {  	[timem:s3], [sflag:s2] =	dma.local @!p0 [hbm:s0], s1  }
0x78: {  	s0 =	simm.s32 @!p0 $0x5  }
0x79: {  	_ =	swait.ge @!p0 [sflag:s0], s1  }
0x7a: {  	s1 =	ssub.s32 @!p0 $0x0, s1;
	[sflag:s0] =	ssyncset.done @!p0 $0x0  }
0x7b: {  	[sflag:s0] =	ssyncadd.s32 @!p0 s1  }
0x7c: {  	[bflag:$0x3] =	sbarrier.arrive $0xFFFF  }
0x7d: {  	_ =	shalt  }

</sc_bundles>
